<compile_context>
chip_gen: v7x
topology: tpu7x:2x2x1
jax: 0.10.2.dev20260603
libtpu: 0.0.44.dev20260713+nightly
codegen_flags: <defaults>
</compile_context>

<pallas_src>
import functools

import jax
import jax.numpy as jnp
from jax import lax
from jax.experimental import pallas as pl
from jax.experimental.pallas import tpu as pltpu
from jax.experimental.pallas import tpu_sc as plsc

NC = 2
NS = 16
NW = NC * NS
CH = 128
D = 32
NBUF = 4


PB = 4


@jax.jit
def _sc_format(Wt):
    V = Wt.shape[1]
    n_full = V // 128
    rem = V - n_full * 128
    n_groups = (n_full // NW + PB) // PB
    mesh = plsc.VectorSubcoreMesh(core_axis_name="c", subcore_axis_name="s")

    @functools.partial(
        pl.kernel,
        out_type=jax.ShapeDtypeStruct((V * D // 128, 128), jnp.float32),
        mesh=mesh,
        scratch_types=[
            pltpu.VMEM((PB, D, 128), jnp.float32),
            pltpu.VMEM((PB, D, 128), jnp.float32),
            pltpu.VMEM((D, rem), jnp.float32),
            pltpu.VMEM((rem * D // 128, 128), jnp.float32),
            pltpu.SemaphoreType.DMA((PB,)),
            pltpu.SemaphoreType.DMA((PB,)),
        ],
        compiler_params=pltpu.CompilerParams(
            use_tc_tiling_on_sc=True, needs_layout_passes=False),
    )
    def fmt_kernel(wt_hbm, out_hbm, w32, t128, w64, t64, rsem, wsem):
        wid = lax.axis_index("s") * NC + lax.axis_index("c")
        lane = jnp.arange(16, dtype=jnp.int32)

        def r_copy(u, b):
            return pltpu.make_async_copy(
                wt_hbm.at[:, pl.ds(u * 128, 128)], w32.at[b], rsem.at[b])

        def w_copy(u, b):
            return pltpu.make_async_copy(
                t128.at[b], out_hbm.at[pl.ds(u * D, D)], wsem.at[b])

        def transpose(src, dst, ni):
            @plsc.parallel_loop(0, 16, unroll=4)
            def _(s):
                shift = (lane + s) & 15
                lo = lane * D + shift
                for db in range(D // 16):
                    col_d = 16 * db + shift
                    hi0 = (lo + 16 * db) >> 7
                    lo0 = (lo + 16 * db) & 127
                    for ib in range(ni // 16):
                        row_i = lane + 16 * ib
                        vec = plsc.load_gather(src, [col_d, row_i])
                        plsc.store_scatter(
                            dst, [hi0 + (16 * D // 128) * ib, lo0], vec)

        for b in range(PB):
            @pl.when(wid + NW * b < n_full)
            def _():
                r_copy(wid + NW * b, b).start()

        @pl.loop(0, n_groups)
        def _(g):
            for b in range(PB):
                u = wid + NW * (g * PB + b)

                @pl.when(u < n_full)
                def _():
                    r_copy(u, b).wait()

                    @pl.when(u >= NW * PB)
                    def _():
                        w_copy(u - NW * PB, b).wait()

                    transpose(w32.at[b], t128.at[b], 128)
                    w_copy(u, b).start()

                    @pl.when(u + NW * PB < n_full)
                    def _():
                        r_copy(u + NW * PB, b).start()

        for b in range(PB):
            w_copy(0, b).wait()

        if rem:
            @pl.when(wid == lax.rem(n_full, NW))
            def _():
                pltpu.sync_copy(wt_hbm.at[:, pl.ds(n_full * 128, rem)], w64)
                transpose(w64, t64, rem)
                pltpu.sync_copy(
                    t64, out_hbm.at[pl.ds(n_full * D, rem * D // 128)])

    return fmt_kernel(Wt)


@jax.jit
def _sc_gather_t(W_embed, idx):
    n_t, n_c = 200, 32
    n_units = n_t * n_c
    du = n_units // NW
    n_groups = du // NBUF
    mesh = plsc.VectorSubcoreMesh(core_axis_name="c", subcore_axis_name="s")

    @functools.partial(
        pl.kernel,
        out_type=jax.ShapeDtypeStruct((n_t, D // 8, n_c, 8, CH), jnp.float32),
        mesh=mesh,
        scratch_types=[
            pltpu.VMEM((du, CH), jnp.int32),
            pltpu.VMEM((NBUF, CH, D), jnp.float32),
            pltpu.VMEM((NBUF, D, CH), jnp.float32),
            pltpu.SemaphoreType.DMA((NBUF,)),
            pltpu.SemaphoreType.DMA((NBUF,)),
        ],
        compiler_params=pltpu.CompilerParams(
            use_tc_tiling_on_sc=False, needs_layout_passes=False),
    )
    def gather_kernel(table_hbm, idx_hbm, out_hbm, idx_v, rows_v, tv_v, gsem, ssem):
        wid = lax.axis_index("s") * NC + lax.axis_index("c")
        u0 = wid * du
        pltpu.sync_copy(idx_hbm.at[wid], idx_v)

        lane = jnp.arange(16, dtype=jnp.int32)

        def g_copy(j, b):
            return pltpu.make_async_copy(
                table_hbm.at[idx_v.at[j]], rows_v.at[b], gsem.at[b])

        def s_copies(j, b):
            u = u0 + j
            t = u // n_c
            c = lax.rem(u, n_c)
            return [
                pltpu.make_async_copy(
                    tv_v.at[b, pl.ds(8 * r, 8)], out_hbm.at[t, r, c],
                    ssem.at[b])
                for r in range(D // 8)
            ]

        def transpose(b):
            @plsc.parallel_loop(0, 16, unroll=4)
            def _(s):
                base = (lane + s) & 15
                for k in range(CH // 16):
                    row = lane + 16 * k
                    for cb in range(D // 16):
                        col = 16 * cb + base
                        vec = plsc.load_gather(rows_v.at[b], [row, col])
                        plsc.store_scatter(tv_v.at[b], [col, row], vec)

        for b in range(NBUF):
            g_copy(b, b).start()

        @pl.loop(0, n_groups)
        def _(g):
            j0 = g * NBUF
            for b in range(NBUF):
                g_copy(j0 + b, b).wait()

                @pl.when(g > 0)
                def _():
                    for cp in s_copies(j0 + b - NBUF, b):
                        cp.wait()

                transpose(b)
                for cp in s_copies(j0 + b, b):
                    cp.start()

                @pl.when(g + 1 < n_groups)
                def _():
                    g_copy(j0 + NBUF + b, b).start()

        for b in range(NBUF):
            for cp in s_copies((n_groups - 1) * NBUF + b, b):
                cp.wait()

    return gather_kernel(W_embed, idx)


def kernel(x, W_embed):
    N, T = x.shape
    V = W_embed.shape[0]
    table = _sc_format(W_embed.T).reshape(V, D)
    idx = x.T.reshape(NW, (N // 128) * T // NW, 128).astype(jnp.int32)
    L = _sc_gather_t(table, idx)
    return L.transpose(2, 4, 0, 1, 3).reshape(N, T, D)

# --- scband reference (transcript-rebuilt; emitter-appended) ---
"""Pipeline reference for scband-word-embedding-74749610819708 (READ-ONLY COPY).

The authoritative reference and input builder live on the scoring server;
editing this copy changes nothing except your own understanding.
"""

import math
import jax, jax.numpy as jnp
import numpy as np

VOCAB_SIZE = 1000000
EMBED_SIZE = 32

def setup_inputs(seed: int = 0) -> dict:
    key = jax.random.key(seed)
    k_idx, k_w = jax.random.split(key)
    x = jax.random.randint(k_idx, (4096, 200), 0, VOCAB_SIZE, dtype=jnp.int64 if jax.config.jax_enable_x64 else jnp.int32)
    W_embed = jax.random.normal(k_w, (VOCAB_SIZE, EMBED_SIZE), dtype=jnp.float32) / math.sqrt(VOCAB_SIZE)
    return {"x": x, "W_embed": W_embed}

def reference(x, W_embed):
    # Faithful to the torch module: out[i] = W_embed[x[i]] for each row,
    # which is simply a gather of rows from the embedding table.
    out = jnp.take(W_embed, x, axis=0)  # (N, T, D)
    return out

if __name__ == "__main__":
    import jax
    _d = setup_inputs()
    print(jax.jit(kernel)(*tuple(_d.values())))

</pallas_src>

<mosaic_0001>
#map = affine_map<(d0, d1) -> (0, 0)>
module attributes {stable_mosaic.version = 14 : i64} {
  func.func @fmt_kernel(%arg0: i32, %arg1: i32, %arg2: memref<32x1000000xf32, #tpu.memory_space<hbm>>, %arg3: memref<250000x128xf32, #tpu.memory_space<hbm>>, %arg4: memref<4x32x128xf32, #tpu.memory_space<vmem>>, %arg5: memref<4x32x128xf32, #tpu.memory_space<vmem>>, %arg6: memref<32x64xf32, #tpu.memory_space<vmem>>, %arg7: memref<16x128xf32, #tpu.memory_space<vmem>>, %arg8: memref<4x!tpu.dma_semaphore, #tpu.memory_space<semaphore_mem>>, %arg9: memref<4x!tpu.dma_semaphore, #tpu.memory_space<semaphore_mem>>) attributes {dimension_semantics = [#tpu.dimension_semantics<core_parallel>, #tpu.dimension_semantics<subcore_parallel>], iteration_bounds = array<i64: 2, 16>, scalar_prefetch = 0 : i64, scratch_operands = 6 : i64, tpu.core_type = #tpu.core_type<sc_vector_subcore>, window_params = [{transform_indices = #map}, {transform_indices = #map}]} {
    %mul3A = arith.constant 2 : i32
    %mul3A_0 = arith.muli %arg1, %mul3A : i32
    %add3A = arith.addi %mul3A_0, %arg0 : i32
    %iota3A = tpu.iota {dimensions = array<i32: 0>} : vector<16xi32>
    %add3A_1 = arith.constant 0 : i32
    %add3A_2 = arith.addi %add3A, %add3A_1 : i32
    %lt3A = arith.constant 7812 : i32
    %lt3A_3 = arith.cmpi slt, %add3A_2, %lt3A : i32
    %convert_element_type3A = arith.extui %lt3A_3 : i1 to i32
    %cond3A = arith.constant 0 : i32
    %cond3A_4 = arith.cmpi ne, %convert_element_type3A, %cond3A : i32
    scf.if %cond3A_4 {
      %add3A_106 = arith.constant 0 : i32
      %add3A_107 = arith.addi %add3A, %add3A_106 : i32
      %mul3A_108 = arith.constant 128 : i32
      %mul3A_109 = arith.muli %add3A_107, %mul3A_108 : i32
      %dma_start3A = arith.constant 0 : i32
      %dma_start3A_110 = arith.constant 0 : i32
      %dma_start3A_111 = arith.constant 0 : i32
      %dma_start3A_112 = arith.constant 0 : i32
      %dma_start3A_113 = tpu.memref_slice %arg4[%dma_start3A, %dma_start3A_111, %dma_start3A_112] : memref<4x32x128xf32, #tpu.memory_space<vmem>> -> memref<1x32x128xf32, #tpu.memory_space<vmem>>
      %dma_start3A_114 = tpu.memref_squeeze %dma_start3A_113 : memref<1x32x128xf32, #tpu.memory_space<vmem>> -> memref<32x128xf32, #tpu.memory_space<vmem>>
      %dma_start3A_115 = arith.constant 0 : i32
      %dma_start3A_116 = tpu.memref_slice %arg2[%dma_start3A_115, %mul3A_109] : memref<32x1000000xf32, #tpu.memory_space<hbm>> -> memref<32x128xf32, #tpu.memory_space<hbm>>
      %dma_start3A_117 = tpu.memref_slice %arg8[%dma_start3A_110] : memref<4x!tpu.dma_semaphore, #tpu.memory_space<semaphore_mem>> -> memref<1x!tpu.dma_semaphore, #tpu.memory_space<semaphore_mem>>
      %dma_start3A_118 = tpu.memref_squeeze %dma_start3A_117 : memref<1x!tpu.dma_semaphore, #tpu.memory_space<semaphore_mem>> -> memref<!tpu.dma_semaphore, #tpu.memory_space<semaphore_mem>>
      %dma_start3A_119 = arith.constant 0 : i32
      %dma_start3A_120 = arith.constant 0 : i32
      %dma_start3A_121 = tpu.memref_slice %arg4[%dma_start3A, %dma_start3A_119, %dma_start3A_120] : memref<4x32x128xf32, #tpu.memory_space<vmem>> -> memref<1x32x128xf32, #tpu.memory_space<vmem>>
      %dma_start3A_122 = tpu.memref_squeeze %dma_start3A_121 : memref<1x32x128xf32, #tpu.memory_space<vmem>> -> memref<32x128xf32, #tpu.memory_space<vmem>>
      %dma_start3A_123 = arith.constant 0 : i32
      %dma_start3A_124 = tpu.memref_slice %arg2[%dma_start3A_123, %mul3A_109] : memref<32x1000000xf32, #tpu.memory_space<hbm>> -> memref<32x128xf32, #tpu.memory_space<hbm>>
      tpu.enqueue_dma source(%dma_start3A_124 : memref<32x128xf32, #tpu.memory_space<hbm>>) target(%dma_start3A_122 : memref<32x128xf32, #tpu.memory_space<vmem>>) target_semaphore(%dma_start3A_118 : memref<!tpu.dma_semaphore, #tpu.memory_space<semaphore_mem>>)
    } else {
    }
    %add3A_5 = arith.constant 32 : i32
    %add3A_6 = arith.addi %add3A, %add3A_5 : i32
    %lt3A_7 = arith.constant 7812 : i32
    %lt3A_8 = arith.cmpi slt, %add3A_6, %lt3A_7 : i32
    %convert_element_type3A_9 = arith.extui %lt3A_8 : i1 to i32
    %cond3A_10 = arith.constant 0 : i32
    %cond3A_11 = arith.cmpi ne, %convert_element_type3A_9, %cond3A_10 : i32
    scf.if %cond3A_11 {
      %add3A_106 = arith.constant 32 : i32
      %add3A_107 = arith.addi %add3A, %add3A_106 : i32
      %mul3A_108 = arith.constant 128 : i32
      %mul3A_109 = arith.muli %add3A_107, %mul3A_108 : i32
      %dma_start3A = arith.constant 1 : i32
      %dma_start3A_110 = arith.constant 1 : i32
      %dma_start3A_111 = arith.constant 0 : i32
      %dma_start3A_112 = arith.constant 0 : i32
      %dma_start3A_113 = tpu.memref_slice %arg4[%dma_start3A, %dma_start3A_111, %dma_start3A_112] : memref<4x32x128xf32, #tpu.memory_space<vmem>> -> memref<1x32x128xf32, #tpu.memory_space<vmem>>
      %dma_start3A_114 = tpu.memref_squeeze %dma_start3A_113 : memref<1x32x128xf32, #tpu.memory_space<vmem>> -> memref<32x128xf32, #tpu.memory_space<vmem>>
      %dma_start3A_115 = arith.constant 0 : i32
      %dma_start3A_116 = tpu.memref_slice %arg2[%dma_start3A_115, %mul3A_109] : memref<32x1000000xf32, #tpu.memory_space<hbm>> -> memref<32x128xf32, #tpu.memory_space<hbm>>
      %dma_start3A_117 = tpu.memref_slice %arg8[%dma_start3A_110] : memref<4x!tpu.dma_semaphore, #tpu.memory_space<semaphore_mem>> -> memref<1x!tpu.dma_semaphore, #tpu.memory_space<semaphore_mem>>
      %dma_start3A_118 = tpu.memref_squeeze %dma_start3A_117 : memref<1x!tpu.dma_semaphore, #tpu.memory_space<semaphore_mem>> -> memref<!tpu.dma_semaphore, #tpu.memory_space<semaphore_mem>>
      %dma_start3A_119 = arith.constant 0 : i32
      %dma_start3A_120 = arith.constant 0 : i32
      %dma_start3A_121 = tpu.memref_slice %arg4[%dma_start3A, %dma_start3A_119, %dma_start3A_120] : memref<4x32x128xf32, #tpu.memory_space<vmem>> -> memref<1x32x128xf32, #tpu.memory_space<vmem>>
      %dma_start3A_122 = tpu.memref_squeeze %dma_start3A_121 : memref<1x32x128xf32, #tpu.memory_space<vmem>> -> memref<32x128xf32, #tpu.memory_space<vmem>>
      %dma_start3A_123 = arith.constant 0 : i32
      %dma_start3A_124 = tpu.memref_slice %arg2[%dma_start3A_123, %mul3A_109] : memref<32x1000000xf32, #tpu.memory_space<hbm>> -> memref<32x128xf32, #tpu.memory_space<hbm>>
      tpu.enqueue_dma source(%dma_start3A_124 : memref<32x128xf32, #tpu.memory_space<hbm>>) target(%dma_start3A_122 : memref<32x128xf32, #tpu.memory_space<vmem>>) target_semaphore(%dma_start3A_118 : memref<!tpu.dma_semaphore, #tpu.memory_space<semaphore_mem>>)
    } else {
    }
    %add3A_12 = arith.constant 64 : i32
    %add3A_13 = arith.addi %add3A, %add3A_12 : i32
    %lt3A_14 = arith.constant 7812 : i32
    %lt3A_15 = arith.cmpi slt, %add3A_13, %lt3A_14 : i32
    %convert_element_type3A_16 = arith.extui %lt3A_15 : i1 to i32
    %cond3A_17 = arith.constant 0 : i32
    %cond3A_18 = arith.cmpi ne, %convert_element_type3A_16, %cond3A_17 : i32
    scf.if %cond3A_18 {
      %add3A_106 = arith.constant 64 : i32
      %add3A_107 = arith.addi %add3A, %add3A_106 : i32
      %mul3A_108 = arith.constant 128 : i32
      %mul3A_109 = arith.muli %add3A_107, %mul3A_108 : i32
      %dma_start3A = arith.constant 2 : i32
      %dma_start3A_110 = arith.constant 2 : i32
      %dma_start3A_111 = arith.constant 0 : i32
      %dma_start3A_112 = arith.constant 0 : i32
      %dma_start3A_113 = tpu.memref_slice %arg4[%dma_start3A, %dma_start3A_111, %dma_start3A_112] : memref<4x32x128xf32, #tpu.memory_space<vmem>> -> memref<1x32x128xf32, #tpu.memory_space<vmem>>
      %dma_start3A_114 = tpu.memref_squeeze %dma_start3A_113 : memref<1x32x128xf32, #tpu.memory_space<vmem>> -> memref<32x128xf32, #tpu.memory_space<vmem>>
      %dma_start3A_115 = arith.constant 0 : i32
      %dma_start3A_116 = tpu.memref_slice %arg2[%dma_start3A_115, %mul3A_109] : memref<32x1000000xf32, #tpu.memory_space<hbm>> -> memref<32x128xf32, #tpu.memory_space<hbm>>
      %dma_start3A_117 = tpu.memref_slice %arg8[%dma_start3A_110] : memref<4x!tpu.dma_semaphore, #tpu.memory_space<semaphore_mem>> -> memref<1x!tpu.dma_semaphore, #tpu.memory_space<semaphore_mem>>
      %dma_start3A_118 = tpu.memref_squeeze %dma_start3A_117 : memref<1x!tpu.dma_semaphore, #tpu.memory_space<semaphore_mem>> -> memref<!tpu.dma_semaphore, #tpu.memory_space<semaphore_mem>>
      %dma_start3A_119 = arith.constant 0 : i32
      %dma_start3A_120 = arith.constant 0 : i32
      %dma_start3A_121 = tpu.memref_slice %arg4[%dma_start3A, %dma_start3A_119, %dma_start3A_120] : memref<4x32x128xf32, #tpu.memory_space<vmem>> -> memref<1x32x128xf32, #tpu.memory_space<vmem>>
      %dma_start3A_122 = tpu.memref_squeeze %dma_start3A_121 : memref<1x32x128xf32, #tpu.memory_space<vmem>> -> memref<32x128xf32, #tpu.memory_space<vmem>>
      %dma_start3A_123 = arith.constant 0 : i32
      %dma_start3A_124 = tpu.memref_slice %arg2[%dma_start3A_123, %mul3A_109] : memref<32x1000000xf32, #tpu.memory_space<hbm>> -> memref<32x128xf32, #tpu.memory_space<hbm>>
      tpu.enqueue_dma source(%dma_start3A_124 : memref<32x128xf32, #tpu.memory_space<hbm>>) target(%dma_start3A_122 : memref<32x128xf32, #tpu.memory_space<vmem>>) target_semaphore(%dma_start3A_118 : memref<!tpu.dma_semaphore, #tpu.memory_space<semaphore_mem>>)
    } else {
    }
    %add3A_19 = arith.constant 96 : i32
    %add3A_20 = arith.addi %add3A, %add3A_19 : i32
    %lt3A_21 = arith.constant 7812 : i32
    %lt3A_22 = arith.cmpi slt, %add3A_20, %lt3A_21 : i32
    %convert_element_type3A_23 = arith.extui %lt3A_22 : i1 to i32
    %cond3A_24 = arith.constant 0 : i32
    %cond3A_25 = arith.cmpi ne, %convert_element_type3A_23, %cond3A_24 : i32
    scf.if %cond3A_25 {
      %add3A_106 = arith.constant 96 : i32
      %add3A_107 = arith.addi %add3A, %add3A_106 : i32
      %mul3A_108 = arith.constant 128 : i32
      %mul3A_109 = arith.muli %add3A_107, %mul3A_108 : i32
      %dma_start3A = arith.constant 3 : i32
      %dma_start3A_110 = arith.constant 3 : i32
      %dma_start3A_111 = arith.constant 0 : i32
      %dma_start3A_112 = arith.constant 0 : i32
      %dma_start3A_113 = tpu.memref_slice %arg4[%dma_start3A, %dma_start3A_111, %dma_start3A_112] : memref<4x32x128xf32, #tpu.memory_space<vmem>> -> memref<1x32x128xf32, #tpu.memory_space<vmem>>
      %dma_start3A_114 = tpu.memref_squeeze %dma_start3A_113 : memref<1x32x128xf32, #tpu.memory_space<vmem>> -> memref<32x128xf32, #tpu.memory_space<vmem>>
      %dma_start3A_115 = arith.constant 0 : i32
      %dma_start3A_116 = tpu.memref_slice %arg2[%dma_start3A_115, %mul3A_109] : memref<32x1000000xf32, #tpu.memory_space<hbm>> -> memref<32x128xf32, #tpu.memory_space<hbm>>
      %dma_start3A_117 = tpu.memref_slice %arg8[%dma_start3A_110] : memref<4x!tpu.dma_semaphore, #tpu.memory_space<semaphore_mem>> -> memref<1x!tpu.dma_semaphore, #tpu.memory_space<semaphore_mem>>
      %dma_start3A_118 = tpu.memref_squeeze %dma_start3A_117 : memref<1x!tpu.dma_semaphore, #tpu.memory_space<semaphore_mem>> -> memref<!tpu.dma_semaphore, #tpu.memory_space<semaphore_mem>>
      %dma_start3A_119 = arith.constant 0 : i32
      %dma_start3A_120 = arith.constant 0 : i32
      %dma_start3A_121 = tpu.memref_slice %arg4[%dma_start3A, %dma_start3A_119, %dma_start3A_120] : memref<4x32x128xf32, #tpu.memory_space<vmem>> -> memref<1x32x128xf32, #tpu.memory_space<vmem>>
      %dma_start3A_122 = tpu.memref_squeeze %dma_start3A_121 : memref<1x32x128xf32, #tpu.memory_space<vmem>> -> memref<32x128xf32, #tpu.memory_space<vmem>>
      %dma_start3A_123 = arith.constant 0 : i32
      %dma_start3A_124 = tpu.memref_slice %arg2[%dma_start3A_123, %mul3A_109] : memref<32x1000000xf32, #tpu.memory_space<hbm>> -> memref<32x128xf32, #tpu.memory_space<hbm>>
      tpu.enqueue_dma source(%dma_start3A_124 : memref<32x128xf32, #tpu.memory_space<hbm>>) target(%dma_start3A_122 : memref<32x128xf32, #tpu.memory_space<vmem>>) target_semaphore(%dma_start3A_118 : memref<!tpu.dma_semaphore, #tpu.memory_space<semaphore_mem>>)
    } else {
    }
    %scan3A = arith.constant 0 : i32
    %scan3A_26 = arith.constant 62 : i32
    %scan3A_27 = arith.addi %scan3A, %scan3A_26 : i32
    %scan3A_28 = arith.constant 1 : i32
    scf.for %scan3A_106 = %scan3A to %scan3A_27 step %scan3A_28  : i32 {
      %mul3A_107 = arith.constant 1 : i32
      %mul3A_108 = arith.muli %scan3A_106, %mul3A_107 : i32
      %add3A_109 = arith.constant 0 : i32
      %add3A_110 = arith.addi %add3A_109, %mul3A_108 : i32
      %mul3A_111 = arith.constant 4 : i32
      %mul3A_112 = arith.muli %add3A_110, %mul3A_111 : i32
      %add3A_113 = arith.constant 0 : i32
      %add3A_114 = arith.addi %mul3A_112, %add3A_113 : i32
      %mul3A_115 = arith.constant 32 : i32
      %mul3A_116 = arith.muli %mul3A_115, %add3A_114 : i32
      %add3A_117 = arith.addi %add3A, %mul3A_116 : i32
      %lt3A_118 = arith.constant 7812 : i32
      %lt3A_119 = arith.cmpi slt, %add3A_117, %lt3A_118 : i32
      %convert_element_type3A_120 = arith.extui %lt3A_119 : i1 to i32
      %cond3A_121 = arith.constant 0 : i32
      %cond3A_122 = arith.cmpi ne, %convert_element_type3A_120, %cond3A_121 : i32
      scf.if %cond3A_122 {
        %mul3A_159 = arith.constant 128 : i32
        %mul3A_160 = arith.muli %add3A_117, %mul3A_159 : i32
        %dma_wait3A_161 = arith.constant 0 : i32
        %dma_wait3A_162 = arith.constant 0 : i32
        %dma_wait3A_163 = arith.constant 0 : i32
        %dma_wait3A_164 = arith.constant 0 : i32
        %dma_wait3A_165 = tpu.memref_slice %arg4[%dma_wait3A_161, %dma_wait3A_163, %dma_wait3A_164] : memref<4x32x128xf32, #tpu.memory_space<vmem>> -> memref<1x32x128xf32, #tpu.memory_space<vmem>>
        %dma_wait3A_166 = tpu.memref_squeeze %dma_wait3A_165 : memref<1x32x128xf32, #tpu.memory_space<vmem>> -> memref<32x128xf32, #tpu.memory_space<vmem>>
        %dma_wait3A_167 = arith.constant 0 : i32
        %dma_wait3A_168 = tpu.memref_slice %arg2[%dma_wait3A_167, %mul3A_160] : memref<32x1000000xf32, #tpu.memory_space<hbm>> -> memref<32x128xf32, #tpu.memory_space<hbm>>
        %dma_wait3A_169 = tpu.memref_slice %arg8[%dma_wait3A_162] : memref<4x!tpu.dma_semaphore, #tpu.memory_space<semaphore_mem>> -> memref<1x!tpu.dma_semaphore, #tpu.memory_space<semaphore_mem>>
        %dma_wait3A_170 = tpu.memref_squeeze %dma_wait3A_169 : memref<1x!tpu.dma_semaphore, #tpu.memory_space<semaphore_mem>> -> memref<!tpu.dma_semaphore, #tpu.memory_space<semaphore_mem>>
        %dma_wait3A_171 = arith.constant 0 : i32
        %dma_wait3A_172 = arith.constant 0 : i32
        %dma_wait3A_173 = tpu.memref_slice %arg4[%dma_wait3A_161, %dma_wait3A_171, %dma_wait3A_172] : memref<4x32x128xf32, #tpu.memory_space<vmem>> -> memref<1x32x128xf32, #tpu.memory_space<vmem>>
        %dma_wait3A_174 = tpu.memref_squeeze %dma_wait3A_173 : memref<1x32x128xf32, #tpu.memory_space<vmem>> -> memref<32x128xf32, #tpu.memory_space<vmem>>
        %dma_wait3A_175 = arith.constant 0 : i32
        %dma_wait3A_176 = tpu.memref_slice %arg2[%dma_wait3A_175, %mul3A_160] : memref<32x1000000xf32, #tpu.memory_space<hbm>> -> memref<32x128xf32, #tpu.memory_space<hbm>>
        tpu.wait_dma2 semaphore(%dma_wait3A_170 : memref<!tpu.dma_semaphore, #tpu.memory_space<semaphore_mem>>) src(%dma_wait3A_176 : memref<32x128xf32, #tpu.memory_space<hbm>>) dst(%dma_wait3A_174 : memref<32x128xf32, #tpu.memory_space<vmem>>)
        %ge3A = arith.constant 128 : i32
        %ge3A_177 = arith.cmpi sge, %add3A_117, %ge3A : i32
        %convert_element_type3A_178 = arith.extui %ge3A_177 : i1 to i32
        %cond3A_179 = arith.constant 0 : i32
        %cond3A_180 = arith.cmpi ne, %convert_element_type3A_178, %cond3A_179 : i32
        scf.if %cond3A_180 {
          %sub3A = arith.constant 128 : i32
          %sub3A_209 = arith.subi %add3A_117, %sub3A : i32
          %mul3A_210 = arith.constant 32 : i32
          %mul3A_211 = arith.muli %sub3A_209, %mul3A_210 : i32
          %dma_wait3A_212 = arith.constant 0 : i32
          %dma_wait3A_213 = arith.constant 0 : i32
          %dma_wait3A_214 = arith.constant 0 : i32
          %dma_wait3A_215 = arith.constant 0 : i32
          %dma_wait3A_216 = tpu.memref_slice %arg5[%dma_wait3A_212, %dma_wait3A_214, %dma_wait3A_215] : memref<4x32x128xf32, #tpu.memory_space<vmem>> -> memref<1x32x128xf32, #tpu.memory_space<vmem>>
          %dma_wait3A_217 = tpu.memref_squeeze %dma_wait3A_216 : memref<1x32x128xf32, #tpu.memory_space<vmem>> -> memref<32x128xf32, #tpu.memory_space<vmem>>
          %dma_wait3A_218 = arith.constant 0 : i32
          %dma_wait3A_219 = tpu.memref_slice %arg3[%mul3A_211, %dma_wait3A_218] : memref<250000x128xf32, #tpu.memory_space<hbm>> -> memref<32x128xf32, #tpu.memory_space<hbm>>
          %dma_wait3A_220 = tpu.memref_slice %arg9[%dma_wait3A_213] : memref<4x!tpu.dma_semaphore, #tpu.memory_space<semaphore_mem>> -> memref<1x!tpu.dma_semaphore, #tpu.memory_space<semaphore_mem>>
          %dma_wait3A_221 = tpu.memref_squeeze %dma_wait3A_220 : memref<1x!tpu.dma_semaphore, #tpu.memory_space<semaphore_mem>> -> memref<!tpu.dma_semaphore, #tpu.memory_space<semaphore_mem>>
          %dma_wait3A_222 = arith.constant 0 : i32
          %dma_wait3A_223 = tpu.memref_slice %arg3[%mul3A_211, %dma_wait3A_222] : memref<250000x128xf32, #tpu.memory_space<hbm>> -> memref<32x128xf32, #tpu.memory_space<hbm>>
          %dma_wait3A_224 = arith.constant 0 : i32
          %dma_wait3A_225 = arith.constant 0 : i32
          %dma_wait3A_226 = tpu.memref_slice %arg5[%dma_wait3A_212, %dma_wait3A_224, %dma_wait3A_225] : memref<4x32x128xf32, #tpu.memory_space<vmem>> -> memref<1x32x128xf32, #tpu.memory_space<vmem>>
          %dma_wait3A_227 = tpu.memref_squeeze %dma_wait3A_226 : memref<1x32x128xf32, #tpu.memory_space<vmem>> -> memref<32x128xf32, #tpu.memory_space<vmem>>
          tpu.wait_dma2 semaphore(%dma_wait3A_221 : memref<!tpu.dma_semaphore, #tpu.memory_space<semaphore_mem>>) src(%dma_wait3A_227 : memref<32x128xf32, #tpu.memory_space<vmem>>) dst(%dma_wait3A_223 : memref<32x128xf32, #tpu.memory_space<hbm>>)
        } else {
        }
        %parallel_loop3A = arith.constant 0 : i32
        %parallel_loop3A_181 = arith.constant 16 : i32
        %parallel_loop3A_182 = arith.constant 1 : i32
        %parallel_loop3A_183 = arith.constant 0 : i32
        %parallel_loop3A_184 = arith.constant 0 : i32
        scf.for %parallel_loop3A_209 = %parallel_loop3A to %parallel_loop3A_181 step %parallel_loop3A_182  : i32 {
          %parallel_loop3A_210 = vector.broadcast %parallel_loop3A_209 : i32 to vector<16xi32>
          %parallel_loop3A_211 = arith.addi %iota3A, %parallel_loop3A_210 : vector<16xi32>
          %parallel_loop3A_212 = arith.constant 15 : i32
          %parallel_loop3A_213 = vector.broadcast %parallel_loop3A_212 : i32 to vector<16xi32>
          %parallel_loop3A_214 = arith.andi %parallel_loop3A_211, %parallel_loop3A_213 : vector<16xi32>
          %parallel_loop3A_215 = arith.constant 32 : i32
          %parallel_loop3A_216 = vector.broadcast %parallel_loop3A_215 : i32 to vector<16xi32>
          %parallel_loop3A_217 = arith.muli %iota3A, %parallel_loop3A_216 : vector<16xi32>
          %parallel_loop3A_218 = arith.addi %parallel_loop3A_217, %parallel_loop3A_214 : vector<16xi32>
          %parallel_loop3A_219 = arith.constant 0 : i32
          %parallel_loop3A_220 = vector.broadcast %parallel_loop3A_219 : i32 to vector<16xi32>
          %parallel_loop3A_221 = arith.addi %parallel_loop3A_220, %parallel_loop3A_214 : vector<16xi32>
          %parallel_loop3A_222 = arith.constant 0 : i32
          %parallel_loop3A_223 = vector.broadcast %parallel_loop3A_222 : i32 to vector<16xi32>
          %parallel_loop3A_224 = arith.addi %parallel_loop3A_218, %parallel_loop3A_223 : vector<16xi32>
          %parallel_loop3A_225 = arith.constant 7 : i32
          %parallel_loop3A_226 = vector.broadcast %parallel_loop3A_225 : i32 to vector<16xi32>
          %parallel_loop3A_227 = arith.shrsi %parallel_loop3A_224, %parallel_loop3A_226 : vector<16xi32>
          %parallel_loop3A_228 = arith.constant 0 : i32
          %parallel_loop3A_229 = vector.broadcast %parallel_loop3A_228 : i32 to vector<16xi32>
          %parallel_loop3A_230 = arith.addi %parallel_loop3A_218, %parallel_loop3A_229 : vector<16xi32>
          %parallel_loop3A_231 = arith.constant 127 : i32
          %parallel_loop3A_232 = vector.broadcast %parallel_loop3A_231 : i32 to vector<16xi32>
          %parallel_loop3A_233 = arith.andi %parallel_loop3A_230, %parallel_loop3A_232 : vector<16xi32>
          %parallel_loop3A_234 = arith.constant 0 : i32
          %parallel_loop3A_235 = vector.broadcast %parallel_loop3A_234 : i32 to vector<16xi32>
          %parallel_loop3A_236 = arith.addi %iota3A, %parallel_loop3A_235 : vector<16xi32>
          %parallel_loop3A_237 = arith.constant 0 : i32
          %parallel_loop3A_238 = arith.constant 0 : i32
          %parallel_loop3A_239 = tpu.memref_slice %arg4[%parallel_loop3A_183, %parallel_loop3A_237, %parallel_loop3A_238] : memref<4x32x128xf32, #tpu.memory_space<vmem>> -> memref<1x32x128xf32, #tpu.memory_space<vmem>>
          %parallel_loop3A_240 = tpu.memref_squeeze %parallel_loop3A_239 : memref<1x32x128xf32, #tpu.memory_space<vmem>> -> memref<32x128xf32, #tpu.memory_space<vmem>>
          %parallel_loop3A_241 = tpu.vector_load_idx %parallel_loop3A_240[%parallel_loop3A_221, %parallel_loop3A_236] : memref<32x128xf32, #tpu.memory_space<vmem>>[vector<16xi32>, vector<16xi32>], vector<16xf32>,
          %parallel_loop3A_242 = arith.constant 0 : i32
          %parallel_loop3A_243 = vector.broadcast %parallel_loop3A_242 : i32 to vector<16xi32>
          %parallel_loop3A_244 = arith.addi %parallel_loop3A_227, %parallel_loop3A_243 : vector<16xi32>
          %parallel_loop3A_245 = arith.constant 0 : i32
          %parallel_loop3A_246 = arith.constant 0 : i32
          %parallel_loop3A_247 = tpu.memref_slice %arg5[%parallel_loop3A_184, %parallel_loop3A_245, %parallel_loop3A_246] : memref<4x32x128xf32, #tpu.memory_space<vmem>> -> memref<1x32x128xf32, #tpu.memory_space<vmem>>
          %parallel_loop3A_248 = tpu.memref_squeeze %parallel_loop3A_247 : memref<1x32x128xf32, #tpu.memory_space<vmem>> -> memref<32x128xf32, #tpu.memory_space<vmem>>
          tpu.vector_store_idx %parallel_loop3A_248[%parallel_loop3A_244, %parallel_loop3A_233], %parallel_loop3A_241 : memref<32x128xf32, #tpu.memory_space<vmem>>[vector<16xi32>, vector<16xi32>], vector<16xf32>,
          %parallel_loop3A_249 = arith.constant 16 : i32
          %parallel_loop3A_250 = vector.broadcast %parallel_loop3A_249 : i32 to vector<16xi32>
          %parallel_loop3A_251 = arith.addi %iota3A, %parallel_loop3A_250 : vector<16xi32>
          %parallel_loop3A_252 = arith.constant 0 : i32
          %parallel_loop3A_253 = arith.constant 0 : i32
          %parallel_loop3A_254 = tpu.memref_slice %arg4[%parallel_loop3A_183, %parallel_loop3A_252, %parallel_loop3A_253] : memref<4x32x128xf32, #tpu.memory_space<vmem>> -> memref<1x32x128xf32, #tpu.memory_space<vmem>>
          %parallel_loop3A_255 = tpu.memref_squeeze %parallel_loop3A_254 : memref<1x32x128xf32, #tpu.memory_space<vmem>> -> memref<32x128xf32, #tpu.memory_space<vmem>>
          %parallel_loop3A_256 = tpu.vector_load_idx %parallel_loop3A_255[%parallel_loop3A_221, %parallel_loop3A_251] : memref<32x128xf32, #tpu.memory_space<vmem>>[vector<16xi32>, vector<16xi32>], vector<16xf32>,
          %parallel_loop3A_257 = arith.constant 4 : i32
          %parallel_loop3A_258 = vector.broadcast %parallel_loop3A_257 : i32 to vector<16xi32>
          %parallel_loop3A_259 = arith.addi %parallel_loop3A_227, %parallel_loop3A_258 : vector<16xi32>
          %parallel_loop3A_260 = arith.constant 0 : i32
          %parallel_loop3A_261 = arith.constant 0 : i32
          %parallel_loop3A_262 = tpu.memref_slice %arg5[%parallel_loop3A_184, %parallel_loop3A_260, %parallel_loop3A_261] : memref<4x32x128xf32, #tpu.memory_space<vmem>> -> memref<1x32x128xf32, #tpu.memory_space<vmem>>
          %parallel_loop3A_263 = tpu.memref_squeeze %parallel_loop3A_262 : memref<1x32x128xf32, #tpu.memory_space<vmem>> -> memref<32x128xf32, #tpu.memory_space<vmem>>
          tpu.vector_store_idx %parallel_loop3A_263[%parallel_loop3A_259, %parallel_loop3A_233], %parallel_loop3A_256 : memref<32x128xf32, #tpu.memory_space<vmem>>[vector<16xi32>, vector<16xi32>], vector<16xf32>,
          %parallel_loop3A_264 = arith.constant 32 : i32
          %parallel_loop3A_265 = vector.broadcast %parallel_loop3A_264 : i32 to vector<16xi32>
          %parallel_loop3A_266 = arith.addi %iota3A, %parallel_loop3A_265 : vector<16xi32>
          %parallel_loop3A_267 = arith.constant 0 : i32
          %parallel_loop3A_268 = arith.constant 0 : i32
          %parallel_loop3A_269 = tpu.memref_slice %arg4[%parallel_loop3A_183, %parallel_loop3A_267, %parallel_loop3A_268] : memref<4x32x128xf32, #tpu.memory_space<vmem>> -> memref<1x32x128xf32, #tpu.memory_space<vmem>>
          %parallel_loop3A_270 = tpu.memref_squeeze %parallel_loop3A_269 : memref<1x32x128xf32, #tpu.memory_space<vmem>> -> memref<32x128xf32, #tpu.memory_space<vmem>>
          %parallel_loop3A_271 = tpu.vector_load_idx %parallel_loop3A_270[%parallel_loop3A_221, %parallel_loop3A_266] : memref<32x128xf32, #tpu.memory_space<vmem>>[vector<16xi32>, vector<16xi32>], vector<16xf32>,
          %parallel_loop3A_272 = arith.constant 8 : i32
          %parallel_loop3A_273 = vector.broadcast %parallel_loop3A_272 : i32 to vector<16xi32>
          %parallel_loop3A_274 = arith.addi %parallel_loop3A_227, %parallel_loop3A_273 : vector<16xi32>
          %parallel_loop3A_275 = arith.constant 0 : i32
          %parallel_loop3A_276 = arith.constant 0 : i32
          %parallel_loop3A_277 = tpu.memref_slice %arg5[%parallel_loop3A_184, %parallel_loop3A_275, %parallel_loop3A_276] : memref<4x32x128xf32, #tpu.memory_space<vmem>> -> memref<1x32x128xf32, #tpu.memory_space<vmem>>
          %parallel_loop3A_278 = tpu.memref_squeeze %parallel_loop3A_277 : memref<1x32x128xf32, #tpu.memory_space<vmem>> -> memref<32x128xf32, #tpu.memory_space<vmem>>
          tpu.vector_store_idx %parallel_loop3A_278[%parallel_loop3A_274, %parallel_loop3A_233], %parallel_loop3A_271 : memref<32x128xf32, #tpu.memory_space<vmem>>[vector<16xi32>, vector<16xi32>], vector<16xf32>,
          %parallel_loop3A_279 = arith.constant 48 : i32
          %parallel_loop3A_280 = vector.broadcast %parallel_loop3A_279 : i32 to vector<16xi32>
          %parallel_loop3A_281 = arith.addi %iota3A, %parallel_loop3A_280 : vector<16xi32>
          %parallel_loop3A_282 = arith.constant 0 : i32
          %parallel_loop3A_283 = arith.constant 0 : i32
          %parallel_loop3A_284 = tpu.memref_slice %arg4[%parallel_loop3A_183, %parallel_loop3A_282, %parallel_loop3A_283] : memref<4x32x128xf32, #tpu.memory_space<vmem>> -> memref<1x32x128xf32, #tpu.memory_space<vmem>>
          %parallel_loop3A_285 = tpu.memref_squeeze %parallel_loop3A_284 : memref<1x32x128xf32, #tpu.memory_space<vmem>> -> memref<32x128xf32, #tpu.memory_space<vmem>>
          %parallel_loop3A_286 = tpu.vector_load_idx %parallel_loop3A_285[%parallel_loop3A_221, %parallel_loop3A_281] : memref<32x128xf32, #tpu.memory_space<vmem>>[vector<16xi32>, vector<16xi32>], vector<16xf32>,
          %parallel_loop3A_287 = arith.constant 12 : i32
          %parallel_loop3A_288 = vector.broadcast %parallel_loop3A_287 : i32 to vector<16xi32>
          %parallel_loop3A_289 = arith.addi %parallel_loop3A_227, %parallel_loop3A_288 : vector<16xi32>
          %parallel_loop3A_290 = arith.constant 0 : i32
          %parallel_loop3A_291 = arith.constant 0 : i32
          %parallel_loop3A_292 = tpu.memref_slice %arg5[%parallel_loop3A_184, %parallel_loop3A_290, %parallel_loop3A_291] : memref<4x32x128xf32, #tpu.memory_space<vmem>> -> memref<1x32x128xf32, #tpu.memory_space<vmem>>
          %parallel_loop3A_293 = tpu.memref_squeeze %parallel_loop3A_292 : memref<1x32x128xf32, #tpu.memory_space<vmem>> -> memref<32x128xf32, #tpu.memory_space<vmem>>
          tpu.vector_store_idx %parallel_loop3A_293[%parallel_loop3A_289, %parallel_loop3A_233], %parallel_loop3A_286 : memref<32x128xf32, #tpu.memory_space<vmem>>[vector<16xi32>, vector<16xi32>], vector<16xf32>,
          %parallel_loop3A_294 = arith.constant 64 : i32
          %parallel_loop3A_295 = vector.broadcast %parallel_loop3A_294 : i32 to vector<16xi32>
          %parallel_loop3A_296 = arith.addi %iota3A, %parallel_loop3A_295 : vector<16xi32>
          %parallel_loop3A_297 = arith.constant 0 : i32
          %parallel_loop3A_298 = arith.constant 0 : i32
          %parallel_loop3A_299 = tpu.memref_slice %arg4[%parallel_loop3A_183, %parallel_loop3A_297, %parallel_loop3A_298] : memref<4x32x128xf32, #tpu.memory_space<vmem>> -> memref<1x32x128xf32, #tpu.memory_space<vmem>>
          %parallel_loop3A_300 = tpu.memref_squeeze %parallel_loop3A_299 : memref<1x32x128xf32, #tpu.memory_space<vmem>> -> memref<32x128xf32, #tpu.memory_space<vmem>>
          %parallel_loop3A_301 = tpu.vector_load_idx %parallel_loop3A_300[%parallel_loop3A_221, %parallel_loop3A_296] : memref<32x128xf32, #tpu.memory_space<vmem>>[vector<16xi32>, vector<16xi32>], vector<16xf32>,
          %parallel_loop3A_302 = arith.constant 16 : i32
          %parallel_loop3A_303 = vector.broadcast %parallel_loop3A_302 : i32 to vector<16xi32>
          %parallel_loop3A_304 = arith.addi %parallel_loop3A_227, %parallel_loop3A_303 : vector<16xi32>
          %parallel_loop3A_305 = arith.constant 0 : i32
          %parallel_loop3A_306 = arith.constant 0 : i32
          %parallel_loop3A_307 = tpu.memref_slice %arg5[%parallel_loop3A_184, %parallel_loop3A_305, %parallel_loop3A_306] : memref<4x32x128xf32, #tpu.memory_space<vmem>> -> memref<1x32x128xf32, #tpu.memory_space<vmem>>
          %parallel_loop3A_308 = tpu.memref_squeeze %parallel_loop3A_307 : memref<1x32x128xf32, #tpu.memory_space<vmem>> -> memref<32x128xf32, #tpu.memory_space<vmem>>
          tpu.vector_store_idx %parallel_loop3A_308[%parallel_loop3A_304, %parallel_loop3A_233], %parallel_loop3A_301 : memref<32x128xf32, #tpu.memory_space<vmem>>[vector<16xi32>, vector<16xi32>], vector<16xf32>,
          %parallel_loop3A_309 = arith.constant 80 : i32
          %parallel_loop3A_310 = vector.broadcast %parallel_loop3A_309 : i32 to vector<16xi32>
          %parallel_loop3A_311 = arith.addi %iota3A, %parallel_loop3A_310 : vector<16xi32>
          %parallel_loop3A_312 = arith.constant 0 : i32
          %parallel_loop3A_313 = arith.constant 0 : i32
          %parallel_loop3A_314 = tpu.memref_slice %arg4[%parallel_loop3A_183, %parallel_loop3A_312, %parallel_loop3A_313] : memref<4x32x128xf32, #tpu.memory_space<vmem>> -> memref<1x32x128xf32, #tpu.memory_space<vmem>>
          %parallel_loop3A_315 = tpu.memref_squeeze %parallel_loop3A_314 : memref<1x32x128xf32, #tpu.memory_space<vmem>> -> memref<32x128xf32, #tpu.memory_space<vmem>>
          %parallel_loop3A_316 = tpu.vector_load_idx %parallel_loop3A_315[%parallel_loop3A_221, %parallel_loop3A_311] : memref<32x128xf32, #tpu.memory_space<vmem>>[vector<16xi32>, vector<16xi32>], vector<16xf32>,
          %parallel_loop3A_317 = arith.constant 20 : i32
          %parallel_loop3A_318 = vector.broadcast %parallel_loop3A_317 : i32 to vector<16xi32>
          %parallel_loop3A_319 = arith.addi %parallel_loop3A_227, %parallel_loop3A_318 : vector<16xi32>
          %parallel_loop3A_320 = arith.constant 0 : i32
          %parallel_loop3A_321 = arith.constant 0 : i32
          %parallel_loop3A_322 = tpu.memref_slice %arg5[%parallel_loop3A_184, %parallel_loop3A_320, %parallel_loop3A_321] : memref<4x32x128xf32, #tpu.memory_space<vmem>> -> memref<1x32x128xf32, #tpu.memory_space<vmem>>
          %parallel_loop3A_323 = tpu.memref_squeeze %parallel_loop3A_322 : memref<1x32x128xf32, #tpu.memory_space<vmem>> -> memref<32x128xf32, #tpu.memory_space<vmem>>
          tpu.vector_store_idx %parallel_loop3A_323[%parallel_loop3A_319, %parallel_loop3A_233], %parallel_loop3A_316 : memref<32x128xf32, #tpu.memory_space<vmem>>[vector<16xi32>, vector<16xi32>], vector<16xf32>,
          %parallel_loop3A_324 = arith.constant 96 : i32
          %parallel_loop3A_325 = vector.broadcast %parallel_loop3A_324 : i32 to vector<16xi32>
          %parallel_loop3A_326 = arith.addi %iota3A, %parallel_loop3A_325 : vector<16xi32>
          %parallel_loop3A_327 = arith.constant 0 : i32
          %parallel_loop3A_328 = arith.constant 0 : i32
          %parallel_loop3A_329 = tpu.memref_slice %arg4[%parallel_loop3A_183, %parallel_loop3A_327, %parallel_loop3A_328] : memref<4x32x128xf32, #tpu.memory_space<vmem>> -> memref<1x32x128xf32, #tpu.memory_space<vmem>>
          %parallel_loop3A_330 = tpu.memref_squeeze %parallel_loop3A_329 : memref<1x32x128xf32, #tpu.memory_space<vmem>> -> memref<32x128xf32, #tpu.memory_space<vmem>>
          %parallel_loop3A_331 = tpu.vector_load_idx %parallel_loop3A_330[%parallel_loop3A_221, %parallel_loop3A_326] : memref<32x128xf32, #tpu.memory_space<vmem>>[vector<16xi32>, vector<16xi32>], vector<16xf32>,
          %parallel_loop3A_332 = arith.constant 24 : i32
          %parallel_loop3A_333 = vector.broadcast %parallel_loop3A_332 : i32 to vector<16xi32>
          %parallel_loop3A_334 = arith.addi %parallel_loop3A_227, %parallel_loop3A_333 : vector<16xi32>
          %parallel_loop3A_335 = arith.constant 0 : i32
          %parallel_loop3A_336 = arith.constant 0 : i32
          %parallel_loop3A_337 = tpu.memref_slice %arg5[%parallel_loop3A_184, %parallel_loop3A_335, %parallel_loop3A_336] : memref<4x32x128xf32, #tpu.memory_space<vmem>> -> memref<1x32x128xf32, #tpu.memory_space<vmem>>
          %parallel_loop3A_338 = tpu.memref_squeeze %parallel_loop3A_337 : memref<1x32x128xf32, #tpu.memory_space<vmem>> -> memref<32x128xf32, #tpu.memory_space<vmem>>
          tpu.vector_store_idx %parallel_loop3A_338[%parallel_loop3A_334, %parallel_loop3A_233], %parallel_loop3A_331 : memref<32x128xf32, #tpu.memory_space<vmem>>[vector<16xi32>, vector<16xi32>], vector<16xf32>,
          %parallel_loop3A_339 = arith.constant 112 : i32
          %parallel_loop3A_340 = vector.broadcast %parallel_loop3A_339 : i32 to vector<16xi32>
          %parallel_loop3A_341 = arith.addi %iota3A, %parallel_loop3A_340 : vector<16xi32>
          %parallel_loop3A_342 = arith.constant 0 : i32
          %parallel_loop3A_343 = arith.constant 0 : i32
          %parallel_loop3A_344 = tpu.memref_slice %arg4[%parallel_loop3A_183, %parallel_loop3A_342, %parallel_loop3A_343] : memref<4x32x128xf32, #tpu.memory_space<vmem>> -> memref<1x32x128xf32, #tpu.memory_space<vmem>>
          %parallel_loop3A_345 = tpu.memref_squeeze %parallel_loop3A_344 : memref<1x32x128xf32, #tpu.memory_space<vmem>> -> memref<32x128xf32, #tpu.memory_space<vmem>>
          %parallel_loop3A_346 = tpu.vector_load_idx %parallel_loop3A_345[%parallel_loop3A_221, %parallel_loop3A_341] : memref<32x128xf32, #tpu.memory_space<vmem>>[vector<16xi32>, vector<16xi32>], vector<16xf32>,
          %parallel_loop3A_347 = arith.constant 28 : i32
          %parallel_loop3A_348 = vector.broadcast %parallel_loop3A_347 : i32 to vector<16xi32>
          %parallel_loop3A_349 = arith.addi %parallel_loop3A_227, %parallel_loop3A_348 : vector<16xi32>
          %parallel_loop3A_350 = arith.constant 0 : i32
          %parallel_loop3A_351 = arith.constant 0 : i32
          %parallel_loop3A_352 = tpu.memref_slice %arg5[%parallel_loop3A_184, %parallel_loop3A_350, %parallel_loop3A_351] : memref<4x32x128xf32, #tpu.memory_space<vmem>> -> memref<1x32x128xf32, #tpu.memory_space<vmem>>
          %parallel_loop3A_353 = tpu.memref_squeeze %parallel_loop3A_352 : memref<1x32x128xf32, #tpu.memory_space<vmem>> -> memref<32x128xf32, #tpu.memory_space<vmem>>
          tpu.vector_store_idx %parallel_loop3A_353[%parallel_loop3A_349, %parallel_loop3A_233], %parallel_loop3A_346 : memref<32x128xf32, #tpu.memory_space<vmem>>[vector<16xi32>, vector<16xi32>], vector<16xf32>,
          %parallel_loop3A_354 = arith.constant 16 : i32
          %parallel_loop3A_355 = vector.broadcast %parallel_loop3A_354 : i32 to vector<16xi32>
          %parallel_loop3A_356 = arith.addi %parallel_loop3A_355, %parallel_loop3A_214 : vector<16xi32>
          %parallel_loop3A_357 = arith.constant 16 : i32
          %parallel_loop3A_358 = vector.broadcast %parallel_loop3A_357 : i32 to vector<16xi32>
          %parallel_loop3A_359 = arith.addi %parallel_loop3A_218, %parallel_loop3A_358 : vector<16xi32>
          %parallel_loop3A_360 = arith.constant 7 : i32
          %parallel_loop3A_361 = vector.broadcast %parallel_loop3A_360 : i32 to vector<16xi32>
          %parallel_loop3A_362 = arith.shrsi %parallel_loop3A_359, %parallel_loop3A_361 : vector<16xi32>
          %parallel_loop3A_363 = arith.constant 16 : i32
          %parallel_loop3A_364 = vector.broadcast %parallel_loop3A_363 : i32 to vector<16xi32>
          %parallel_loop3A_365 = arith.addi %parallel_loop3A_218, %parallel_loop3A_364 : vector<16xi32>
          %parallel_loop3A_366 = arith.constant 127 : i32
          %parallel_loop3A_367 = vector.broadcast %parallel_loop3A_366 : i32 to vector<16xi32>
          %parallel_loop3A_368 = arith.andi %parallel_loop3A_365, %parallel_loop3A_367 : vector<16xi32>
          %parallel_loop3A_369 = arith.constant 0 : i32
          %parallel_loop3A_370 = vector.broadcast %parallel_loop3A_369 : i32 to vector<16xi32>
          %parallel_loop3A_371 = arith.addi %iota3A, %parallel_loop3A_370 : vector<16xi32>
          %parallel_loop3A_372 = arith.constant 0 : i32
          %parallel_loop3A_373 = arith.constant 0 : i32
          %parallel_loop3A_374 = tpu.memref_slice %arg4[%parallel_loop3A_183, %parallel_loop3A_372, %parallel_loop3A_373] : memref<4x32x128xf32, #tpu.memory_space<vmem>> -> memref<1x32x128xf32, #tpu.memory_space<vmem>>
          %parallel_loop3A_375 = tpu.memref_squeeze %parallel_loop3A_374 : memref<1x32x128xf32, #tpu.memory_space<vmem>> -> memref<32x128xf32, #tpu.memory_space<vmem>>
          %parallel_loop3A_376 = tpu.vector_load_idx %parallel_loop3A_375[%parallel_loop3A_356, %parallel_loop3A_371] : memref<32x128xf32, #tpu.memory_space<vmem>>[vector<16xi32>, vector<16xi32>], vector<16xf32>,
          %parallel_loop3A_377 = arith.constant 0 : i32
          %parallel_loop3A_378 = vector.broadcast %parallel_loop3A_377 : i32 to vector<16xi32>
          %parallel_loop3A_379 = arith.addi %parallel_loop3A_362, %parallel_loop3A_378 : vector<16xi32>
          %parallel_loop3A_380 = arith.constant 0 : i32
          %parallel_loop3A_381 = arith.constant 0 : i32
          %parallel_loop3A_382 = tpu.memref_slice %arg5[%parallel_loop3A_184, %parallel_loop3A_380, %parallel_loop3A_381] : memref<4x32x128xf32, #tpu.memory_space<vmem>> -> memref<1x32x128xf32, #tpu.memory_space<vmem>>
          %parallel_loop3A_383 = tpu.memref_squeeze %parallel_loop3A_382 : memref<1x32x128xf32, #tpu.memory_space<vmem>> -> memref<32x128xf32, #tpu.memory_space<vmem>>
          tpu.vector_store_idx %parallel_loop3A_383[%parallel_loop3A_379, %parallel_loop3A_368], %parallel_loop3A_376 : memref<32x128xf32, #tpu.memory_space<vmem>>[vector<16xi32>, vector<16xi32>], vector<16xf32>,
          %parallel_loop3A_384 = arith.constant 16 : i32
          %parallel_loop3A_385 = vector.broadcast %parallel_loop3A_384 : i32 to vector<16xi32>
          %parallel_loop3A_386 = arith.addi %iota3A, %parallel_loop3A_385 : vector<16xi32>
          %parallel_loop3A_387 = arith.constant 0 : i32
          %parallel_loop3A_388 = arith.constant 0 : i32
          %parallel_loop3A_389 = tpu.memref_slice %arg4[%parallel_loop3A_183, %parallel_loop3A_387, %parallel_loop3A_388] : memref<4x32x128xf32, #tpu.memory_space<vmem>> -> memref<1x32x128xf32, #tpu.memory_space<vmem>>
          %parallel_loop3A_390 = tpu.memref_squeeze %parallel_loop3A_389 : memref<1x32x128xf32, #tpu.memory_space<vmem>> -> memref<32x128xf32, #tpu.memory_space<vmem>>
          %parallel_loop3A_391 = tpu.vector_load_idx %parallel_loop3A_390[%parallel_loop3A_356, %parallel_loop3A_386] : memref<32x128xf32, #tpu.memory_space<vmem>>[vector<16xi32>, vector<16xi32>], vector<16xf32>,
          %parallel_loop3A_392 = arith.constant 4 : i32
          %parallel_loop3A_393 = vector.broadcast %parallel_loop3A_392 : i32 to vector<16xi32>
          %parallel_loop3A_394 = arith.addi %parallel_loop3A_362, %parallel_loop3A_393 : vector<16xi32>
          %parallel_loop3A_395 = arith.constant 0 : i32
          %parallel_loop3A_396 = arith.constant 0 : i32
          %parallel_loop3A_397 = tpu.memref_slice %arg5[%parallel_loop3A_184, %parallel_loop3A_395, %parallel_loop3A_396] : memref<4x32x128xf32, #tpu.memory_space<vmem>> -> memref<1x32x128xf32, #tpu.memory_space<vmem>>
          %parallel_loop3A_398 = tpu.memref_squeeze %parallel_loop3A_397 : memref<1x32x128xf32, #tpu.memory_space<vmem>> -> memref<32x128xf32, #tpu.memory_space<vmem>>
          tpu.vector_store_idx %parallel_loop3A_398[%parallel_loop3A_394, %parallel_loop3A_368], %parallel_loop3A_391 : memref<32x128xf32, #tpu.memory_space<vmem>>[vector<16xi32>, vector<16xi32>], vector<16xf32>,
          %parallel_loop3A_399 = arith.constant 32 : i32
          %parallel_loop3A_400 = vector.broadcast %parallel_loop3A_399 : i32 to vector<16xi32>
          %parallel_loop3A_401 = arith.addi %iota3A, %parallel_loop3A_400 : vector<16xi32>
          %parallel_loop3A_402 = arith.constant 0 : i32
          %parallel_loop3A_403 = arith.constant 0 : i32
          %parallel_loop3A_404 = tpu.memref_slice %arg4[%parallel_loop3A_183, %parallel_loop3A_402, %parallel_loop3A_403] : memref<4x32x128xf32, #tpu.memory_space<vmem>> -> memref<1x32x128xf32, #tpu.memory_space<vmem>>
          %parallel_loop3A_405 = tpu.memref_squeeze %parallel_loop3A_404 : memref<1x32x128xf32, #tpu.memory_space<vmem>> -> memref<32x128xf32, #tpu.memory_space<vmem>>
          %parallel_loop3A_406 = tpu.vector_load_idx %parallel_loop3A_405[%parallel_loop3A_356, %parallel_loop3A_401] : memref<32x128xf32, #tpu.memory_space<vmem>>[vector<16xi32>, vector<16xi32>], vector<16xf32>,
          %parallel_loop3A_407 = arith.constant 8 : i32
          %parallel_loop3A_408 = vector.broadcast %parallel_loop3A_407 : i32 to vector<16xi32>
          %parallel_loop3A_409 = arith.addi %parallel_loop3A_362, %parallel_loop3A_408 : vector<16xi32>
          %parallel_loop3A_410 = arith.constant 0 : i32
          %parallel_loop3A_411 = arith.constant 0 : i32
          %parallel_loop3A_412 = tpu.memref_slice %arg5[%parallel_loop3A_184, %parallel_loop3A_410, %parallel_loop3A_411] : memref<4x32x128xf32, #tpu.memory_space<vmem>> -> memref<1x32x128xf32, #tpu.memory_space<vmem>>
          %parallel_loop3A_413 = tpu.memref_squeeze %parallel_loop3A_412 : memref<1x32x128xf32, #tpu.memory_space<vmem>> -> memref<32x128xf32, #tpu.memory_space<vmem>>
          tpu.vector_store_idx %parallel_loop3A_413[%parallel_loop3A_409, %parallel_loop3A_368], %parallel_loop3A_406 : memref<32x128xf32, #tpu.memory_space<vmem>>[vector<16xi32>, vector<16xi32>], vector<16xf32>,
          %parallel_loop3A_414 = arith.constant 48 : i32
          %parallel_loop3A_415 = vector.broadcast %parallel_loop3A_414 : i32 to vector<16xi32>
          %parallel_loop3A_416 = arith.addi %iota3A, %parallel_loop3A_415 : vector<16xi32>
          %parallel_loop3A_417 = arith.constant 0 : i32
          %parallel_loop3A_418 = arith.constant 0 : i32
          %parallel_loop3A_419 = tpu.memref_slice %arg4[%parallel_loop3A_183, %parallel_loop3A_417, %parallel_loop3A_418] : memref<4x32x128xf32, #tpu.memory_space<vmem>> -> memref<1x32x128xf32, #tpu.memory_space<vmem>>
          %parallel_loop3A_420 = tpu.memref_squeeze %parallel_loop3A_419 : memref<1x32x128xf32, #tpu.memory_space<vmem>> -> memref<32x128xf32, #tpu.memory_space<vmem>>
          %parallel_loop3A_421 = tpu.vector_load_idx %parallel_loop3A_420[%parallel_loop3A_356, %parallel_loop3A_416] : memref<32x128xf32, #tpu.memory_space<vmem>>[vector<16xi32>, vector<16xi32>], vector<16xf32>,
          %parallel_loop3A_422 = arith.constant 12 : i32
          %parallel_loop3A_423 = vector.broadcast %parallel_loop3A_422 : i32 to vector<16xi32>
          %parallel_loop3A_424 = arith.addi %parallel_loop3A_362, %parallel_loop3A_423 : vector<16xi32>
          %parallel_loop3A_425 = arith.constant 0 : i32
          %parallel_loop3A_426 = arith.constant 0 : i32
          %parallel_loop3A_427 = tpu.memref_slice %arg5[%parallel_loop3A_184, %parallel_loop3A_425, %parallel_loop3A_426] : memref<4x32x128xf32, #tpu.memory_space<vmem>> -> memref<1x32x128xf32, #tpu.memory_space<vmem>>
          %parallel_loop3A_428 = tpu.memref_squeeze %parallel_loop3A_427 : memref<1x32x128xf32, #tpu.memory_space<vmem>> -> memref<32x128xf32, #tpu.memory_space<vmem>>
          tpu.vector_store_idx %parallel_loop3A_428[%parallel_loop3A_424, %parallel_loop3A_368], %parallel_loop3A_421 : memref<32x128xf32, #tpu.memory_space<vmem>>[vector<16xi32>, vector<16xi32>], vector<16xf32>,
          %parallel_loop3A_429 = arith.constant 64 : i32
          %parallel_loop3A_430 = vector.broadcast %parallel_loop3A_429 : i32 to vector<16xi32>
          %parallel_loop3A_431 = arith.addi %iota3A, %parallel_loop3A_430 : vector<16xi32>
          %parallel_loop3A_432 = arith.constant 0 : i32
          %parallel_loop3A_433 = arith.constant 0 : i32
          %parallel_loop3A_434 = tpu.memref_slice %arg4[%parallel_loop3A_183, %parallel_loop3A_432, %parallel_loop3A_433] : memref<4x32x128xf32, #tpu.memory_space<vmem>> -> memref<1x32x128xf32, #tpu.memory_space<vmem>>
          %parallel_loop3A_435 = tpu.memref_squeeze %parallel_loop3A_434 : memref<1x32x128xf32, #tpu.memory_space<vmem>> -> memref<32x128xf32, #tpu.memory_space<vmem>>
          %parallel_loop3A_436 = tpu.vector_load_idx %parallel_loop3A_435[%parallel_loop3A_356, %parallel_loop3A_431] : memref<32x128xf32, #tpu.memory_space<vmem>>[vector<16xi32>, vector<16xi32>], vector<16xf32>,
          %parallel_loop3A_437 = arith.constant 16 : i32
          %parallel_loop3A_438 = vector.broadcast %parallel_loop3A_437 : i32 to vector<16xi32>
          %parallel_loop3A_439 = arith.addi %parallel_loop3A_362, %parallel_loop3A_438 : vector<16xi32>
          %parallel_loop3A_440 = arith.constant 0 : i32
          %parallel_loop3A_441 = arith.constant 0 : i32
          %parallel_loop3A_442 = tpu.memref_slice %arg5[%parallel_loop3A_184, %parallel_loop3A_440, %parallel_loop3A_441] : memref<4x32x128xf32, #tpu.memory_space<vmem>> -> memref<1x32x128xf32, #tpu.memory_space<vmem>>
          %parallel_loop3A_443 = tpu.memref_squeeze %parallel_loop3A_442 : memref<1x32x128xf32, #tpu.memory_space<vmem>> -> memref<32x128xf32, #tpu.memory_space<vmem>>
          tpu.vector_store_idx %parallel_loop3A_443[%parallel_loop3A_439, %parallel_loop3A_368], %parallel_loop3A_436 : memref<32x128xf32, #tpu.memory_space<vmem>>[vector<16xi32>, vector<16xi32>], vector<16xf32>,
          %parallel_loop3A_444 = arith.constant 80 : i32
          %parallel_loop3A_445 = vector.broadcast %parallel_loop3A_444 : i32 to vector<16xi32>
          %parallel_loop3A_446 = arith.addi %iota3A, %parallel_loop3A_445 : vector<16xi32>
          %parallel_loop3A_447 = arith.constant 0 : i32
          %parallel_loop3A_448 = arith.constant 0 : i32
          %parallel_loop3A_449 = tpu.memref_slice %arg4[%parallel_loop3A_183, %parallel_loop3A_447, %parallel_loop3A_448] : memref<4x32x128xf32, #tpu.memory_space<vmem>> -> memref<1x32x128xf32, #tpu.memory_space<vmem>>
          %parallel_loop3A_450 = tpu.memref_squeeze %parallel_loop3A_449 : memref<1x32x128xf32, #tpu.memory_space<vmem>> -> memref<32x128xf32, #tpu.memory_space<vmem>>
          %parallel_loop3A_451 = tpu.vector_load_idx %parallel_loop3A_450[%parallel_loop3A_356, %parallel_loop3A_446] : memref<32x128xf32, #tpu.memory_space<vmem>>[vector<16xi32>, vector<16xi32>], vector<16xf32>,
          %parallel_loop3A_452 = arith.constant 20 : i32
          %parallel_loop3A_453 = vector.broadcast %parallel_loop3A_452 : i32 to vector<16xi32>
          %parallel_loop3A_454 = arith.addi %parallel_loop3A_362, %parallel_loop3A_453 : vector<16xi32>
          %parallel_loop3A_455 = arith.constant 0 : i32
          %parallel_loop3A_456 = arith.constant 0 : i32
          %parallel_loop3A_457 = tpu.memref_slice %arg5[%parallel_loop3A_184, %parallel_loop3A_455, %parallel_loop3A_456] : memref<4x32x128xf32, #tpu.memory_space<vmem>> -> memref<1x32x128xf32, #tpu.memory_space<vmem>>
          %parallel_loop3A_458 = tpu.memref_squeeze %parallel_loop3A_457 : memref<1x32x128xf32, #tpu.memory_space<vmem>> -> memref<32x128xf32, #tpu.memory_space<vmem>>
          tpu.vector_store_idx %parallel_loop3A_458[%parallel_loop3A_454, %parallel_loop3A_368], %parallel_loop3A_451 : memref<32x128xf32, #tpu.memory_space<vmem>>[vector<16xi32>, vector<16xi32>], vector<16xf32>,
          %parallel_loop3A_459 = arith.constant 96 : i32
          %parallel_loop3A_460 = vector.broadcast %parallel_loop3A_459 : i32 to vector<16xi32>
          %parallel_loop3A_461 = arith.addi %iota3A, %parallel_loop3A_460 : vector<16xi32>
          %parallel_loop3A_462 = arith.constant 0 : i32
          %parallel_loop3A_463 = arith.constant 0 : i32
          %parallel_loop3A_464 = tpu.memref_slice %arg4[%parallel_loop3A_183, %parallel_loop3A_462, %parallel_loop3A_463] : memref<4x32x128xf32, #tpu.memory_space<vmem>> -> memref<1x32x128xf32, #tpu.memory_space<vmem>>
          %parallel_loop3A_465 = tpu.memref_squeeze %parallel_loop3A_464 : memref<1x32x128xf32, #tpu.memory_space<vmem>> -> memref<32x128xf32, #tpu.memory_space<vmem>>
          %parallel_loop3A_466 = tpu.vector_load_idx %parallel_loop3A_465[%parallel_loop3A_356, %parallel_loop3A_461] : memref<32x128xf32, #tpu.memory_space<vmem>>[vector<16xi32>, vector<16xi32>], vector<16xf32>,
          %parallel_loop3A_467 = arith.constant 24 : i32
          %parallel_loop3A_468 = vector.broadcast %parallel_loop3A_467 : i32 to vector<16xi32>
          %parallel_loop3A_469 = arith.addi %parallel_loop3A_362, %parallel_loop3A_468 : vector<16xi32>
          %parallel_loop3A_470 = arith.constant 0 : i32
          %parallel_loop3A_471 = arith.constant 0 : i32
          %parallel_loop3A_472 = tpu.memref_slice %arg5[%parallel_loop3A_184, %parallel_loop3A_470, %parallel_loop3A_471] : memref<4x32x128xf32, #tpu.memory_space<vmem>> -> memref<1x32x128xf32, #tpu.memory_space<vmem>>
          %parallel_loop3A_473 = tpu.memref_squeeze %parallel_loop3A_472 : memref<1x32x128xf32, #tpu.memory_space<vmem>> -> memref<32x128xf32, #tpu.memory_space<vmem>>
          tpu.vector_store_idx %parallel_loop3A_473[%parallel_loop3A_469, %parallel_loop3A_368], %parallel_loop3A_466 : memref<32x128xf32, #tpu.memory_space<vmem>>[vector<16xi32>, vector<16xi32>], vector<16xf32>,
          %parallel_loop3A_474 = arith.constant 112 : i32
          %parallel_loop3A_475 = vector.broadcast %parallel_loop3A_474 : i32 to vector<16xi32>
          %parallel_loop3A_476 = arith.addi %iota3A, %parallel_loop3A_475 : vector<16xi32>
          %parallel_loop3A_477 = arith.constant 0 : i32
          %parallel_loop3A_478 = arith.constant 0 : i32
          %parallel_loop3A_479 = tpu.memref_slice %arg4[%parallel_loop3A_183, %parallel_loop3A_477, %parallel_loop3A_478] : memref<4x32x128xf32, #tpu.memory_space<vmem>> -> memref<1x32x128xf32, #tpu.memory_space<vmem>>
          %parallel_loop3A_480 = tpu.memref_squeeze %parallel_loop3A_479 : memref<1x32x128xf32, #tpu.memory_space<vmem>> -> memref<32x128xf32, #tpu.memory_space<vmem>>
          %parallel_loop3A_481 = tpu.vector_load_idx %parallel_loop3A_480[%parallel_loop3A_356, %parallel_loop3A_476] : memref<32x128xf32, #tpu.memory_space<vmem>>[vector<16xi32>, vector<16xi32>], vector<16xf32>,
          %parallel_loop3A_482 = arith.constant 28 : i32
          %parallel_loop3A_483 = vector.broadcast %parallel_loop3A_482 : i32 to vector<16xi32>
          %parallel_loop3A_484 = arith.addi %parallel_loop3A_362, %parallel_loop3A_483 : vector<16xi32>
          %parallel_loop3A_485 = arith.constant 0 : i32
          %parallel_loop3A_486 = arith.constant 0 : i32
          %parallel_loop3A_487 = tpu.memref_slice %arg5[%parallel_loop3A_184, %parallel_loop3A_485, %parallel_loop3A_486] : memref<4x32x128xf32, #tpu.memory_space<vmem>> -> memref<1x32x128xf32, #tpu.memory_space<vmem>>
          %parallel_loop3A_488 = tpu.memref_squeeze %parallel_loop3A_487 : memref<1x32x128xf32, #tpu.memory_space<vmem>> -> memref<32x128xf32, #tpu.memory_space<vmem>>
          tpu.vector_store_idx %parallel_loop3A_488[%parallel_loop3A_484, %parallel_loop3A_368], %parallel_loop3A_481 : memref<32x128xf32, #tpu.memory_space<vmem>>[vector<16xi32>, vector<16xi32>], vector<16xf32>,
        } {sc.loop_unroll_factor = 4 : i64, sc.parallel_access}
        %mul3A_185 = arith.constant 32 : i32
        %mul3A_186 = arith.muli %add3A_117, %mul3A_185 : i32
        %dma_start3A = arith.constant 0 : i32
        %dma_start3A_187 = arith.constant 0 : i32
        %dma_start3A_188 = arith.constant 0 : i32
        %dma_start3A_189 = arith.constant 0 : i32
        %dma_start3A_190 = tpu.memref_slice %arg5[%dma_start3A, %dma_start3A_188, %dma_start3A_189] : memref<4x32x128xf32, #tpu.memory_space<vmem>> -> memref<1x32x128xf32, #tpu.memory_space<vmem>>
        %dma_start3A_191 = tpu.memref_squeeze %dma_start3A_190 : memref<1x32x128xf32, #tpu.memory_space<vmem>> -> memref<32x128xf32, #tpu.memory_space<vmem>>
        %dma_start3A_192 = arith.constant 0 : i32
        %dma_start3A_193 = tpu.memref_slice %arg3[%mul3A_186, %dma_start3A_192] : memref<250000x128xf32, #tpu.memory_space<hbm>> -> memref<32x128xf32, #tpu.memory_space<hbm>>
        %dma_start3A_194 = tpu.memref_slice %arg9[%dma_start3A_187] : memref<4x!tpu.dma_semaphore, #tpu.memory_space<semaphore_mem>> -> memref<1x!tpu.dma_semaphore, #tpu.memory_space<semaphore_mem>>
        %dma_start3A_195 = tpu.memref_squeeze %dma_start3A_194 : memref<1x!tpu.dma_semaphore, #tpu.memory_space<semaphore_mem>> -> memref<!tpu.dma_semaphore, #tpu.memory_space<semaphore_mem>>
        %dma_start3A_196 = arith.constant 0 : i32
        %dma_start3A_197 = tpu.memref_slice %arg3[%mul3A_186, %dma_start3A_196] : memref<250000x128xf32, #tpu.memory_space<hbm>> -> memref<32x128xf32, #tpu.memory_space<hbm>>
        %dma_start3A_198 = arith.constant 0 : i32
        %dma_start3A_199 = arith.constant 0 : i32
        %dma_start3A_200 = tpu.memref_slice %arg5[%dma_start3A, %dma_start3A_198, %dma_start3A_199] : memref<4x32x128xf32, #tpu.memory_space<vmem>> -> memref<1x32x128xf32, #tpu.memory_space<vmem>>
        %dma_start3A_201 = tpu.memref_squeeze %dma_start3A_200 : memref<1x32x128xf32, #tpu.memory_space<vmem>> -> memref<32x128xf32, #tpu.memory_space<vmem>>
        tpu.enqueue_dma source(%dma_start3A_201 : memref<32x128xf32, #tpu.memory_space<vmem>>) target(%dma_start3A_197 : memref<32x128xf32, #tpu.memory_space<hbm>>) target_semaphore(%dma_start3A_195 : memref<!tpu.dma_semaphore, #tpu.memory_space<semaphore_mem>>)
        %add3A_202 = arith.constant 128 : i32
        %add3A_203 = arith.addi %add3A_117, %add3A_202 : i32
        %lt3A_204 = arith.constant 7812 : i32
        %lt3A_205 = arith.cmpi slt, %add3A_203, %lt3A_204 : i32
        %convert_element_type3A_206 = arith.extui %lt3A_205 : i1 to i32
        %cond3A_207 = arith.constant 0 : i32
        %cond3A_208 = arith.cmpi ne, %convert_element_type3A_206, %cond3A_207 : i32
        scf.if %cond3A_208 {
          %add3A_209 = arith.constant 128 : i32
          %add3A_210 = arith.addi %add3A_117, %add3A_209 : i32
          %mul3A_211 = arith.constant 128 : i32
          %mul3A_212 = arith.muli %add3A_210, %mul3A_211 : i32
          %dma_start3A_213 = arith.constant 0 : i32
          %dma_start3A_214 = arith.constant 0 : i32
          %dma_start3A_215 = arith.constant 0 : i32
          %dma_start3A_216 = arith.constant 0 : i32
          %dma_start3A_217 = tpu.memref_slice %arg4[%dma_start3A_213, %dma_start3A_215, %dma_start3A_216] : memref<4x32x128xf32, #tpu.memory_space<vmem>> -> memref<1x32x128xf32, #tpu.memory_space<vmem>>
          %dma_start3A_218 = tpu.memref_squeeze %dma_start3A_217 : memref<1x32x128xf32, #tpu.memory_space<vmem>> -> memref<32x128xf32, #tpu.memory_space<vmem>>
          %dma_start3A_219 = arith.constant 0 : i32
          %dma_start3A_220 = tpu.memref_slice %arg2[%dma_start3A_219, %mul3A_212] : memref<32x1000000xf32, #tpu.memory_space<hbm>> -> memref<32x128xf32, #tpu.memory_space<hbm>>
          %dma_start3A_221 = tpu.memref_slice %arg8[%dma_start3A_214] : memref<4x!tpu.dma_semaphore, #tpu.memory_space<semaphore_mem>> -> memref<1x!tpu.dma_semaphore, #tpu.memory_space<semaphore_mem>>
          %dma_start3A_222 = tpu.memref_squeeze %dma_start3A_221 : memref<1x!tpu.dma_semaphore, #tpu.memory_space<semaphore_mem>> -> memref<!tpu.dma_semaphore, #tpu.memory_space<semaphore_mem>>
          %dma_start3A_223 = arith.constant 0 : i32
          %dma_start3A_224 = arith.constant 0 : i32
          %dma_start3A_225 = tpu.memref_slice %arg4[%dma_start3A_213, %dma_start3A_223, %dma_start3A_224] : memref<4x32x128xf32, #tpu.memory_space<vmem>> -> memref<1x32x128xf32, #tpu.memory_space<vmem>>
          %dma_start3A_226 = tpu.memref_squeeze %dma_start3A_225 : memref<1x32x128xf32, #tpu.memory_space<vmem>> -> memref<32x128xf32, #tpu.memory_space<vmem>>
          %dma_start3A_227 = arith.constant 0 : i32
          %dma_start3A_228 = tpu.memref_slice %arg2[%dma_start3A_227, %mul3A_212] : memref<32x1000000xf32, #tpu.memory_space<hbm>> -> memref<32x128xf32, #tpu.memory_space<hbm>>
          tpu.enqueue_dma source(%dma_start3A_228 : memref<32x128xf32, #tpu.memory_space<hbm>>) target(%dma_start3A_226 : memref<32x128xf32, #tpu.memory_space<vmem>>) target_semaphore(%dma_start3A_222 : memref<!tpu.dma_semaphore, #tpu.memory_space<semaphore_mem>>)
        } else {
        }
      } else {
      }
      %mul3A_123 = arith.constant 4 : i32
      %mul3A_124 = arith.muli %add3A_110, %mul3A_123 : i32
      %add3A_125 = arith.constant 1 : i32
      %add3A_126 = arith.addi %mul3A_124, %add3A_125 : i32
      %mul3A_127 = arith.constant 32 : i32
      %mul3A_128 = arith.muli %mul3A_127, %add3A_126 : i32
      %add3A_129 = arith.addi %add3A, %mul3A_128 : i32
      %lt3A_130 = arith.constant 7812 : i32
      %lt3A_131 = arith.cmpi slt, %add3A_129, %lt3A_130 : i32
      %convert_element_type3A_132 = arith.extui %lt3A_131 : i1 to i32
      %cond3A_133 = arith.constant 0 : i32
      %cond3A_134 = arith.cmpi ne, %convert_element_type3A_132, %cond3A_133 : i32
      scf.if %cond3A_134 {
        %mul3A_159 = arith.constant 128 : i32
        %mul3A_160 = arith.muli %add3A_129, %mul3A_159 : i32
        %dma_wait3A_161 = arith.constant 1 : i32
        %dma_wait3A_162 = arith.constant 1 : i32
        %dma_wait3A_163 = arith.constant 0 : i32
        %dma_wait3A_164 = arith.constant 0 : i32
        %dma_wait3A_165 = tpu.memref_slice %arg4[%dma_wait3A_161, %dma_wait3A_163, %dma_wait3A_164] : memref<4x32x128xf32, #tpu.memory_space<vmem>> -> memref<1x32x128xf32, #tpu.memory_space<vmem>>
        %dma_wait3A_166 = tpu.memref_squeeze %dma_wait3A_165 : memref<1x32x128xf32, #tpu.memory_space<vmem>> -> memref<32x128xf32, #tpu.memory_space<vmem>>
        %dma_wait3A_167 = arith.constant 0 : i32
        %dma_wait3A_168 = tpu.memref_slice %arg2[%dma_wait3A_167, %mul3A_160] : memref<32x1000000xf32, #tpu.memory_space<hbm>> -> memref<32x128xf32, #tpu.memory_space<hbm>>
        %dma_wait3A_169 = tpu.memref_slice %arg8[%dma_wait3A_162] : memref<4x!tpu.dma_semaphore, #tpu.memory_space<semaphore_mem>> -> memref<1x!tpu.dma_semaphore, #tpu.memory_space<semaphore_mem>>
        %dma_wait3A_170 = tpu.memref_squeeze %dma_wait3A_169 : memref<1x!tpu.dma_semaphore, #tpu.memory_space<semaphore_mem>> -> memref<!tpu.dma_semaphore, #tpu.memory_space<semaphore_mem>>
        %dma_wait3A_171 = arith.constant 0 : i32
        %dma_wait3A_172 = arith.constant 0 : i32
        %dma_wait3A_173 = tpu.memref_slice %arg4[%dma_wait3A_161, %dma_wait3A_171, %dma_wait3A_172] : memref<4x32x128xf32, #tpu.memory_space<vmem>> -> memref<1x32x128xf32, #tpu.memory_space<vmem>>
        %dma_wait3A_174 = tpu.memref_squeeze %dma_wait3A_173 : memref<1x32x128xf32, #tpu.memory_space<vmem>> -> memref<32x128xf32, #tpu.memory_space<vmem>>
        %dma_wait3A_175 = arith.constant 0 : i32
        %dma_wait3A_176 = tpu.memref_slice %arg2[%dma_wait3A_175, %mul3A_160] : memref<32x1000000xf32, #tpu.memory_space<hbm>> -> memref<32x128xf32, #tpu.memory_space<hbm>>
        tpu.wait_dma2 semaphore(%dma_wait3A_170 : memref<!tpu.dma_semaphore, #tpu.memory_space<semaphore_mem>>) src(%dma_wait3A_176 : memref<32x128xf32, #tpu.memory_space<hbm>>) dst(%dma_wait3A_174 : memref<32x128xf32, #tpu.memory_space<vmem>>)
        %ge3A = arith.constant 128 : i32
        %ge3A_177 = arith.cmpi sge, %add3A_129, %ge3A : i32
        %convert_element_type3A_178 = arith.extui %ge3A_177 : i1 to i32
        %cond3A_179 = arith.constant 0 : i32
        %cond3A_180 = arith.cmpi ne, %convert_element_type3A_178, %cond3A_179 : i32
        scf.if %cond3A_180 {
          %sub3A = arith.constant 128 : i32
          %sub3A_209 = arith.subi %add3A_129, %sub3A : i32
          %mul3A_210 = arith.constant 32 : i32
          %mul3A_211 = arith.muli %sub3A_209, %mul3A_210 : i32
          %dma_wait3A_212 = arith.constant 1 : i32
          %dma_wait3A_213 = arith.constant 1 : i32
          %dma_wait3A_214 = arith.constant 0 : i32
          %dma_wait3A_215 = arith.constant 0 : i32
          %dma_wait3A_216 = tpu.memref_slice %arg5[%dma_wait3A_212, %dma_wait3A_214, %dma_wait3A_215] : memref<4x32x128xf32, #tpu.memory_space<vmem>> -> memref<1x32x128xf32, #tpu.memory_space<vmem>>
          %dma_wait3A_217 = tpu.memref_squeeze %dma_wait3A_216 : memref<1x32x128xf32, #tpu.memory_space<vmem>> -> memref<32x128xf32, #tpu.memory_space<vmem>>
          %dma_wait3A_218 = arith.constant 0 : i32
          %dma_wait3A_219 = tpu.memref_slice %arg3[%mul3A_211, %dma_wait3A_218] : memref<250000x128xf32, #tpu.memory_space<hbm>> -> memref<32x128xf32, #tpu.memory_space<hbm>>
          %dma_wait3A_220 = tpu.memref_slice %arg9[%dma_wait3A_213] : memref<4x!tpu.dma_semaphore, #tpu.memory_space<semaphore_mem>> -> memref<1x!tpu.dma_semaphore, #tpu.memory_space<semaphore_mem>>
          %dma_wait3A_221 = tpu.memref_squeeze %dma_wait3A_220 : memref<1x!tpu.dma_semaphore, #tpu.memory_space<semaphore_mem>> -> memref<!tpu.dma_semaphore, #tpu.memory_space<semaphore_mem>>
          %dma_wait3A_222 = arith.constant 0 : i32
          %dma_wait3A_223 = tpu.memref_slice %arg3[%mul3A_211, %dma_wait3A_222] : memref<250000x128xf32, #tpu.memory_space<hbm>> -> memref<32x128xf32, #tpu.memory_space<hbm>>
          %dma_wait3A_224 = arith.constant 0 : i32
          %dma_wait3A_225 = arith.constant 0 : i32
          %dma_wait3A_226 = tpu.memref_slice %arg5[%dma_wait3A_212, %dma_wait3A_224, %dma_wait3A_225] : memref<4x32x128xf32, #tpu.memory_space<vmem>> -> memref<1x32x128xf32, #tpu.memory_space<vmem>>
          %dma_wait3A_227 = tpu.memref_squeeze %dma_wait3A_226 : memref<1x32x128xf32, #tpu.memory_space<vmem>> -> memref<32x128xf32, #tpu.memory_space<vmem>>
          tpu.wait_dma2 semaphore(%dma_wait3A_221 : memref<!tpu.dma_semaphore, #tpu.memory_space<semaphore_mem>>) src(%dma_wait3A_227 : memref<32x128xf32, #tpu.memory_space<vmem>>) dst(%dma_wait3A_223 : memref<32x128xf32, #tpu.memory_space<hbm>>)
        } else {
        }
        %parallel_loop3A = arith.constant 0 : i32
        %parallel_loop3A_181 = arith.constant 16 : i32
        %parallel_loop3A_182 = arith.constant 1 : i32
        %parallel_loop3A_183 = arith.constant 1 : i32
        %parallel_loop3A_184 = arith.constant 1 : i32
        scf.for %parallel_loop3A_209 = %parallel_loop3A to %parallel_loop3A_181 step %parallel_loop3A_182  : i32 {
          %parallel_loop3A_210 = vector.broadcast %parallel_loop3A_209 : i32 to vector<16xi32>
          %parallel_loop3A_211 = arith.addi %iota3A, %parallel_loop3A_210 : vector<16xi32>
          %parallel_loop3A_212 = arith.constant 15 : i32
          %parallel_loop3A_213 = vector.broadcast %parallel_loop3A_212 : i32 to vector<16xi32>
          %parallel_loop3A_214 = arith.andi %parallel_loop3A_211, %parallel_loop3A_213 : vector<16xi32>
          %parallel_loop3A_215 = arith.constant 32 : i32
          %parallel_loop3A_216 = vector.broadcast %parallel_loop3A_215 : i32 to vector<16xi32>
          %parallel_loop3A_217 = arith.muli %iota3A, %parallel_loop3A_216 : vector<16xi32>
          %parallel_loop3A_218 = arith.addi %parallel_loop3A_217, %parallel_loop3A_214 : vector<16xi32>
          %parallel_loop3A_219 = arith.constant 0 : i32
          %parallel_loop3A_220 = vector.broadcast %parallel_loop3A_219 : i32 to vector<16xi32>
          %parallel_loop3A_221 = arith.addi %parallel_loop3A_220, %parallel_loop3A_214 : vector<16xi32>
          %parallel_loop3A_222 = arith.constant 0 : i32
          %parallel_loop3A_223 = vector.broadcast %parallel_loop3A_222 : i32 to vector<16xi32>
          %parallel_loop3A_224 = arith.addi %parallel_loop3A_218, %parallel_loop3A_223 : vector<16xi32>
          %parallel_loop3A_225 = arith.constant 7 : i32
          %parallel_loop3A_226 = vector.broadcast %parallel_loop3A_225 : i32 to vector<16xi32>
          %parallel_loop3A_227 = arith.shrsi %parallel_loop3A_224, %parallel_loop3A_226 : vector<16xi32>
          %parallel_loop3A_228 = arith.constant 0 : i32
          %parallel_loop3A_229 = vector.broadcast %parallel_loop3A_228 : i32 to vector<16xi32>
          %parallel_loop3A_230 = arith.addi %parallel_loop3A_218, %parallel_loop3A_229 : vector<16xi32>
          %parallel_loop3A_231 = arith.constant 127 : i32
          %parallel_loop3A_232 = vector.broadcast %parallel_loop3A_231 : i32 to vector<16xi32>
          %parallel_loop3A_233 = arith.andi %parallel_loop3A_230, %parallel_loop3A_232 : vector<16xi32>
          %parallel_loop3A_234 = arith.constant 0 : i32
          %parallel_loop3A_235 = vector.broadcast %parallel_loop3A_234 : i32 to vector<16xi32>
          %parallel_loop3A_236 = arith.addi %iota3A, %parallel_loop3A_235 : vector<16xi32>
          %parallel_loop3A_237 = arith.constant 0 : i32
          %parallel_loop3A_238 = arith.constant 0 : i32
          %parallel_loop3A_239 = tpu.memref_slice %arg4[%parallel_loop3A_183, %parallel_loop3A_237, %parallel_loop3A_238] : memref<4x32x128xf32, #tpu.memory_space<vmem>> -> memref<1x32x128xf32, #tpu.memory_space<vmem>>
          %parallel_loop3A_240 = tpu.memref_squeeze %parallel_loop3A_239 : memref<1x32x128xf32, #tpu.memory_space<vmem>> -> memref<32x128xf32, #tpu.memory_space<vmem>>
          %parallel_loop3A_241 = tpu.vector_load_idx %parallel_loop3A_240[%parallel_loop3A_221, %parallel_loop3A_236] : memref<32x128xf32, #tpu.memory_space<vmem>>[vector<16xi32>, vector<16xi32>], vector<16xf32>,
          %parallel_loop3A_242 = arith.constant 0 : i32
          %parallel_loop3A_243 = vector.broadcast %parallel_loop3A_242 : i32 to vector<16xi32>
          %parallel_loop3A_244 = arith.addi %parallel_loop3A_227, %parallel_loop3A_243 : vector<16xi32>
          %parallel_loop3A_245 = arith.constant 0 : i32
          %parallel_loop3A_246 = arith.constant 0 : i32
          %parallel_loop3A_247 = tpu.memref_slice %arg5[%parallel_loop3A_184, %parallel_loop3A_245, %parallel_loop3A_246] : memref<4x32x128xf32, #tpu.memory_space<vmem>> -> memref<1x32x128xf32, #tpu.memory_space<vmem>>
          %parallel_loop3A_248 = tpu.memref_squeeze %parallel_loop3A_247 : memref<1x32x128xf32, #tpu.memory_space<vmem>> -> memref<32x128xf32, #tpu.memory_space<vmem>>
          tpu.vector_store_idx %parallel_loop3A_248[%parallel_loop3A_244, %parallel_loop3A_233], %parallel_loop3A_241 : memref<32x128xf32, #tpu.memory_space<vmem>>[vector<16xi32>, vector<16xi32>], vector<16xf32>,
          %parallel_loop3A_249 = arith.constant 16 : i32
          %parallel_loop3A_250 = vector.broadcast %parallel_loop3A_249 : i32 to vector<16xi32>
          %parallel_loop3A_251 = arith.addi %iota3A, %parallel_loop3A_250 : vector<16xi32>
          %parallel_loop3A_252 = arith.constant 0 : i32
          %parallel_loop3A_253 = arith.constant 0 : i32
          %parallel_loop3A_254 = tpu.memref_slice %arg4[%parallel_loop3A_183, %parallel_loop3A_252, %parallel_loop3A_253] : memref<4x32x128xf32, #tpu.memory_space<vmem>> -> memref<1x32x128xf32, #tpu.memory_space<vmem>>
          %parallel_loop3A_255 = tpu.memref_squeeze %parallel_loop3A_254 : memref<1x32x128xf32, #tpu.memory_space<vmem>> -> memref<32x128xf32, #tpu.memory_space<vmem>>
          %parallel_loop3A_256 = tpu.vector_load_idx %parallel_loop3A_255[%parallel_loop3A_221, %parallel_loop3A_251] : memref<32x128xf32, #tpu.memory_space<vmem>>[vector<16xi32>, vector<16xi32>], vector<16xf32>,
          %parallel_loop3A_257 = arith.constant 4 : i32
          %parallel_loop3A_258 = vector.broadcast %parallel_loop3A_257 : i32 to vector<16xi32>
          %parallel_loop3A_259 = arith.addi %parallel_loop3A_227, %parallel_loop3A_258 : vector<16xi32>
          %parallel_loop3A_260 = arith.constant 0 : i32
          %parallel_loop3A_261 = arith.constant 0 : i32
          %parallel_loop3A_262 = tpu.memref_slice %arg5[%parallel_loop3A_184, %parallel_loop3A_260, %parallel_loop3A_261] : memref<4x32x128xf32, #tpu.memory_space<vmem>> -> memref<1x32x128xf32, #tpu.memory_space<vmem>>
          %parallel_loop3A_263 = tpu.memref_squeeze %parallel_loop3A_262 : memref<1x32x128xf32, #tpu.memory_space<vmem>> -> memref<32x128xf32, #tpu.memory_space<vmem>>
          tpu.vector_store_idx %parallel_loop3A_263[%parallel_loop3A_259, %parallel_loop3A_233], %parallel_loop3A_256 : memref<32x128xf32, #tpu.memory_space<vmem>>[vector<16xi32>, vector<16xi32>], vector<16xf32>,
          %parallel_loop3A_264 = arith.constant 32 : i32
          %parallel_loop3A_265 = vector.broadcast %parallel_loop3A_264 : i32 to vector<16xi32>
          %parallel_loop3A_266 = arith.addi %iota3A, %parallel_loop3A_265 : vector<16xi32>
          %parallel_loop3A_267 = arith.constant 0 : i32
          %parallel_loop3A_268 = arith.constant 0 : i32
          %parallel_loop3A_269 = tpu.memref_slice %arg4[%parallel_loop3A_183, %parallel_loop3A_267, %parallel_loop3A_268] : memref<4x32x128xf32, #tpu.memory_space<vmem>> -> memref<1x32x128xf32, #tpu.memory_space<vmem>>
          %parallel_loop3A_270 = tpu.memref_squeeze %parallel_loop3A_269 : memref<1x32x128xf32, #tpu.memory_space<vmem>> -> memref<32x128xf32, #tpu.memory_space<vmem>>
          %parallel_loop3A_271 = tpu.vector_load_idx %parallel_loop3A_270[%parallel_loop3A_221, %parallel_loop3A_266] : memref<32x128xf32, #tpu.memory_space<vmem>>[vector<16xi32>, vector<16xi32>], vector<16xf32>,
          %parallel_loop3A_272 = arith.constant 8 : i32
          %parallel_loop3A_273 = vector.broadcast %parallel_loop3A_272 : i32 to vector<16xi32>
          %parallel_loop3A_274 = arith.addi %parallel_loop3A_227, %parallel_loop3A_273 : vector<16xi32>
          %parallel_loop3A_275 = arith.constant 0 : i32
          %parallel_loop3A_276 = arith.constant 0 : i32
          %parallel_loop3A_277 = tpu.memref_slice %arg5[%parallel_loop3A_184, %parallel_loop3A_275, %parallel_loop3A_276] : memref<4x32x128xf32, #tpu.memory_space<vmem>> -> memref<1x32x128xf32, #tpu.memory_space<vmem>>
          %parallel_loop3A_278 = tpu.memref_squeeze %parallel_loop3A_277 : memref<1x32x128xf32, #tpu.memory_space<vmem>> -> memref<32x128xf32, #tpu.memory_space<vmem>>
          tpu.vector_store_idx %parallel_loop3A_278[%parallel_loop3A_274, %parallel_loop3A_233], %parallel_loop3A_271 : memref<32x128xf32, #tpu.memory_space<vmem>>[vector<16xi32>, vector<16xi32>], vector<16xf32>,
          %parallel_loop3A_279 = arith.constant 48 : i32
          %parallel_loop3A_280 = vector.broadcast %parallel_loop3A_279 : i32 to vector<16xi32>
          %parallel_loop3A_281 = arith.addi %iota3A, %parallel_loop3A_280 : vector<16xi32>
          %parallel_loop3A_282 = arith.constant 0 : i32
          %parallel_loop3A_283 = arith.constant 0 : i32
          %parallel_loop3A_284 = tpu.memref_slice %arg4[%parallel_loop3A_183, %parallel_loop3A_282, %parallel_loop3A_283] : memref<4x32x128xf32, #tpu.memory_space<vmem>> -> memref<1x32x128xf32, #tpu.memory_space<vmem>>
          %parallel_loop3A_285 = tpu.memref_squeeze %parallel_loop3A_284 : memref<1x32x128xf32, #tpu.memory_space<vmem>> -> memref<32x128xf32, #tpu.memory_space<vmem>>
          %parallel_loop3A_286 = tpu.vector_load_idx %parallel_loop3A_285[%parallel_loop3A_221, %parallel_loop3A_281] : memref<32x128xf32, #tpu.memory_space<vmem>>[vector<16xi32>, vector<16xi32>], vector<16xf32>,
          %parallel_loop3A_287 = arith.constant 12 : i32
          %parallel_loop3A_288 = vector.broadcast %parallel_loop3A_287 : i32 to vector<16xi32>
          %parallel_loop3A_289 = arith.addi %parallel_loop3A_227, %parallel_loop3A_288 : vector<16xi32>
          %parallel_loop3A_290 = arith.constant 0 : i32
          %parallel_loop3A_291 = arith.constant 0 : i32
          %parallel_loop3A_292 = tpu.memref_slice %arg5[%parallel_loop3A_184, %parallel_loop3A_290, %parallel_loop3A_291] : memref<4x32x128xf32, #tpu.memory_space<vmem>> -> memref<1x32x128xf32, #tpu.memory_space<vmem>>
          %parallel_loop3A_293 = tpu.memref_squeeze %parallel_loop3A_292 : memref<1x32x128xf32, #tpu.memory_space<vmem>> -> memref<32x128xf32, #tpu.memory_space<vmem>>
          tpu.vector_store_idx %parallel_loop3A_293[%parallel_loop3A_289, %parallel_loop3A_233], %parallel_loop3A_286 : memref<32x128xf32, #tpu.memory_space<vmem>>[vector<16xi32>, vector<16xi32>], vector<16xf32>,
          %parallel_loop3A_294 = arith.constant 64 : i32
          %parallel_loop3A_295 = vector.broadcast %parallel_loop3A_294 : i32 to vector<16xi32>
          %parallel_loop3A_296 = arith.addi %iota3A, %parallel_loop3A_295 : vector<16xi32>
          %parallel_loop3A_297 = arith.constant 0 : i32
          %parallel_loop3A_298 = arith.constant 0 : i32
          %parallel_loop3A_299 = tpu.memref_slice %arg4[%parallel_loop3A_183, %parallel_loop3A_297, %parallel_loop3A_298] : memref<4x32x128xf32, #tpu.memory_space<vmem>> -> memref<1x32x128xf32, #tpu.memory_space<vmem>>
          %parallel_loop3A_300 = tpu.memref_squeeze %parallel_loop3A_299 : memref<1x32x128xf32, #tpu.memory_space<vmem>> -> memref<32x128xf32, #tpu.memory_space<vmem>>
          %parallel_loop3A_301 = tpu.vector_load_idx %parallel_loop3A_300[%parallel_loop3A_221, %parallel_loop3A_296] : memref<32x128xf32, #tpu.memory_space<vmem>>[vector<16xi32>, vector<16xi32>], vector<16xf32>,
          %parallel_loop3A_302 = arith.constant 16 : i32
          %parallel_loop3A_303 = vector.broadcast %parallel_loop3A_302 : i32 to vector<16xi32>
          %parallel_loop3A_304 = arith.addi %parallel_loop3A_227, %parallel_loop3A_303 : vector<16xi32>
          %parallel_loop3A_305 = arith.constant 0 : i32
          %parallel_loop3A_306 = arith.constant 0 : i32
          %parallel_loop3A_307 = tpu.memref_slice %arg5[%parallel_loop3A_184, %parallel_loop3A_305, %parallel_loop3A_306] : memref<4x32x128xf32, #tpu.memory_space<vmem>> -> memref<1x32x128xf32, #tpu.memory_space<vmem>>
          %parallel_loop3A_308 = tpu.memref_squeeze %parallel_loop3A_307 : memref<1x32x128xf32, #tpu.memory_space<vmem>> -> memref<32x128xf32, #tpu.memory_space<vmem>>
          tpu.vector_store_idx %parallel_loop3A_308[%parallel_loop3A_304, %parallel_loop3A_233], %parallel_loop3A_301 : memref<32x128xf32, #tpu.memory_space<vmem>>[vector<16xi32>, vector<16xi32>], vector<16xf32>,
          %parallel_loop3A_309 = arith.constant 80 : i32
          %parallel_loop3A_310 = vector.broadcast %parallel_loop3A_309 : i32 to vector<16xi32>
          %parallel_loop3A_311 = arith.addi %iota3A, %parallel_loop3A_310 : vector<16xi32>
          %parallel_loop3A_312 = arith.constant 0 : i32
          %parallel_loop3A_313 = arith.constant 0 : i32
          %parallel_loop3A_314 = tpu.memref_slice %arg4[%parallel_loop3A_183, %parallel_loop3A_312, %parallel_loop3A_313] : memref<4x32x128xf32, #tpu.memory_space<vmem>> -> memref<1x32x128xf32, #tpu.memory_space<vmem>>
          %parallel_loop3A_315 = tpu.memref_squeeze %parallel_loop3A_314 : memref<1x32x128xf32, #tpu.memory_space<vmem>> -> memref<32x128xf32, #tpu.memory_space<vmem>>
          %parallel_loop3A_316 = tpu.vector_load_idx %parallel_loop3A_315[%parallel_loop3A_221, %parallel_loop3A_311] : memref<32x128xf32, #tpu.memory_space<vmem>>[vector<16xi32>, vector<16xi32>], vector<16xf32>,
          %parallel_loop3A_317 = arith.constant 20 : i32
          %parallel_loop3A_318 = vector.broadcast %parallel_loop3A_317 : i32 to vector<16xi32>
          %parallel_loop3A_319 = arith.addi %parallel_loop3A_227, %parallel_loop3A_318 : vector<16xi32>
          %parallel_loop3A_320 = arith.constant 0 : i32
          %parallel_loop3A_321 = arith.constant 0 : i32
          %parallel_loop3A_322 = tpu.memref_slice %arg5[%parallel_loop3A_184, %parallel_loop3A_320, %parallel_loop3A_321] : memref<4x32x128xf32, #tpu.memory_space<vmem>> -> memref<1x32x128xf32, #tpu.memory_space<vmem>>
          %parallel_loop3A_323 = tpu.memref_squeeze %parallel_loop3A_322 : memref<1x32x128xf32, #tpu.memory_space<vmem>> -> memref<32x128xf32, #tpu.memory_space<vmem>>
          tpu.vector_store_idx %parallel_loop3A_323[%parallel_loop3A_319, %parallel_loop3A_233], %parallel_loop3A_316 : memref<32x128xf32, #tpu.memory_space<vmem>>[vector<16xi32>, vector<16xi32>], vector<16xf32>,
          %parallel_loop3A_324 = arith.constant 96 : i32
          %parallel_loop3A_325 = vector.broadcast %parallel_loop3A_324 : i32 to vector<16xi32>
          %parallel_loop3A_326 = arith.addi %iota3A, %parallel_loop3A_325 : vector<16xi32>
          %parallel_loop3A_327 = arith.constant 0 : i32
          %parallel_loop3A_328 = arith.constant 0 : i32
          %parallel_loop3A_329 = tpu.memref_slice %arg4[%parallel_loop3A_183, %parallel_loop3A_327, %parallel_loop3A_328] : memref<4x32x128xf32, #tpu.memory_space<vmem>> -> memref<1x32x128xf32, #tpu.memory_space<vmem>>
          %parallel_loop3A_330 = tpu.memref_squeeze %parallel_loop3A_329 : memref<1x32x128xf32, #tpu.memory_space<vmem>> -> memref<32x128xf32, #tpu.memory_space<vmem>>
          %parallel_loop3A_331 = tpu.vector_load_idx %parallel_loop3A_330[%parallel_loop3A_221, %parallel_loop3A_326] : memref<32x128xf32, #tpu.memory_space<vmem>>[vector<16xi32>, vector<16xi32>], vector<16xf32>,
          %parallel_loop3A_332 = arith.constant 24 : i32
          %parallel_loop3A_333 = vector.broadcast %parallel_loop3A_332 : i32 to vector<16xi32>
          %parallel_loop3A_334 = arith.addi %parallel_loop3A_227, %parallel_loop3A_333 : vector<16xi32>
          %parallel_loop3A_335 = arith.constant 0 : i32
          %parallel_loop3A_336 = arith.constant 0 : i32
          %parallel_loop3A_337 = tpu.memref_slice %arg5[%parallel_loop3A_184, %parallel_loop3A_335, %parallel_loop3A_336] : memref<4x32x128xf32, #tpu.memory_space<vmem>> -> memref<1x32x128xf32, #tpu.memory_space<vmem>>
          %parallel_loop3A_338 = tpu.memref_squeeze %parallel_loop3A_337 : memref<1x32x128xf32, #tpu.memory_space<vmem>> -> memref<32x128xf32, #tpu.memory_space<vmem>>
          tpu.vector_store_idx %parallel_loop3A_338[%parallel_loop3A_334, %parallel_loop3A_233], %parallel_loop3A_331 : memref<32x128xf32, #tpu.memory_space<vmem>>[vector<16xi32>, vector<16xi32>], vector<16xf32>,
          %parallel_loop3A_339 = arith.constant 112 : i32
          %parallel_loop3A_340 = vector.broadcast %parallel_loop3A_339 : i32 to vector<16xi32>
          %parallel_loop3A_341 = arith.addi %iota3A, %parallel_loop3A_340 : vector<16xi32>
          %parallel_loop3A_342 = arith.constant 0 : i32
          %parallel_loop3A_343 = arith.constant 0 : i32
          %parallel_loop3A_344 = tpu.memref_slice %arg4[%parallel_loop3A_183, %parallel_loop3A_342, %parallel_loop3A_343] : memref<4x32x128xf32, #tpu.memory_space<vmem>> -> memref<1x32x128xf32, #tpu.memory_space<vmem>>
          %parallel_loop3A_345 = tpu.memref_squeeze %parallel_loop3A_344 : memref<1x32x128xf32, #tpu.memory_space<vmem>> -> memref<32x128xf32, #tpu.memory_space<vmem>>
          %parallel_loop3A_346 = tpu.vector_load_idx %parallel_loop3A_345[%parallel_loop3A_221, %parallel_loop3A_341] : memref<32x128xf32, #tpu.memory_space<vmem>>[vector<16xi32>, vector<16xi32>], vector<16xf32>,
          %parallel_loop3A_347 = arith.constant 28 : i32
          %parallel_loop3A_348 = vector.broadcast %parallel_loop3A_347 : i32 to vector<16xi32>
          %parallel_loop3A_349 = arith.addi %parallel_loop3A_227, %parallel_loop3A_348 : vector<16xi32>
          %parallel_loop3A_350 = arith.constant 0 : i32
          %parallel_loop3A_351 = arith.constant 0 : i32
          %parallel_loop3A_352 = tpu.memref_slice %arg5[%parallel_loop3A_184, %parallel_loop3A_350, %parallel_loop3A_351] : memref<4x32x128xf32, #tpu.memory_space<vmem>> -> memref<1x32x128xf32, #tpu.memory_space<vmem>>
          %parallel_loop3A_353 = tpu.memref_squeeze %parallel_loop3A_352 : memref<1x32x128xf32, #tpu.memory_space<vmem>> -> memref<32x128xf32, #tpu.memory_space<vmem>>
          tpu.vector_store_idx %parallel_loop3A_353[%parallel_loop3A_349, %parallel_loop3A_233], %parallel_loop3A_346 : memref<32x128xf32, #tpu.memory_space<vmem>>[vector<16xi32>, vector<16xi32>], vector<16xf32>,
          %parallel_loop3A_354 = arith.constant 16 : i32
          %parallel_loop3A_355 = vector.broadcast %parallel_loop3A_354 : i32 to vector<16xi32>
          %parallel_loop3A_356 = arith.addi %parallel_loop3A_355, %parallel_loop3A_214 : vector<16xi32>
          %parallel_loop3A_357 = arith.constant 16 : i32
          %parallel_loop3A_358 = vector.broadcast %parallel_loop3A_357 : i32 to vector<16xi32>
          %parallel_loop3A_359 = arith.addi %parallel_loop3A_218, %parallel_loop3A_358 : vector<16xi32>
          %parallel_loop3A_360 = arith.constant 7 : i32
          %parallel_loop3A_361 = vector.broadcast %parallel_loop3A_360 : i32 to vector<16xi32>
          %parallel_loop3A_362 = arith.shrsi %parallel_loop3A_359, %parallel_loop3A_361 : vector<16xi32>
          %parallel_loop3A_363 = arith.constant 16 : i32
          %parallel_loop3A_364 = vector.broadcast %parallel_loop3A_363 : i32 to vector<16xi32>
          %parallel_loop3A_365 = arith.addi %parallel_loop3A_218, %parallel_loop3A_364 : vector<16xi32>
          %parallel_loop3A_366 = arith.constant 127 : i32
          %parallel_loop3A_367 = vector.broadcast %parallel_loop3A_366 : i32 to vector<16xi32>
          %parallel_loop3A_368 = arith.andi %parallel_loop3A_365, %parallel_loop3A_367 : vector<16xi32>
          %parallel_loop3A_369 = arith.constant 0 : i32
          %parallel_loop3A_370 = vector.broadcast %parallel_loop3A_369 : i32 to vector<16xi32>
          %parallel_loop3A_371 = arith.addi %iota3A, %parallel_loop3A_370 : vector<16xi32>
          %parallel_loop3A_372 = arith.constant 0 : i32
          %parallel_loop3A_373 = arith.constant 0 : i32
          %parallel_loop3A_374 = tpu.memref_slice %arg4[%parallel_loop3A_183, %parallel_loop3A_372, %parallel_loop3A_373] : memref<4x32x128xf32, #tpu.memory_space<vmem>> -> memref<1x32x128xf32, #tpu.memory_space<vmem>>
          %parallel_loop3A_375 = tpu.memref_squeeze %parallel_loop3A_374 : memref<1x32x128xf32, #tpu.memory_space<vmem>> -> memref<32x128xf32, #tpu.memory_space<vmem>>
          %parallel_loop3A_376 = tpu.vector_load_idx %parallel_loop3A_375[%parallel_loop3A_356, %parallel_loop3A_371] : memref<32x128xf32, #tpu.memory_space<vmem>>[vector<16xi32>, vector<16xi32>], vector<16xf32>,
          %parallel_loop3A_377 = arith.constant 0 : i32
          %parallel_loop3A_378 = vector.broadcast %parallel_loop3A_377 : i32 to vector<16xi32>
          %parallel_loop3A_379 = arith.addi %parallel_loop3A_362, %parallel_loop3A_378 : vector<16xi32>
          %parallel_loop3A_380 = arith.constant 0 : i32
          %parallel_loop3A_381 = arith.constant 0 : i32
          %parallel_loop3A_382 = tpu.memref_slice %arg5[%parallel_loop3A_184, %parallel_loop3A_380, %parallel_loop3A_381] : memref<4x32x128xf32, #tpu.memory_space<vmem>> -> memref<1x32x128xf32, #tpu.memory_space<vmem>>
          %parallel_loop3A_383 = tpu.memref_squeeze %parallel_loop3A_382 : memref<1x32x128xf32, #tpu.memory_space<vmem>> -> memref<32x128xf32, #tpu.memory_space<vmem>>
          tpu.vector_store_idx %parallel_loop3A_383[%parallel_loop3A_379, %parallel_loop3A_368], %parallel_loop3A_376 : memref<32x128xf32, #tpu.memory_space<vmem>>[vector<16xi32>, vector<16xi32>], vector<16xf32>,
          %parallel_loop3A_384 = arith.constant 16 : i32
          %parallel_loop3A_385 = vector.broadcast %parallel_loop3A_384 : i32 to vector<16xi32>
          %parallel_loop3A_386 = arith.addi %iota3A, %parallel_loop3A_385 : vector<16xi32>
          %parallel_loop3A_387 = arith.constant 0 : i32
          %parallel_loop3A_388 = arith.constant 0 : i32
          %parallel_loop3A_389 = tpu.memref_slice %arg4[%parallel_loop3A_183, %parallel_loop3A_387, %parallel_loop3A_388] : memref<4x32x128xf32, #tpu.memory_space<vmem>> -> memref<1x32x128xf32, #tpu.memory_space<vmem>>
          %parallel_loop3A_390 = tpu.memref_squeeze %parallel_loop3A_389 : memref<1x32x128xf32, #tpu.memory_space<vmem>> -> memref<32x128xf32, #tpu.memory_space<vmem>>
          %parallel_loop3A_391 = tpu.vector_load_idx %parallel_loop3A_390[%parallel_loop3A_356, %parallel_loop3A_386] : memref<32x128xf32, #tpu.memory_space<vmem>>[vector<16xi32>, vector<16xi32>], vector<16xf32>,
          %parallel_loop3A_392 = arith.constant 4 : i32
          %parallel_loop3A_393 = vector.broadcast %parallel_loop3A_392 : i32 to vector<16xi32>
          %parallel_loop3A_394 = arith.addi %parallel_loop3A_362, %parallel_loop3A_393 : vector<16xi32>
          %parallel_loop3A_395 = arith.constant 0 : i32
          %parallel_loop3A_396 = arith.constant 0 : i32
          %parallel_loop3A_397 = tpu.memref_slice %arg5[%parallel_loop3A_184, %parallel_loop3A_395, %parallel_loop3A_396] : memref<4x32x128xf32, #tpu.memory_space<vmem>> -> memref<1x32x128xf32, #tpu.memory_space<vmem>>
          %parallel_loop3A_398 = tpu.memref_squeeze %parallel_loop3A_397 : memref<1x32x128xf32, #tpu.memory_space<vmem>> -> memref<32x128xf32, #tpu.memory_space<vmem>>
          tpu.vector_store_idx %parallel_loop3A_398[%parallel_loop3A_394, %parallel_loop3A_368], %parallel_loop3A_391 : memref<32x128xf32, #tpu.memory_space<vmem>>[vector<16xi32>, vector<16xi32>], vector<16xf32>,
          %parallel_loop3A_399 = arith.constant 32 : i32
          %parallel_loop3A_400 = vector.broadcast %parallel_loop3A_399 : i32 to vector<16xi32>
          %parallel_loop3A_401 = arith.addi %iota3A, %parallel_loop3A_400 : vector<16xi32>
          %parallel_loop3A_402 = arith.constant 0 : i32
          %parallel_loop3A_403 = arith.constant 0 : i32
          %parallel_loop3A_404 = tpu.memref_slice %arg4[%parallel_loop3A_183, %parallel_loop3A_402, %parallel_loop3A_403] : memref<4x32x128xf32, #tpu.memory_space<vmem>> -> memref<1x32x128xf32, #tpu.memory_space<vmem>>
          %parallel_loop3A_405 = tpu.memref_squeeze %parallel_loop3A_404 : memref<1x32x128xf32, #tpu.memory_space<vmem>> -> memref<32x128xf32, #tpu.memory_space<vmem>>
          %parallel_loop3A_406 = tpu.vector_load_idx %parallel_loop3A_405[%parallel_loop3A_356, %parallel_loop3A_401] : memref<32x128xf32, #tpu.memory_space<vmem>>[vector<16xi32>, vector<16xi32>], vector<16xf32>,
          %parallel_loop3A_407 = arith.constant 8 : i32
          %parallel_loop3A_408 = vector.broadcast %parallel_loop3A_407 : i32 to vector<16xi32>
          %parallel_loop3A_409 = arith.addi %parallel_loop3A_362, %parallel_loop3A_408 : vector<16xi32>
          %parallel_loop3A_410 = arith.constant 0 : i32
          %parallel_loop3A_411 = arith.constant 0 : i32
          %parallel_loop3A_412 = tpu.memref_slice %arg5[%parallel_loop3A_184, %parallel_loop3A_410, %parallel_loop3A_411] : memref<4x32x128xf32, #tpu.memory_space<vmem>> -> memref<1x32x128xf32, #tpu.memory_space<vmem>>
          %parallel_loop3A_413 = tpu.memref_squeeze %parallel_loop3A_412 : memref<1x32x128xf32, #tpu.memory_space<vmem>> -> memref<32x128xf32, #tpu.memory_space<vmem>>
          tpu.vector_store_idx %parallel_loop3A_413[%parallel_loop3A_409, %parallel_loop3A_368], %parallel_loop3A_406 : memref<32x128xf32, #tpu.memory_space<vmem>>[vector<16xi32>, vector<16xi32>], vector<16xf32>,
          %parallel_loop3A_414 = arith.constant 48 : i32
          %parallel_loop3A_415 = vector.broadcast %parallel_loop3A_414 : i32 to vector<16xi32>
          %parallel_loop3A_416 = arith.addi %iota3A, %parallel_loop3A_415 : vector<16xi32>
          %parallel_loop3A_417 = arith.constant 0 : i32
          %parallel_loop3A_418 = arith.constant 0 : i32
          %parallel_loop3A_419 = tpu.memref_slice %arg4[%parallel_loop3A_183, %parallel_loop3A_417, %parallel_loop3A_418] : memref<4x32x128xf32, #tpu.memory_space<vmem>> -> memref<1x32x128xf32, #tpu.memory_space<vmem>>
          %parallel_loop3A_420 = tpu.memref_squeeze %parallel_loop3A_419 : memref<1x32x128xf32, #tpu.memory_space<vmem>> -> memref<32x128xf32, #tpu.memory_space<vmem>>
          %parallel_loop3A_421 = tpu.vector_load_idx %parallel_loop3A_420[%parallel_loop3A_356, %parallel_loop3A_416] : memref<32x128xf32, #tpu.memory_space<vmem>>[vector<16xi32>, vector<16xi32>], vector<16xf32>,
          %parallel_loop3A_422 = arith.constant 12 : i32
          %parallel_loop3A_423 = vector.broadcast %parallel_loop3A_422 : i32 to vector<16xi32>
          %parallel_loop3A_424 = arith.addi %parallel_loop3A_362, %parallel_loop3A_423 : vector<16xi32>
          %parallel_loop3A_425 = arith.constant 0 : i32
          %parallel_loop3A_426 = arith.constant 0 : i32
          %parallel_loop3A_427 = tpu.memref_slice %arg5[%parallel_loop3A_184, %parallel_loop3A_425, %parallel_loop3A_426] : memref<4x32x128xf32, #tpu.memory_space<vmem>> -> memref<1x32x128xf32, #tpu.memory_space<vmem>>
          %parallel_loop3A_428 = tpu.memref_squeeze %parallel_loop3A_427 : memref<1x32x128xf32, #tpu.memory_space<vmem>> -> memref<32x128xf32, #tpu.memory_space<vmem>>
          tpu.vector_store_idx %parallel_loop3A_428[%parallel_loop3A_424, %parallel_loop3A_368], %parallel_loop3A_421 : memref<32x128xf32, #tpu.memory_space<vmem>>[vector<16xi32>, vector<16xi32>], vector<16xf32>,
          %parallel_loop3A_429 = arith.constant 64 : i32
          %parallel_loop3A_430 = vector.broadcast %parallel_loop3A_429 : i32 to vector<16xi32>
          %parallel_loop3A_431 = arith.addi %iota3A, %parallel_loop3A_430 : vector<16xi32>
          %parallel_loop3A_432 = arith.constant 0 : i32
          %parallel_loop3A_433 = arith.constant 0 : i32
          %parallel_loop3A_434 = tpu.memref_slice %arg4[%parallel_loop3A_183, %parallel_loop3A_432, %parallel_loop3A_433] : memref<4x32x128xf32, #tpu.memory_space<vmem>> -> memref<1x32x128xf32, #tpu.memory_space<vmem>>
          %parallel_loop3A_435 = tpu.memref_squeeze %parallel_loop3A_434 : memref<1x32x128xf32, #tpu.memory_space<vmem>> -> memref<32x128xf32, #tpu.memory_space<vmem>>
          %parallel_loop3A_436 = tpu.vector_load_idx %parallel_loop3A_435[%parallel_loop3A_356, %parallel_loop3A_431] : memref<32x128xf32, #tpu.memory_space<vmem>>[vector<16xi32>, vector<16xi32>], vector<16xf32>,
          %parallel_loop3A_437 = arith.constant 16 : i32
          %parallel_loop3A_438 = vector.broadcast %parallel_loop3A_437 : i32 to vector<16xi32>
          %parallel_loop3A_439 = arith.addi %parallel_loop3A_362, %parallel_loop3A_438 : vector<16xi32>
          %parallel_loop3A_440 = arith.constant 0 : i32
          %parallel_loop3A_441 = arith.constant 0 : i32
          %parallel_loop3A_442 = tpu.memref_slice %arg5[%parallel_loop3A_184, %parallel_loop3A_440, %parallel_loop3A_441] : memref<4x32x128xf32, #tpu.memory_space<vmem>> -> memref<1x32x128xf32, #tpu.memory_space<vmem>>
          %parallel_loop3A_443 = tpu.memref_squeeze %parallel_loop3A_442 : memref<1x32x128xf32, #tpu.memory_space<vmem>> -> memref<32x128xf32, #tpu.memory_space<vmem>>
          tpu.vector_store_idx %parallel_loop3A_443[%parallel_loop3A_439, %parallel_loop3A_368], %parallel_loop3A_436 : memref<32x128xf32, #tpu.memory_space<vmem>>[vector<16xi32>, vector<16xi32>], vector<16xf32>,
          %parallel_loop3A_444 = arith.constant 80 : i32
          %parallel_loop3A_445 = vector.broadcast %parallel_loop3A_444 : i32 to vector<16xi32>
          %parallel_loop3A_446 = arith.addi %iota3A, %parallel_loop3A_445 : vector<16xi32>
          %parallel_loop3A_447 = arith.constant 0 : i32
          %parallel_loop3A_448 = arith.constant 0 : i32
          %parallel_loop3A_449 = tpu.memref_slice %arg4[%parallel_loop3A_183, %parallel_loop3A_447, %parallel_loop3A_448] : memref<4x32x128xf32, #tpu.memory_space<vmem>> -> memref<1x32x128xf32, #tpu.memory_space<vmem>>
          %parallel_loop3A_450 = tpu.memref_squeeze %parallel_loop3A_449 : memref<1x32x128xf32, #tpu.memory_space<vmem>> -> memref<32x128xf32, #tpu.memory_space<vmem>>
          %parallel_loop3A_451 = tpu.vector_load_idx %parallel_loop3A_450[%parallel_loop3A_356, %parallel_loop3A_446] : memref<32x128xf32, #tpu.memory_space<vmem>>[vector<16xi32>, vector<16xi32>], vector<16xf32>,
          %parallel_loop3A_452 = arith.constant 20 : i32
          %parallel_loop3A_453 = vector.broadcast %parallel_loop3A_452 : i32 to vector<16xi32>
          %parallel_loop3A_454 = arith.addi %parallel_loop3A_362, %parallel_loop3A_453 : vector<16xi32>
          %parallel_loop3A_455 = arith.constant 0 : i32
          %parallel_loop3A_456 = arith.constant 0 : i32
          %parallel_loop3A_457 = tpu.memref_slice %arg5[%parallel_loop3A_184, %parallel_loop3A_455, %parallel_loop3A_456] : memref<4x32x128xf32, #tpu.memory_space<vmem>> -> memref<1x32x128xf32, #tpu.memory_space<vmem>>
          %parallel_loop3A_458 = tpu.memref_squeeze %parallel_loop3A_457 : memref<1x32x128xf32, #tpu.memory_space<vmem>> -> memref<32x128xf32, #tpu.memory_space<vmem>>
          tpu.vector_store_idx %parallel_loop3A_458[%parallel_loop3A_454, %parallel_loop3A_368], %parallel_loop3A_451 : memref<32x128xf32, #tpu.memory_space<vmem>>[vector<16xi32>, vector<16xi32>], vector<16xf32>,
          %parallel_loop3A_459 = arith.constant 96 : i32
          %parallel_loop3A_460 = vector.broadcast %parallel_loop3A_459 : i32 to vector<16xi32>
          %parallel_loop3A_461 = arith.addi %iota3A, %parallel_loop3A_460 : vector<16xi32>
          %parallel_loop3A_462 = arith.constant 0 : i32
          %parallel_loop3A_463 = arith.constant 0 : i32
          %parallel_loop3A_464 = tpu.memref_slice %arg4[%parallel_loop3A_183, %parallel_loop3A_462, %parallel_loop3A_463] : memref<4x32x128xf32, #tpu.memory_space<vmem>> -> memref<1x32x128xf32, #tpu.memory_space<vmem>>
          %parallel_loop3A_465 = tpu.memref_squeeze %parallel_loop3A_464 : memref<1x32x128xf32, #tpu.memory_space<vmem>> -> memref<32x128xf32, #tpu.memory_space<vmem>>
          %parallel_loop3A_466 = tpu.vector_load_idx %parallel_loop3A_465[%parallel_loop3A_356, %parallel_loop3A_461] : memref<32x128xf32, #tpu.memory_space<vmem>>[vector<16xi32>, vector<16xi32>], vector<16xf32>,
          %parallel_loop3A_467 = arith.constant 24 : i32
          %parallel_loop3A_468 = vector.broadcast %parallel_loop3A_467 : i32 to vector<16xi32>
          %parallel_loop3A_469 = arith.addi %parallel_loop3A_362, %parallel_loop3A_468 : vector<16xi32>
          %parallel_loop3A_470 = arith.constant 0 : i32
          %parallel_loop3A_471 = arith.constant 0 : i32
          %parallel_loop3A_472 = tpu.memref_slice %arg5[%parallel_loop3A_184, %parallel_loop3A_470, %parallel_loop3A_471] : memref<4x32x128xf32, #tpu.memory_space<vmem>> -> memref<1x32x128xf32, #tpu.memory_space<vmem>>
          %parallel_loop3A_473 = tpu.memref_squeeze %parallel_loop3A_472 : memref<1x32x128xf32, #tpu.memory_space<vmem>> -> memref<32x128xf32, #tpu.memory_space<vmem>>
          tpu.vector_store_idx %parallel_loop3A_473[%parallel_loop3A_469, %parallel_loop3A_368], %parallel_loop3A_466 : memref<32x128xf32, #tpu.memory_space<vmem>>[vector<16xi32>, vector<16xi32>], vector<16xf32>,
          %parallel_loop3A_474 = arith.constant 112 : i32
          %parallel_loop3A_475 = vector.broadcast %parallel_loop3A_474 : i32 to vector<16xi32>
          %parallel_loop3A_476 = arith.addi %iota3A, %parallel_loop3A_475 : vector<16xi32>
          %parallel_loop3A_477 = arith.constant 0 : i32
          %parallel_loop3A_478 = arith.constant 0 : i32
          %parallel_loop3A_479 = tpu.memref_slice %arg4[%parallel_loop3A_183, %parallel_loop3A_477, %parallel_loop3A_478] : memref<4x32x128xf32, #tpu.memory_space<vmem>> -> memref<1x32x128xf32, #tpu.memory_space<vmem>>
          %parallel_loop3A_480 = tpu.memref_squeeze %parallel_loop3A_479 : memref<1x32x128xf32, #tpu.memory_space<vmem>> -> memref<32x128xf32, #tpu.memory_space<vmem>>
          %parallel_loop3A_481 = tpu.vector_load_idx %parallel_loop3A_480[%parallel_loop3A_356, %parallel_loop3A_476] : memref<32x128xf32, #tpu.memory_space<vmem>>[vector<16xi32>, vector<16xi32>], vector<16xf32>,
          %parallel_loop3A_482 = arith.constant 28 : i32
          %parallel_loop3A_483 = vector.broadcast %parallel_loop3A_482 : i32 to vector<16xi32>
          %parallel_loop3A_484 = arith.addi %parallel_loop3A_362, %parallel_loop3A_483 : vector<16xi32>
          %parallel_loop3A_485 = arith.constant 0 : i32
          %parallel_loop3A_486 = arith.constant 0 : i32
          %parallel_loop3A_487 = tpu.memref_slice %arg5[%parallel_loop3A_184, %parallel_loop3A_485, %parallel_loop3A_486] : memref<4x32x128xf32, #tpu.memory_space<vmem>> -> memref<1x32x128xf32, #tpu.memory_space<vmem>>
          %parallel_loop3A_488 = tpu.memref_squeeze %parallel_loop3A_487 : memref<1x32x128xf32, #tpu.memory_space<vmem>> -> memref<32x128xf32, #tpu.memory_space<vmem>>
          tpu.vector_store_idx %parallel_loop3A_488[%parallel_loop3A_484, %parallel_loop3A_368], %parallel_loop3A_481 : memref<32x128xf32, #tpu.memory_space<vmem>>[vector<16xi32>, vector<16xi32>], vector<16xf32>,
        } {sc.loop_unroll_factor = 4 : i64, sc.parallel_access}
        %mul3A_185 = arith.constant 32 : i32
        %mul3A_186 = arith.muli %add3A_129, %mul3A_185 : i32
        %dma_start3A = arith.constant 1 : i32
        %dma_start3A_187 = arith.constant 1 : i32
        %dma_start3A_188 = arith.constant 0 : i32
        %dma_start3A_189 = arith.constant 0 : i32
        %dma_start3A_190 = tpu.memref_slice %arg5[%dma_start3A, %dma_start3A_188, %dma_start3A_189] : memref<4x32x128xf32, #tpu.memory_space<vmem>> -> memref<1x32x128xf32, #tpu.memory_space<vmem>>
        %dma_start3A_191 = tpu.memref_squeeze %dma_start3A_190 : memref<1x32x128xf32, #tpu.memory_space<vmem>> -> memref<32x128xf32, #tpu.memory_space<vmem>>
        %dma_start3A_192 = arith.constant 0 : i32
        %dma_start3A_193 = tpu.memref_slice %arg3[%mul3A_186, %dma_start3A_192] : memref<250000x128xf32, #tpu.memory_space<hbm>> -> memref<32x128xf32, #tpu.memory_space<hbm>>
        %dma_start3A_194 = tpu.memref_slice %arg9[%dma_start3A_187] : memref<4x!tpu.dma_semaphore, #tpu.memory_space<semaphore_mem>> -> memref<1x!tpu.dma_semaphore, #tpu.memory_space<semaphore_mem>>
        %dma_start3A_195 = tpu.memref_squeeze %dma_start3A_194 : memref<1x!tpu.dma_semaphore, #tpu.memory_space<semaphore_mem>> -> memref<!tpu.dma_semaphore, #tpu.memory_space<semaphore_mem>>
        %dma_start3A_196 = arith.constant 0 : i32
        %dma_start3A_197 = tpu.memref_slice %arg3[%mul3A_186, %dma_start3A_196] : memref<250000x128xf32, #tpu.memory_space<hbm>> -> memref<32x128xf32, #tpu.memory_space<hbm>>
        %dma_start3A_198 = arith.constant 0 : i32
        %dma_start3A_199 = arith.constant 0 : i32
        %dma_start3A_200 = tpu.memref_slice %arg5[%dma_start3A, %dma_start3A_198, %dma_start3A_199] : memref<4x32x128xf32, #tpu.memory_space<vmem>> -> memref<1x32x128xf32, #tpu.memory_space<vmem>>
        %dma_start3A_201 = tpu.memref_squeeze %dma_start3A_200 : memref<1x32x128xf32, #tpu.memory_space<vmem>> -> memref<32x128xf32, #tpu.memory_space<vmem>>
        tpu.enqueue_dma source(%dma_start3A_201 : memref<32x128xf32, #tpu.memory_space<vmem>>) target(%dma_start3A_197 : memref<32x128xf32, #tpu.memory_space<hbm>>) target_semaphore(%dma_start3A_195 : memref<!tpu.dma_semaphore, #tpu.memory_space<semaphore_mem>>)
        %add3A_202 = arith.constant 128 : i32
        %add3A_203 = arith.addi %add3A_129, %add3A_202 : i32
        %lt3A_204 = arith.constant 7812 : i32
        %lt3A_205 = arith.cmpi slt, %add3A_203, %lt3A_204 : i32
        %convert_element_type3A_206 = arith.extui %lt3A_205 : i1 to i32
        %cond3A_207 = arith.constant 0 : i32
        %cond3A_208 = arith.cmpi ne, %convert_element_type3A_206, %cond3A_207 : i32
        scf.if %cond3A_208 {
          %add3A_209 = arith.constant 128 : i32
          %add3A_210 = arith.addi %add3A_129, %add3A_209 : i32
          %mul3A_211 = arith.constant 128 : i32
          %mul3A_212 = arith.muli %add3A_210, %mul3A_211 : i32
          %dma_start3A_213 = arith.constant 1 : i32
          %dma_start3A_214 = arith.constant 1 : i32
          %dma_start3A_215 = arith.constant 0 : i32
          %dma_start3A_216 = arith.constant 0 : i32
          %dma_start3A_217 = tpu.memref_slice %arg4[%dma_start3A_213, %dma_start3A_215, %dma_start3A_216] : memref<4x32x128xf32, #tpu.memory_space<vmem>> -> memref<1x32x128xf32, #tpu.memory_space<vmem>>
          %dma_start3A_218 = tpu.memref_squeeze %dma_start3A_217 : memref<1x32x128xf32, #tpu.memory_space<vmem>> -> memref<32x128xf32, #tpu.memory_space<vmem>>
          %dma_start3A_219 = arith.constant 0 : i32
          %dma_start3A_220 = tpu.memref_slice %arg2[%dma_start3A_219, %mul3A_212] : memref<32x1000000xf32, #tpu.memory_space<hbm>> -> memref<32x128xf32, #tpu.memory_space<hbm>>
          %dma_start3A_221 = tpu.memref_slice %arg8[%dma_start3A_214] : memref<4x!tpu.dma_semaphore, #tpu.memory_space<semaphore_mem>> -> memref<1x!tpu.dma_semaphore, #tpu.memory_space<semaphore_mem>>
          %dma_start3A_222 = tpu.memref_squeeze %dma_start3A_221 : memref<1x!tpu.dma_semaphore, #tpu.memory_space<semaphore_mem>> -> memref<!tpu.dma_semaphore, #tpu.memory_space<semaphore_mem>>
          %dma_start3A_223 = arith.constant 0 : i32
          %dma_start3A_224 = arith.constant 0 : i32
          %dma_start3A_225 = tpu.memref_slice %arg4[%dma_start3A_213, %dma_start3A_223, %dma_start3A_224] : memref<4x32x128xf32, #tpu.memory_space<vmem>> -> memref<1x32x128xf32, #tpu.memory_space<vmem>>
          %dma_start3A_226 = tpu.memref_squeeze %dma_start3A_225 : memref<1x32x128xf32, #tpu.memory_space<vmem>> -> memref<32x128xf32, #tpu.memory_space<vmem>>
          %dma_start3A_227 = arith.constant 0 : i32
          %dma_start3A_228 = tpu.memref_slice %arg2[%dma_start3A_227, %mul3A_212] : memref<32x1000000xf32, #tpu.memory_space<hbm>> -> memref<32x128xf32, #tpu.memory_space<hbm>>
          tpu.enqueue_dma source(%dma_start3A_228 : memref<32x128xf32, #tpu.memory_space<hbm>>) target(%dma_start3A_226 : memref<32x128xf32, #tpu.memory_space<vmem>>) target_semaphore(%dma_start3A_222 : memref<!tpu.dma_semaphore, #tpu.memory_space<semaphore_mem>>)
        } else {
        }
      } else {
      }
      %mul3A_135 = arith.constant 4 : i32
      %mul3A_136 = arith.muli %add3A_110, %mul3A_135 : i32
      %add3A_137 = arith.constant 2 : i32
      %add3A_138 = arith.addi %mul3A_136, %add3A_137 : i32
      %mul3A_139 = arith.constant 32 : i32
      %mul3A_140 = arith.muli %mul3A_139, %add3A_138 : i32
      %add3A_141 = arith.addi %add3A, %mul3A_140 : i32
      %lt3A_142 = arith.constant 7812 : i32
      %lt3A_143 = arith.cmpi slt, %add3A_141, %lt3A_142 : i32
      %convert_element_type3A_144 = arith.extui %lt3A_143 : i1 to i32
      %cond3A_145 = arith.constant 0 : i32
      %cond3A_146 = arith.cmpi ne, %convert_element_type3A_144, %cond3A_145 : i32
      scf.if %cond3A_146 {
        %mul3A_159 = arith.constant 128 : i32
        %mul3A_160 = arith.muli %add3A_141, %mul3A_159 : i32
        %dma_wait3A_161 = arith.constant 2 : i32
        %dma_wait3A_162 = arith.constant 2 : i32
        %dma_wait3A_163 = arith.constant 0 : i32
        %dma_wait3A_164 = arith.constant 0 : i32
        %dma_wait3A_165 = tpu.memref_slice %arg4[%dma_wait3A_161, %dma_wait3A_163, %dma_wait3A_164] : memref<4x32x128xf32, #tpu.memory_space<vmem>> -> memref<1x32x128xf32, #tpu.memory_space<vmem>>
        %dma_wait3A_166 = tpu.memref_squeeze %dma_wait3A_165 : memref<1x32x128xf32, #tpu.memory_space<vmem>> -> memref<32x128xf32, #tpu.memory_space<vmem>>
        %dma_wait3A_167 = arith.constant 0 : i32
        %dma_wait3A_168 = tpu.memref_slice %arg2[%dma_wait3A_167, %mul3A_160] : memref<32x1000000xf32, #tpu.memory_space<hbm>> -> memref<32x128xf32, #tpu.memory_space<hbm>>
        %dma_wait3A_169 = tpu.memref_slice %arg8[%dma_wait3A_162] : memref<4x!tpu.dma_semaphore, #tpu.memory_space<semaphore_mem>> -> memref<1x!tpu.dma_semaphore, #tpu.memory_space<semaphore_mem>>
        %dma_wait3A_170 = tpu.memref_squeeze %dma_wait3A_169 : memref<1x!tpu.dma_semaphore, #tpu.memory_space<semaphore_mem>> -> memref<!tpu.dma_semaphore, #tpu.memory_space<semaphore_mem>>
        %dma_wait3A_171 = arith.constant 0 : i32
        %dma_wait3A_172 = arith.constant 0 : i32
        %dma_wait3A_173 = tpu.memref_slice %arg4[%dma_wait3A_161, %dma_wait3A_171, %dma_wait3A_172] : memref<4x32x128xf32, #tpu.memory_space<vmem>> -> memref<1x32x128xf32, #tpu.memory_space<vmem>>
        %dma_wait3A_174 = tpu.memref_squeeze %dma_wait3A_173 : memref<1x32x128xf32, #tpu.memory_space<vmem>> -> memref<32x128xf32, #tpu.memory_space<vmem>>
        %dma_wait3A_175 = arith.constant 0 : i32
        %dma_wait3A_176 = tpu.memref_slice %arg2[%dma_wait3A_175, %mul3A_160] : memref<32x1000000xf32, #tpu.memory_space<hbm>> -> memref<32x128xf32, #tpu.memory_space<hbm>>
        tpu.wait_dma2 semaphore(%dma_wait3A_170 : memref<!tpu.dma_semaphore, #tpu.memory_space<semaphore_mem>>) src(%dma_wait3A_176 : memref<32x128xf32, #tpu.memory_space<hbm>>) dst(%dma_wait3A_174 : memref<32x128xf32, #tpu.memory_space<vmem>>)
        %ge3A = arith.constant 128 : i32
        %ge3A_177 = arith.cmpi sge, %add3A_141, %ge3A : i32
        %convert_element_type3A_178 = arith.extui %ge3A_177 : i1 to i32
        %cond3A_179 = arith.constant 0 : i32
        %cond3A_180 = arith.cmpi ne, %convert_element_type3A_178, %cond3A_179 : i32
        scf.if %cond3A_180 {
          %sub3A = arith.constant 128 : i32
          %sub3A_209 = arith.subi %add3A_141, %sub3A : i32
          %mul3A_210 = arith.constant 32 : i32
          %mul3A_211 = arith.muli %sub3A_209, %mul3A_210 : i32
          %dma_wait3A_212 = arith.constant 2 : i32
          %dma_wait3A_213 = arith.constant 2 : i32
          %dma_wait3A_214 = arith.constant 0 : i32
          %dma_wait3A_215 = arith.constant 0 : i32
          %dma_wait3A_216 = tpu.memref_slice %arg5[%dma_wait3A_212, %dma_wait3A_214, %dma_wait3A_215] : memref<4x32x128xf32, #tpu.memory_space<vmem>> -> memref<1x32x128xf32, #tpu.memory_space<vmem>>
          %dma_wait3A_217 = tpu.memref_squeeze %dma_wait3A_216 : memref<1x32x128xf32, #tpu.memory_space<vmem>> -> memref<32x128xf32, #tpu.memory_space<vmem>>
          %dma_wait3A_218 = arith.constant 0 : i32
          %dma_wait3A_219 = tpu.memref_slice %arg3[%mul3A_211, %dma_wait3A_218] : memref<250000x128xf32, #tpu.memory_space<hbm>> -> memref<32x128xf32, #tpu.memory_space<hbm>>
          %dma_wait3A_220 = tpu.memref_slice %arg9[%dma_wait3A_213] : memref<4x!tpu.dma_semaphore, #tpu.memory_space<semaphore_mem>> -> memref<1x!tpu.dma_semaphore, #tpu.memory_space<semaphore_mem>>
          %dma_wait3A_221 = tpu.memref_squeeze %dma_wait3A_220 : memref<1x!tpu.dma_semaphore, #tpu.memory_space<semaphore_mem>> -> memref<!tpu.dma_semaphore, #tpu.memory_space<semaphore_mem>>
          %dma_wait3A_222 = arith.constant 0 : i32
          %dma_wait3A_223 = tpu.memref_slice %arg3[%mul3A_211, %dma_wait3A_222] : memref<250000x128xf32, #tpu.memory_space<hbm>> -> memref<32x128xf32, #tpu.memory_space<hbm>>
          %dma_wait3A_224 = arith.constant 0 : i32
          %dma_wait3A_225 = arith.constant 0 : i32
          %dma_wait3A_226 = tpu.memref_slice %arg5[%dma_wait3A_212, %dma_wait3A_224, %dma_wait3A_225] : memref<4x32x128xf32, #tpu.memory_space<vmem>> -> memref<1x32x128xf32, #tpu.memory_space<vmem>>
          %dma_wait3A_227 = tpu.memref_squeeze %dma_wait3A_226 : memref<1x32x128xf32, #tpu.memory_space<vmem>> -> memref<32x128xf32, #tpu.memory_space<vmem>>
          tpu.wait_dma2 semaphore(%dma_wait3A_221 : memref<!tpu.dma_semaphore, #tpu.memory_space<semaphore_mem>>) src(%dma_wait3A_227 : memref<32x128xf32, #tpu.memory_space<vmem>>) dst(%dma_wait3A_223 : memref<32x128xf32, #tpu.memory_space<hbm>>)
        } else {
        }
        %parallel_loop3A = arith.constant 0 : i32
        %parallel_loop3A_181 = arith.constant 16 : i32
        %parallel_loop3A_182 = arith.constant 1 : i32
        %parallel_loop3A_183 = arith.constant 2 : i32
        %parallel_loop3A_184 = arith.constant 2 : i32
        scf.for %parallel_loop3A_209 = %parallel_loop3A to %parallel_loop3A_181 step %parallel_loop3A_182  : i32 {
          %parallel_loop3A_210 = vector.broadcast %parallel_loop3A_209 : i32 to vector<16xi32>
          %parallel_loop3A_211 = arith.addi %iota3A, %parallel_loop3A_210 : vector<16xi32>
          %parallel_loop3A_212 = arith.constant 15 : i32
          %parallel_loop3A_213 = vector.broadcast %parallel_loop3A_212 : i32 to vector<16xi32>
          %parallel_loop3A_214 = arith.andi %parallel_loop3A_211, %parallel_loop3A_213 : vector<16xi32>
          %parallel_loop3A_215 = arith.constant 32 : i32
          %parallel_loop3A_216 = vector.broadcast %parallel_loop3A_215 : i32 to vector<16xi32>
          %parallel_loop3A_217 = arith.muli %iota3A, %parallel_loop3A_216 : vector<16xi32>
          %parallel_loop3A_218 = arith.addi %parallel_loop3A_217, %parallel_loop3A_214 : vector<16xi32>
          %parallel_loop3A_219 = arith.constant 0 : i32
          %parallel_loop3A_220 = vector.broadcast %parallel_loop3A_219 : i32 to vector<16xi32>
          %parallel_loop3A_221 = arith.addi %parallel_loop3A_220, %parallel_loop3A_214 : vector<16xi32>
          %parallel_loop3A_222 = arith.constant 0 : i32
          %parallel_loop3A_223 = vector.broadcast %parallel_loop3A_222 : i32 to vector<16xi32>
          %parallel_loop3A_224 = arith.addi %parallel_loop3A_218, %parallel_loop3A_223 : vector<16xi32>
          %parallel_loop3A_225 = arith.constant 7 : i32
          %parallel_loop3A_226 = vector.broadcast %parallel_loop3A_225 : i32 to vector<16xi32>
          %parallel_loop3A_227 = arith.shrsi %parallel_loop3A_224, %parallel_loop3A_226 : vector<16xi32>
          %parallel_loop3A_228 = arith.constant 0 : i32
          %parallel_loop3A_229 = vector.broadcast %parallel_loop3A_228 : i32 to vector<16xi32>
          %parallel_loop3A_230 = arith.addi %parallel_loop3A_218, %parallel_loop3A_229 : vector<16xi32>
          %parallel_loop3A_231 = arith.constant 127 : i32
          %parallel_loop3A_232 = vector.broadcast %parallel_loop3A_231 : i32 to vector<16xi32>
          %parallel_loop3A_233 = arith.andi %parallel_loop3A_230, %parallel_loop3A_232 : vector<16xi32>
          %parallel_loop3A_234 = arith.constant 0 : i32
          %parallel_loop3A_235 = vector.broadcast %parallel_loop3A_234 : i32 to vector<16xi32>
          %parallel_loop3A_236 = arith.addi %iota3A, %parallel_loop3A_235 : vector<16xi32>
          %parallel_loop3A_237 = arith.constant 0 : i32
          %parallel_loop3A_238 = arith.constant 0 : i32
          %parallel_loop3A_239 = tpu.memref_slice %arg4[%parallel_loop3A_183, %parallel_loop3A_237, %parallel_loop3A_238] : memref<4x32x128xf32, #tpu.memory_space<vmem>> -> memref<1x32x128xf32, #tpu.memory_space<vmem>>
          %parallel_loop3A_240 = tpu.memref_squeeze %parallel_loop3A_239 : memref<1x32x128xf32, #tpu.memory_space<vmem>> -> memref<32x128xf32, #tpu.memory_space<vmem>>
          %parallel_loop3A_241 = tpu.vector_load_idx %parallel_loop3A_240[%parallel_loop3A_221, %parallel_loop3A_236] : memref<32x128xf32, #tpu.memory_space<vmem>>[vector<16xi32>, vector<16xi32>], vector<16xf32>,
          %parallel_loop3A_242 = arith.constant 0 : i32
          %parallel_loop3A_243 = vector.broadcast %parallel_loop3A_242 : i32 to vector<16xi32>
          %parallel_loop3A_244 = arith.addi %parallel_loop3A_227, %parallel_loop3A_243 : vector<16xi32>
          %parallel_loop3A_245 = arith.constant 0 : i32
          %parallel_loop3A_246 = arith.constant 0 : i32
          %parallel_loop3A_247 = tpu.memref_slice %arg5[%parallel_loop3A_184, %parallel_loop3A_245, %parallel_loop3A_246] : memref<4x32x128xf32, #tpu.memory_space<vmem>> -> memref<1x32x128xf32, #tpu.memory_space<vmem>>
          %parallel_loop3A_248 = tpu.memref_squeeze %parallel_loop3A_247 : memref<1x32x128xf32, #tpu.memory_space<vmem>> -> memref<32x128xf32, #tpu.memory_space<vmem>>
          tpu.vector_store_idx %parallel_loop3A_248[%parallel_loop3A_244, %parallel_loop3A_233], %parallel_loop3A_241 : memref<32x128xf32, #tpu.memory_space<vmem>>[vector<16xi32>, vector<16xi32>], vector<16xf32>,
          %parallel_loop3A_249 = arith.constant 16 : i32
          %parallel_loop3A_250 = vector.broadcast %parallel_loop3A_249 : i32 to vector<16xi32>
          %parallel_loop3A_251 = arith.addi %iota3A, %parallel_loop3A_250 : vector<16xi32>
          %parallel_loop3A_252 = arith.constant 0 : i32
          %parallel_loop3A_253 = arith.constant 0 : i32
          %parallel_loop3A_254 = tpu.memref_slice %arg4[%parallel_loop3A_183, %parallel_loop3A_252, %parallel_loop3A_253] : memref<4x32x128xf32, #tpu.memory_space<vmem>> -> memref<1x32x128xf32, #tpu.memory_space<vmem>>
          %parallel_loop3A_255 = tpu.memref_squeeze %parallel_loop3A_254 : memref<1x32x128xf32, #tpu.memory_space<vmem>> -> memref<32x128xf32, #tpu.memory_space<vmem>>
          %parallel_loop3A_256 = tpu.vector_load_idx %parallel_loop3A_255[%parallel_loop3A_221, %parallel_loop3A_251] : memref<32x128xf32, #tpu.memory_space<vmem>>[vector<16xi32>, vector<16xi32>], vector<16xf32>,
          %parallel_loop3A_257 = arith.constant 4 : i32
          %parallel_loop3A_258 = vector.broadcast %parallel_loop3A_257 : i32 to vector<16xi32>
          %parallel_loop3A_259 = arith.addi %parallel_loop3A_227, %parallel_loop3A_258 : vector<16xi32>
          %parallel_loop3A_260 = arith.constant 0 : i32
          %parallel_loop3A_261 = arith.constant 0 : i32
          %parallel_loop3A_262 = tpu.memref_slice %arg5[%parallel_loop3A_184, %parallel_loop3A_260, %parallel_loop3A_261] : memref<4x32x128xf32, #tpu.memory_space<vmem>> -> memref<1x32x128xf32, #tpu.memory_space<vmem>>
          %parallel_loop3A_263 = tpu.memref_squeeze %parallel_loop3A_262 : memref<1x32x128xf32, #tpu.memory_space<vmem>> -> memref<32x128xf32, #tpu.memory_space<vmem>>
          tpu.vector_store_idx %parallel_loop3A_263[%parallel_loop3A_259, %parallel_loop3A_233], %parallel_loop3A_256 : memref<32x128xf32, #tpu.memory_space<vmem>>[vector<16xi32>, vector<16xi32>], vector<16xf32>,
          %parallel_loop3A_264 = arith.constant 32 : i32
          %parallel_loop3A_265 = vector.broadcast %parallel_loop3A_264 : i32 to vector<16xi32>
          %parallel_loop3A_266 = arith.addi %iota3A, %parallel_loop3A_265 : vector<16xi32>
          %parallel_loop3A_267 = arith.constant 0 : i32
          %parallel_loop3A_268 = arith.constant 0 : i32
          %parallel_loop3A_269 = tpu.memref_slice %arg4[%parallel_loop3A_183, %parallel_loop3A_267, %parallel_loop3A_268] : memref<4x32x128xf32, #tpu.memory_space<vmem>> -> memref<1x32x128xf32, #tpu.memory_space<vmem>>
          %parallel_loop3A_270 = tpu.memref_squeeze %parallel_loop3A_269 : memref<1x32x128xf32, #tpu.memory_space<vmem>> -> memref<32x128xf32, #tpu.memory_space<vmem>>
          %parallel_loop3A_271 = tpu.vector_load_idx %parallel_loop3A_270[%parallel_loop3A_221, %parallel_loop3A_266] : memref<32x128xf32, #tpu.memory_space<vmem>>[vector<16xi32>, vector<16xi32>], vector<16xf32>,
          %parallel_loop3A_272 = arith.constant 8 : i32
          %parallel_loop3A_273 = vector.broadcast %parallel_loop3A_272 : i32 to vector<16xi32>
          %parallel_loop3A_274 = arith.addi %parallel_loop3A_227, %parallel_loop3A_273 : vector<16xi32>
          %parallel_loop3A_275 = arith.constant 0 : i32
          %parallel_loop3A_276 = arith.constant 0 : i32
          %parallel_loop3A_277 = tpu.memref_slice %arg5[%parallel_loop3A_184, %parallel_loop3A_275, %parallel_loop3A_276] : memref<4x32x128xf32, #tpu.memory_space<vmem>> -> memref<1x32x128xf32, #tpu.memory_space<vmem>>
          %parallel_loop3A_278 = tpu.memref_squeeze %parallel_loop3A_277 : memref<1x32x128xf32, #tpu.memory_space<vmem>> -> memref<32x128xf32, #tpu.memory_space<vmem>>
          tpu.vector_store_idx %parallel_loop3A_278[%parallel_loop3A_274, %parallel_loop3A_233], %parallel_loop3A_271 : memref<32x128xf32, #tpu.memory_space<vmem>>[vector<16xi32>, vector<16xi32>], vector<16xf32>,
          %parallel_loop3A_279 = arith.constant 48 : i32
          %parallel_loop3A_280 = vector.broadcast %parallel_loop3A_279 : i32 to vector<16xi32>
          %parallel_loop3A_281 = arith.addi %iota3A, %parallel_loop3A_280 : vector<16xi32>
          %parallel_loop3A_282 = arith.constant 0 : i32
          %parallel_loop3A_283 = arith.constant 0 : i32
          %parallel_loop3A_284 = tpu.memref_slice %arg4[%parallel_loop3A_183, %parallel_loop3A_282, %parallel_loop3A_283] : memref<4x32x128xf32, #tpu.memory_space<vmem>> -> memref<1x32x128xf32, #tpu.memory_space<vmem>>
          %parallel_loop3A_285 = tpu.memref_squeeze %parallel_loop3A_284 : memref<1x32x128xf32, #tpu.memory_space<vmem>> -> memref<32x128xf32, #tpu.memory_space<vmem>>
          %parallel_loop3A_286 = tpu.vector_load_idx %parallel_loop3A_285[%parallel_loop3A_221, %parallel_loop3A_281] : memref<32x128xf32, #tpu.memory_space<vmem>>[vector<16xi32>, vector<16xi32>], vector<16xf32>,
          %parallel_loop3A_287 = arith.constant 12 : i32
          %parallel_loop3A_288 = vector.broadcast %parallel_loop3A_287 : i32 to vector<16xi32>
          %parallel_loop3A_289 = arith.addi %parallel_loop3A_227, %parallel_loop3A_288 : vector<16xi32>
          %parallel_loop3A_290 = arith.constant 0 : i32
          %parallel_loop3A_291 = arith.constant 0 : i32
          %parallel_loop3A_292 = tpu.memref_slice %arg5[%parallel_loop3A_184, %parallel_loop3A_290, %parallel_loop3A_291] : memref<4x32x128xf32, #tpu.memory_space<vmem>> -> memref<1x32x128xf32, #tpu.memory_space<vmem>>
          %parallel_loop3A_293 = tpu.memref_squeeze %parallel_loop3A_292 : memref<1x32x128xf32, #tpu.memory_space<vmem>> -> memref<32x128xf32, #tpu.memory_space<vmem>>
          tpu.vector_store_idx %parallel_loop3A_293[%parallel_loop3A_289, %parallel_loop3A_233], %parallel_loop3A_286 : memref<32x128xf32, #tpu.memory_space<vmem>>[vector<16xi32>, vector<16xi32>], vector<16xf32>,
          %parallel_loop3A_294 = arith.constant 64 : i32
          %parallel_loop3A_295 = vector.broadcast %parallel_loop3A_294 : i32 to vector<16xi32>
          %parallel_loop3A_296 = arith.addi %iota3A, %parallel_loop3A_295 : vector<16xi32>
          %parallel_loop3A_297 = arith.constant 0 : i32
          %parallel_loop3A_298 = arith.constant 0 : i32
          %parallel_loop3A_299 = tpu.memref_slice %arg4[%parallel_loop3A_183, %parallel_loop3A_297, %parallel_loop3A_298] : memref<4x32x128xf32, #tpu.memory_space<vmem>> -> memref<1x32x128xf32, #tpu.memory_space<vmem>>
          %parallel_loop3A_300 = tpu.memref_squeeze %parallel_loop3A_299 : memref<1x32x128xf32, #tpu.memory_space<vmem>> -> memref<32x128xf32, #tpu.memory_space<vmem>>
          %parallel_loop3A_301 = tpu.vector_load_idx %parallel_loop3A_300[%parallel_loop3A_221, %parallel_loop3A_296] : memref<32x128xf32, #tpu.memory_space<vmem>>[vector<16xi32>, vector<16xi32>], vector<16xf32>,
          %parallel_loop3A_302 = arith.constant 16 : i32
          %parallel_loop3A_303 = vector.broadcast %parallel_loop3A_302 : i32 to vector<16xi32>
          %parallel_loop3A_304 = arith.addi %parallel_loop3A_227, %parallel_loop3A_303 : vector<16xi32>
          %parallel_loop3A_305 = arith.constant 0 : i32
          %parallel_loop3A_306 = arith.constant 0 : i32
          %parallel_loop3A_307 = tpu.memref_slice %arg5[%parallel_loop3A_184, %parallel_loop3A_305, %parallel_loop3A_306] : memref<4x32x128xf32, #tpu.memory_space<vmem>> -> memref<1x32x128xf32, #tpu.memory_space<vmem>>
          %parallel_loop3A_308 = tpu.memref_squeeze %parallel_loop3A_307 : memref<1x32x128xf32, #tpu.memory_space<vmem>> -> memref<32x128xf32, #tpu.memory_space<vmem>>
          tpu.vector_store_idx %parallel_loop3A_308[%parallel_loop3A_304, %parallel_loop3A_233], %parallel_loop3A_301 : memref<32x128xf32, #tpu.memory_space<vmem>>[vector<16xi32>, vector<16xi32>], vector<16xf32>,
          %parallel_loop3A_309 = arith.constant 80 : i32
          %parallel_loop3A_310 = vector.broadcast %parallel_loop3A_309 : i32 to vector<16xi32>
          %parallel_loop3A_311 = arith.addi %iota3A, %parallel_loop3A_310 : vector<16xi32>
          %parallel_loop3A_312 = arith.constant 0 : i32
          %parallel_loop3A_313 = arith.constant 0 : i32
          %parallel_loop3A_314 = tpu.memref_slice %arg4[%parallel_loop3A_183, %parallel_loop3A_312, %parallel_loop3A_313] : memref<4x32x128xf32, #tpu.memory_space<vmem>> -> memref<1x32x128xf32, #tpu.memory_space<vmem>>
          %parallel_loop3A_315 = tpu.memref_squeeze %parallel_loop3A_314 : memref<1x32x128xf32, #tpu.memory_space<vmem>> -> memref<32x128xf32, #tpu.memory_space<vmem>>
          %parallel_loop3A_316 = tpu.vector_load_idx %parallel_loop3A_315[%parallel_loop3A_221, %parallel_loop3A_311] : memref<32x128xf32, #tpu.memory_space<vmem>>[vector<16xi32>, vector<16xi32>], vector<16xf32>,
          %parallel_loop3A_317 = arith.constant 20 : i32
          %parallel_loop3A_318 = vector.broadcast %parallel_loop3A_317 : i32 to vector<16xi32>
          %parallel_loop3A_319 = arith.addi %parallel_loop3A_227, %parallel_loop3A_318 : vector<16xi32>
          %parallel_loop3A_320 = arith.constant 0 : i32
          %parallel_loop3A_321 = arith.constant 0 : i32
          %parallel_loop3A_322 = tpu.memref_slice %arg5[%parallel_loop3A_184, %parallel_loop3A_320, %parallel_loop3A_321] : memref<4x32x128xf32, #tpu.memory_space<vmem>> -> memref<1x32x128xf32, #tpu.memory_space<vmem>>
          %parallel_loop3A_323 = tpu.memref_squeeze %parallel_loop3A_322 : memref<1x32x128xf32, #tpu.memory_space<vmem>> -> memref<32x128xf32, #tpu.memory_space<vmem>>
          tpu.vector_store_idx %parallel_loop3A_323[%parallel_loop3A_319, %parallel_loop3A_233], %parallel_loop3A_316 : memref<32x128xf32, #tpu.memory_space<vmem>>[vector<16xi32>, vector<16xi32>], vector<16xf32>,
          %parallel_loop3A_324 = arith.constant 96 : i32
          %parallel_loop3A_325 = vector.broadcast %parallel_loop3A_324 : i32 to vector<16xi32>
          %parallel_loop3A_326 = arith.addi %iota3A, %parallel_loop3A_325 : vector<16xi32>
          %parallel_loop3A_327 = arith.constant 0 : i32
          %parallel_loop3A_328 = arith.constant 0 : i32
          %parallel_loop3A_329 = tpu.memref_slice %arg4[%parallel_loop3A_183, %parallel_loop3A_327, %parallel_loop3A_328] : memref<4x32x128xf32, #tpu.memory_space<vmem>> -> memref<1x32x128xf32, #tpu.memory_space<vmem>>
          %parallel_loop3A_330 = tpu.memref_squeeze %parallel_loop3A_329 : memref<1x32x128xf32, #tpu.memory_space<vmem>> -> memref<32x128xf32, #tpu.memory_space<vmem>>
          %parallel_loop3A_331 = tpu.vector_load_idx %parallel_loop3A_330[%parallel_loop3A_221, %parallel_loop3A_326] : memref<32x128xf32, #tpu.memory_space<vmem>>[vector<16xi32>, vector<16xi32>], vector<16xf32>,
          %parallel_loop3A_332 = arith.constant 24 : i32
          %parallel_loop3A_333 = vector.broadcast %parallel_loop3A_332 : i32 to vector<16xi32>
          %parallel_loop3A_334 = arith.addi %parallel_loop3A_227, %parallel_loop3A_333 : vector<16xi32>
          %parallel_loop3A_335 = arith.constant 0 : i32
          %parallel_loop3A_336 = arith.constant 0 : i32
          %parallel_loop3A_337 = tpu.memref_slice %arg5[%parallel_loop3A_184, %parallel_loop3A_335, %parallel_loop3A_336] : memref<4x32x128xf32, #tpu.memory_space<vmem>> -> memref<1x32x128xf32, #tpu.memory_space<vmem>>
          %parallel_loop3A_338 = tpu.memref_squeeze %parallel_loop3A_337 : memref<1x32x128xf32, #tpu.memory_space<vmem>> -> memref<32x128xf32, #tpu.memory_space<vmem>>
          tpu.vector_store_idx %parallel_loop3A_338[%parallel_loop3A_334, %parallel_loop3A_233], %parallel_loop3A_331 : memref<32x128xf32, #tpu.memory_space<vmem>>[vector<16xi32>, vector<16xi32>], vector<16xf32>,
          %parallel_loop3A_339 = arith.constant 112 : i32
          %parallel_loop3A_340 = vector.broadcast %parallel_loop3A_339 : i32 to vector<16xi32>
          %parallel_loop3A_341 = arith.addi %iota3A, %parallel_loop3A_340 : vector<16xi32>
          %parallel_loop3A_342 = arith.constant 0 : i32
          %parallel_loop3A_343 = arith.constant 0 : i32
          %parallel_loop3A_344 = tpu.memref_slice %arg4[%parallel_loop3A_183, %parallel_loop3A_342, %parallel_loop3A_343] : memref<4x32x128xf32, #tpu.memory_space<vmem>> -> memref<1x32x128xf32, #tpu.memory_space<vmem>>
          %parallel_loop3A_345 = tpu.memref_squeeze %parallel_loop3A_344 : memref<1x32x128xf32, #tpu.memory_space<vmem>> -> memref<32x128xf32, #tpu.memory_space<vmem>>
          %parallel_loop3A_346 = tpu.vector_load_idx %parallel_loop3A_345[%parallel_loop3A_221, %parallel_loop3A_341] : memref<32x128xf32, #tpu.memory_space<vmem>>[vector<16xi32>, vector<16xi32>], vector<16xf32>,
          %parallel_loop3A_347 = arith.constant 28 : i32
          %parallel_loop3A_348 = vector.broadcast %parallel_loop3A_347 : i32 to vector<16xi32>
          %parallel_loop3A_349 = arith.addi %parallel_loop3A_227, %parallel_loop3A_348 : vector<16xi32>
          %parallel_loop3A_350 = arith.constant 0 : i32
          %parallel_loop3A_351 = arith.constant 0 : i32
          %parallel_loop3A_352 = tpu.memref_slice %arg5[%parallel_loop3A_184, %parallel_loop3A_350, %parallel_loop3A_351] : memref<4x32x128xf32, #tpu.memory_space<vmem>> -> memref<1x32x128xf32, #tpu.memory_space<vmem>>
          %parallel_loop3A_353 = tpu.memref_squeeze %parallel_loop3A_352 : memref<1x32x128xf32, #tpu.memory_space<vmem>> -> memref<32x128xf32, #tpu.memory_space<vmem>>
          tpu.vector_store_idx %parallel_loop3A_353[%parallel_loop3A_349, %parallel_loop3A_233], %parallel_loop3A_346 : memref<32x128xf32, #tpu.memory_space<vmem>>[vector<16xi32>, vector<16xi32>], vector<16xf32>,
          %parallel_loop3A_354 = arith.constant 16 : i32
          %parallel_loop3A_355 = vector.broadcast %parallel_loop3A_354 : i32 to vector<16xi32>
          %parallel_loop3A_356 = arith.addi %parallel_loop3A_355, %parallel_loop3A_214 : vector<16xi32>
          %parallel_loop3A_357 = arith.constant 16 : i32
          %parallel_loop3A_358 = vector.broadcast %parallel_loop3A_357 : i32 to vector<16xi32>
          %parallel_loop3A_359 = arith.addi %parallel_loop3A_218, %parallel_loop3A_358 : vector<16xi32>
          %parallel_loop3A_360 = arith.constant 7 : i32
          %parallel_loop3A_361 = vector.broadcast %parallel_loop3A_360 : i32 to vector<16xi32>
          %parallel_loop3A_362 = arith.shrsi %parallel_loop3A_359, %parallel_loop3A_361 : vector<16xi32>
          %parallel_loop3A_363 = arith.constant 16 : i32
          %parallel_loop3A_364 = vector.broadcast %parallel_loop3A_363 : i32 to vector<16xi32>
          %parallel_loop3A_365 = arith.addi %parallel_loop3A_218, %parallel_loop3A_364 : vector<16xi32>
          %parallel_loop3A_366 = arith.constant 127 : i32
          %parallel_loop3A_367 = vector.broadcast %parallel_loop3A_366 : i32 to vector<16xi32>
          %parallel_loop3A_368 = arith.andi %parallel_loop3A_365, %parallel_loop3A_367 : vector<16xi32>
          %parallel_loop3A_369 = arith.constant 0 : i32
          %parallel_loop3A_370 = vector.broadcast %parallel_loop3A_369 : i32 to vector<16xi32>
          %parallel_loop3A_371 = arith.addi %iota3A, %parallel_loop3A_370 : vector<16xi32>
          %parallel_loop3A_372 = arith.constant 0 : i32
          %parallel_loop3A_373 = arith.constant 0 : i32
          %parallel_loop3A_374 = tpu.memref_slice %arg4[%parallel_loop3A_183, %parallel_loop3A_372, %parallel_loop3A_373] : memref<4x32x128xf32, #tpu.memory_space<vmem>> -> memref<1x32x128xf32, #tpu.memory_space<vmem>>
          %parallel_loop3A_375 = tpu.memref_squeeze %parallel_loop3A_374 : memref<1x32x128xf32, #tpu.memory_space<vmem>> -> memref<32x128xf32, #tpu.memory_space<vmem>>
          %parallel_loop3A_376 = tpu.vector_load_idx %parallel_loop3A_375[%parallel_loop3A_356, %parallel_loop3A_371] : memref<32x128xf32, #tpu.memory_space<vmem>>[vector<16xi32>, vector<16xi32>], vector<16xf32>,
          %parallel_loop3A_377 = arith.constant 0 : i32
          %parallel_loop3A_378 = vector.broadcast %parallel_loop3A_377 : i32 to vector<16xi32>
          %parallel_loop3A_379 = arith.addi %parallel_loop3A_362, %parallel_loop3A_378 : vector<16xi32>
          %parallel_loop3A_380 = arith.constant 0 : i32
          %parallel_loop3A_381 = arith.constant 0 : i32
          %parallel_loop3A_382 = tpu.memref_slice %arg5[%parallel_loop3A_184, %parallel_loop3A_380, %parallel_loop3A_381] : memref<4x32x128xf32, #tpu.memory_space<vmem>> -> memref<1x32x128xf32, #tpu.memory_space<vmem>>
          %parallel_loop3A_383 = tpu.memref_squeeze %parallel_loop3A_382 : memref<1x32x128xf32, #tpu.memory_space<vmem>> -> memref<32x128xf32, #tpu.memory_space<vmem>>
          tpu.vector_store_idx %parallel_loop3A_383[%parallel_loop3A_379, %parallel_loop3A_368], %parallel_loop3A_376 : memref<32x128xf32, #tpu.memory_space<vmem>>[vector<16xi32>, vector<16xi32>], vector<16xf32>,
          %parallel_loop3A_384 = arith.constant 16 : i32
          %parallel_loop3A_385 = vector.broadcast %parallel_loop3A_384 : i32 to vector<16xi32>
          %parallel_loop3A_386 = arith.addi %iota3A, %parallel_loop3A_385 : vector<16xi32>
          %parallel_loop3A_387 = arith.constant 0 : i32
          %parallel_loop3A_388 = arith.constant 0 : i32
          %parallel_loop3A_389 = tpu.memref_slice %arg4[%parallel_loop3A_183, %parallel_loop3A_387, %parallel_loop3A_388] : memref<4x32x128xf32, #tpu.memory_space<vmem>> -> memref<1x32x128xf32, #tpu.memory_space<vmem>>
          %parallel_loop3A_390 = tpu.memref_squeeze %parallel_loop3A_389 : memref<1x32x128xf32, #tpu.memory_space<vmem>> -> memref<32x128xf32, #tpu.memory_space<vmem>>
          %parallel_loop3A_391 = tpu.vector_load_idx %parallel_loop3A_390[%parallel_loop3A_356, %parallel_loop3A_386] : memref<32x128xf32, #tpu.memory_space<vmem>>[vector<16xi32>, vector<16xi32>], vector<16xf32>,
          %parallel_loop3A_392 = arith.constant 4 : i32
          %parallel_loop3A_393 = vector.broadcast %parallel_loop3A_392 : i32 to vector<16xi32>
          %parallel_loop3A_394 = arith.addi %parallel_loop3A_362, %parallel_loop3A_393 : vector<16xi32>
          %parallel_loop3A_395 = arith.constant 0 : i32
          %parallel_loop3A_396 = arith.constant 0 : i32
          %parallel_loop3A_397 = tpu.memref_slice %arg5[%parallel_loop3A_184, %parallel_loop3A_395, %parallel_loop3A_396] : memref<4x32x128xf32, #tpu.memory_space<vmem>> -> memref<1x32x128xf32, #tpu.memory_space<vmem>>
          %parallel_loop3A_398 = tpu.memref_squeeze %parallel_loop3A_397 : memref<1x32x128xf32, #tpu.memory_space<vmem>> -> memref<32x128xf32, #tpu.memory_space<vmem>>
          tpu.vector_store_idx %parallel_loop3A_398[%parallel_loop3A_394, %parallel_loop3A_368], %parallel_loop3A_391 : memref<32x128xf32, #tpu.memory_space<vmem>>[vector<16xi32>, vector<16xi32>], vector<16xf32>,
          %parallel_loop3A_399 = arith.constant 32 : i32
          %parallel_loop3A_400 = vector.broadcast %parallel_loop3A_399 : i32 to vector<16xi32>
          %parallel_loop3A_401 = arith.addi %iota3A, %parallel_loop3A_400 : vector<16xi32>
          %parallel_loop3A_402 = arith.constant 0 : i32
          %parallel_loop3A_403 = arith.constant 0 : i32
          %parallel_loop3A_404 = tpu.memref_slice %arg4[%parallel_loop3A_183, %parallel_loop3A_402, %parallel_loop3A_403] : memref<4x32x128xf32, #tpu.memory_space<vmem>> -> memref<1x32x128xf32, #tpu.memory_space<vmem>>
          %parallel_loop3A_405 = tpu.memref_squeeze %parallel_loop3A_404 : memref<1x32x128xf32, #tpu.memory_space<vmem>> -> memref<32x128xf32, #tpu.memory_space<vmem>>
          %parallel_loop3A_406 = tpu.vector_load_idx %parallel_loop3A_405[%parallel_loop3A_356, %parallel_loop3A_401] : memref<32x128xf32, #tpu.memory_space<vmem>>[vector<16xi32>, vector<16xi32>], vector<16xf32>,
          %parallel_loop3A_407 = arith.constant 8 : i32
          %parallel_loop3A_408 = vector.broadcast %parallel_loop3A_407 : i32 to vector<16xi32>
          %parallel_loop3A_409 = arith.addi %parallel_loop3A_362, %parallel_loop3A_408 : vector<16xi32>
          %parallel_loop3A_410 = arith.constant 0 : i32
          %parallel_loop3A_411 = arith.constant 0 : i32
          %parallel_loop3A_412 = tpu.memref_slice %arg5[%parallel_loop3A_184, %parallel_loop3A_410, %parallel_loop3A_411] : memref<4x32x128xf32, #tpu.memory_space<vmem>> -> memref<1x32x128xf32, #tpu.memory_space<vmem>>
          %parallel_loop3A_413 = tpu.memref_squeeze %parallel_loop3A_412 : memref<1x32x128xf32, #tpu.memory_space<vmem>> -> memref<32x128xf32, #tpu.memory_space<vmem>>
          tpu.vector_store_idx %parallel_loop3A_413[%parallel_loop3A_409, %parallel_loop3A_368], %parallel_loop3A_406 : memref<32x128xf32, #tpu.memory_space<vmem>>[vector<16xi32>, vector<16xi32>], vector<16xf32>,
          %parallel_loop3A_414 = arith.constant 48 : i32
          %parallel_loop3A_415 = vector.broadcast %parallel_loop3A_414 : i32 to vector<16xi32>
          %parallel_loop3A_416 = arith.addi %iota3A, %parallel_loop3A_415 : vector<16xi32>
          %parallel_loop3A_417 = arith.constant 0 : i32
          %parallel_loop3A_418 = arith.constant 0 : i32
          %parallel_loop3A_419 = tpu.memref_slice %arg4[%parallel_loop3A_183, %parallel_loop3A_417, %parallel_loop3A_418] : memref<4x32x128xf32, #tpu.memory_space<vmem>> -> memref<1x32x128xf32, #tpu.memory_space<vmem>>
          %parallel_loop3A_420 = tpu.memref_squeeze %parallel_loop3A_419 : memref<1x32x128xf32, #tpu.memory_space<vmem>> -> memref<32x128xf32, #tpu.memory_space<vmem>>
          %parallel_loop3A_421 = tpu.vector_load_idx %parallel_loop3A_420[%parallel_loop3A_356, %parallel_loop3A_416] : memref<32x128xf32, #tpu.memory_space<vmem>>[vector<16xi32>, vector<16xi32>], vector<16xf32>,
          %parallel_loop3A_422 = arith.constant 12 : i32
          %parallel_loop3A_423 = vector.broadcast %parallel_loop3A_422 : i32 to vector<16xi32>
          %parallel_loop3A_424 = arith.addi %parallel_loop3A_362, %parallel_loop3A_423 : vector<16xi32>
          %parallel_loop3A_425 = arith.constant 0 : i32
          %parallel_loop3A_426 = arith.constant 0 : i32
          %parallel_loop3A_427 = tpu.memref_slice %arg5[%parallel_loop3A_184, %parallel_loop3A_425, %parallel_loop3A_426] : memref<4x32x128xf32, #tpu.memory_space<vmem>> -> memref<1x32x128xf32, #tpu.memory_space<vmem>>
          %parallel_loop3A_428 = tpu.memref_squeeze %parallel_loop3A_427 : memref<1x32x128xf32, #tpu.memory_space<vmem>> -> memref<32x128xf32, #tpu.memory_space<vmem>>
          tpu.vector_store_idx %parallel_loop3A_428[%parallel_loop3A_424, %parallel_loop3A_368], %parallel_loop3A_421 : memref<32x128xf32, #tpu.memory_space<vmem>>[vector<16xi32>, vector<16xi32>], vector<16xf32>,
          %parallel_loop3A_429 = arith.constant 64 : i32
          %parallel_loop3A_430 = vector.broadcast %parallel_loop3A_429 : i32 to vector<16xi32>
          %parallel_loop3A_431 = arith.addi %iota3A, %parallel_loop3A_430 : vector<16xi32>
          %parallel_loop3A_432 = arith.constant 0 : i32
          %parallel_loop3A_433 = arith.constant 0 : i32
          %parallel_loop3A_434 = tpu.memref_slice %arg4[%parallel_loop3A_183, %parallel_loop3A_432, %parallel_loop3A_433] : memref<4x32x128xf32, #tpu.memory_space<vmem>> -> memref<1x32x128xf32, #tpu.memory_space<vmem>>
          %parallel_loop3A_435 = tpu.memref_squeeze %parallel_loop3A_434 : memref<1x32x128xf32, #tpu.memory_space<vmem>> -> memref<32x128xf32, #tpu.memory_space<vmem>>
          %parallel_loop3A_436 = tpu.vector_load_idx %parallel_loop3A_435[%parallel_loop3A_356, %parallel_loop3A_431] : memref<32x128xf32, #tpu.memory_space<vmem>>[vector<16xi32>, vector<16xi32>], vector<16xf32>,
          %parallel_loop3A_437 = arith.constant 16 : i32
          %parallel_loop3A_438 = vector.broadcast %parallel_loop3A_437 : i32 to vector<16xi32>
          %parallel_loop3A_439 = arith.addi %parallel_loop3A_362, %parallel_loop3A_438 : vector<16xi32>
          %parallel_loop3A_440 = arith.constant 0 : i32
          %parallel_loop3A_441 = arith.constant 0 : i32
          %parallel_loop3A_442 = tpu.memref_slice %arg5[%parallel_loop3A_184, %parallel_loop3A_440, %parallel_loop3A_441] : memref<4x32x128xf32, #tpu.memory_space<vmem>> -> memref<1x32x128xf32, #tpu.memory_space<vmem>>
          %parallel_loop3A_443 = tpu.memref_squeeze %parallel_loop3A_442 : memref<1x32x128xf32, #tpu.memory_space<vmem>> -> memref<32x128xf32, #tpu.memory_space<vmem>>
          tpu.vector_store_idx %parallel_loop3A_443[%parallel_loop3A_439, %parallel_loop3A_368], %parallel_loop3A_436 : memref<32x128xf32, #tpu.memory_space<vmem>>[vector<16xi32>, vector<16xi32>], vector<16xf32>,
          %parallel_loop3A_444 = arith.constant 80 : i32
          %parallel_loop3A_445 = vector.broadcast %parallel_loop3A_444 : i32 to vector<16xi32>
          %parallel_loop3A_446 = arith.addi %iota3A, %parallel_loop3A_445 : vector<16xi32>
          %parallel_loop3A_447 = arith.constant 0 : i32
          %parallel_loop3A_448 = arith.constant 0 : i32
          %parallel_loop3A_449 = tpu.memref_slice %arg4[%parallel_loop3A_183, %parallel_loop3A_447, %parallel_loop3A_448] : memref<4x32x128xf32, #tpu.memory_space<vmem>> -> memref<1x32x128xf32, #tpu.memory_space<vmem>>
          %parallel_loop3A_450 = tpu.memref_squeeze %parallel_loop3A_449 : memref<1x32x128xf32, #tpu.memory_space<vmem>> -> memref<32x128xf32, #tpu.memory_space<vmem>>
          %parallel_loop3A_451 = tpu.vector_load_idx %parallel_loop3A_450[%parallel_loop3A_356, %parallel_loop3A_446] : memref<32x128xf32, #tpu.memory_space<vmem>>[vector<16xi32>, vector<16xi32>], vector<16xf32>,
          %parallel_loop3A_452 = arith.constant 20 : i32
          %parallel_loop3A_453 = vector.broadcast %parallel_loop3A_452 : i32 to vector<16xi32>
          %parallel_loop3A_454 = arith.addi %parallel_loop3A_362, %parallel_loop3A_453 : vector<16xi32>
          %parallel_loop3A_455 = arith.constant 0 : i32
          %parallel_loop3A_456 = arith.constant 0 : i32
          %parallel_loop3A_457 = tpu.memref_slice %arg5[%parallel_loop3A_184, %parallel_loop3A_455, %parallel_loop3A_456] : memref<4x32x128xf32, #tpu.memory_space<vmem>> -> memref<1x32x128xf32, #tpu.memory_space<vmem>>
          %parallel_loop3A_458 = tpu.memref_squeeze %parallel_loop3A_457 : memref<1x32x128xf32, #tpu.memory_space<vmem>> -> memref<32x128xf32, #tpu.memory_space<vmem>>
          tpu.vector_store_idx %parallel_loop3A_458[%parallel_loop3A_454, %parallel_loop3A_368], %parallel_loop3A_451 : memref<32x128xf32, #tpu.memory_space<vmem>>[vector<16xi32>, vector<16xi32>], vector<16xf32>,
          %parallel_loop3A_459 = arith.constant 96 : i32
          %parallel_loop3A_460 = vector.broadcast %parallel_loop3A_459 : i32 to vector<16xi32>
          %parallel_loop3A_461 = arith.addi %iota3A, %parallel_loop3A_460 : vector<16xi32>
          %parallel_loop3A_462 = arith.constant 0 : i32
          %parallel_loop3A_463 = arith.constant 0 : i32
          %parallel_loop3A_464 = tpu.memref_slice %arg4[%parallel_loop3A_183, %parallel_loop3A_462, %parallel_loop3A_463] : memref<4x32x128xf32, #tpu.memory_space<vmem>> -> memref<1x32x128xf32, #tpu.memory_space<vmem>>
          %parallel_loop3A_465 = tpu.memref_squeeze %parallel_loop3A_464 : memref<1x32x128xf32, #tpu.memory_space<vmem>> -> memref<32x128xf32, #tpu.memory_space<vmem>>
          %parallel_loop3A_466 = tpu.vector_load_idx %parallel_loop3A_465[%parallel_loop3A_356, %parallel_loop3A_461] : memref<32x128xf32, #tpu.memory_space<vmem>>[vector<16xi32>, vector<16xi32>], vector<16xf32>,
          %parallel_loop3A_467 = arith.constant 24 : i32
          %parallel_loop3A_468 = vector.broadcast %parallel_loop3A_467 : i32 to vector<16xi32>
          %parallel_loop3A_469 = arith.addi %parallel_loop3A_362, %parallel_loop3A_468 : vector<16xi32>
          %parallel_loop3A_470 = arith.constant 0 : i32
          %parallel_loop3A_471 = arith.constant 0 : i32
          %parallel_loop3A_472 = tpu.memref_slice %arg5[%parallel_loop3A_184, %parallel_loop3A_470, %parallel_loop3A_471] : memref<4x32x128xf32, #tpu.memory_space<vmem>> -> memref<1x32x128xf32, #tpu.memory_space<vmem>>
          %parallel_loop3A_473 = tpu.memref_squeeze %parallel_loop3A_472 : memref<1x32x128xf32, #tpu.memory_space<vmem>> -> memref<32x128xf32, #tpu.memory_space<vmem>>
          tpu.vector_store_idx %parallel_loop3A_473[%parallel_loop3A_469, %parallel_loop3A_368], %parallel_loop3A_466 : memref<32x128xf32, #tpu.memory_space<vmem>>[vector<16xi32>, vector<16xi32>], vector<16xf32>,
          %parallel_loop3A_474 = arith.constant 112 : i32
          %parallel_loop3A_475 = vector.broadcast %parallel_loop3A_474 : i32 to vector<16xi32>
          %parallel_loop3A_476 = arith.addi %iota3A, %parallel_loop3A_475 : vector<16xi32>
          %parallel_loop3A_477 = arith.constant 0 : i32
          %parallel_loop3A_478 = arith.constant 0 : i32
          %parallel_loop3A_479 = tpu.memref_slice %arg4[%parallel_loop3A_183, %parallel_loop3A_477, %parallel_loop3A_478] : memref<4x32x128xf32, #tpu.memory_space<vmem>> -> memref<1x32x128xf32, #tpu.memory_space<vmem>>
          %parallel_loop3A_480 = tpu.memref_squeeze %parallel_loop3A_479 : memref<1x32x128xf32, #tpu.memory_space<vmem>> -> memref<32x128xf32, #tpu.memory_space<vmem>>
          %parallel_loop3A_481 = tpu.vector_load_idx %parallel_loop3A_480[%parallel_loop3A_356, %parallel_loop3A_476] : memref<32x128xf32, #tpu.memory_space<vmem>>[vector<16xi32>, vector<16xi32>], vector<16xf32>,
          %parallel_loop3A_482 = arith.constant 28 : i32
          %parallel_loop3A_483 = vector.broadcast %parallel_loop3A_482 : i32 to vector<16xi32>
          %parallel_loop3A_484 = arith.addi %parallel_loop3A_362, %parallel_loop3A_483 : vector<16xi32>
          %parallel_loop3A_485 = arith.constant 0 : i32
          %parallel_loop3A_486 = arith.constant 0 : i32
          %parallel_loop3A_487 = tpu.memref_slice %arg5[%parallel_loop3A_184, %parallel_loop3A_485, %parallel_loop3A_486] : memref<4x32x128xf32, #tpu.memory_space<vmem>> -> memref<1x32x128xf32, #tpu.memory_space<vmem>>
          %parallel_loop3A_488 = tpu.memref_squeeze %parallel_loop3A_487 : memref<1x32x128xf32, #tpu.memory_space<vmem>> -> memref<32x128xf32, #tpu.memory_space<vmem>>
          tpu.vector_store_idx %parallel_loop3A_488[%parallel_loop3A_484, %parallel_loop3A_368], %parallel_loop3A_481 : memref<32x128xf32, #tpu.memory_space<vmem>>[vector<16xi32>, vector<16xi32>], vector<16xf32>,
        } {sc.loop_unroll_factor = 4 : i64, sc.parallel_access}
        %mul3A_185 = arith.constant 32 : i32
        %mul3A_186 = arith.muli %add3A_141, %mul3A_185 : i32
        %dma_start3A = arith.constant 2 : i32
        %dma_start3A_187 = arith.constant 2 : i32
        %dma_start3A_188 = arith.constant 0 : i32
        %dma_start3A_189 = arith.constant 0 : i32
        %dma_start3A_190 = tpu.memref_slice %arg5[%dma_start3A, %dma_start3A_188, %dma_start3A_189] : memref<4x32x128xf32, #tpu.memory_space<vmem>> -> memref<1x32x128xf32, #tpu.memory_space<vmem>>
        %dma_start3A_191 = tpu.memref_squeeze %dma_start3A_190 : memref<1x32x128xf32, #tpu.memory_space<vmem>> -> memref<32x128xf32, #tpu.memory_space<vmem>>
        %dma_start3A_192 = arith.constant 0 : i32
        %dma_start3A_193 = tpu.memref_slice %arg3[%mul3A_186, %dma_start3A_192] : memref<250000x128xf32, #tpu.memory_space<hbm>> -> memref<32x128xf32, #tpu.memory_space<hbm>>
        %dma_start3A_194 = tpu.memref_slice %arg9[%dma_start3A_187] : memref<4x!tpu.dma_semaphore, #tpu.memory_space<semaphore_mem>> -> memref<1x!tpu.dma_semaphore, #tpu.memory_space<semaphore_mem>>
        %dma_start3A_195 = tpu.memref_squeeze %dma_start3A_194 : memref<1x!tpu.dma_semaphore, #tpu.memory_space<semaphore_mem>> -> memref<!tpu.dma_semaphore, #tpu.memory_space<semaphore_mem>>
        %dma_start3A_196 = arith.constant 0 : i32
        %dma_start3A_197 = tpu.memref_slice %arg3[%mul3A_186, %dma_start3A_196] : memref<250000x128xf32, #tpu.memory_space<hbm>> -> memref<32x128xf32, #tpu.memory_space<hbm>>
        %dma_start3A_198 = arith.constant 0 : i32
        %dma_start3A_199 = arith.constant 0 : i32
        %dma_start3A_200 = tpu.memref_slice %arg5[%dma_start3A, %dma_start3A_198, %dma_start3A_199] : memref<4x32x128xf32, #tpu.memory_space<vmem>> -> memref<1x32x128xf32, #tpu.memory_space<vmem>>
        %dma_start3A_201 = tpu.memref_squeeze %dma_start3A_200 : memref<1x32x128xf32, #tpu.memory_space<vmem>> -> memref<32x128xf32, #tpu.memory_space<vmem>>
        tpu.enqueue_dma source(%dma_start3A_201 : memref<32x128xf32, #tpu.memory_space<vmem>>) target(%dma_start3A_197 : memref<32x128xf32, #tpu.memory_space<hbm>>) target_semaphore(%dma_start3A_195 : memref<!tpu.dma_semaphore, #tpu.memory_space<semaphore_mem>>)
        %add3A_202 = arith.constant 128 : i32
        %add3A_203 = arith.addi %add3A_141, %add3A_202 : i32
        %lt3A_204 = arith.constant 7812 : i32
        %lt3A_205 = arith.cmpi slt, %add3A_203, %lt3A_204 : i32
        %convert_element_type3A_206 = arith.extui %lt3A_205 : i1 to i32
        %cond3A_207 = arith.constant 0 : i32
        %cond3A_208 = arith.cmpi ne, %convert_element_type3A_206, %cond3A_207 : i32
        scf.if %cond3A_208 {
          %add3A_209 = arith.constant 128 : i32
          %add3A_210 = arith.addi %add3A_141, %add3A_209 : i32
          %mul3A_211 = arith.constant 128 : i32
          %mul3A_212 = arith.muli %add3A_210, %mul3A_211 : i32
          %dma_start3A_213 = arith.constant 2 : i32
          %dma_start3A_214 = arith.constant 2 : i32
          %dma_start3A_215 = arith.constant 0 : i32
          %dma_start3A_216 = arith.constant 0 : i32
          %dma_start3A_217 = tpu.memref_slice %arg4[%dma_start3A_213, %dma_start3A_215, %dma_start3A_216] : memref<4x32x128xf32, #tpu.memory_space<vmem>> -> memref<1x32x128xf32, #tpu.memory_space<vmem>>
          %dma_start3A_218 = tpu.memref_squeeze %dma_start3A_217 : memref<1x32x128xf32, #tpu.memory_space<vmem>> -> memref<32x128xf32, #tpu.memory_space<vmem>>
          %dma_start3A_219 = arith.constant 0 : i32
          %dma_start3A_220 = tpu.memref_slice %arg2[%dma_start3A_219, %mul3A_212] : memref<32x1000000xf32, #tpu.memory_space<hbm>> -> memref<32x128xf32, #tpu.memory_space<hbm>>
          %dma_start3A_221 = tpu.memref_slice %arg8[%dma_start3A_214] : memref<4x!tpu.dma_semaphore, #tpu.memory_space<semaphore_mem>> -> memref<1x!tpu.dma_semaphore, #tpu.memory_space<semaphore_mem>>
          %dma_start3A_222 = tpu.memref_squeeze %dma_start3A_221 : memref<1x!tpu.dma_semaphore, #tpu.memory_space<semaphore_mem>> -> memref<!tpu.dma_semaphore, #tpu.memory_space<semaphore_mem>>
          %dma_start3A_223 = arith.constant 0 : i32
          %dma_start3A_224 = arith.constant 0 : i32
          %dma_start3A_225 = tpu.memref_slice %arg4[%dma_start3A_213, %dma_start3A_223, %dma_start3A_224] : memref<4x32x128xf32, #tpu.memory_space<vmem>> -> memref<1x32x128xf32, #tpu.memory_space<vmem>>
          %dma_start3A_226 = tpu.memref_squeeze %dma_start3A_225 : memref<1x32x128xf32, #tpu.memory_space<vmem>> -> memref<32x128xf32, #tpu.memory_space<vmem>>
          %dma_start3A_227 = arith.constant 0 : i32
          %dma_start3A_228 = tpu.memref_slice %arg2[%dma_start3A_227, %mul3A_212] : memref<32x1000000xf32, #tpu.memory_space<hbm>> -> memref<32x128xf32, #tpu.memory_space<hbm>>
          tpu.enqueue_dma source(%dma_start3A_228 : memref<32x128xf32, #tpu.memory_space<hbm>>) target(%dma_start3A_226 : memref<32x128xf32, #tpu.memory_space<vmem>>) target_semaphore(%dma_start3A_222 : memref<!tpu.dma_semaphore, #tpu.memory_space<semaphore_mem>>)
        } else {
        }
      } else {
      }
      %mul3A_147 = arith.constant 4 : i32
      %mul3A_148 = arith.muli %add3A_110, %mul3A_147 : i32
      %add3A_149 = arith.constant 3 : i32
      %add3A_150 = arith.addi %mul3A_148, %add3A_149 : i32
      %mul3A_151 = arith.constant 32 : i32
      %mul3A_152 = arith.muli %mul3A_151, %add3A_150 : i32
      %add3A_153 = arith.addi %add3A, %mul3A_152 : i32
      %lt3A_154 = arith.constant 7812 : i32
      %lt3A_155 = arith.cmpi slt, %add3A_153, %lt3A_154 : i32
      %convert_element_type3A_156 = arith.extui %lt3A_155 : i1 to i32
      %cond3A_157 = arith.constant 0 : i32
      %cond3A_158 = arith.cmpi ne, %convert_element_type3A_156, %cond3A_157 : i32
      scf.if %cond3A_158 {
        %mul3A_159 = arith.constant 128 : i32
        %mul3A_160 = arith.muli %add3A_153, %mul3A_159 : i32
        %dma_wait3A_161 = arith.constant 3 : i32
        %dma_wait3A_162 = arith.constant 3 : i32
        %dma_wait3A_163 = arith.constant 0 : i32
        %dma_wait3A_164 = arith.constant 0 : i32
        %dma_wait3A_165 = tpu.memref_slice %arg4[%dma_wait3A_161, %dma_wait3A_163, %dma_wait3A_164] : memref<4x32x128xf32, #tpu.memory_space<vmem>> -> memref<1x32x128xf32, #tpu.memory_space<vmem>>
        %dma_wait3A_166 = tpu.memref_squeeze %dma_wait3A_165 : memref<1x32x128xf32, #tpu.memory_space<vmem>> -> memref<32x128xf32, #tpu.memory_space<vmem>>
        %dma_wait3A_167 = arith.constant 0 : i32
        %dma_wait3A_168 = tpu.memref_slice %arg2[%dma_wait3A_167, %mul3A_160] : memref<32x1000000xf32, #tpu.memory_space<hbm>> -> memref<32x128xf32, #tpu.memory_space<hbm>>
        %dma_wait3A_169 = tpu.memref_slice %arg8[%dma_wait3A_162] : memref<4x!tpu.dma_semaphore, #tpu.memory_space<semaphore_mem>> -> memref<1x!tpu.dma_semaphore, #tpu.memory_space<semaphore_mem>>
        %dma_wait3A_170 = tpu.memref_squeeze %dma_wait3A_169 : memref<1x!tpu.dma_semaphore, #tpu.memory_space<semaphore_mem>> -> memref<!tpu.dma_semaphore, #tpu.memory_space<semaphore_mem>>
        %dma_wait3A_171 = arith.constant 0 : i32
        %dma_wait3A_172 = arith.constant 0 : i32
        %dma_wait3A_173 = tpu.memref_slice %arg4[%dma_wait3A_161, %dma_wait3A_171, %dma_wait3A_172] : memref<4x32x128xf32, #tpu.memory_space<vmem>> -> memref<1x32x128xf32, #tpu.memory_space<vmem>>
        %dma_wait3A_174 = tpu.memref_squeeze %dma_wait3A_173 : memref<1x32x128xf32, #tpu.memory_space<vmem>> -> memref<32x128xf32, #tpu.memory_space<vmem>>
        %dma_wait3A_175 = arith.constant 0 : i32
        %dma_wait3A_176 = tpu.memref_slice %arg2[%dma_wait3A_175, %mul3A_160] : memref<32x1000000xf32, #tpu.memory_space<hbm>> -> memref<32x128xf32, #tpu.memory_space<hbm>>
        tpu.wait_dma2 semaphore(%dma_wait3A_170 : memref<!tpu.dma_semaphore, #tpu.memory_space<semaphore_mem>>) src(%dma_wait3A_176 : memref<32x128xf32, #tpu.memory_space<hbm>>) dst(%dma_wait3A_174 : memref<32x128xf32, #tpu.memory_space<vmem>>)
        %ge3A = arith.constant 128 : i32
        %ge3A_177 = arith.cmpi sge, %add3A_153, %ge3A : i32
        %convert_element_type3A_178 = arith.extui %ge3A_177 : i1 to i32
        %cond3A_179 = arith.constant 0 : i32
        %cond3A_180 = arith.cmpi ne, %convert_element_type3A_178, %cond3A_179 : i32
        scf.if %cond3A_180 {
          %sub3A = arith.constant 128 : i32
          %sub3A_209 = arith.subi %add3A_153, %sub3A : i32
          %mul3A_210 = arith.constant 32 : i32
          %mul3A_211 = arith.muli %sub3A_209, %mul3A_210 : i32
          %dma_wait3A_212 = arith.constant 3 : i32
          %dma_wait3A_213 = arith.constant 3 : i32
          %dma_wait3A_214 = arith.constant 0 : i32
          %dma_wait3A_215 = arith.constant 0 : i32
          %dma_wait3A_216 = tpu.memref_slice %arg5[%dma_wait3A_212, %dma_wait3A_214, %dma_wait3A_215] : memref<4x32x128xf32, #tpu.memory_space<vmem>> -> memref<1x32x128xf32, #tpu.memory_space<vmem>>
          %dma_wait3A_217 = tpu.memref_squeeze %dma_wait3A_216 : memref<1x32x128xf32, #tpu.memory_space<vmem>> -> memref<32x128xf32, #tpu.memory_space<vmem>>
          %dma_wait3A_218 = arith.constant 0 : i32
          %dma_wait3A_219 = tpu.memref_slice %arg3[%mul3A_211, %dma_wait3A_218] : memref<250000x128xf32, #tpu.memory_space<hbm>> -> memref<32x128xf32, #tpu.memory_space<hbm>>
          %dma_wait3A_220 = tpu.memref_slice %arg9[%dma_wait3A_213] : memref<4x!tpu.dma_semaphore, #tpu.memory_space<semaphore_mem>> -> memref<1x!tpu.dma_semaphore, #tpu.memory_space<semaphore_mem>>
          %dma_wait3A_221 = tpu.memref_squeeze %dma_wait3A_220 : memref<1x!tpu.dma_semaphore, #tpu.memory_space<semaphore_mem>> -> memref<!tpu.dma_semaphore, #tpu.memory_space<semaphore_mem>>
          %dma_wait3A_222 = arith.constant 0 : i32
          %dma_wait3A_223 = tpu.memref_slice %arg3[%mul3A_211, %dma_wait3A_222] : memref<250000x128xf32, #tpu.memory_space<hbm>> -> memref<32x128xf32, #tpu.memory_space<hbm>>
          %dma_wait3A_224 = arith.constant 0 : i32
          %dma_wait3A_225 = arith.constant 0 : i32
          %dma_wait3A_226 = tpu.memref_slice %arg5[%dma_wait3A_212, %dma_wait3A_224, %dma_wait3A_225] : memref<4x32x128xf32, #tpu.memory_space<vmem>> -> memref<1x32x128xf32, #tpu.memory_space<vmem>>
          %dma_wait3A_227 = tpu.memref_squeeze %dma_wait3A_226 : memref<1x32x128xf32, #tpu.memory_space<vmem>> -> memref<32x128xf32, #tpu.memory_space<vmem>>
          tpu.wait_dma2 semaphore(%dma_wait3A_221 : memref<!tpu.dma_semaphore, #tpu.memory_space<semaphore_mem>>) src(%dma_wait3A_227 : memref<32x128xf32, #tpu.memory_space<vmem>>) dst(%dma_wait3A_223 : memref<32x128xf32, #tpu.memory_space<hbm>>)
        } else {
        }
        %parallel_loop3A = arith.constant 0 : i32
        %parallel_loop3A_181 = arith.constant 16 : i32
        %parallel_loop3A_182 = arith.constant 1 : i32
        %parallel_loop3A_183 = arith.constant 3 : i32
        %parallel_loop3A_184 = arith.constant 3 : i32
        scf.for %parallel_loop3A_209 = %parallel_loop3A to %parallel_loop3A_181 step %parallel_loop3A_182  : i32 {
          %parallel_loop3A_210 = vector.broadcast %parallel_loop3A_209 : i32 to vector<16xi32>
          %parallel_loop3A_211 = arith.addi %iota3A, %parallel_loop3A_210 : vector<16xi32>
          %parallel_loop3A_212 = arith.constant 15 : i32
          %parallel_loop3A_213 = vector.broadcast %parallel_loop3A_212 : i32 to vector<16xi32>
          %parallel_loop3A_214 = arith.andi %parallel_loop3A_211, %parallel_loop3A_213 : vector<16xi32>
          %parallel_loop3A_215 = arith.constant 32 : i32
          %parallel_loop3A_216 = vector.broadcast %parallel_loop3A_215 : i32 to vector<16xi32>
          %parallel_loop3A_217 = arith.muli %iota3A, %parallel_loop3A_216 : vector<16xi32>
          %parallel_loop3A_218 = arith.addi %parallel_loop3A_217, %parallel_loop3A_214 : vector<16xi32>
          %parallel_loop3A_219 = arith.constant 0 : i32
          %parallel_loop3A_220 = vector.broadcast %parallel_loop3A_219 : i32 to vector<16xi32>
          %parallel_loop3A_221 = arith.addi %parallel_loop3A_220, %parallel_loop3A_214 : vector<16xi32>
          %parallel_loop3A_222 = arith.constant 0 : i32
          %parallel_loop3A_223 = vector.broadcast %parallel_loop3A_222 : i32 to vector<16xi32>
          %parallel_loop3A_224 = arith.addi %parallel_loop3A_218, %parallel_loop3A_223 : vector<16xi32>
          %parallel_loop3A_225 = arith.constant 7 : i32
          %parallel_loop3A_226 = vector.broadcast %parallel_loop3A_225 : i32 to vector<16xi32>
          %parallel_loop3A_227 = arith.shrsi %parallel_loop3A_224, %parallel_loop3A_226 : vector<16xi32>
          %parallel_loop3A_228 = arith.constant 0 : i32
          %parallel_loop3A_229 = vector.broadcast %parallel_loop3A_228 : i32 to vector<16xi32>
          %parallel_loop3A_230 = arith.addi %parallel_loop3A_218, %parallel_loop3A_229 : vector<16xi32>
          %parallel_loop3A_231 = arith.constant 127 : i32
          %parallel_loop3A_232 = vector.broadcast %parallel_loop3A_231 : i32 to vector<16xi32>
          %parallel_loop3A_233 = arith.andi %parallel_loop3A_230, %parallel_loop3A_232 : vector<16xi32>
          %parallel_loop3A_234 = arith.constant 0 : i32
          %parallel_loop3A_235 = vector.broadcast %parallel_loop3A_234 : i32 to vector<16xi32>
          %parallel_loop3A_236 = arith.addi %iota3A, %parallel_loop3A_235 : vector<16xi32>
          %parallel_loop3A_237 = arith.constant 0 : i32
          %parallel_loop3A_238 = arith.constant 0 : i32
          %parallel_loop3A_239 = tpu.memref_slice %arg4[%parallel_loop3A_183, %parallel_loop3A_237, %parallel_loop3A_238] : memref<4x32x128xf32, #tpu.memory_space<vmem>> -> memref<1x32x128xf32, #tpu.memory_space<vmem>>
          %parallel_loop3A_240 = tpu.memref_squeeze %parallel_loop3A_239 : memref<1x32x128xf32, #tpu.memory_space<vmem>> -> memref<32x128xf32, #tpu.memory_space<vmem>>
          %parallel_loop3A_241 = tpu.vector_load_idx %parallel_loop3A_240[%parallel_loop3A_221, %parallel_loop3A_236] : memref<32x128xf32, #tpu.memory_space<vmem>>[vector<16xi32>, vector<16xi32>], vector<16xf32>,
          %parallel_loop3A_242 = arith.constant 0 : i32
          %parallel_loop3A_243 = vector.broadcast %parallel_loop3A_242 : i32 to vector<16xi32>
          %parallel_loop3A_244 = arith.addi %parallel_loop3A_227, %parallel_loop3A_243 : vector<16xi32>
          %parallel_loop3A_245 = arith.constant 0 : i32
          %parallel_loop3A_246 = arith.constant 0 : i32
          %parallel_loop3A_247 = tpu.memref_slice %arg5[%parallel_loop3A_184, %parallel_loop3A_245, %parallel_loop3A_246] : memref<4x32x128xf32, #tpu.memory_space<vmem>> -> memref<1x32x128xf32, #tpu.memory_space<vmem>>
          %parallel_loop3A_248 = tpu.memref_squeeze %parallel_loop3A_247 : memref<1x32x128xf32, #tpu.memory_space<vmem>> -> memref<32x128xf32, #tpu.memory_space<vmem>>
          tpu.vector_store_idx %parallel_loop3A_248[%parallel_loop3A_244, %parallel_loop3A_233], %parallel_loop3A_241 : memref<32x128xf32, #tpu.memory_space<vmem>>[vector<16xi32>, vector<16xi32>], vector<16xf32>,
          %parallel_loop3A_249 = arith.constant 16 : i32
          %parallel_loop3A_250 = vector.broadcast %parallel_loop3A_249 : i32 to vector<16xi32>
          %parallel_loop3A_251 = arith.addi %iota3A, %parallel_loop3A_250 : vector<16xi32>
          %parallel_loop3A_252 = arith.constant 0 : i32
          %parallel_loop3A_253 = arith.constant 0 : i32
          %parallel_loop3A_254 = tpu.memref_slice %arg4[%parallel_loop3A_183, %parallel_loop3A_252, %parallel_loop3A_253] : memref<4x32x128xf32, #tpu.memory_space<vmem>> -> memref<1x32x128xf32, #tpu.memory_space<vmem>>
          %parallel_loop3A_255 = tpu.memref_squeeze %parallel_loop3A_254 : memref<1x32x128xf32, #tpu.memory_space<vmem>> -> memref<32x128xf32, #tpu.memory_space<vmem>>
          %parallel_loop3A_256 = tpu.vector_load_idx %parallel_loop3A_255[%parallel_loop3A_221, %parallel_loop3A_251] : memref<32x128xf32, #tpu.memory_space<vmem>>[vector<16xi32>, vector<16xi32>], vector<16xf32>,
          %parallel_loop3A_257 = arith.constant 4 : i32
          %parallel_loop3A_258 = vector.broadcast %parallel_loop3A_257 : i32 to vector<16xi32>
          %parallel_loop3A_259 = arith.addi %parallel_loop3A_227, %parallel_loop3A_258 : vector<16xi32>
          %parallel_loop3A_260 = arith.constant 0 : i32
          %parallel_loop3A_261 = arith.constant 0 : i32
          %parallel_loop3A_262 = tpu.memref_slice %arg5[%parallel_loop3A_184, %parallel_loop3A_260, %parallel_loop3A_261] : memref<4x32x128xf32, #tpu.memory_space<vmem>> -> memref<1x32x128xf32, #tpu.memory_space<vmem>>
          %parallel_loop3A_263 = tpu.memref_squeeze %parallel_loop3A_262 : memref<1x32x128xf32, #tpu.memory_space<vmem>> -> memref<32x128xf32, #tpu.memory_space<vmem>>
          tpu.vector_store_idx %parallel_loop3A_263[%parallel_loop3A_259, %parallel_loop3A_233], %parallel_loop3A_256 : memref<32x128xf32, #tpu.memory_space<vmem>>[vector<16xi32>, vector<16xi32>], vector<16xf32>,
          %parallel_loop3A_264 = arith.constant 32 : i32
          %parallel_loop3A_265 = vector.broadcast %parallel_loop3A_264 : i32 to vector<16xi32>
          %parallel_loop3A_266 = arith.addi %iota3A, %parallel_loop3A_265 : vector<16xi32>
          %parallel_loop3A_267 = arith.constant 0 : i32
          %parallel_loop3A_268 = arith.constant 0 : i32
          %parallel_loop3A_269 = tpu.memref_slice %arg4[%parallel_loop3A_183, %parallel_loop3A_267, %parallel_loop3A_268] : memref<4x32x128xf32, #tpu.memory_space<vmem>> -> memref<1x32x128xf32, #tpu.memory_space<vmem>>
          %parallel_loop3A_270 = tpu.memref_squeeze %parallel_loop3A_269 : memref<1x32x128xf32, #tpu.memory_space<vmem>> -> memref<32x128xf32, #tpu.memory_space<vmem>>
          %parallel_loop3A_271 = tpu.vector_load_idx %parallel_loop3A_270[%parallel_loop3A_221, %parallel_loop3A_266] : memref<32x128xf32, #tpu.memory_space<vmem>>[vector<16xi32>, vector<16xi32>], vector<16xf32>,
          %parallel_loop3A_272 = arith.constant 8 : i32
          %parallel_loop3A_273 = vector.broadcast %parallel_loop3A_272 : i32 to vector<16xi32>
          %parallel_loop3A_274 = arith.addi %parallel_loop3A_227, %parallel_loop3A_273 : vector<16xi32>
          %parallel_loop3A_275 = arith.constant 0 : i32
          %parallel_loop3A_276 = arith.constant 0 : i32
          %parallel_loop3A_277 = tpu.memref_slice %arg5[%parallel_loop3A_184, %parallel_loop3A_275, %parallel_loop3A_276] : memref<4x32x128xf32, #tpu.memory_space<vmem>> -> memref<1x32x128xf32, #tpu.memory_space<vmem>>
          %parallel_loop3A_278 = tpu.memref_squeeze %parallel_loop3A_277 : memref<1x32x128xf32, #tpu.memory_space<vmem>> -> memref<32x128xf32, #tpu.memory_space<vmem>>
          tpu.vector_store_idx %parallel_loop3A_278[%parallel_loop3A_274, %parallel_loop3A_233], %parallel_loop3A_271 : memref<32x128xf32, #tpu.memory_space<vmem>>[vector<16xi32>, vector<16xi32>], vector<16xf32>,
          %parallel_loop3A_279 = arith.constant 48 : i32
          %parallel_loop3A_280 = vector.broadcast %parallel_loop3A_279 : i32 to vector<16xi32>
          %parallel_loop3A_281 = arith.addi %iota3A, %parallel_loop3A_280 : vector<16xi32>
          %parallel_loop3A_282 = arith.constant 0 : i32
          %parallel_loop3A_283 = arith.constant 0 : i32
          %parallel_loop3A_284 = tpu.memref_slice %arg4[%parallel_loop3A_183, %parallel_loop3A_282, %parallel_loop3A_283] : memref<4x32x128xf32, #tpu.memory_space<vmem>> -> memref<1x32x128xf32, #tpu.memory_space<vmem>>
          %parallel_loop3A_285 = tpu.memref_squeeze %parallel_loop3A_284 : memref<1x32x128xf32, #tpu.memory_space<vmem>> -> memref<32x128xf32, #tpu.memory_space<vmem>>
          %parallel_loop3A_286 = tpu.vector_load_idx %parallel_loop3A_285[%parallel_loop3A_221, %parallel_loop3A_281] : memref<32x128xf32, #tpu.memory_space<vmem>>[vector<16xi32>, vector<16xi32>], vector<16xf32>,
          %parallel_loop3A_287 = arith.constant 12 : i32
          %parallel_loop3A_288 = vector.broadcast %parallel_loop3A_287 : i32 to vector<16xi32>
          %parallel_loop3A_289 = arith.addi %parallel_loop3A_227, %parallel_loop3A_288 : vector<16xi32>
          %parallel_loop3A_290 = arith.constant 0 : i32
          %parallel_loop3A_291 = arith.constant 0 : i32
          %parallel_loop3A_292 = tpu.memref_slice %arg5[%parallel_loop3A_184, %parallel_loop3A_290, %parallel_loop3A_291] : memref<4x32x128xf32, #tpu.memory_space<vmem>> -> memref<1x32x128xf32, #tpu.memory_space<vmem>>
          %parallel_loop3A_293 = tpu.memref_squeeze %parallel_loop3A_292 : memref<1x32x128xf32, #tpu.memory_space<vmem>> -> memref<32x128xf32, #tpu.memory_space<vmem>>
          tpu.vector_store_idx %parallel_loop3A_293[%parallel_loop3A_289, %parallel_loop3A_233], %parallel_loop3A_286 : memref<32x128xf32, #tpu.memory_space<vmem>>[vector<16xi32>, vector<16xi32>], vector<16xf32>,
          %parallel_loop3A_294 = arith.constant 64 : i32
          %parallel_loop3A_295 = vector.broadcast %parallel_loop3A_294 : i32 to vector<16xi32>
          %parallel_loop3A_296 = arith.addi %iota3A, %parallel_loop3A_295 : vector<16xi32>
          %parallel_loop3A_297 = arith.constant 0 : i32
          %parallel_loop3A_298 = arith.constant 0 : i32
          %parallel_loop3A_299 = tpu.memref_slice %arg4[%parallel_loop3A_183, %parallel_loop3A_297, %parallel_loop3A_298] : memref<4x32x128xf32, #tpu.memory_space<vmem>> -> memref<1x32x128xf32, #tpu.memory_space<vmem>>
          %parallel_loop3A_300 = tpu.memref_squeeze %parallel_loop3A_299 : memref<1x32x128xf32, #tpu.memory_space<vmem>> -> memref<32x128xf32, #tpu.memory_space<vmem>>
          %parallel_loop3A_301 = tpu.vector_load_idx %parallel_loop3A_300[%parallel_loop3A_221, %parallel_loop3A_296] : memref<32x128xf32, #tpu.memory_space<vmem>>[vector<16xi32>, vector<16xi32>], vector<16xf32>,
          %parallel_loop3A_302 = arith.constant 16 : i32
          %parallel_loop3A_303 = vector.broadcast %parallel_loop3A_302 : i32 to vector<16xi32>
          %parallel_loop3A_304 = arith.addi %parallel_loop3A_227, %parallel_loop3A_303 : vector<16xi32>
          %parallel_loop3A_305 = arith.constant 0 : i32
          %parallel_loop3A_306 = arith.constant 0 : i32
          %parallel_loop3A_307 = tpu.memref_slice %arg5[%parallel_loop3A_184, %parallel_loop3A_305, %parallel_loop3A_306] : memref<4x32x128xf32, #tpu.memory_space<vmem>> -> memref<1x32x128xf32, #tpu.memory_space<vmem>>
          %parallel_loop3A_308 = tpu.memref_squeeze %parallel_loop3A_307 : memref<1x32x128xf32, #tpu.memory_space<vmem>> -> memref<32x128xf32, #tpu.memory_space<vmem>>
          tpu.vector_store_idx %parallel_loop3A_308[%parallel_loop3A_304, %parallel_loop3A_233], %parallel_loop3A_301 : memref<32x128xf32, #tpu.memory_space<vmem>>[vector<16xi32>, vector<16xi32>], vector<16xf32>,
          %parallel_loop3A_309 = arith.constant 80 : i32
          %parallel_loop3A_310 = vector.broadcast %parallel_loop3A_309 : i32 to vector<16xi32>
          %parallel_loop3A_311 = arith.addi %iota3A, %parallel_loop3A_310 : vector<16xi32>
          %parallel_loop3A_312 = arith.constant 0 : i32
          %parallel_loop3A_313 = arith.constant 0 : i32
          %parallel_loop3A_314 = tpu.memref_slice %arg4[%parallel_loop3A_183, %parallel_loop3A_312, %parallel_loop3A_313] : memref<4x32x128xf32, #tpu.memory_space<vmem>> -> memref<1x32x128xf32, #tpu.memory_space<vmem>>
          %parallel_loop3A_315 = tpu.memref_squeeze %parallel_loop3A_314 : memref<1x32x128xf32, #tpu.memory_space<vmem>> -> memref<32x128xf32, #tpu.memory_space<vmem>>
          %parallel_loop3A_316 = tpu.vector_load_idx %parallel_loop3A_315[%parallel_loop3A_221, %parallel_loop3A_311] : memref<32x128xf32, #tpu.memory_space<vmem>>[vector<16xi32>, vector<16xi32>], vector<16xf32>,
          %parallel_loop3A_317 = arith.constant 20 : i32
          %parallel_loop3A_318 = vector.broadcast %parallel_loop3A_317 : i32 to vector<16xi32>
          %parallel_loop3A_319 = arith.addi %parallel_loop3A_227, %parallel_loop3A_318 : vector<16xi32>
          %parallel_loop3A_320 = arith.constant 0 : i32
          %parallel_loop3A_321 = arith.constant 0 : i32
          %parallel_loop3A_322 = tpu.memref_slice %arg5[%parallel_loop3A_184, %parallel_loop3A_320, %parallel_loop3A_321] : memref<4x32x128xf32, #tpu.memory_space<vmem>> -> memref<1x32x128xf32, #tpu.memory_space<vmem>>
          %parallel_loop3A_323 = tpu.memref_squeeze %parallel_loop3A_322 : memref<1x32x128xf32, #tpu.memory_space<vmem>> -> memref<32x128xf32, #tpu.memory_space<vmem>>
          tpu.vector_store_idx %parallel_loop3A_323[%parallel_loop3A_319, %parallel_loop3A_233], %parallel_loop3A_316 : memref<32x128xf32, #tpu.memory_space<vmem>>[vector<16xi32>, vector<16xi32>], vector<16xf32>,
          %parallel_loop3A_324 = arith.constant 96 : i32
          %parallel_loop3A_325 = vector.broadcast %parallel_loop3A_324 : i32 to vector<16xi32>
          %parallel_loop3A_326 = arith.addi %iota3A, %parallel_loop3A_325 : vector<16xi32>
          %parallel_loop3A_327 = arith.constant 0 : i32
          %parallel_loop3A_328 = arith.constant 0 : i32
          %parallel_loop3A_329 = tpu.memref_slice %arg4[%parallel_loop3A_183, %parallel_loop3A_327, %parallel_loop3A_328] : memref<4x32x128xf32, #tpu.memory_space<vmem>> -> memref<1x32x128xf32, #tpu.memory_space<vmem>>
          %parallel_loop3A_330 = tpu.memref_squeeze %parallel_loop3A_329 : memref<1x32x128xf32, #tpu.memory_space<vmem>> -> memref<32x128xf32, #tpu.memory_space<vmem>>
          %parallel_loop3A_331 = tpu.vector_load_idx %parallel_loop3A_330[%parallel_loop3A_221, %parallel_loop3A_326] : memref<32x128xf32, #tpu.memory_space<vmem>>[vector<16xi32>, vector<16xi32>], vector<16xf32>,
          %parallel_loop3A_332 = arith.constant 24 : i32
          %parallel_loop3A_333 = vector.broadcast %parallel_loop3A_332 : i32 to vector<16xi32>
          %parallel_loop3A_334 = arith.addi %parallel_loop3A_227, %parallel_loop3A_333 : vector<16xi32>
          %parallel_loop3A_335 = arith.constant 0 : i32
          %parallel_loop3A_336 = arith.constant 0 : i32
          %parallel_loop3A_337 = tpu.memref_slice %arg5[%parallel_loop3A_184, %parallel_loop3A_335, %parallel_loop3A_336] : memref<4x32x128xf32, #tpu.memory_space<vmem>> -> memref<1x32x128xf32, #tpu.memory_space<vmem>>
          %parallel_loop3A_338 = tpu.memref_squeeze %parallel_loop3A_337 : memref<1x32x128xf32, #tpu.memory_space<vmem>> -> memref<32x128xf32, #tpu.memory_space<vmem>>
          tpu.vector_store_idx %parallel_loop3A_338[%parallel_loop3A_334, %parallel_loop3A_233], %parallel_loop3A_331 : memref<32x128xf32, #tpu.memory_space<vmem>>[vector<16xi32>, vector<16xi32>], vector<16xf32>,
          %parallel_loop3A_339 = arith.constant 112 : i32
          %parallel_loop3A_340 = vector.broadcast %parallel_loop3A_339 : i32 to vector<16xi32>
          %parallel_loop3A_341 = arith.addi %iota3A, %parallel_loop3A_340 : vector<16xi32>
          %parallel_loop3A_342 = arith.constant 0 : i32
          %parallel_loop3A_343 = arith.constant 0 : i32
          %parallel_loop3A_344 = tpu.memref_slice %arg4[%parallel_loop3A_183, %parallel_loop3A_342, %parallel_loop3A_343] : memref<4x32x128xf32, #tpu.memory_space<vmem>> -> memref<1x32x128xf32, #tpu.memory_space<vmem>>
          %parallel_loop3A_345 = tpu.memref_squeeze %parallel_loop3A_344 : memref<1x32x128xf32, #tpu.memory_space<vmem>> -> memref<32x128xf32, #tpu.memory_space<vmem>>
          %parallel_loop3A_346 = tpu.vector_load_idx %parallel_loop3A_345[%parallel_loop3A_221, %parallel_loop3A_341] : memref<32x128xf32, #tpu.memory_space<vmem>>[vector<16xi32>, vector<16xi32>], vector<16xf32>,
          %parallel_loop3A_347 = arith.constant 28 : i32
          %parallel_loop3A_348 = vector.broadcast %parallel_loop3A_347 : i32 to vector<16xi32>
          %parallel_loop3A_349 = arith.addi %parallel_loop3A_227, %parallel_loop3A_348 : vector<16xi32>
          %parallel_loop3A_350 = arith.constant 0 : i32
          %parallel_loop3A_351 = arith.constant 0 : i32
          %parallel_loop3A_352 = tpu.memref_slice %arg5[%parallel_loop3A_184, %parallel_loop3A_350, %parallel_loop3A_351] : memref<4x32x128xf32, #tpu.memory_space<vmem>> -> memref<1x32x128xf32, #tpu.memory_space<vmem>>
          %parallel_loop3A_353 = tpu.memref_squeeze %parallel_loop3A_352 : memref<1x32x128xf32, #tpu.memory_space<vmem>> -> memref<32x128xf32, #tpu.memory_space<vmem>>
          tpu.vector_store_idx %parallel_loop3A_353[%parallel_loop3A_349, %parallel_loop3A_233], %parallel_loop3A_346 : memref<32x128xf32, #tpu.memory_space<vmem>>[vector<16xi32>, vector<16xi32>], vector<16xf32>,
          %parallel_loop3A_354 = arith.constant 16 : i32
          %parallel_loop3A_355 = vector.broadcast %parallel_loop3A_354 : i32 to vector<16xi32>
          %parallel_loop3A_356 = arith.addi %parallel_loop3A_355, %parallel_loop3A_214 : vector<16xi32>
          %parallel_loop3A_357 = arith.constant 16 : i32
          %parallel_loop3A_358 = vector.broadcast %parallel_loop3A_357 : i32 to vector<16xi32>
          %parallel_loop3A_359 = arith.addi %parallel_loop3A_218, %parallel_loop3A_358 : vector<16xi32>
          %parallel_loop3A_360 = arith.constant 7 : i32
          %parallel_loop3A_361 = vector.broadcast %parallel_loop3A_360 : i32 to vector<16xi32>
          %parallel_loop3A_362 = arith.shrsi %parallel_loop3A_359, %parallel_loop3A_361 : vector<16xi32>
          %parallel_loop3A_363 = arith.constant 16 : i32
          %parallel_loop3A_364 = vector.broadcast %parallel_loop3A_363 : i32 to vector<16xi32>
          %parallel_loop3A_365 = arith.addi %parallel_loop3A_218, %parallel_loop3A_364 : vector<16xi32>
          %parallel_loop3A_366 = arith.constant 127 : i32
          %parallel_loop3A_367 = vector.broadcast %parallel_loop3A_366 : i32 to vector<16xi32>
          %parallel_loop3A_368 = arith.andi %parallel_loop3A_365, %parallel_loop3A_367 : vector<16xi32>
          %parallel_loop3A_369 = arith.constant 0 : i32
          %parallel_loop3A_370 = vector.broadcast %parallel_loop3A_369 : i32 to vector<16xi32>
          %parallel_loop3A_371 = arith.addi %iota3A, %parallel_loop3A_370 : vector<16xi32>
          %parallel_loop3A_372 = arith.constant 0 : i32
          %parallel_loop3A_373 = arith.constant 0 : i32
          %parallel_loop3A_374 = tpu.memref_slice %arg4[%parallel_loop3A_183, %parallel_loop3A_372, %parallel_loop3A_373] : memref<4x32x128xf32, #tpu.memory_space<vmem>> -> memref<1x32x128xf32, #tpu.memory_space<vmem>>
          %parallel_loop3A_375 = tpu.memref_squeeze %parallel_loop3A_374 : memref<1x32x128xf32, #tpu.memory_space<vmem>> -> memref<32x128xf32, #tpu.memory_space<vmem>>
          %parallel_loop3A_376 = tpu.vector_load_idx %parallel_loop3A_375[%parallel_loop3A_356, %parallel_loop3A_371] : memref<32x128xf32, #tpu.memory_space<vmem>>[vector<16xi32>, vector<16xi32>], vector<16xf32>,
          %parallel_loop3A_377 = arith.constant 0 : i32
          %parallel_loop3A_378 = vector.broadcast %parallel_loop3A_377 : i32 to vector<16xi32>
          %parallel_loop3A_379 = arith.addi %parallel_loop3A_362, %parallel_loop3A_378 : vector<16xi32>
          %parallel_loop3A_380 = arith.constant 0 : i32
          %parallel_loop3A_381 = arith.constant 0 : i32
          %parallel_loop3A_382 = tpu.memref_slice %arg5[%parallel_loop3A_184, %parallel_loop3A_380, %parallel_loop3A_381] : memref<4x32x128xf32, #tpu.memory_space<vmem>> -> memref<1x32x128xf32, #tpu.memory_space<vmem>>
          %parallel_loop3A_383 = tpu.memref_squeeze %parallel_loop3A_382 : memref<1x32x128xf32, #tpu.memory_space<vmem>> -> memref<32x128xf32, #tpu.memory_space<vmem>>
          tpu.vector_store_idx %parallel_loop3A_383[%parallel_loop3A_379, %parallel_loop3A_368], %parallel_loop3A_376 : memref<32x128xf32, #tpu.memory_space<vmem>>[vector<16xi32>, vector<16xi32>], vector<16xf32>,
          %parallel_loop3A_384 = arith.constant 16 : i32
          %parallel_loop3A_385 = vector.broadcast %parallel_loop3A_384 : i32 to vector<16xi32>
          %parallel_loop3A_386 = arith.addi %iota3A, %parallel_loop3A_385 : vector<16xi32>
          %parallel_loop3A_387 = arith.constant 0 : i32
          %parallel_loop3A_388 = arith.constant 0 : i32
          %parallel_loop3A_389 = tpu.memref_slice %arg4[%parallel_loop3A_183, %parallel_loop3A_387, %parallel_loop3A_388] : memref<4x32x128xf32, #tpu.memory_space<vmem>> -> memref<1x32x128xf32, #tpu.memory_space<vmem>>
          %parallel_loop3A_390 = tpu.memref_squeeze %parallel_loop3A_389 : memref<1x32x128xf32, #tpu.memory_space<vmem>> -> memref<32x128xf32, #tpu.memory_space<vmem>>
          %parallel_loop3A_391 = tpu.vector_load_idx %parallel_loop3A_390[%parallel_loop3A_356, %parallel_loop3A_386] : memref<32x128xf32, #tpu.memory_space<vmem>>[vector<16xi32>, vector<16xi32>], vector<16xf32>,
          %parallel_loop3A_392 = arith.constant 4 : i32
          %parallel_loop3A_393 = vector.broadcast %parallel_loop3A_392 : i32 to vector<16xi32>
          %parallel_loop3A_394 = arith.addi %parallel_loop3A_362, %parallel_loop3A_393 : vector<16xi32>
          %parallel_loop3A_395 = arith.constant 0 : i32
          %parallel_loop3A_396 = arith.constant 0 : i32
          %parallel_loop3A_397 = tpu.memref_slice %arg5[%parallel_loop3A_184, %parallel_loop3A_395, %parallel_loop3A_396] : memref<4x32x128xf32, #tpu.memory_space<vmem>> -> memref<1x32x128xf32, #tpu.memory_space<vmem>>
          %parallel_loop3A_398 = tpu.memref_squeeze %parallel_loop3A_397 : memref<1x32x128xf32, #tpu.memory_space<vmem>> -> memref<32x128xf32, #tpu.memory_space<vmem>>
          tpu.vector_store_idx %parallel_loop3A_398[%parallel_loop3A_394, %parallel_loop3A_368], %parallel_loop3A_391 : memref<32x128xf32, #tpu.memory_space<vmem>>[vector<16xi32>, vector<16xi32>], vector<16xf32>,
          %parallel_loop3A_399 = arith.constant 32 : i32
          %parallel_loop3A_400 = vector.broadcast %parallel_loop3A_399 : i32 to vector<16xi32>
          %parallel_loop3A_401 = arith.addi %iota3A, %parallel_loop3A_400 : vector<16xi32>
          %parallel_loop3A_402 = arith.constant 0 : i32
          %parallel_loop3A_403 = arith.constant 0 : i32
          %parallel_loop3A_404 = tpu.memref_slice %arg4[%parallel_loop3A_183, %parallel_loop3A_402, %parallel_loop3A_403] : memref<4x32x128xf32, #tpu.memory_space<vmem>> -> memref<1x32x128xf32, #tpu.memory_space<vmem>>
          %parallel_loop3A_405 = tpu.memref_squeeze %parallel_loop3A_404 : memref<1x32x128xf32, #tpu.memory_space<vmem>> -> memref<32x128xf32, #tpu.memory_space<vmem>>
          %parallel_loop3A_406 = tpu.vector_load_idx %parallel_loop3A_405[%parallel_loop3A_356, %parallel_loop3A_401] : memref<32x128xf32, #tpu.memory_space<vmem>>[vector<16xi32>, vector<16xi32>], vector<16xf32>,
          %parallel_loop3A_407 = arith.constant 8 : i32
          %parallel_loop3A_408 = vector.broadcast %parallel_loop3A_407 : i32 to vector<16xi32>
          %parallel_loop3A_409 = arith.addi %parallel_loop3A_362, %parallel_loop3A_408 : vector<16xi32>
          %parallel_loop3A_410 = arith.constant 0 : i32
          %parallel_loop3A_411 = arith.constant 0 : i32
          %parallel_loop3A_412 = tpu.memref_slice %arg5[%parallel_loop3A_184, %parallel_loop3A_410, %parallel_loop3A_411] : memref<4x32x128xf32, #tpu.memory_space<vmem>> -> memref<1x32x128xf32, #tpu.memory_space<vmem>>
          %parallel_loop3A_413 = tpu.memref_squeeze %parallel_loop3A_412 : memref<1x32x128xf32, #tpu.memory_space<vmem>> -> memref<32x128xf32, #tpu.memory_space<vmem>>
          tpu.vector_store_idx %parallel_loop3A_413[%parallel_loop3A_409, %parallel_loop3A_368], %parallel_loop3A_406 : memref<32x128xf32, #tpu.memory_space<vmem>>[vector<16xi32>, vector<16xi32>], vector<16xf32>,
          %parallel_loop3A_414 = arith.constant 48 : i32
          %parallel_loop3A_415 = vector.broadcast %parallel_loop3A_414 : i32 to vector<16xi32>
          %parallel_loop3A_416 = arith.addi %iota3A, %parallel_loop3A_415 : vector<16xi32>
          %parallel_loop3A_417 = arith.constant 0 : i32
          %parallel_loop3A_418 = arith.constant 0 : i32
          %parallel_loop3A_419 = tpu.memref_slice %arg4[%parallel_loop3A_183, %parallel_loop3A_417, %parallel_loop3A_418] : memref<4x32x128xf32, #tpu.memory_space<vmem>> -> memref<1x32x128xf32, #tpu.memory_space<vmem>>
          %parallel_loop3A_420 = tpu.memref_squeeze %parallel_loop3A_419 : memref<1x32x128xf32, #tpu.memory_space<vmem>> -> memref<32x128xf32, #tpu.memory_space<vmem>>
          %parallel_loop3A_421 = tpu.vector_load_idx %parallel_loop3A_420[%parallel_loop3A_356, %parallel_loop3A_416] : memref<32x128xf32, #tpu.memory_space<vmem>>[vector<16xi32>, vector<16xi32>], vector<16xf32>,
          %parallel_loop3A_422 = arith.constant 12 : i32
          %parallel_loop3A_423 = vector.broadcast %parallel_loop3A_422 : i32 to vector<16xi32>
          %parallel_loop3A_424 = arith.addi %parallel_loop3A_362, %parallel_loop3A_423 : vector<16xi32>
          %parallel_loop3A_425 = arith.constant 0 : i32
          %parallel_loop3A_426 = arith.constant 0 : i32
          %parallel_loop3A_427 = tpu.memref_slice %arg5[%parallel_loop3A_184, %parallel_loop3A_425, %parallel_loop3A_426] : memref<4x32x128xf32, #tpu.memory_space<vmem>> -> memref<1x32x128xf32, #tpu.memory_space<vmem>>
          %parallel_loop3A_428 = tpu.memref_squeeze %parallel_loop3A_427 : memref<1x32x128xf32, #tpu.memory_space<vmem>> -> memref<32x128xf32, #tpu.memory_space<vmem>>
          tpu.vector_store_idx %parallel_loop3A_428[%parallel_loop3A_424, %parallel_loop3A_368], %parallel_loop3A_421 : memref<32x128xf32, #tpu.memory_space<vmem>>[vector<16xi32>, vector<16xi32>], vector<16xf32>,
          %parallel_loop3A_429 = arith.constant 64 : i32
          %parallel_loop3A_430 = vector.broadcast %parallel_loop3A_429 : i32 to vector<16xi32>
          %parallel_loop3A_431 = arith.addi %iota3A, %parallel_loop3A_430 : vector<16xi32>
          %parallel_loop3A_432 = arith.constant 0 : i32
          %parallel_loop3A_433 = arith.constant 0 : i32
          %parallel_loop3A_434 = tpu.memref_slice %arg4[%parallel_loop3A_183, %parallel_loop3A_432, %parallel_loop3A_433] : memref<4x32x128xf32, #tpu.memory_space<vmem>> -> memref<1x32x128xf32, #tpu.memory_space<vmem>>
          %parallel_loop3A_435 = tpu.memref_squeeze %parallel_loop3A_434 : memref<1x32x128xf32, #tpu.memory_space<vmem>> -> memref<32x128xf32, #tpu.memory_space<vmem>>
          %parallel_loop3A_436 = tpu.vector_load_idx %parallel_loop3A_435[%parallel_loop3A_356, %parallel_loop3A_431] : memref<32x128xf32, #tpu.memory_space<vmem>>[vector<16xi32>, vector<16xi32>], vector<16xf32>,
          %parallel_loop3A_437 = arith.constant 16 : i32
          %parallel_loop3A_438 = vector.broadcast %parallel_loop3A_437 : i32 to vector<16xi32>
          %parallel_loop3A_439 = arith.addi %parallel_loop3A_362, %parallel_loop3A_438 : vector<16xi32>
          %parallel_loop3A_440 = arith.constant 0 : i32
          %parallel_loop3A_441 = arith.constant 0 : i32
          %parallel_loop3A_442 = tpu.memref_slice %arg5[%parallel_loop3A_184, %parallel_loop3A_440, %parallel_loop3A_441] : memref<4x32x128xf32, #tpu.memory_space<vmem>> -> memref<1x32x128xf32, #tpu.memory_space<vmem>>
          %parallel_loop3A_443 = tpu.memref_squeeze %parallel_loop3A_442 : memref<1x32x128xf32, #tpu.memory_space<vmem>> -> memref<32x128xf32, #tpu.memory_space<vmem>>
          tpu.vector_store_idx %parallel_loop3A_443[%parallel_loop3A_439, %parallel_loop3A_368], %parallel_loop3A_436 : memref<32x128xf32, #tpu.memory_space<vmem>>[vector<16xi32>, vector<16xi32>], vector<16xf32>,
          %parallel_loop3A_444 = arith.constant 80 : i32
          %parallel_loop3A_445 = vector.broadcast %parallel_loop3A_444 : i32 to vector<16xi32>
          %parallel_loop3A_446 = arith.addi %iota3A, %parallel_loop3A_445 : vector<16xi32>
          %parallel_loop3A_447 = arith.constant 0 : i32
          %parallel_loop3A_448 = arith.constant 0 : i32
          %parallel_loop3A_449 = tpu.memref_slice %arg4[%parallel_loop3A_183, %parallel_loop3A_447, %parallel_loop3A_448] : memref<4x32x128xf32, #tpu.memory_space<vmem>> -> memref<1x32x128xf32, #tpu.memory_space<vmem>>
          %parallel_loop3A_450 = tpu.memref_squeeze %parallel_loop3A_449 : memref<1x32x128xf32, #tpu.memory_space<vmem>> -> memref<32x128xf32, #tpu.memory_space<vmem>>
          %parallel_loop3A_451 = tpu.vector_load_idx %parallel_loop3A_450[%parallel_loop3A_356, %parallel_loop3A_446] : memref<32x128xf32, #tpu.memory_space<vmem>>[vector<16xi32>, vector<16xi32>], vector<16xf32>,
          %parallel_loop3A_452 = arith.constant 20 : i32
          %parallel_loop3A_453 = vector.broadcast %parallel_loop3A_452 : i32 to vector<16xi32>
          %parallel_loop3A_454 = arith.addi %parallel_loop3A_362, %parallel_loop3A_453 : vector<16xi32>
          %parallel_loop3A_455 = arith.constant 0 : i32
          %parallel_loop3A_456 = arith.constant 0 : i32
          %parallel_loop3A_457 = tpu.memref_slice %arg5[%parallel_loop3A_184, %parallel_loop3A_455, %parallel_loop3A_456] : memref<4x32x128xf32, #tpu.memory_space<vmem>> -> memref<1x32x128xf32, #tpu.memory_space<vmem>>
          %parallel_loop3A_458 = tpu.memref_squeeze %parallel_loop3A_457 : memref<1x32x128xf32, #tpu.memory_space<vmem>> -> memref<32x128xf32, #tpu.memory_space<vmem>>
          tpu.vector_store_idx %parallel_loop3A_458[%parallel_loop3A_454, %parallel_loop3A_368], %parallel_loop3A_451 : memref<32x128xf32, #tpu.memory_space<vmem>>[vector<16xi32>, vector<16xi32>], vector<16xf32>,
          %parallel_loop3A_459 = arith.constant 96 : i32
          %parallel_loop3A_460 = vector.broadcast %parallel_loop3A_459 : i32 to vector<16xi32>
          %parallel_loop3A_461 = arith.addi %iota3A, %parallel_loop3A_460 : vector<16xi32>
          %parallel_loop3A_462 = arith.constant 0 : i32
          %parallel_loop3A_463 = arith.constant 0 : i32
          %parallel_loop3A_464 = tpu.memref_slice %arg4[%parallel_loop3A_183, %parallel_loop3A_462, %parallel_loop3A_463] : memref<4x32x128xf32, #tpu.memory_space<vmem>> -> memref<1x32x128xf32, #tpu.memory_space<vmem>>
          %parallel_loop3A_465 = tpu.memref_squeeze %parallel_loop3A_464 : memref<1x32x128xf32, #tpu.memory_space<vmem>> -> memref<32x128xf32, #tpu.memory_space<vmem>>
          %parallel_loop3A_466 = tpu.vector_load_idx %parallel_loop3A_465[%parallel_loop3A_356, %parallel_loop3A_461] : memref<32x128xf32, #tpu.memory_space<vmem>>[vector<16xi32>, vector<16xi32>], vector<16xf32>,
          %parallel_loop3A_467 = arith.constant 24 : i32
          %parallel_loop3A_468 = vector.broadcast %parallel_loop3A_467 : i32 to vector<16xi32>
          %parallel_loop3A_469 = arith.addi %parallel_loop3A_362, %parallel_loop3A_468 : vector<16xi32>
          %parallel_loop3A_470 = arith.constant 0 : i32
          %parallel_loop3A_471 = arith.constant 0 : i32
          %parallel_loop3A_472 = tpu.memref_slice %arg5[%parallel_loop3A_184, %parallel_loop3A_470, %parallel_loop3A_471] : memref<4x32x128xf32, #tpu.memory_space<vmem>> -> memref<1x32x128xf32, #tpu.memory_space<vmem>>
          %parallel_loop3A_473 = tpu.memref_squeeze %parallel_loop3A_472 : memref<1x32x128xf32, #tpu.memory_space<vmem>> -> memref<32x128xf32, #tpu.memory_space<vmem>>
          tpu.vector_store_idx %parallel_loop3A_473[%parallel_loop3A_469, %parallel_loop3A_368], %parallel_loop3A_466 : memref<32x128xf32, #tpu.memory_space<vmem>>[vector<16xi32>, vector<16xi32>], vector<16xf32>,
          %parallel_loop3A_474 = arith.constant 112 : i32
          %parallel_loop3A_475 = vector.broadcast %parallel_loop3A_474 : i32 to vector<16xi32>
          %parallel_loop3A_476 = arith.addi %iota3A, %parallel_loop3A_475 : vector<16xi32>
          %parallel_loop3A_477 = arith.constant 0 : i32
          %parallel_loop3A_478 = arith.constant 0 : i32
          %parallel_loop3A_479 = tpu.memref_slice %arg4[%parallel_loop3A_183, %parallel_loop3A_477, %parallel_loop3A_478] : memref<4x32x128xf32, #tpu.memory_space<vmem>> -> memref<1x32x128xf32, #tpu.memory_space<vmem>>
          %parallel_loop3A_480 = tpu.memref_squeeze %parallel_loop3A_479 : memref<1x32x128xf32, #tpu.memory_space<vmem>> -> memref<32x128xf32, #tpu.memory_space<vmem>>
          %parallel_loop3A_481 = tpu.vector_load_idx %parallel_loop3A_480[%parallel_loop3A_356, %parallel_loop3A_476] : memref<32x128xf32, #tpu.memory_space<vmem>>[vector<16xi32>, vector<16xi32>], vector<16xf32>,
          %parallel_loop3A_482 = arith.constant 28 : i32
          %parallel_loop3A_483 = vector.broadcast %parallel_loop3A_482 : i32 to vector<16xi32>
          %parallel_loop3A_484 = arith.addi %parallel_loop3A_362, %parallel_loop3A_483 : vector<16xi32>
          %parallel_loop3A_485 = arith.constant 0 : i32
          %parallel_loop3A_486 = arith.constant 0 : i32
          %parallel_loop3A_487 = tpu.memref_slice %arg5[%parallel_loop3A_184, %parallel_loop3A_485, %parallel_loop3A_486] : memref<4x32x128xf32, #tpu.memory_space<vmem>> -> memref<1x32x128xf32, #tpu.memory_space<vmem>>
          %parallel_loop3A_488 = tpu.memref_squeeze %parallel_loop3A_487 : memref<1x32x128xf32, #tpu.memory_space<vmem>> -> memref<32x128xf32, #tpu.memory_space<vmem>>
          tpu.vector_store_idx %parallel_loop3A_488[%parallel_loop3A_484, %parallel_loop3A_368], %parallel_loop3A_481 : memref<32x128xf32, #tpu.memory_space<vmem>>[vector<16xi32>, vector<16xi32>], vector<16xf32>,
        } {sc.loop_unroll_factor = 4 : i64, sc.parallel_access}
        %mul3A_185 = arith.constant 32 : i32
        %mul3A_186 = arith.muli %add3A_153, %mul3A_185 : i32
        %dma_start3A = arith.constant 3 : i32
        %dma_start3A_187 = arith.constant 3 : i32
        %dma_start3A_188 = arith.constant 0 : i32
        %dma_start3A_189 = arith.constant 0 : i32
        %dma_start3A_190 = tpu.memref_slice %arg5[%dma_start3A, %dma_start3A_188, %dma_start3A_189] : memref<4x32x128xf32, #tpu.memory_space<vmem>> -> memref<1x32x128xf32, #tpu.memory_space<vmem>>
        %dma_start3A_191 = tpu.memref_squeeze %dma_start3A_190 : memref<1x32x128xf32, #tpu.memory_space<vmem>> -> memref<32x128xf32, #tpu.memory_space<vmem>>
        %dma_start3A_192 = arith.constant 0 : i32
        %dma_start3A_193 = tpu.memref_slice %arg3[%mul3A_186, %dma_start3A_192] : memref<250000x128xf32, #tpu.memory_space<hbm>> -> memref<32x128xf32, #tpu.memory_space<hbm>>
        %dma_start3A_194 = tpu.memref_slice %arg9[%dma_start3A_187] : memref<4x!tpu.dma_semaphore, #tpu.memory_space<semaphore_mem>> -> memref<1x!tpu.dma_semaphore, #tpu.memory_space<semaphore_mem>>
        %dma_start3A_195 = tpu.memref_squeeze %dma_start3A_194 : memref<1x!tpu.dma_semaphore, #tpu.memory_space<semaphore_mem>> -> memref<!tpu.dma_semaphore, #tpu.memory_space<semaphore_mem>>
        %dma_start3A_196 = arith.constant 0 : i32
        %dma_start3A_197 = tpu.memref_slice %arg3[%mul3A_186, %dma_start3A_196] : memref<250000x128xf32, #tpu.memory_space<hbm>> -> memref<32x128xf32, #tpu.memory_space<hbm>>
        %dma_start3A_198 = arith.constant 0 : i32
        %dma_start3A_199 = arith.constant 0 : i32
        %dma_start3A_200 = tpu.memref_slice %arg5[%dma_start3A, %dma_start3A_198, %dma_start3A_199] : memref<4x32x128xf32, #tpu.memory_space<vmem>> -> memref<1x32x128xf32, #tpu.memory_space<vmem>>
        %dma_start3A_201 = tpu.memref_squeeze %dma_start3A_200 : memref<1x32x128xf32, #tpu.memory_space<vmem>> -> memref<32x128xf32, #tpu.memory_space<vmem>>
        tpu.enqueue_dma source(%dma_start3A_201 : memref<32x128xf32, #tpu.memory_space<vmem>>) target(%dma_start3A_197 : memref<32x128xf32, #tpu.memory_space<hbm>>) target_semaphore(%dma_start3A_195 : memref<!tpu.dma_semaphore, #tpu.memory_space<semaphore_mem>>)
        %add3A_202 = arith.constant 128 : i32
        %add3A_203 = arith.addi %add3A_153, %add3A_202 : i32
        %lt3A_204 = arith.constant 7812 : i32
        %lt3A_205 = arith.cmpi slt, %add3A_203, %lt3A_204 : i32
        %convert_element_type3A_206 = arith.extui %lt3A_205 : i1 to i32
        %cond3A_207 = arith.constant 0 : i32
        %cond3A_208 = arith.cmpi ne, %convert_element_type3A_206, %cond3A_207 : i32
        scf.if %cond3A_208 {
          %add3A_209 = arith.constant 128 : i32
          %add3A_210 = arith.addi %add3A_153, %add3A_209 : i32
          %mul3A_211 = arith.constant 128 : i32
          %mul3A_212 = arith.muli %add3A_210, %mul3A_211 : i32
          %dma_start3A_213 = arith.constant 3 : i32
          %dma_start3A_214 = arith.constant 3 : i32
          %dma_start3A_215 = arith.constant 0 : i32
          %dma_start3A_216 = arith.constant 0 : i32
          %dma_start3A_217 = tpu.memref_slice %arg4[%dma_start3A_213, %dma_start3A_215, %dma_start3A_216] : memref<4x32x128xf32, #tpu.memory_space<vmem>> -> memref<1x32x128xf32, #tpu.memory_space<vmem>>
          %dma_start3A_218 = tpu.memref_squeeze %dma_start3A_217 : memref<1x32x128xf32, #tpu.memory_space<vmem>> -> memref<32x128xf32, #tpu.memory_space<vmem>>
          %dma_start3A_219 = arith.constant 0 : i32
          %dma_start3A_220 = tpu.memref_slice %arg2[%dma_start3A_219, %mul3A_212] : memref<32x1000000xf32, #tpu.memory_space<hbm>> -> memref<32x128xf32, #tpu.memory_space<hbm>>
          %dma_start3A_221 = tpu.memref_slice %arg8[%dma_start3A_214] : memref<4x!tpu.dma_semaphore, #tpu.memory_space<semaphore_mem>> -> memref<1x!tpu.dma_semaphore, #tpu.memory_space<semaphore_mem>>
          %dma_start3A_222 = tpu.memref_squeeze %dma_start3A_221 : memref<1x!tpu.dma_semaphore, #tpu.memory_space<semaphore_mem>> -> memref<!tpu.dma_semaphore, #tpu.memory_space<semaphore_mem>>
          %dma_start3A_223 = arith.constant 0 : i32
          %dma_start3A_224 = arith.constant 0 : i32
          %dma_start3A_225 = tpu.memref_slice %arg4[%dma_start3A_213, %dma_start3A_223, %dma_start3A_224] : memref<4x32x128xf32, #tpu.memory_space<vmem>> -> memref<1x32x128xf32, #tpu.memory_space<vmem>>
          %dma_start3A_226 = tpu.memref_squeeze %dma_start3A_225 : memref<1x32x128xf32, #tpu.memory_space<vmem>> -> memref<32x128xf32, #tpu.memory_space<vmem>>
          %dma_start3A_227 = arith.constant 0 : i32
          %dma_start3A_228 = tpu.memref_slice %arg2[%dma_start3A_227, %mul3A_212] : memref<32x1000000xf32, #tpu.memory_space<hbm>> -> memref<32x128xf32, #tpu.memory_space<hbm>>
          tpu.enqueue_dma source(%dma_start3A_228 : memref<32x128xf32, #tpu.memory_space<hbm>>) target(%dma_start3A_226 : memref<32x128xf32, #tpu.memory_space<vmem>>) target_semaphore(%dma_start3A_222 : memref<!tpu.dma_semaphore, #tpu.memory_space<semaphore_mem>>)
        } else {
        }
      } else {
      }
    }
    %scan3A_29 = arith.constant 62 : i32
    %dma_wait3A = arith.constant 0 : i32
    %dma_wait3A_30 = arith.constant 0 : i32
    %dma_wait3A_31 = arith.constant 0 : i32
    %dma_wait3A_32 = arith.constant 0 : i32
    %dma_wait3A_33 = tpu.memref_slice %arg5[%dma_wait3A, %dma_wait3A_31, %dma_wait3A_32] : memref<4x32x128xf32, #tpu.memory_space<vmem>> -> memref<1x32x128xf32, #tpu.memory_space<vmem>>
    %dma_wait3A_34 = tpu.memref_squeeze %dma_wait3A_33 : memref<1x32x128xf32, #tpu.memory_space<vmem>> -> memref<32x128xf32, #tpu.memory_space<vmem>>
    %dma_wait3A_35 = arith.constant 0 : i32
    %dma_wait3A_36 = arith.constant 0 : i32
    %dma_wait3A_37 = tpu.memref_slice %arg3[%dma_wait3A_35, %dma_wait3A_36] : memref<250000x128xf32, #tpu.memory_space<hbm>> -> memref<32x128xf32, #tpu.memory_space<hbm>>
    %dma_wait3A_38 = tpu.memref_slice %arg9[%dma_wait3A_30] : memref<4x!tpu.dma_semaphore, #tpu.memory_space<semaphore_mem>> -> memref<1x!tpu.dma_semaphore, #tpu.memory_space<semaphore_mem>>
    %dma_wait3A_39 = tpu.memref_squeeze %dma_wait3A_38 : memref<1x!tpu.dma_semaphore, #tpu.memory_space<semaphore_mem>> -> memref<!tpu.dma_semaphore, #tpu.memory_space<semaphore_mem>>
    %dma_wait3A_40 = arith.constant 0 : i32
    %dma_wait3A_41 = arith.constant 0 : i32
    %dma_wait3A_42 = tpu.memref_slice %arg3[%dma_wait3A_40, %dma_wait3A_41] : memref<250000x128xf32, #tpu.memory_space<hbm>> -> memref<32x128xf32, #tpu.memory_space<hbm>>
    %dma_wait3A_43 = arith.constant 0 : i32
    %dma_wait3A_44 = arith.constant 0 : i32
    %dma_wait3A_45 = tpu.memref_slice %arg5[%dma_wait3A, %dma_wait3A_43, %dma_wait3A_44] : memref<4x32x128xf32, #tpu.memory_space<vmem>> -> memref<1x32x128xf32, #tpu.memory_space<vmem>>
    %dma_wait3A_46 = tpu.memref_squeeze %dma_wait3A_45 : memref<1x32x128xf32, #tpu.memory_space<vmem>> -> memref<32x128xf32, #tpu.memory_space<vmem>>
    tpu.wait_dma2 semaphore(%dma_wait3A_39 : memref<!tpu.dma_semaphore, #tpu.memory_space<semaphore_mem>>) src(%dma_wait3A_46 : memref<32x128xf32, #tpu.memory_space<vmem>>) dst(%dma_wait3A_42 : memref<32x128xf32, #tpu.memory_space<hbm>>)
    %dma_wait3A_47 = arith.constant 1 : i32
    %dma_wait3A_48 = arith.constant 1 : i32
    %dma_wait3A_49 = arith.constant 0 : i32
    %dma_wait3A_50 = arith.constant 0 : i32
    %dma_wait3A_51 = tpu.memref_slice %arg5[%dma_wait3A_47, %dma_wait3A_49, %dma_wait3A_50] : memref<4x32x128xf32, #tpu.memory_space<vmem>> -> memref<1x32x128xf32, #tpu.memory_space<vmem>>
    %dma_wait3A_52 = tpu.memref_squeeze %dma_wait3A_51 : memref<1x32x128xf32, #tpu.memory_space<vmem>> -> memref<32x128xf32, #tpu.memory_space<vmem>>
    %dma_wait3A_53 = arith.constant 0 : i32
    %dma_wait3A_54 = arith.constant 0 : i32
    %dma_wait3A_55 = tpu.memref_slice %arg3[%dma_wait3A_53, %dma_wait3A_54] : memref<250000x128xf32, #tpu.memory_space<hbm>> -> memref<32x128xf32, #tpu.memory_space<hbm>>
    %dma_wait3A_56 = tpu.memref_slice %arg9[%dma_wait3A_48] : memref<4x!tpu.dma_semaphore, #tpu.memory_space<semaphore_mem>> -> memref<1x!tpu.dma_semaphore, #tpu.memory_space<semaphore_mem>>
    %dma_wait3A_57 = tpu.memref_squeeze %dma_wait3A_56 : memref<1x!tpu.dma_semaphore, #tpu.memory_space<semaphore_mem>> -> memref<!tpu.dma_semaphore, #tpu.memory_space<semaphore_mem>>
    %dma_wait3A_58 = arith.constant 0 : i32
    %dma_wait3A_59 = arith.constant 0 : i32
    %dma_wait3A_60 = tpu.memref_slice %arg3[%dma_wait3A_58, %dma_wait3A_59] : memref<250000x128xf32, #tpu.memory_space<hbm>> -> memref<32x128xf32, #tpu.memory_space<hbm>>
    %dma_wait3A_61 = arith.constant 0 : i32
    %dma_wait3A_62 = arith.constant 0 : i32
    %dma_wait3A_63 = tpu.memref_slice %arg5[%dma_wait3A_47, %dma_wait3A_61, %dma_wait3A_62] : memref<4x32x128xf32, #tpu.memory_space<vmem>> -> memref<1x32x128xf32, #tpu.memory_space<vmem>>
    %dma_wait3A_64 = tpu.memref_squeeze %dma_wait3A_63 : memref<1x32x128xf32, #tpu.memory_space<vmem>> -> memref<32x128xf32, #tpu.memory_space<vmem>>
    tpu.wait_dma2 semaphore(%dma_wait3A_57 : memref<!tpu.dma_semaphore, #tpu.memory_space<semaphore_mem>>) src(%dma_wait3A_64 : memref<32x128xf32, #tpu.memory_space<vmem>>) dst(%dma_wait3A_60 : memref<32x128xf32, #tpu.memory_space<hbm>>)
    %dma_wait3A_65 = arith.constant 2 : i32
    %dma_wait3A_66 = arith.constant 2 : i32
    %dma_wait3A_67 = arith.constant 0 : i32
    %dma_wait3A_68 = arith.constant 0 : i32
    %dma_wait3A_69 = tpu.memref_slice %arg5[%dma_wait3A_65, %dma_wait3A_67, %dma_wait3A_68] : memref<4x32x128xf32, #tpu.memory_space<vmem>> -> memref<1x32x128xf32, #tpu.memory_space<vmem>>
    %dma_wait3A_70 = tpu.memref_squeeze %dma_wait3A_69 : memref<1x32x128xf32, #tpu.memory_space<vmem>> -> memref<32x128xf32, #tpu.memory_space<vmem>>
    %dma_wait3A_71 = arith.constant 0 : i32
    %dma_wait3A_72 = arith.constant 0 : i32
    %dma_wait3A_73 = tpu.memref_slice %arg3[%dma_wait3A_71, %dma_wait3A_72] : memref<250000x128xf32, #tpu.memory_space<hbm>> -> memref<32x128xf32, #tpu.memory_space<hbm>>
    %dma_wait3A_74 = tpu.memref_slice %arg9[%dma_wait3A_66] : memref<4x!tpu.dma_semaphore, #tpu.memory_space<semaphore_mem>> -> memref<1x!tpu.dma_semaphore, #tpu.memory_space<semaphore_mem>>
    %dma_wait3A_75 = tpu.memref_squeeze %dma_wait3A_74 : memref<1x!tpu.dma_semaphore, #tpu.memory_space<semaphore_mem>> -> memref<!tpu.dma_semaphore, #tpu.memory_space<semaphore_mem>>
    %dma_wait3A_76 = arith.constant 0 : i32
    %dma_wait3A_77 = arith.constant 0 : i32
    %dma_wait3A_78 = tpu.memref_slice %arg3[%dma_wait3A_76, %dma_wait3A_77] : memref<250000x128xf32, #tpu.memory_space<hbm>> -> memref<32x128xf32, #tpu.memory_space<hbm>>
    %dma_wait3A_79 = arith.constant 0 : i32
    %dma_wait3A_80 = arith.constant 0 : i32
    %dma_wait3A_81 = tpu.memref_slice %arg5[%dma_wait3A_65, %dma_wait3A_79, %dma_wait3A_80] : memref<4x32x128xf32, #tpu.memory_space<vmem>> -> memref<1x32x128xf32, #tpu.memory_space<vmem>>
    %dma_wait3A_82 = tpu.memref_squeeze %dma_wait3A_81 : memref<1x32x128xf32, #tpu.memory_space<vmem>> -> memref<32x128xf32, #tpu.memory_space<vmem>>
    tpu.wait_dma2 semaphore(%dma_wait3A_75 : memref<!tpu.dma_semaphore, #tpu.memory_space<semaphore_mem>>) src(%dma_wait3A_82 : memref<32x128xf32, #tpu.memory_space<vmem>>) dst(%dma_wait3A_78 : memref<32x128xf32, #tpu.memory_space<hbm>>)
    %dma_wait3A_83 = arith.constant 3 : i32
    %dma_wait3A_84 = arith.constant 3 : i32
    %dma_wait3A_85 = arith.constant 0 : i32
    %dma_wait3A_86 = arith.constant 0 : i32
    %dma_wait3A_87 = tpu.memref_slice %arg5[%dma_wait3A_83, %dma_wait3A_85, %dma_wait3A_86] : memref<4x32x128xf32, #tpu.memory_space<vmem>> -> memref<1x32x128xf32, #tpu.memory_space<vmem>>
    %dma_wait3A_88 = tpu.memref_squeeze %dma_wait3A_87 : memref<1x32x128xf32, #tpu.memory_space<vmem>> -> memref<32x128xf32, #tpu.memory_space<vmem>>
    %dma_wait3A_89 = arith.constant 0 : i32
    %dma_wait3A_90 = arith.constant 0 : i32
    %dma_wait3A_91 = tpu.memref_slice %arg3[%dma_wait3A_89, %dma_wait3A_90] : memref<250000x128xf32, #tpu.memory_space<hbm>> -> memref<32x128xf32, #tpu.memory_space<hbm>>
    %dma_wait3A_92 = tpu.memref_slice %arg9[%dma_wait3A_84] : memref<4x!tpu.dma_semaphore, #tpu.memory_space<semaphore_mem>> -> memref<1x!tpu.dma_semaphore, #tpu.memory_space<semaphore_mem>>
    %dma_wait3A_93 = tpu.memref_squeeze %dma_wait3A_92 : memref<1x!tpu.dma_semaphore, #tpu.memory_space<semaphore_mem>> -> memref<!tpu.dma_semaphore, #tpu.memory_space<semaphore_mem>>
    %dma_wait3A_94 = arith.constant 0 : i32
    %dma_wait3A_95 = arith.constant 0 : i32
    %dma_wait3A_96 = tpu.memref_slice %arg3[%dma_wait3A_94, %dma_wait3A_95] : memref<250000x128xf32, #tpu.memory_space<hbm>> -> memref<32x128xf32, #tpu.memory_space<hbm>>
    %dma_wait3A_97 = arith.constant 0 : i32
    %dma_wait3A_98 = arith.constant 0 : i32
    %dma_wait3A_99 = tpu.memref_slice %arg5[%dma_wait3A_83, %dma_wait3A_97, %dma_wait3A_98] : memref<4x32x128xf32, #tpu.memory_space<vmem>> -> memref<1x32x128xf32, #tpu.memory_space<vmem>>
    %dma_wait3A_100 = tpu.memref_squeeze %dma_wait3A_99 : memref<1x32x128xf32, #tpu.memory_space<vmem>> -> memref<32x128xf32, #tpu.memory_space<vmem>>
    tpu.wait_dma2 semaphore(%dma_wait3A_93 : memref<!tpu.dma_semaphore, #tpu.memory_space<semaphore_mem>>) src(%dma_wait3A_100 : memref<32x128xf32, #tpu.memory_space<vmem>>) dst(%dma_wait3A_96 : memref<32x128xf32, #tpu.memory_space<hbm>>)
    %rem3A = arith.constant 7812 : i32
    %rem3A_101 = arith.constant 32 : i32
    %rem3A_102 = arith.remsi %rem3A, %rem3A_101 : i32
    %eq3A = arith.cmpi eq, %add3A, %rem3A_102 : i32
    %convert_element_type3A_103 = arith.extui %eq3A : i1 to i32
    %cond3A_104 = arith.constant 0 : i32
    %cond3A_105 = arith.cmpi ne, %convert_element_type3A_103, %cond3A_104 : i32
    scf.if %cond3A_105 {
      "tpu.region"() ({
        %run_scoped3A = tpu.sem_alloc : memref<!tpu.dma_semaphore, #tpu.memory_space<semaphore_mem>>
        %dma_start3A = arith.constant 0 : i32
        %dma_start3A_108 = arith.constant 999936 : i32
        %dma_start3A_109 = tpu.memref_slice %arg2[%dma_start3A, %dma_start3A_108] : memref<32x1000000xf32, #tpu.memory_space<hbm>> -> memref<32x64xf32, #tpu.memory_space<hbm>>
        %dma_start3A_110 = arith.constant 0 : i32
        %dma_start3A_111 = arith.constant 999936 : i32
        %dma_start3A_112 = tpu.memref_slice %arg2[%dma_start3A_110, %dma_start3A_111] : memref<32x1000000xf32, #tpu.memory_space<hbm>> -> memref<32x64xf32, #tpu.memory_space<hbm>>
        tpu.enqueue_dma source(%dma_start3A_112 : memref<32x64xf32, #tpu.memory_space<hbm>>) target(%arg6 : memref<32x64xf32, #tpu.memory_space<vmem>>) target_semaphore(%run_scoped3A : memref<!tpu.dma_semaphore, #tpu.memory_space<semaphore_mem>>)
        %dma_wait3A_113 = arith.constant 0 : i32
        %dma_wait3A_114 = arith.constant 999936 : i32
        %dma_wait3A_115 = tpu.memref_slice %arg2[%dma_wait3A_113, %dma_wait3A_114] : memref<32x1000000xf32, #tpu.memory_space<hbm>> -> memref<32x64xf32, #tpu.memory_space<hbm>>
        %dma_wait3A_116 = arith.constant 0 : i32
        %dma_wait3A_117 = arith.constant 999936 : i32
        %dma_wait3A_118 = tpu.memref_slice %arg2[%dma_wait3A_116, %dma_wait3A_117] : memref<32x1000000xf32, #tpu.memory_space<hbm>> -> memref<32x64xf32, #tpu.memory_space<hbm>>
        tpu.wait_dma2 semaphore(%run_scoped3A : memref<!tpu.dma_semaphore, #tpu.memory_space<semaphore_mem>>) src(%dma_wait3A_118 : memref<32x64xf32, #tpu.memory_space<hbm>>) dst(%arg6 : memref<32x64xf32, #tpu.memory_space<vmem>>)
        tpu.yield
      }) : () -> ()
      %parallel_loop3A = arith.constant 0 : i32
      %parallel_loop3A_106 = arith.constant 16 : i32
      %parallel_loop3A_107 = arith.constant 1 : i32
      scf.for %parallel_loop3A_108 = %parallel_loop3A to %parallel_loop3A_106 step %parallel_loop3A_107  : i32 {
        %parallel_loop3A_109 = vector.broadcast %parallel_loop3A_108 : i32 to vector<16xi32>
        %parallel_loop3A_110 = arith.addi %iota3A, %parallel_loop3A_109 : vector<16xi32>
        %parallel_loop3A_111 = arith.constant 15 : i32
        %parallel_loop3A_112 = vector.broadcast %parallel_loop3A_111 : i32 to vector<16xi32>
        %parallel_loop3A_113 = arith.andi %parallel_loop3A_110, %parallel_loop3A_112 : vector<16xi32>
        %parallel_loop3A_114 = arith.constant 32 : i32
        %parallel_loop3A_115 = vector.broadcast %parallel_loop3A_114 : i32 to vector<16xi32>
        %parallel_loop3A_116 = arith.muli %iota3A, %parallel_loop3A_115 : vector<16xi32>
        %parallel_loop3A_117 = arith.addi %parallel_loop3A_116, %parallel_loop3A_113 : vector<16xi32>
        %parallel_loop3A_118 = arith.constant 0 : i32
        %parallel_loop3A_119 = vector.broadcast %parallel_loop3A_118 : i32 to vector<16xi32>
        %parallel_loop3A_120 = arith.addi %parallel_loop3A_119, %parallel_loop3A_113 : vector<16xi32>
        %parallel_loop3A_121 = arith.constant 0 : i32
        %parallel_loop3A_122 = vector.broadcast %parallel_loop3A_121 : i32 to vector<16xi32>
        %parallel_loop3A_123 = arith.addi %parallel_loop3A_117, %parallel_loop3A_122 : vector<16xi32>
        %parallel_loop3A_124 = arith.constant 7 : i32
        %parallel_loop3A_125 = vector.broadcast %parallel_loop3A_124 : i32 to vector<16xi32>
        %parallel_loop3A_126 = arith.shrsi %parallel_loop3A_123, %parallel_loop3A_125 : vector<16xi32>
        %parallel_loop3A_127 = arith.constant 0 : i32
        %parallel_loop3A_128 = vector.broadcast %parallel_loop3A_127 : i32 to vector<16xi32>
        %parallel_loop3A_129 = arith.addi %parallel_loop3A_117, %parallel_loop3A_128 : vector<16xi32>
        %parallel_loop3A_130 = arith.constant 127 : i32
        %parallel_loop3A_131 = vector.broadcast %parallel_loop3A_130 : i32 to vector<16xi32>
        %parallel_loop3A_132 = arith.andi %parallel_loop3A_129, %parallel_loop3A_131 : vector<16xi32>
        %parallel_loop3A_133 = arith.constant 0 : i32
        %parallel_loop3A_134 = vector.broadcast %parallel_loop3A_133 : i32 to vector<16xi32>
        %parallel_loop3A_135 = arith.addi %iota3A, %parallel_loop3A_134 : vector<16xi32>
        %parallel_loop3A_136 = tpu.vector_load_idx %arg6[%parallel_loop3A_120, %parallel_loop3A_135] : memref<32x64xf32, #tpu.memory_space<vmem>>[vector<16xi32>, vector<16xi32>], vector<16xf32>,
        %parallel_loop3A_137 = arith.constant 0 : i32
        %parallel_loop3A_138 = vector.broadcast %parallel_loop3A_137 : i32 to vector<16xi32>
        %parallel_loop3A_139 = arith.addi %parallel_loop3A_126, %parallel_loop3A_138 : vector<16xi32>
        tpu.vector_store_idx %arg7[%parallel_loop3A_139, %parallel_loop3A_132], %parallel_loop3A_136 : memref<16x128xf32, #tpu.memory_space<vmem>>[vector<16xi32>, vector<16xi32>], vector<16xf32>,
        %parallel_loop3A_140 = arith.constant 16 : i32
        %parallel_loop3A_141 = vector.broadcast %parallel_loop3A_140 : i32 to vector<16xi32>
        %parallel_loop3A_142 = arith.addi %iota3A, %parallel_loop3A_141 : vector<16xi32>
        %parallel_loop3A_143 = tpu.vector_load_idx %arg6[%parallel_loop3A_120, %parallel_loop3A_142] : memref<32x64xf32, #tpu.memory_space<vmem>>[vector<16xi32>, vector<16xi32>], vector<16xf32>,
        %parallel_loop3A_144 = arith.constant 4 : i32
        %parallel_loop3A_145 = vector.broadcast %parallel_loop3A_144 : i32 to vector<16xi32>
        %parallel_loop3A_146 = arith.addi %parallel_loop3A_126, %parallel_loop3A_145 : vector<16xi32>
        tpu.vector_store_idx %arg7[%parallel_loop3A_146, %parallel_loop3A_132], %parallel_loop3A_143 : memref<16x128xf32, #tpu.memory_space<vmem>>[vector<16xi32>, vector<16xi32>], vector<16xf32>,
        %parallel_loop3A_147 = arith.constant 32 : i32
        %parallel_loop3A_148 = vector.broadcast %parallel_loop3A_147 : i32 to vector<16xi32>
        %parallel_loop3A_149 = arith.addi %iota3A, %parallel_loop3A_148 : vector<16xi32>
        %parallel_loop3A_150 = tpu.vector_load_idx %arg6[%parallel_loop3A_120, %parallel_loop3A_149] : memref<32x64xf32, #tpu.memory_space<vmem>>[vector<16xi32>, vector<16xi32>], vector<16xf32>,
        %parallel_loop3A_151 = arith.constant 8 : i32
        %parallel_loop3A_152 = vector.broadcast %parallel_loop3A_151 : i32 to vector<16xi32>
        %parallel_loop3A_153 = arith.addi %parallel_loop3A_126, %parallel_loop3A_152 : vector<16xi32>
        tpu.vector_store_idx %arg7[%parallel_loop3A_153, %parallel_loop3A_132], %parallel_loop3A_150 : memref<16x128xf32, #tpu.memory_space<vmem>>[vector<16xi32>, vector<16xi32>], vector<16xf32>,
        %parallel_loop3A_154 = arith.constant 48 : i32
        %parallel_loop3A_155 = vector.broadcast %parallel_loop3A_154 : i32 to vector<16xi32>
        %parallel_loop3A_156 = arith.addi %iota3A, %parallel_loop3A_155 : vector<16xi32>
        %parallel_loop3A_157 = tpu.vector_load_idx %arg6[%parallel_loop3A_120, %parallel_loop3A_156] : memref<32x64xf32, #tpu.memory_space<vmem>>[vector<16xi32>, vector<16xi32>], vector<16xf32>,
        %parallel_loop3A_158 = arith.constant 12 : i32
        %parallel_loop3A_159 = vector.broadcast %parallel_loop3A_158 : i32 to vector<16xi32>
        %parallel_loop3A_160 = arith.addi %parallel_loop3A_126, %parallel_loop3A_159 : vector<16xi32>
        tpu.vector_store_idx %arg7[%parallel_loop3A_160, %parallel_loop3A_132], %parallel_loop3A_157 : memref<16x128xf32, #tpu.memory_space<vmem>>[vector<16xi32>, vector<16xi32>], vector<16xf32>,
        %parallel_loop3A_161 = arith.constant 16 : i32
        %parallel_loop3A_162 = vector.broadcast %parallel_loop3A_161 : i32 to vector<16xi32>
        %parallel_loop3A_163 = arith.addi %parallel_loop3A_162, %parallel_loop3A_113 : vector<16xi32>
        %parallel_loop3A_164 = arith.constant 16 : i32
        %parallel_loop3A_165 = vector.broadcast %parallel_loop3A_164 : i32 to vector<16xi32>
        %parallel_loop3A_166 = arith.addi %parallel_loop3A_117, %parallel_loop3A_165 : vector<16xi32>
        %parallel_loop3A_167 = arith.constant 7 : i32
        %parallel_loop3A_168 = vector.broadcast %parallel_loop3A_167 : i32 to vector<16xi32>
        %parallel_loop3A_169 = arith.shrsi %parallel_loop3A_166, %parallel_loop3A_168 : vector<16xi32>
        %parallel_loop3A_170 = arith.constant 16 : i32
        %parallel_loop3A_171 = vector.broadcast %parallel_loop3A_170 : i32 to vector<16xi32>
        %parallel_loop3A_172 = arith.addi %parallel_loop3A_117, %parallel_loop3A_171 : vector<16xi32>
        %parallel_loop3A_173 = arith.constant 127 : i32
        %parallel_loop3A_174 = vector.broadcast %parallel_loop3A_173 : i32 to vector<16xi32>
        %parallel_loop3A_175 = arith.andi %parallel_loop3A_172, %parallel_loop3A_174 : vector<16xi32>
        %parallel_loop3A_176 = arith.constant 0 : i32
        %parallel_loop3A_177 = vector.broadcast %parallel_loop3A_176 : i32 to vector<16xi32>
        %parallel_loop3A_178 = arith.addi %iota3A, %parallel_loop3A_177 : vector<16xi32>
        %parallel_loop3A_179 = tpu.vector_load_idx %arg6[%parallel_loop3A_163, %parallel_loop3A_178] : memref<32x64xf32, #tpu.memory_space<vmem>>[vector<16xi32>, vector<16xi32>], vector<16xf32>,
        %parallel_loop3A_180 = arith.constant 0 : i32
        %parallel_loop3A_181 = vector.broadcast %parallel_loop3A_180 : i32 to vector<16xi32>
        %parallel_loop3A_182 = arith.addi %parallel_loop3A_169, %parallel_loop3A_181 : vector<16xi32>
        tpu.vector_store_idx %arg7[%parallel_loop3A_182, %parallel_loop3A_175], %parallel_loop3A_179 : memref<16x128xf32, #tpu.memory_space<vmem>>[vector<16xi32>, vector<16xi32>], vector<16xf32>,
        %parallel_loop3A_183 = arith.constant 16 : i32
        %parallel_loop3A_184 = vector.broadcast %parallel_loop3A_183 : i32 to vector<16xi32>
        %parallel_loop3A_185 = arith.addi %iota3A, %parallel_loop3A_184 : vector<16xi32>
        %parallel_loop3A_186 = tpu.vector_load_idx %arg6[%parallel_loop3A_163, %parallel_loop3A_185] : memref<32x64xf32, #tpu.memory_space<vmem>>[vector<16xi32>, vector<16xi32>], vector<16xf32>,
        %parallel_loop3A_187 = arith.constant 4 : i32
        %parallel_loop3A_188 = vector.broadcast %parallel_loop3A_187 : i32 to vector<16xi32>
        %parallel_loop3A_189 = arith.addi %parallel_loop3A_169, %parallel_loop3A_188 : vector<16xi32>
        tpu.vector_store_idx %arg7[%parallel_loop3A_189, %parallel_loop3A_175], %parallel_loop3A_186 : memref<16x128xf32, #tpu.memory_space<vmem>>[vector<16xi32>, vector<16xi32>], vector<16xf32>,
        %parallel_loop3A_190 = arith.constant 32 : i32
        %parallel_loop3A_191 = vector.broadcast %parallel_loop3A_190 : i32 to vector<16xi32>
        %parallel_loop3A_192 = arith.addi %iota3A, %parallel_loop3A_191 : vector<16xi32>
        %parallel_loop3A_193 = tpu.vector_load_idx %arg6[%parallel_loop3A_163, %parallel_loop3A_192] : memref<32x64xf32, #tpu.memory_space<vmem>>[vector<16xi32>, vector<16xi32>], vector<16xf32>,
        %parallel_loop3A_194 = arith.constant 8 : i32
        %parallel_loop3A_195 = vector.broadcast %parallel_loop3A_194 : i32 to vector<16xi32>
        %parallel_loop3A_196 = arith.addi %parallel_loop3A_169, %parallel_loop3A_195 : vector<16xi32>
        tpu.vector_store_idx %arg7[%parallel_loop3A_196, %parallel_loop3A_175], %parallel_loop3A_193 : memref<16x128xf32, #tpu.memory_space<vmem>>[vector<16xi32>, vector<16xi32>], vector<16xf32>,
        %parallel_loop3A_197 = arith.constant 48 : i32
        %parallel_loop3A_198 = vector.broadcast %parallel_loop3A_197 : i32 to vector<16xi32>
        %parallel_loop3A_199 = arith.addi %iota3A, %parallel_loop3A_198 : vector<16xi32>
        %parallel_loop3A_200 = tpu.vector_load_idx %arg6[%parallel_loop3A_163, %parallel_loop3A_199] : memref<32x64xf32, #tpu.memory_space<vmem>>[vector<16xi32>, vector<16xi32>], vector<16xf32>,
        %parallel_loop3A_201 = arith.constant 12 : i32
        %parallel_loop3A_202 = vector.broadcast %parallel_loop3A_201 : i32 to vector<16xi32>
        %parallel_loop3A_203 = arith.addi %parallel_loop3A_169, %parallel_loop3A_202 : vector<16xi32>
        tpu.vector_store_idx %arg7[%parallel_loop3A_203, %parallel_loop3A_175], %parallel_loop3A_200 : memref<16x128xf32, #tpu.memory_space<vmem>>[vector<16xi32>, vector<16xi32>], vector<16xf32>,
      } {sc.loop_unroll_factor = 4 : i64, sc.parallel_access}
      "tpu.region"() ({
        %run_scoped3A = tpu.sem_alloc : memref<!tpu.dma_semaphore, #tpu.memory_space<semaphore_mem>>
        %dma_start3A = arith.constant 249984 : i32
        %dma_start3A_108 = arith.constant 0 : i32
        %dma_start3A_109 = tpu.memref_slice %arg3[%dma_start3A, %dma_start3A_108] : memref<250000x128xf32, #tpu.memory_space<hbm>> -> memref<16x128xf32, #tpu.memory_space<hbm>>
        %dma_start3A_110 = arith.constant 249984 : i32
        %dma_start3A_111 = arith.constant 0 : i32
        %dma_start3A_112 = tpu.memref_slice %arg3[%dma_start3A_110, %dma_start3A_111] : memref<250000x128xf32, #tpu.memory_space<hbm>> -> memref<16x128xf32, #tpu.memory_space<hbm>>
        tpu.enqueue_dma source(%arg7 : memref<16x128xf32, #tpu.memory_space<vmem>>) target(%dma_start3A_112 : memref<16x128xf32, #tpu.memory_space<hbm>>) target_semaphore(%run_scoped3A : memref<!tpu.dma_semaphore, #tpu.memory_space<semaphore_mem>>)
        %dma_wait3A_113 = arith.constant 249984 : i32
        %dma_wait3A_114 = arith.constant 0 : i32
        %dma_wait3A_115 = tpu.memref_slice %arg3[%dma_wait3A_113, %dma_wait3A_114] : memref<250000x128xf32, #tpu.memory_space<hbm>> -> memref<16x128xf32, #tpu.memory_space<hbm>>
        %dma_wait3A_116 = arith.constant 249984 : i32
        %dma_wait3A_117 = arith.constant 0 : i32
        %dma_wait3A_118 = tpu.memref_slice %arg3[%dma_wait3A_116, %dma_wait3A_117] : memref<250000x128xf32, #tpu.memory_space<hbm>> -> memref<16x128xf32, #tpu.memory_space<hbm>>
        tpu.wait_dma2 semaphore(%run_scoped3A : memref<!tpu.dma_semaphore, #tpu.memory_space<semaphore_mem>>) src(%arg7 : memref<16x128xf32, #tpu.memory_space<vmem>>) dst(%dma_wait3A_118 : memref<16x128xf32, #tpu.memory_space<hbm>>)
        tpu.yield
      }) : () -> ()
    } else {
    }
    return
  }
}

</mosaic_0001>

<sc_bundles>
// kernel: _sc_format.3.cloned.1.call-start
scs
__scs_entry_jumppad:
0x0: {  	(pc) =	sbr.rel $0x88, $3  }
0x1: {  	(tag) =	ssettag $0x0;
	lr =	simm.s32 $0x1  }
0x2: {  	[smem:$0x3FA0] =	sst lr;
	_ =	strace $0xD0000000  }
0x3: {  	_ = 	snop  }
0x4: {  	_ = 	snop  }
0x5: {  	_ = 	snop  }
0x6: {  	_ = 	snop  }
0x7: {  	_ = 	snop  }
__scs_overlays_trampoline_lowered:
0x8: {  	[smem:$0x3FAF] =	sst s0  }
0x9: {  	[smem:$0x3FB0] =	sst s1  }
0xa: {  	[smem:$0x3FB1] =	sst s2  }
0xb: {  	[smem:$0x3FB2] =	sst s3  }
0xc: {  	[smem:$0x3FB3] =	sst s4  }
0xd: {  	[smem:$0x3FB4] =	sst s5  }
0xe: {  	[smem:$0x3FB5] =	sst s6  }
0xf: {  	[smem:$0x3FB6] =	sst s7  }
0x10: {  	[smem:$0x3FB7] =	sst s8  }
0x11: {  	[smem:$0x3FB8] =	sst s9;
	s0 =	simm.s32 @!p0 $0x0  }
0x12: {  	s1 =	sld [smem:$0x3F9E];
	s0 =	simm.s32 @p0 $0x1  }
0x13: {  	[smem:$0x3FB9] =	sst s0;
	s0 =	simm.s32 @!p1 $0x0  }
0x14: {  	s2 =	sld [smem:$0x3F9D];
	s0 =	simm.s32 @p1 $0x1  }
0x15: {  	[smem:$0x3FBA] =	sst s0;
	s0 =	simm.s32 @!p2 $0x0  }
0x16: {  	s3 =	sld [smem:$0x3FDB];
	s0 =	simm.s32 @p2 $0x1  }
0x17: {  	s4 =	simm.s32 $0x1BF5;
	[smem:$0x3FBC] =	sst s0  }
0x18: {  	s0 =	sld [smem:$0x3F9F];
	_ =	swait.ge [sflag:s4], $0x0  }
0x19: {  	s7 =	sld [smem:$0x3FA0]  }
0x1a: {  	s8 =	sadd.s32 $0xFFFFE003, lr  }
0x1b: {  	s9 =	sadd.s32 $0xFFFFFEF7, lr;
	s5 =	simm.s32 $0xFFFFFFFF;
	p2 =	slt.u32 s8, $0xFFFFF086  }
0x1c: {  	p1 =	slt.u32 s9, $0xF7A;
	s5 =	simm.s32 @!p2 $0x0  }
0x1d: {  	s5 =	simm.s32 @p1 $0x1;
	p0 =	seq.s32 s7, s2  }
0x1e: {  	s7 =	smul.u32 @!p0 $0xF7A, s2;
	p2 =	seq.s32 @!p0 s5, $0x0  }
0x1f: {  	s9 =	smul.u32 $0xF7A, s1;
	s8 =	simm.s32 @!p0 $0x1BF5;
	p2 =	por !p2, p0  }
0x20: {  	[sflag:s8] =	ssyncset.s32 @!p0 $0xFFFFF086;
	s6 =	sadd.s32 @!p0 s3, s7;
	s7 =	simm.s32 @!p0 $0x108  }
0x21: {  	s3 =	sadd.s32 s3, s9;
	s6 =	sadd.s32 @!p0 $0x88, s6;
	s7 =	simm.s32 @p2 $0x1082  }
0x22: {  	[simem:s7], [sflag:s8] =	dma.local @!p0 [hbm:s6], $0xF7A  }
0x23: {  	s9 =	sor.u32 $0xD0000000, s2;
	s6 =	simm.s32 $0x108;
	_ =	swait.ge @!p0 [sflag:s8], $0x0  }
0x24: {  	s3 =	sadd.s32 $0x88, s3;
	s6 =	simm.s32 @!p1 $0x1082;
	[sflag:s4] =	ssyncset.s32 $0xFFFFF086  }
0x25: {  	[simem:s6], [sflag:s4] =	dma.local [hbm:s3], $0xF7A  }
0x26: {  	[smem:$0x3FA0] =	sst s1;
	(tag) =	ssettag s2;
	_ =	strace s9  }
0x27: {  	s1 =	sld [smem:$0x3FB0]  }
0x28: {  	s2 =	sld [smem:$0x3FB1]  }
0x29: {  	s4 =	sld [smem:$0x3FB3]  }
0x2a: {  	p0 =	seq.s32 s5, $0x0;
	s5 =	sld [smem:$0x3FB4]  }
0x2b: {  	s6 =	sld [smem:$0x3FB5]  }
0x2c: {  	s7 =	sld [smem:$0x3FB6]  }
0x2d: {  	s3 =	simm.s32 $0x108;
	s8 =	sld [smem:$0x3FB7]  }
0x2e: {  	s3 =	simm.s32 @!p0 $0x1082;
	s9 =	sld [smem:$0x3FB8]  }
0x2f: {  	lr =	sadd.s32 s0, s3;
	s0 =	sld [smem:$0x3FAF]  }
0x30: {  	s3 =	sld [smem:$0x3FB2]  }
0x31: {  	[smem:$0x3FBB] =	sst s10  }
0x32: {  	s10 =	sld [smem:$0x3FB9];
	_ =	sdelay $0x3  }
0x33: {  	p0 =	seq.s32 s10, $0x1;
	s10 =	sld [smem:$0x3FBB];
	_ =	sdelay $0x3  }
0x34: {  	[smem:$0x3FBB] =	sst s10  }
0x35: {  	s10 =	sld [smem:$0x3FBA];
	_ =	sdelay $0x3  }
0x36: {  	p1 =	seq.s32 s10, $0x1;
	s10 =	sld [smem:$0x3FBB];
	_ =	sdelay $0x3  }
0x37: {  	[smem:$0x3FBB] =	sst s10  }
0x38: {  	s10 =	sld [smem:$0x3FBC]  }
0x39: {  	_ = 	snop;
	(pc) =	sbr.ind lr, $3  }
0x3a: {  	_ = 	snop  }
0x3b: {  	_ = 	snop  }
0x3c: {  	p2 =	seq.s32 s10, $0x1;
	s10 =	sld [smem:$0x3FBB]  }
0x3d: {  	_ =	shalt  }
0x3e: {  	_ =	shalt  }
0x3f: {  	_ =	shalt  }
0x40: {  	_ =	shalt  }
0x41: {  	_ =	shalt  }
0x42: {  	_ =	shalt  }
0x43: {  	_ =	shalt  }
0x44: {  	_ =	shalt  }
0x45: {  	_ =	shalt  }
0x46: {  	_ =	shalt  }
0x47: {  	_ =	shalt  }
0x48: {  	_ =	shalt  }
0x49: {  	_ =	shalt  }
0x4a: {  	_ =	shalt  }
0x4b: {  	_ =	shalt  }
0x4c: {  	_ =	shalt  }
0x4d: {  	_ =	shalt  }
0x4e: {  	_ =	shalt  }
0x4f: {  	_ =	shalt  }
0x50: {  	_ =	shalt  }
0x51: {  	_ =	shalt  }
0x52: {  	_ =	shalt  }
0x53: {  	_ =	shalt  }
0x54: {  	_ =	shalt  }
0x55: {  	_ =	shalt  }
0x56: {  	_ =	shalt  }
0x57: {  	_ =	shalt  }
0x58: {  	_ =	shalt  }
0x59: {  	_ =	shalt  }
0x5a: {  	_ =	shalt  }
0x5b: {  	_ =	shalt  }
0x5c: {  	_ =	shalt  }
0x5d: {  	_ =	shalt  }
0x5e: {  	_ =	shalt  }
0x5f: {  	_ =	shalt  }
0x60: {  	_ =	shalt  }
0x61: {  	_ =	shalt  }
0x62: {  	_ =	shalt  }
0x63: {  	_ =	shalt  }
0x64: {  	_ =	shalt  }
0x65: {  	_ =	shalt  }
0x66: {  	_ =	shalt  }
0x67: {  	_ =	shalt  }
0x68: {  	_ =	shalt  }
0x69: {  	_ =	shalt  }
0x6a: {  	_ =	shalt  }
0x6b: {  	_ =	shalt  }
0x6c: {  	_ =	shalt  }
0x6d: {  	_ =	shalt  }
0x6e: {  	_ =	shalt  }
0x6f: {  	_ =	shalt  }
0x70: {  	_ =	shalt  }
0x71: {  	_ =	shalt  }
0x72: {  	_ =	shalt  }
0x73: {  	_ =	shalt  }
0x74: {  	_ =	shalt  }
0x75: {  	_ =	shalt  }
0x76: {  	_ =	shalt  }
0x77: {  	_ =	shalt  }
0x78: {  	_ =	shalt  }
0x79: {  	_ =	shalt  }
0x7a: {  	_ =	shalt  }
0x7b: {  	_ =	shalt  }
0x7c: {  	_ =	shalt  }
0x7d: {  	_ =	shalt  }
0x7e: {  	_ =	shalt  }
0x7f: {  	_ =	shalt  }
0x80: {  	_ =	shalt  }
0x81: {  	_ =	shalt  }
0x82: {  	_ =	shalt  }
0x83: {  	_ =	shalt  }
0x84: {  	_ =	shalt  }
0x85: {  	_ =	shalt  }
0x86: {  	_ =	shalt  }
0x87: {  	_ =	shalt  }
.Lfunc_end0:
.L_simem_size_0:
called_computation_lowered:
.L_overlay_start_0:
0x88: {  	s2 =	sld [smem:$0x3FD9]  }
0x89: {  	s3 =	sld [smem:$0x3FFE];
	_ =	sdelay $0x1  }
0x8a: {  	s1 =	srdreg.scid  }
0x8b: {  	s0 =	sand.u32 $0x1, s1  }
0x8c: {  	s18 =	sshll.u32 s0, $0xA;
	s2 =	sadd.s32 s3, s2  }
0x8d: {  	s2 =	sadd.s32 s2, s18  }
0x8e: {  	[smem:$0x3FC7] =	sst s2  }
0x8f: {  	_ = 	snop  }
0x90: {  	s2 =	sld [smem:$0x3FC9]  }
0x91: {  	s19 =	sld [smem:$0x3FD0];
	(tm) =	ssettm $0x1  }
0x92: {  	s4 =	sld [smem:$0x3FFB];
	_ =	sdelay $0x3  }
0x93: {  	_ =	strace s4  }
0x94: {  	s4 =	sld [smem:$0x3FFC];
	_ =	sdelay $0x3  }
0x95: {  	_ =	strace s4  }
0x96: {  	s4 =	sld [smem:$0x3FFD];
	_ =	sdelay $0x3  }
0x97: {  	_ =	strace s4  }
0x98: {  	_ =	strace $0x8FFFFFFF  }
0x99: {  	s20 =	sld [smem:$0x3FDB];
	_ =	sdelay $0x1  }
0x9a: {  	s5 =	simm.s32 $_scs_section_size  }
0x9b: {  	s6 =	simm.s32 $_size__tile_overlayer_lowered;
	s7 =	simm.s32 $_tile_overlayer_lowered  }
0x9c: {  	s23 =	simm.s32 $0x1BFF;
	s22 =	sshll.u32 s7, $0x1;
	s4 =	sadd.s32 s5, s20  }
0x9d: {  	s8 =	simm.s32 $0x0;
	s21 =	sshll.u32 s6, $0x1;
	s6 =	sadd.s32 s22, s4  }
0x9e: {  	[timem:s8], [sflag:s23] =	dma.local [hbm:s6], s21  }
0x9f: {  	_ =	swait.ge [sflag:s23], s21  }
0xa0: {  	s5 =	ssub.s32 $0x0, s21;
	[sflag:s23] =	ssyncset.done $0x0  }
0xa1: {  	[sflag:s23] =	ssyncadd.s32 s5;
	_ =	sdelay $0x1  }
0xa2: {  	s24 =	simm.s32 $0x1B8B  }
0xa3: {  	_ =	swait.ge [sflag:s24], $0x1  }
0xa4: {  	[sflag:s24] =	ssyncset.done $0x0  }
0xa5: {  	s25 =	simm.s32 $0x1B8E;
	[sflag:s24] =	ssyncadd.s32 $0xFFFFFFFF  }
0xa6: {  	s26 =	simm.s32 $execute0_lowered;
	[smem:$0x3FD2] =	sst s25  }
0xa7: {  	s5 =	sshll.u32 s26, $0x1;
	_ =	strace $0x80000046;
	[dreg:$0x1] =	wrdreg $0xFFFFFFFF  }
0xa8: {  	s28 =	simm.s32 $_size_execute0_lowered;
	s4 =	sadd.s32 s4, s5;
	[dreg:$0x0] =	wrdreg $0x0  }
0xa9: {  	s5 =	sshll.u32 s28, $0x1;
	[dreg:$0x2] =	wrdreg s4  }
0xaa: {  	[dreg:$0x3] =	wrdreg s5  }
0xab: {  	[dreg:$0x4] =	wrdreg $0xC0  }
0xac: {  	_ =	task [dreg:s8], $0x5FFFF  }
0xad: {  	[dreg:$0x1] =	wrdreg $0xFFFFFFFF  }
0xae: {  	[dreg:$0x0] =	wrdreg $0x60  }
0xaf: {  	[dreg:$0x2] =	wrdreg s2  }
0xb0: {  	[dreg:$0x3] =	wrdreg s19  }
0xb1: {  	[dreg:$0x4] =	wrdreg $0x9  }
0xb2: {  	_ =	task.clear_ibuf [dreg:s8], $0x5FFFF;
	_ =	strace $0x90000046  }
0xb3: {  	s29 =	simm.s32 $0x9;
	_ =	strace $0x80000048  }
0xb4: {  	_ =	swait.ge [sflag:s29], $0x1  }
0xb5: {  	[sflag:s29] =	ssyncadd.s32 $0xFFFFFFFF  }
0xb6: {  	_ =	strace $0x90000048  }
0xb7: {  	_ =	sfence  }
0xb8: {  	s30 =	sld [smem:$0x0];
	_ =	sdelay $0x2  }
0xb9: {  	s31 =	sshll.u32 s1, $0xD;
	s1 =	sshrl.u32 s1, $0x2  }
0xba: {  	s3 =	sand.u32 $0x4000, s31;
	s1 =	sadd.s32 s1, s30  }
0xbb: {  	s0 =	sor.u32 s3, s0;
	s1 =	sshll.u32 s1, $0x11  }
0xbc: {  	s0 =	sor.u32 s1, s0  }
0xbd: {  	s0 =	sadd.s32 $0x8F2B, s0  }
0xbe: {  	[sflag:s0] =	ssyncadd.remote.s32 $0x1  }
0xbf: {  	_ =	sfence.sel $0xFFFF  }
0xc0: {  	[dreg:$0x0] =	wrdreg $0xFFFFFFFF;
	(pc) =	sbr.abs _section_cstart, $3  }
0xc1: {  	[dreg:$0x1] =	wrdreg $0xFFFFFFFF  }
0xc2: {  	_ =	task.clear_ibuf [dreg:s8], $0x2FFFF;
	_ =	strace $0x9FFFFFFF  }
0xc3: {  	(tm) =	ssettm $0x7FFFFFFF  }
tec
execute0_lowered:
.L_overlay_start_1:
0x0: {  	(tag) =	ssettag $0x1  }
0x1: {  	s3 =	stileid.u32  }
0x2: {  	s0 =	rddreg [dreg:$0x0];
	v56 =	vlaneseq.u32;
	s4 =	sshll.u32 s3, $0x1;
	s3 =	simm.s32 $0x0  }
0x3: {  	v0 =	vor.u32 $0x820, v56;
	[smem:$0x7FF] =	sst s3  }
0x4: {  	s2 =	rddreg [dreg:$0x1];
	v48 =	vor.u32 $0x810, v56;
	_ =	strace $0x80000047;
	[tilespmem:$0x1FED0] =	vst v0  }
0x5: {  	v29 =	vor.u32 $0x70, v56;
	[tilespmem:$0x1FF20] =	vst v48  }
0x6: {  	v19 =	vor.u32 $0x840, v56;
	[tilespmem:$0x1FF40] =	vst v29  }
0x7: {  	v31 =	vor.u32 $0x860, v56;
	[tilespmem:$0x1FF60] =	vst v19  }
0x8: {  	s1 =	srdreg.scid;
	v1 =	vor.u32 $0x870, v56;
	[tilespmem:$0x1FF80] =	vst v31  }
0x9: {  	s13 =	simm.s32 $0x7A1400;
	s14 =	simm.s32 $0x400;
	s15 =	simm.s32 $0x1000;
	v2 =	vor.u32 $0x30, v56;
	[tilespmem:$0x1FFA0] =	vst v1  }
0xa: {  	s16 =	simm.s32 $0x2000;
	s17 =	simm.s32 $0x3000;
	s18 =	simm.s32 $0x1;
	v62 =	vmul.u32 $0x20, v56;
	v58 =	vor.u32 $0x800, v56;
	[tilespmem:$0x1FFD0] =	vst v2  }
0xb: {  	s19 =	simm.s32 $0x4000;
	s20 =	simm.s32 $0x2;
	s21 =	simm.s32 $0x5000;
	v0 =	vor.u32 $0x830, v56;
	[tilespmem:$0x1FFE0] =	vst v58  }
0xc: {  	s22 =	simm.s32 $0x3;
	s23 =	simm.s32 $0x6000;
	s24 =	simm.s32 $0x4;
	v26 =	vor.u32 $0x600, v62;
	[tilespmem:$0x1FEE0] =	vst v0  }
0xd: {  	s29 =	simm.s32 $0x7;
	s30 =	simm.s32 $0x8;
	s1 =	sand.u32 $0x1, s1;
	v17 =	vor.u32 $0xE00, v62;
	[tilespmem:$0x1FF30] =	vst v26  }
0xe: {  	s31 =	simm.s32 $0x8000;
	s10 =	simm.s32 $0x0;
	s4 =	sor.u32 s1, s4;
	v30 =	vor.u32 $0xA10, v62;
	[tilespmem:$0x1FF50] =	vst v17  }
0xf: {  	s9 =	sadd.s32 $0x4000, s0;
	s26 =	sadd.s32 $0x3D0800, s2;
	s5 =	sshll.u32 s4, $0x7;
	v57 =	vor.u32 $0xC10, v62;
	[tilespmem:$0x1FF70] =	vst v30  }
0x10: {  	s1 =	ssub.s32 $0x2, s1;
	[dreg:$0x7] =	wrdreg s26;
	v25 =	vor.u32 $0xA00, v62;
	s5 =	sadd.s32 s0, s5;
	[tilespmem:$0x1FF90] =	vst v57  }
0x11: {  	s6 =	sshrl.u32 s1, $0x1;
	v22 =	vor.u32 $0x410, v62;
	s0 =	sadd.s32 $0xF4200, s0;
	[tilespmem:$0x1FFC0] =	vst v25;
	[dreg:$0x3] =	wrdreg s5  }
.Ltmp0:
0x12: {  	v63 =	vor.u32 $0x10, v56;
	v5 =	vor.u32 $0x20, v56;
	v0 =	vor.u32 $0x610, v62;
	[tilespmem:$0x1FFF0] =	vst v22;
	s7 =	sadd.s32 $0x1000, s5;
	[dreg:$0x8] =	wrdreg s0;
	(pc) =	sbr.rel .LBB2_1-.Ltmp0, $4  }
0x13: {  	v3 =	vor.u32 $0x40, v56;
	v7 =	vor.u32 $0x50, v56;
	p0 =	sne.s32 s4, $0x4;
	s25 =	sadd.s32 $0x2000, s5;
	[tilespmem:$0x1FEF0] =	vst v0;
	v0 =	vor.u32 $0x810, v62;
	[dreg:$0x4] =	wrdreg s7  }
0x14: {  	v27 =	vor.u32 $0x60, v56;
	v4 =	vor.u32 $0x200, v62;
	s1 =	ssub.s32 s1, s6;
	s5 =	sadd.s32 $0x3000, s5;
	[dreg:$0x5] =	wrdreg s25;
	[tilespmem:$0x1FF00] =	vst v0;
	v0 =	vor.u32 $0x850, v56  }
0x15: {  	v24 =	vor.u32 $0x400, v62;
	v6 =	vor.u32 $0x800, v62;
	s28 =	smax.u32 s1, $0x1;
	s1 =	simm.s32 $0x9;
	[dreg:$0x6] =	wrdreg s5;
	[tilespmem:$0x1FF10] =	vst v0;
	v0 =	vor.u32 $0xE10, v62  }
0x16: {  	v28 =	vor.u32 $0xC00, v62;
	v60 =	vor.u32 $0x10, v62;
	v61 =	vor.u32 $0x210, v62;
	s0 =	simm.s32 $0x9000;
	[dreg:$0x9] =	wrdreg s28;
	s25 =	simm.s32 $0x7000;
	[tilespmem:$0x1FFB0] =	vst v0  }
.LBB2_23:
0x17: {  	s10 =	sadd.s32 $0x1, s10;
	s5 =	rddreg [dreg:$0x9]  }
0x18: {  	p1 =	sne.s32 s10, s5  }
.Ltmp1:
0x19: {  	_ = 	snop;
	(pc) =	sbr.rel @!p1 .LBB2_24-.Ltmp1, $1  }
0x1a: {  	_ =	sdelay $0x3  }
.LBB2_1:
0x1b: {  	s5 =	rddreg [dreg:$0x3]  }
0x1c: {  	[tilespmem:s3], [sflag:$0x1] =	stream.strided.gather [hbm4b:s5+s14], $0x1000, s13, s14, $0x38;
	[tilespmem:$0x9800] =	vst v63  }
0x1d: {  	s12 =	rddreg [dreg:$0x4]  }
0x1e: {  	[tilespmem:s15], [sflag:$0x2] =	stream.strided.gather [hbm4b:s12+s14], $0x1000, s13, s14, $0x38;
	[tilespmem:$0x9800] =	vst v63  }
.Ltmp2:
0x1f: {  	_ = 	snop;
	(pc) =	sbr.rel .LBB2_2-.Ltmp2, $4  }
0x20: {  	s26 =	rddreg [dreg:$0x5]  }
0x21: {  	[tilespmem:s16], [sflag:$0x3] =	stream.strided.gather [hbm4b:s26+s14], $0x1000, s13, s14, $0x38;
	[tilespmem:$0x9800] =	vst v63  }
0x22: {  	s28 =	rddreg [dreg:$0x6];
	s11 =	simm.s32 $0x0  }
0x23: {  	[tilespmem:s17], [sflag:$0x4] =	stream.strided.gather [hbm4b:s28+s14], $0x1000, s13, s14, $0x38;
	[tilespmem:$0x9800] =	vst v63  }
.LBB2_18:
0x24: {  	s11 =	sadd.s32 $0x1, s11  }
0x25: {  	p1 =	sne.s32 s11, $0x3E  }
.Ltmp3:
0x26: {  	_ = 	snop;
	(pc) =	sbr.rel @!p1 .LBB2_19-.Ltmp3, $1  }
0x27: {  	_ =	sdelay $0x3  }
.LBB2_2:
0x28: {  	s6 =	sshll.u32 s11, $0x7  }
0x29: {  	s6 =	sor.u32 s4, s6  }
0x2a: {  	p2 =	sgt.u32 s6, $0x1E83  }
.Ltmp4:
0x2b: {  	_ = 	snop;
	(pc) =	sbr.rel @p2 .LBB2_6-.Ltmp4, $2  }
0x2c: {  	_ =	sdelay $0x2  }
0x2d: {  	p1 =	seq.s32 s11, $0x0  }
0x2e: {  	s7 =	simm.s32 $0x0  }
0x2f: {  	v42 =	vadd.s32 s7, v56  }
0x30: {  	v32 =	vand.u32 $0xF, v42  }
0x31: {  	s28 =	simm.s32 $0x2;
	_ =	swait.ge [sflag:s18], $0x1000;
	v43 =	vshll.u32 v32, $0x7  }
0x32: {  	s12 =	simm.s32 $0x3;
	v9 =	vadd.s32 s28, v56;
	[sflag:s18] =	ssyncset.done $0x0;
	v8 =	vor.u32 v56, v43  }
0x33: {  	s5 =	simm.s32 $0x1;
	s8 =	simm.s32 @!p1 $0x5;
	v21 =	vadd.s32 s12, v56;
	v34 =	vand.u32 $0xF, v9;
	[sflag:s18] =	ssyncadd.s32 $0xFFFFF000  }
0x34: {  	v44 =	vadd.s32 s5, v56;
	v33 =	vand.u32 $0xF, v21;
	v45 =	vshll.u32 v34, $0x7;
	_ =	swait.ge @!p1 [sflag:s8], $0x1000  }
0x35: {  	v35 =	vand.u32 $0xF, v44;
	v46 =	vshll.u32 v33, $0x7;
	v36 =	vor.u32 v56, v45;
	[sflag:s8] =	ssyncset.done @!p1 $0x0  }
0x36: {  	v47 =	vshll.u32 v35, $0x7;
	v38 =	vor.u32 v56, v46;
	[sflag:s8] =	ssyncadd.s32 @!p1 $0xFFFFF000  }
0x37: {  	v39 =	vor.u32 v62, v32;
	v37 =	vor.u32 v56, v47;
	v8 =	vld.idx.msk [tilespmem:v8+s3+$0x0], $0xffff  }
0x38: {  	v48 =	vor.u32 v63, v43;
	_ =	sdelay $0x1  }
0x39: {  	v49 =	vor.u32 v62, v34;
	v36 =	vld.idx.msk [tilespmem:v36+s3+$0x0], $0xffff  }
0x3a: {  	v15 =	vor.u32 v62, v33;
	v50 =	vor.u32 v63, v45;
	v38 =	vld.idx.msk [tilespmem:v38+s3+$0x0], $0xffff  }
0x3b: {  	v51 =	vor.u32 v62, v35;
	v52 =	vor.u32 v63, v46;
	v37 =	vld.idx.msk [tilespmem:v37+s3+$0x0], $0xffff;
	[tilespmem:v39+s19+$0x0] =	vst.idx.msk $0xffff, v8  }
0x3c: {  	v53 =	vor.u32 v4, v32;
	v8 =	vor.u32 v63, v47;
	v48 =	vld.idx.msk [tilespmem:v48+s3+$0x0], $0xffff  }
0x3d: {  	v59 =	vor.u32 v5, v43  }
0x3e: {  	[tilespmem:v49+s19+$0x0] =	vst.idx.msk $0xffff, v36  }
0x3f: {  	v12 =	vor.u32 v4, v34;
	[tilespmem:v15+s19+$0x0] =	vst.idx.msk $0xffff, v38;
	v49 =	vld.idx.msk [tilespmem:v50+s3+$0x0], $0xffff  }
0x40: {  	v14 =	vor.u32 v4, v33;
	[tilespmem:v51+s19+$0x0] =	vst.idx.msk $0xffff, v37;
	v39 =	vld.idx.msk [tilespmem:v52+s3+$0x0], $0xffff  }
0x41: {  	v38 =	vor.u32 v4, v35;
	v8 =	vld.idx.msk [tilespmem:v8+s3+$0x0], $0xffff;
	[tilespmem:v53+s19+$0x0] =	vst.idx.msk $0xffff, v48  }
0x42: {  	v36 =	vld.idx.msk [tilespmem:v59+s3+$0x0], $0xffff;
	v59 =	vor.u32 v24, v32;
	_ =	sdelay $0x1  }
0x43: {  	v13 =	vor.u32 v5, v45;
	[tilespmem:v12+s19+$0x0] =	vst.idx.msk $0xffff, v49  }
0x44: {  	[tilespmem:v14+s19+$0x0] =	vst.idx.msk $0xffff, v39  }
0x45: {  	v41 =	vor.u32 v5, v47;
	[tilespmem:v38+s19+$0x0] =	vst.idx.msk $0xffff, v8  }
0x46: {  	v15 =	vor.u32 v5, v46;
	[tilespmem:v59+s19+$0x0] =	vst.idx.msk $0xffff, v36  }
0x47: {  	v12 =	vor.u32 v2, v43;
	v26 =	vld [tilespmem:$0x1FF30]  }
0x48: {  	v37 =	vld.idx.msk [tilespmem:v13+s3+$0x0], $0xffff;
	v13 =	vor.u32 v24, v34  }
0x49: {  	v8 =	vor.u32 v2, v45  }
0x4a: {  	v14 =	vor.u32 v24, v35;
	v38 =	vld.idx.msk [tilespmem:v41+s3+$0x0], $0xffff  }
0x4b: {  	v40 =	vor.u32 v2, v47;
	v15 =	vld.idx.msk [tilespmem:v15+s3+$0x0], $0xffff;
	v41 =	vor.u32 v24, v33  }
0x4c: {  	v59 =	vor.u32 v2, v46;
	v49 =	vld.idx.msk [tilespmem:v12+s3+$0x0], $0xffff;
	v12 =	vor.u32 v26, v32  }
0x4d: {  	[tilespmem:v13+s19+$0x0] =	vst.idx.msk $0xffff, v37;
	v13 =	vor.u32 v3, v43  }
0x4e: {  	v8 =	vld.idx.msk [tilespmem:v8+s3+$0x0], $0xffff;
	v50 =	vor.u32 v26, v34  }
0x4f: {  	[tilespmem:v14+s19+$0x0] =	vst.idx.msk $0xffff, v38;
	v14 =	vor.u32 v3, v45  }
0x50: {  	[tilespmem:v41+s19+$0x0] =	vst.idx.msk $0xffff, v15;
	v36 =	vld.idx.msk [tilespmem:v40+s3+$0x0], $0xffff;
	v15 =	vor.u32 v26, v35  }
0x51: {  	v48 =	vld.idx.msk [tilespmem:v59+s3+$0x0], $0xffff;
	v59 =	vor.u32 v3, v47;
	v41 =	vor.u32 v26, v33;
	[tilespmem:v12+s19+$0x0] =	vst.idx.msk $0xffff, v49  }
0x52: {  	v12 =	vor.u32 v6, v32;
	v37 =	vld.idx.msk [tilespmem:v13+s3+$0x0], $0xffff;
	v13 =	vor.u32 v3, v46  }
0x53: {  	[tilespmem:v50+s19+$0x0] =	vst.idx.msk $0xffff, v8  }
0x54: {  	v8 =	vor.u32 v7, v43;
	v38 =	vld.idx.msk [tilespmem:v14+s3+$0x0], $0xffff;
	v14 =	vor.u32 v6, v34  }
0x55: {  	[tilespmem:v15+s19+$0x0] =	vst.idx.msk $0xffff, v36;
	v15 =	vor.u32 v7, v45  }
0x56: {  	[tilespmem:v41+s19+$0x0] =	vst.idx.msk $0xffff, v48;
	v41 =	vor.u32 v6, v35;
	v39 =	vld.idx.msk [tilespmem:v59+s3+$0x0], $0xffff  }
0x57: {  	v49 =	vor.u32 v7, v47;
	v59 =	vor.u32 v6, v33;
	[tilespmem:v12+s19+$0x0] =	vst.idx.msk $0xffff, v37;
	v37 =	vld.idx.msk [tilespmem:v13+s3+$0x0], $0xffff;
	_ =	sdelay $0x1  }
0x58: {  	v12 =	vor.u32 v25, v32;
	v13 =	vor.u32 v7, v46;
	[tilespmem:v14+s19+$0x0] =	vst.idx.msk $0xffff, v38;
	v8 =	vld.idx.msk [tilespmem:v8+s3+$0x0], $0xffff  }
0x59: {  	v14 =	vor.u32 v27, v43;
	v36 =	vld.idx.msk [tilespmem:v15+s3+$0x0], $0xffff;
	v15 =	vor.u32 v25, v34  }
0x5a: {  	[tilespmem:v41+s19+$0x0] =	vst.idx.msk $0xffff, v39;
	v39 =	vor.u32 v27, v45  }
0x5b: {  	v48 =	vld.idx.msk [tilespmem:v49+s3+$0x0], $0xffff;
	[tilespmem:v59+s19+$0x0] =	vst.idx.msk $0xffff, v37;
	v37 =	vor.u32 v25, v35;
	_ =	sdelay $0x1  }
0x5c: {  	v59 =	vor.u32 v27, v47;
	[tilespmem:v12+s19+$0x0] =	vst.idx.msk $0xffff, v8;
	v8 =	vld.idx.msk [tilespmem:v13+s3+$0x0], $0xffff;
	v12 =	vor.u32 v25, v33  }
0x5d: {  	v13 =	vor.u32 v28, v32;
	[tilespmem:v15+s19+$0x0] =	vst.idx.msk $0xffff, v36;
	v38 =	vld.idx.msk [tilespmem:v14+s3+$0x0], $0xffff;
	v14 =	vor.u32 v27, v46  }
0x5e: {  	v41 =	vor.u32 v28, v34;
	v15 =	vor.u32 v29, v43;
	v39 =	vld.idx.msk [tilespmem:v39+s3+$0x0], $0xffff  }
0x5f: {  	[tilespmem:v37+s19+$0x0] =	vst.idx.msk $0xffff, v48;
	v37 =	vor.u32 v29, v45;
	_ =	sdelay $0x1  }
0x60: {  	v48 =	vld.idx.msk [tilespmem:v59+s3+$0x0], $0xffff;
	[tilespmem:v12+s19+$0x0] =	vst.idx.msk $0xffff, v8;
	v8 =	vor.u32 v28, v35  }
0x61: {  	[tilespmem:v13+s19+$0x0] =	vst.idx.msk $0xffff, v38;
	v59 =	vld.idx.msk [tilespmem:v14+s3+$0x0], $0xffff;
	v13 =	vor.u32 v28, v33  }
0x62: {  	v32 =	vor.u32 v17, v32;
	v12 =	vor.u32 v29, v47;
	[tilespmem:v41+s19+$0x0] =	vst.idx.msk $0xffff, v39;
	v36 =	vld.idx.msk [tilespmem:v15+s3+$0x0], $0xffff  }
0x63: {  	v34 =	vor.u32 v17, v34;
	v14 =	vor.u32 v29, v46;
	v37 =	vld.idx.msk [tilespmem:v37+s3+$0x0], $0xffff;
	_ =	sdelay $0x1  }
0x64: {  	v15 =	vor.u32 v58, v43;
	[tilespmem:v8+s19+$0x0] =	vst.idx.msk $0xffff, v48  }
0x65: {  	[tilespmem:v13+s19+$0x0] =	vst.idx.msk $0xffff, v59  }
0x66: {  	v48 =	vld.idx.msk [tilespmem:v12+s3+$0x0], $0xffff;
	[tilespmem:v32+s19+$0x0] =	vst.idx.msk $0xffff, v36  }
0x67: {  	v52 =	vld.idx.msk [tilespmem:v14+s3+$0x0], $0xffff;
	[tilespmem:v34+s19+$0x0] =	vst.idx.msk $0xffff, v37  }
0x68: {  	v0 =	vld [tilespmem:$0x1FF20]  }
0x69: {  	v35 =	vor.u32 v17, v35;
	v8 =	vor.u32 v58, v45;
	v39 =	vld.idx.msk [tilespmem:v15+s3+$0x0], $0xffff  }
0x6a: {  	v10 =	vld [tilespmem:$0x1FEF0]  }
0x6b: {  	v12 =	vld [tilespmem:$0x1FF00]  }
0x6c: {  	v36 =	vor.u32 v58, v47;
	v13 =	vld [tilespmem:$0x1FF10]  }
0x6d: {  	v49 =	vor.u32 v60, v42;
	v40 =	vor.u32 v0, v43;
	v0 =	vld [tilespmem:$0x1FF20]  }
0x6e: {  	v55 =	vor.u32 v17, v33;
	v8 =	vld.idx.msk [tilespmem:v8+s3+$0x0], $0xffff;
	[tilespmem:v35+s19+$0x0] =	vst.idx.msk $0xffff, v48  }
0x6f: {  	v41 =	vor.u32 v58, v46;
	v48 =	vld [tilespmem:$0x1FED0]  }
0x70: {  	v11 =	vmovc v19;
	v19 =	vmov v2;
	s8 =	simm.s32 $0x4;
	v53 =	vor.u32 v60, v9;
	v2 =	vlaneseq.u32;
	v23 =	vld [tilespmem:$0x1FEE0]  }
0x71: {  	v18 =	vmovc v60;
	s12 =	simm.s32 $0x6;
	v59 =	vor.u32 v60, v44;
	v32 =	vadd.s32 s8, v56;
	v56 =	vor.u32 v60, v21;
	v60 =	vld.idx.msk [tilespmem:v36+s3+$0x0], $0xffff  }
0x72: {  	v16 =	vmovc v57;
	v20 =	vmov v61;
	v33 =	vadd.s32 s12, v2;
	v58 =	vor.u32 v0, v45;
	v0 =	vld [tilespmem:$0x1FF20];
	[tilespmem:v49+s19+$0x0] =	vst.idx.msk $0xffff, v39  }
0x73: {  	v54 =	vor.u32 v61, v42;
	v50 =	vand.u32 $0xF, v33;
	v14 =	vmov v30;
	[tilespmem:v55+s19+$0x0] =	vst.idx.msk $0xffff, v52;
	v52 =	vld.idx.msk [tilespmem:v40+s3+$0x0], $0xffff  }
0x74: {  	v30 =	vmovc v27;
	v27 =	vmovc v6;
	v6 =	vmov v24;
	v24 =	vmov v5;
	v51 =	vand.u32 $0xF, v32;
	v57 =	vld.idx.msk [tilespmem:v41+s3+$0x0], $0xffff  }
0x75: {  	s26 =	simm.s32 $0x5;
	v5 =	vmovc v4;
	v4 =	vmovc v63;
	v63 =	vor.u32 v20, v9;
	v15 =	vmov v31;
	v38 =	vshll.u32 v51, $0x7  }
0x76: {  	v31 =	vmovc v28;
	v61 =	vor.u32 v2, v38;
	v35 =	vadd.s32 s26, v2;
	v36 =	vshll.u32 v50, $0x7;
	[tilespmem:v53+s19+$0x0] =	vst.idx.msk $0xffff, v8  }
0x77: {  	s28 =	simm.s32 $0x7;
	v28 =	vmovc v7;
	v7 =	vmov v3;
	v49 =	vand.u32 $0xF, v35;
	v55 =	vor.u32 v2, v36;
	[tilespmem:v59+s19+$0x0] =	vst.idx.msk $0xffff, v60  }
0x78: {  	v3 =	vmovc v62;
	v34 =	vadd.s32 s28, v2;
	v39 =	vshll.u32 v49, $0x7;
	v62 =	vor.u32 v0, v47;
	[tilespmem:v54+s19+$0x0] =	vst.idx.msk $0xffff, v52  }
0x79: {  	v1 =	vand.u32 $0xF, v34;
	v53 =	vor.u32 v2, v39;
	v58 =	vld.idx.msk [tilespmem:v58+s3+$0x0], $0xffff;
	[tilespmem:v56+s19+$0x0] =	vst.idx.msk $0xffff, v57  }
0x7a: {  	v37 =	vshll.u32 v1, $0x7;
	v8 =	vor.u32 v48, v43;
	v0 =	vld [tilespmem:$0x1FF20]  }
0x7b: {  	v61 =	vld.idx.msk [tilespmem:v61+s3+$0x0], $0xffff;
	v40 =	vor.u32 v2, v37;
	v59 =	vor.u32 v3, v51  }
0x7c: {  	v52 =	vor.u32 v4, v38;
	v54 =	vld.idx.msk [tilespmem:v55+s3+$0x0], $0xffff;
	v55 =	vor.u32 v3, v50  }
0x7d: {  	v60 =	vor.u32 v20, v44;
	v41 =	vor.u32 v48, v45;
	v62 =	vld.idx.msk [tilespmem:v62+s3+$0x0], $0xffff  }
0x7e: {  	v53 =	vld.idx.msk [tilespmem:v53+s3+$0x0], $0xffff;
	[tilespmem:v63+s19+$0x0] =	vst.idx.msk $0xffff, v58;
	v58 =	vor.u32 v3, v49;
	v63 =	vor.u32 v4, v36  }
0x7f: {  	v57 =	vor.u32 v22, v42;
	v8 =	vld.idx.msk [tilespmem:v8+s3+$0x0], $0xffff;
	v56 =	vor.u32 v0, v46  }
0x80: {  	v40 =	vld.idx.msk [tilespmem:v40+s3+$0x0], $0xffff;
	[tilespmem:v59+s19+$0x0] =	vst.idx.msk $0xffff, v61;
	v59 =	vor.u32 v23, v43;
	v61 =	vor.u32 v3, v1  }
0x81: {  	v52 =	vld.idx.msk [tilespmem:v52+s3+$0x0], $0xffff;
	[tilespmem:v55+s19+$0x0] =	vst.idx.msk $0xffff, v54;
	v54 =	vor.u32 v4, v37;
	v55 =	vor.u32 v5, v51  }
0x82: {  	v41 =	vld.idx.msk [tilespmem:v41+s3+$0x0], $0xffff;
	[tilespmem:v60+s19+$0x0] =	vst.idx.msk $0xffff, v62;
	v60 =	vor.u32 v4, v39;
	v62 =	vor.u32 v22, v9  }
0x83: {  	[tilespmem:v58+s19+$0x0] =	vst.idx.msk $0xffff, v53;
	v53 =	vor.u32 v24, v38;
	v58 =	vld.idx.msk [tilespmem:v63+s3+$0x0], $0xffff;
	v63 =	vor.u32 v5, v50  }
0x84: {  	[tilespmem:v57+s19+$0x0] =	vst.idx.msk $0xffff, v8;
	v8 =	vor.u32 v48, v47;
	v57 =	vor.u32 v20, v21;
	v56 =	vld.idx.msk [tilespmem:v56+s3+$0x0], $0xffff  }
0x85: {  	[tilespmem:v61+s19+$0x0] =	vst.idx.msk $0xffff, v40;
	v40 =	vor.u32 v48, v46;
	v61 =	vor.u32 v10, v42;
	v59 =	vld.idx.msk [tilespmem:v59+s3+$0x0], $0xffff  }
0x86: {  	v54 =	vld.idx.msk [tilespmem:v54+s3+$0x0], $0xffff;
	[tilespmem:v55+s19+$0x0] =	vst.idx.msk $0xffff, v52;
	v52 =	vor.u32 v11, v43;
	v55 =	vor.u32 v5, v1  }
0x87: {  	v60 =	vld.idx.msk [tilespmem:v60+s3+$0x0], $0xffff;
	[tilespmem:v62+s19+$0x0] =	vst.idx.msk $0xffff, v41;
	v41 =	vor.u32 v24, v36;
	v62 =	vor.u32 v5, v49  }
0x88: {  	v48 =	vor.u32 v6, v51;
	v53 =	vld.idx.msk [tilespmem:v53+s3+$0x0], $0xffff;
	[tilespmem:v63+s19+$0x0] =	vst.idx.msk $0xffff, v58;
	v58 =	vor.u32 v24, v37  }
0x89: {  	v8 =	vld.idx.msk [tilespmem:v8+s3+$0x0], $0xffff;
	[tilespmem:v57+s19+$0x0] =	vst.idx.msk $0xffff, v56;
	v56 =	vor.u32 v24, v39;
	v57 =	vor.u32 v22, v44  }
0x8a: {  	[tilespmem:v61+s19+$0x0] =	vst.idx.msk $0xffff, v59;
	v59 =	vor.u32 v23, v47;
	v61 =	vor.u32 v22, v21;
	v40 =	vld.idx.msk [tilespmem:v40+s3+$0x0], $0xffff  }
0x8b: {  	v52 =	vld.idx.msk [tilespmem:v52+s3+$0x0], $0xffff;
	[tilespmem:v55+s19+$0x0] =	vst.idx.msk $0xffff, v54;
	v54 =	vor.u32 v23, v46;
	v55 =	vor.u32 v12, v42  }
0x8c: {  	[tilespmem:v62+s19+$0x0] =	vst.idx.msk $0xffff, v60;
	v60 =	vor.u32 v19, v38;
	v41 =	vld.idx.msk [tilespmem:v41+s3+$0x0], $0xffff;
	v62 =	vor.u32 v6, v50  }
0x8d: {  	v58 =	vld.idx.msk [tilespmem:v58+s3+$0x0], $0xffff;
	[tilespmem:v48+s19+$0x0] =	vst.idx.msk $0xffff, v53;
	v53 =	vor.u32 v23, v45;
	v48 =	vor.u32 v6, v1  }
0x8e: {  	v56 =	vld.idx.msk [tilespmem:v56+s3+$0x0], $0xffff;
	[tilespmem:v57+s19+$0x0] =	vst.idx.msk $0xffff, v8;
	v8 =	vor.u32 v19, v36;
	v57 =	vor.u32 v6, v49  }
0x8f: {  	[tilespmem:v61+s19+$0x0] =	vst.idx.msk $0xffff, v40;
	v40 =	vor.u32 v19, v39;
	v59 =	vld.idx.msk [tilespmem:v59+s3+$0x0], $0xffff;
	v61 =	vor.u32 v10, v44  }
0x90: {  	[tilespmem:v55+s19+$0x0] =	vst.idx.msk $0xffff, v52;
	v52 =	vor.u32 v11, v47;
	v55 =	vor.u32 v10, v21;
	v54 =	vld.idx.msk [tilespmem:v54+s3+$0x0], $0xffff  }
0x91: {  	v60 =	vld.idx.msk [tilespmem:v60+s3+$0x0], $0xffff;
	[tilespmem:v62+s19+$0x0] =	vst.idx.msk $0xffff, v41;
	v41 =	vor.u32 v19, v37;
	v62 =	vor.u32 v26, v51  }
0x92: {  	v53 =	vld.idx.msk [tilespmem:v53+s3+$0x0], $0xffff;
	[tilespmem:v48+s19+$0x0] =	vst.idx.msk $0xffff, v58;
	v58 =	vor.u32 v11, v46;
	v48 =	vor.u32 v10, v9  }
0x93: {  	[tilespmem:v57+s19+$0x0] =	vst.idx.msk $0xffff, v56;
	v56 =	vor.u32 v7, v38;
	v8 =	vld.idx.msk [tilespmem:v8+s3+$0x0], $0xffff;
	v57 =	vor.u32 v26, v50  }
0x94: {  	v40 =	vld.idx.msk [tilespmem:v40+s3+$0x0], $0xffff;
	[tilespmem:v61+s19+$0x0] =	vst.idx.msk $0xffff, v59;
	v59 =	vor.u32 v7, v36;
	v61 =	vor.u32 v26, v49  }
0x95: {  	[tilespmem:v55+s19+$0x0] =	vst.idx.msk $0xffff, v54;
	v54 =	vor.u32 v13, v43;
	v52 =	vld.idx.msk [tilespmem:v52+s3+$0x0], $0xffff;
	v55 =	vor.u32 v12, v44  }
0x96: {  	v41 =	vld.idx.msk [tilespmem:v41+s3+$0x0], $0xffff;
	[tilespmem:v62+s19+$0x0] =	vst.idx.msk $0xffff, v60;
	v60 =	vor.u32 v11, v45;
	v62 =	vor.u32 v26, v1  }
0x97: {  	[tilespmem:v48+s19+$0x0] =	vst.idx.msk $0xffff, v53;
	v53 =	vor.u32 v7, v37;
	v58 =	vld.idx.msk [tilespmem:v58+s3+$0x0], $0xffff;
	v48 =	vor.u32 v12, v21  }
0x98: {  	v56 =	vld.idx.msk [tilespmem:v56+s3+$0x0], $0xffff;
	[tilespmem:v57+s19+$0x0] =	vst.idx.msk $0xffff, v8;
	v8 =	vor.u32 v7, v39;
	v57 =	vor.u32 v27, v51  }
0x99: {  	[tilespmem:v61+s19+$0x0] =	vst.idx.msk $0xffff, v40;
	v40 =	vor.u32 v28, v38;
	v59 =	vld.idx.msk [tilespmem:v59+s3+$0x0], $0xffff;
	v61 =	vor.u32 v27, v50  }
0x9a: {  	[tilespmem:v55+s19+$0x0] =	vst.idx.msk $0xffff, v52;
	v52 =	vor.u32 v28, v36;
	v54 =	vld.idx.msk [tilespmem:v54+s3+$0x0], $0xffff;
	v55 =	vor.u32 v14, v42  }
0x9b: {  	v60 =	vld.idx.msk [tilespmem:v60+s3+$0x0], $0xffff;
	[tilespmem:v62+s19+$0x0] =	vst.idx.msk $0xffff, v41;
	v41 =	vor.u32 v13, v46;
	v62 =	vor.u32 v12, v9  }
0x9c: {  	[tilespmem:v48+s19+$0x0] =	vst.idx.msk $0xffff, v58;
	v58 =	vor.u32 v13, v45;
	v48 =	vor.u32 v27, v1;
	v53 =	vld.idx.msk [tilespmem:v53+s3+$0x0], $0xffff  }
0x9d: {  	v8 =	vld.idx.msk [tilespmem:v8+s3+$0x0], $0xffff;
	[tilespmem:v57+s19+$0x0] =	vst.idx.msk $0xffff, v56;
	v56 =	vor.u32 v13, v47;
	v57 =	vor.u32 v27, v49  }
0x9e: {  	v12 =	vor.u32 v25, v51;
	v40 =	vld.idx.msk [tilespmem:v40+s3+$0x0], $0xffff;
	[tilespmem:v61+s19+$0x0] =	vst.idx.msk $0xffff, v59;
	v59 =	vor.u32 v28, v39  }
0x9f: {  	[tilespmem:v55+s19+$0x0] =	vst.idx.msk $0xffff, v54;
	v54 =	vor.u32 v30, v38;
	v52 =	vld.idx.msk [tilespmem:v52+s3+$0x0], $0xffff;
	v55 =	vor.u32 v25, v50  }
0xa0: {  	v13 =	vor.u32 v14, v21;
	[tilespmem:v62+s19+$0x0] =	vst.idx.msk $0xffff, v60;
	v60 =	vor.u32 v28, v37;
	v41 =	vld.idx.msk [tilespmem:v41+s3+$0x0], $0xffff  }
0xa1: {  	[tilespmem:v48+s19+$0x0] =	vst.idx.msk $0xffff, v53;
	v53 =	vor.u32 v30, v36;
	v58 =	vld.idx.msk [tilespmem:v58+s3+$0x0], $0xffff;
	v48 =	vor.u32 v14, v9  }
0xa2: {  	[tilespmem:v57+s19+$0x0] =	vst.idx.msk $0xffff, v8;
	v8 =	vor.u32 v15, v43;
	v56 =	vld.idx.msk [tilespmem:v56+s3+$0x0], $0xffff;
	v57 =	vor.u32 v14, v44  }
0xa3: {  	v59 =	vld.idx.msk [tilespmem:v59+s3+$0x0], $0xffff;
	[tilespmem:v12+s19+$0x0] =	vst.idx.msk $0xffff, v40;
	v40 =	vor.u32 v15, v47;
	v12 =	vor.u32 v25, v49  }
0xa4: {  	v14 =	vor.u32 v31, v51;
	v54 =	vld.idx.msk [tilespmem:v54+s3+$0x0], $0xffff;
	[tilespmem:v55+s19+$0x0] =	vst.idx.msk $0xffff, v52;
	v52 =	vor.u32 v30, v39  }
0xa5: {  	v60 =	vld.idx.msk [tilespmem:v60+s3+$0x0], $0xffff;
	[tilespmem:v13+s19+$0x0] =	vst.idx.msk $0xffff, v41;
	v41 =	vor.u32 v15, v45;
	v13 =	vor.u32 v25, v1  }
0xa6: {  	[tilespmem:v48+s19+$0x0] =	vst.idx.msk $0xffff, v58;
	v53 =	vld.idx.msk [tilespmem:v53+s3+$0x0], $0xffff;
	v58 =	vor.u32 v31, v50  }
0xa7: {  	[tilespmem:v57+s19+$0x0] =	vst.idx.msk $0xffff, v56;
	v8 =	vld.idx.msk [tilespmem:v8+s3+$0x0], $0xffff;
	v57 =	vor.u32 v16, v42  }
0xa8: {  	[tilespmem:v12+s19+$0x0] =	vst.idx.msk $0xffff, v59;
	v40 =	vld.idx.msk [tilespmem:v40+s3+$0x0], $0xffff;
	v12 =	vor.u32 v16, v44  }
0xa9: {  	v56 =	vor.u32 v30, v37;
	[tilespmem:v14+s19+$0x0] =	vst.idx.msk $0xffff, v54;
	v52 =	vld.idx.msk [tilespmem:v52+s3+$0x0], $0xffff;
	v14 =	vor.u32 v31, v49  }
0xaa: {  	[tilespmem:v13+s19+$0x0] =	vst.idx.msk $0xffff, v60;
	v13 =	vor.u32 v16, v9;
	v41 =	vld.idx.msk [tilespmem:v41+s3+$0x0], $0xffff  }
0xab: {  	v10 =	vld [tilespmem:$0x1FFA0];
	[tilespmem:v58+s19+$0x0] =	vst.idx.msk $0xffff, v53  }
0xac: {  	[tilespmem:v57+s19+$0x0] =	vst.idx.msk $0xffff, v8  }
0xad: {  	v48 =	vor.u32 v29, v38;
	[tilespmem:v12+s19+$0x0] =	vst.idx.msk $0xffff, v40  }
0xae: {  	v63 =	vor.u32 v31, v1;
	v8 =	vor.u32 v29, v36;
	v62 =	vld.idx.msk [tilespmem:v56+s3+$0x0], $0xffff;
	[tilespmem:v14+s19+$0x0] =	vst.idx.msk $0xffff, v52  }
0xaf: {  	[tilespmem:v13+s19+$0x0] =	vst.idx.msk $0xffff, v41  }
0xb0: {  	v43 =	vor.u32 v10, v43;
	v0 =	vld [tilespmem:$0x1FFB0]  }
0xb1: {  	v47 =	vor.u32 v10, v47  }
0xb2: {  	v57 =	vld.idx.msk [tilespmem:v48+s3+$0x0], $0xffff  }
0xb3: {  	v51 =	vor.u32 v17, v51;
	[tilespmem:v63+s19+$0x0] =	vst.idx.msk $0xffff, v62;
	v12 =	vld.idx.msk [tilespmem:v8+s3+$0x0], $0xffff  }
0xb4: {  	v13 =	vor.u32 v17, v50;
	v11 =	vld [tilespmem:$0x1FFE0]  }
0xb5: {  	v59 =	vld.idx.msk [tilespmem:v43+s3+$0x0], $0xffff;
	v42 =	vor.u32 v0, v42  }
0xb6: {  	v53 =	vor.u32 v15, v46;
	v58 =	vor.u32 v29, v39;
	v14 =	vld.idx.msk [tilespmem:v47+s3+$0x0], $0xffff;
	v15 =	vor.u32 v0, v44;
	_ =	sdelay $0x1  }
0xb7: {  	v54 =	vor.u32 v29, v37;
	[tilespmem:v51+s19+$0x0] =	vst.idx.msk $0xffff, v57  }
0xb8: {  	[tilespmem:v13+s19+$0x0] =	vst.idx.msk $0xffff, v12  }
0xb9: {  	v45 =	vor.u32 v10, v45;
	[tilespmem:v42+s19+$0x0] =	vst.idx.msk $0xffff, v59  }
0xba: {  	v50 =	vld.idx.msk [tilespmem:v58+s3+$0x0], $0xffff;
	v60 =	vor.u32 v11, v38;
	[tilespmem:v15+s19+$0x0] =	vst.idx.msk $0xffff, v14  }
0xbb: {  	v40 =	vor.u32 v0, v9;
	v9 =	vor.u32 v11, v36;
	v48 =	vld [tilespmem:$0x1FF20]  }
0xbc: {  	v52 =	vor.u32 v10, v46;
	v46 =	vor.u32 v17, v49;
	v49 =	vld.idx.msk [tilespmem:v54+s3+$0x0], $0xffff  }
0xbd: {  	v61 =	vor.u32 v18, v32;
	v56 =	vor.u32 v20, v32;
	v44 =	vld.idx.msk [tilespmem:v53+s3+$0x0], $0xffff  }
0xbe: {  	v41 =	vor.u32 v16, v21;
	v58 =	vor.u32 v18, v35;
	v57 =	vor.u32 v18, v34;
	v53 =	vld.idx.msk [tilespmem:v45+s3+$0x0], $0xffff  }
0xbf: {  	v43 =	vor.u32 v18, v33;
	v55 =	vor.u32 v0, v21;
	v47 =	vor.u32 v17, v1;
	v59 =	vld.idx.msk [tilespmem:v60+s3+$0x0], $0xffff  }
0xc0: {  	s8 =	simm.s32 $0x8;
	v8 =	vor.u32 v11, v39;
	v62 =	vor.u32 v11, v37;
	v60 =	vld.idx.msk [tilespmem:v9+s3+$0x0], $0xffff;
	v63 =	vor.u32 v48, v38  }
.LBB2_4:
0xc1: {  	v19 =	vld [tilespmem:$0x1FED0]  }
0xc2: {  	v16 =	vld [tilespmem:$0x1FFB0]  }
0xc3: {  	v1 =	vld [tilespmem:$0x1FF20]  }
0xc4: {  	v45 =	vmov v32;
	v32 =	vadd.s32 s8, v2;
	s26 =	smov.u32 s8;
	v29 =	vld [tilespmem:$0x1FEF0]  }
0xc5: {  	v9 =	vor.u32 v48, v39;
	v10 =	vor.u32 v48, v36;
	v25 =	vld [tilespmem:$0x1FF60];
	v48 =	vand.u32 $0xF, v32;
	s28 =	sadd.s32 $0x2, s26;
	[tilespmem:v41+s19+$0x0] =	vst.idx.msk $0xffff, v44  }
0xc6: {  	v51 =	vmovc v38;
	v54 =	vmov v33;
	v38 =	vshll.u32 v48, $0x7;
	v33 =	vadd.s32 s28, v2;
	[tilespmem:v46+s19+$0x0] =	vst.idx.msk $0xffff, v50;
	v41 =	vld.idx.msk [tilespmem:v52+s3+$0x0], $0xffff  }
0xc7: {  	s12 =	sadd.s32 $0x1, s8;
	v42 =	vmov v34;
	v11 =	vor.u32 v2, v38;
	[tilespmem:v47+s19+$0x0] =	vst.idx.msk $0xffff, v49;
	v50 =	vand.u32 $0xF, v33;
	v8 =	vld.idx.msk [tilespmem:v8+s3+$0x0], $0xffff  }
0xc8: {  	s5 =	sadd.s32 $0x3, s8;
	v44 =	vmovc v35;
	v35 =	vadd.s32 s12, v2;
	v49 =	vmov v36;
	[tilespmem:v61+s19+$0x0] =	vst.idx.msk $0xffff, v59;
	v59 =	vld.idx.msk [tilespmem:v62+s3+$0x0], $0xffff;
	v36 =	vshll.u32 v50, $0x7  }
0xc9: {  	v34 =	vadd.s32 s5, v2;
	v46 =	vand.u32 $0xF, v35;
	[tilespmem:v40+s19+$0x0] =	vst.idx.msk $0xffff, v53;
	v61 =	vld.idx.msk [tilespmem:v63+s3+$0x0], $0xffff;
	v40 =	vor.u32 v2, v36  }
0xca: {  	v21 =	vld [tilespmem:$0x1FFD0];
	v52 =	vmovc v39;
	v47 =	vand.u32 $0xF, v34;
	v39 =	vshll.u32 v46, $0x7;
	[tilespmem:v43+s19+$0x0] =	vst.idx.msk $0xffff, v60;
	v63 =	vor.u32 v19, v51  }
0xcb: {  	v53 =	vmov v37;
	v37 =	vshll.u32 v47, $0x7;
	v60 =	vor.u32 v2, v39;
	v10 =	vld.idx.msk [tilespmem:v10+s3+$0x0], $0xffff;
	[tilespmem:v55+s19+$0x0] =	vst.idx.msk $0xffff, v41  }
0xcc: {  	v12 =	vor.u32 v20, v54;
	v62 =	vor.u32 v2, v37;
	v11 =	vld.idx.msk [tilespmem:v11+s3+$0x0], $0xffff;
	[tilespmem:v58+s19+$0x0] =	vst.idx.msk $0xffff, v8  }
0xcd: {  	v13 =	vor.u32 v19, v49;
	v58 =	vor.u32 v3, v48;
	[tilespmem:v57+s19+$0x0] =	vst.idx.msk $0xffff, v59;
	v9 =	vld.idx.msk [tilespmem:v9+s3+$0x0], $0xffff  }
0xce: {  	v8 =	vor.u32 v20, v44;
	v57 =	vor.u32 v4, v38;
	[tilespmem:v56+s19+$0x0] =	vst.idx.msk $0xffff, v61;
	v0 =	vld.idx.msk [tilespmem:v40+s3+$0x0], $0xffff  }
0xcf: {  	v56 =	vor.u32 v3, v50;
	v61 =	vld.idx.msk [tilespmem:v63+s3+$0x0], $0xffff;
	v63 =	vor.u32 v1, v53  }
0xd0: {  	v15 =	vor.u32 v22, v45;
	v14 =	vor.u32 v4, v36;
	v60 =	vld.idx.msk [tilespmem:v60+s3+$0x0], $0xffff  }
0xd1: {  	[tilespmem:v12+s19+$0x0] =	vst.idx.msk $0xffff, v10;
	v10 =	vld.idx.msk [tilespmem:v62+s3+$0x0], $0xffff;
	v12 =	vor.u32 v23, v51  }
0xd2: {  	v59 =	vor.u32 v3, v46;
	v13 =	vld.idx.msk [tilespmem:v13+s3+$0x0], $0xffff;
	[tilespmem:v58+s19+$0x0] =	vst.idx.msk $0xffff, v11  }
0xd3: {  	v11 =	vor.u32 v4, v39;
	v58 =	vor.u32 v3, v47;
	v57 =	vld.idx.msk [tilespmem:v57+s3+$0x0], $0xffff;
	[tilespmem:v8+s19+$0x0] =	vst.idx.msk $0xffff, v9  }
0xd4: {  	v62 =	vor.u32 v4, v37;
	v8 =	vor.u32 v22, v54;
	[tilespmem:v56+s19+$0x0] =	vst.idx.msk $0xffff, v0;
	v56 =	vld.idx.msk [tilespmem:v63+s3+$0x0], $0xffff  }
0xd5: {  	v9 =	vor.u32 v5, v48;
	v0 =	vor.u32 v19, v52;
	[tilespmem:v15+s19+$0x0] =	vst.idx.msk $0xffff, v61;
	v14 =	vld.idx.msk [tilespmem:v14+s3+$0x0], $0xffff  }
0xd6: {  	v63 =	vor.u32 v24, v38;
	v15 =	vor.u32 v20, v42;
	v12 =	vld.idx.msk [tilespmem:v12+s3+$0x0], $0xffff  }
0xd7: {  	[tilespmem:v59+s19+$0x0] =	vst.idx.msk $0xffff, v60;
	v59 =	vor.u32 v5, v50;
	v60 =	vor.u32 v19, v53;
	v19 =	vld [tilespmem:$0x1FF00]  }
0xd8: {  	v11 =	vld.idx.msk [tilespmem:v11+s3+$0x0], $0xffff;
	[tilespmem:v58+s19+$0x0] =	vst.idx.msk $0xffff, v10;
	v10 =	vor.u32 v29, v45  }
0xd9: {  	v61 =	vor.u32 v24, v36;
	v58 =	vor.u32 v5, v46;
	v62 =	vld.idx.msk [tilespmem:v62+s3+$0x0], $0xffff;
	[tilespmem:v8+s19+$0x0] =	vst.idx.msk $0xffff, v13  }
0xda: {  	v1 =	vor.u32 v25, v51;
	[tilespmem:v9+s19+$0x0] =	vst.idx.msk $0xffff, v57;
	v9 =	vor.u32 v5, v47;
	v0 =	vld.idx.msk [tilespmem:v0+s3+$0x0], $0xffff  }
0xdb: {  	v8 =	vor.u32 v24, v39;
	[tilespmem:v15+s19+$0x0] =	vst.idx.msk $0xffff, v56;
	v13 =	vld.idx.msk [tilespmem:v63+s3+$0x0], $0xffff;
	v63 =	vor.u32 v22, v44  }
0xdc: {  	v17 =	vld [tilespmem:$0x1FF90];
	v57 =	vor.u32 v24, v37;
	v15 =	vor.u32 v6, v48;
	[tilespmem:v59+s19+$0x0] =	vst.idx.msk $0xffff, v14  }
0xdd: {  	v14 =	vor.u32 v23, v52;
	v56 =	vld.idx.msk [tilespmem:v60+s3+$0x0], $0xffff;
	[tilespmem:v10+s19+$0x0] =	vst.idx.msk $0xffff, v12;
	v10 =	vor.u32 v22, v42  }
0xde: {  	v59 =	vor.u32 v21, v38;
	v60 =	vld.idx.msk [tilespmem:v61+s3+$0x0], $0xffff;
	[tilespmem:v58+s19+$0x0] =	vst.idx.msk $0xffff, v11;
	v11 =	vor.u32 v6, v50  }
0xdf: {  	v12 =	vor.u32 v23, v53;
	v1 =	vld.idx.msk [tilespmem:v1+s3+$0x0], $0xffff;
	[tilespmem:v9+s19+$0x0] =	vst.idx.msk $0xffff, v62;
	v9 =	vor.u32 v19, v45  }
0xe0: {  	v61 =	vor.u32 v6, v46;
	v58 =	vor.u32 v21, v36;
	v8 =	vld.idx.msk [tilespmem:v8+s3+$0x0], $0xffff;
	[tilespmem:v63+s19+$0x0] =	vst.idx.msk $0xffff, v0  }
0xe1: {  	v57 =	vld.idx.msk [tilespmem:v57+s3+$0x0], $0xffff;
	[tilespmem:v15+s19+$0x0] =	vst.idx.msk $0xffff, v13;
	v13 =	vor.u32 v21, v39  }
0xe2: {  	v63 =	vor.u32 v29, v44;
	v14 =	vld.idx.msk [tilespmem:v14+s3+$0x0], $0xffff;
	[tilespmem:v10+s19+$0x0] =	vst.idx.msk $0xffff, v56  }
0xe3: {  	v0 =	vor.u32 v23, v49;
	v15 =	vor.u32 v6, v47;
	v59 =	vld.idx.msk [tilespmem:v59+s3+$0x0], $0xffff;
	[tilespmem:v11+s19+$0x0] =	vst.idx.msk $0xffff, v60  }
0xe4: {  	v10 =	vor.u32 v26, v48;
	v12 =	vld.idx.msk [tilespmem:v12+s3+$0x0], $0xffff;
	[tilespmem:v9+s19+$0x0] =	vst.idx.msk $0xffff, v1  }
0xe5: {  	v62 =	vor.u32 v21, v37;
	v58 =	vld.idx.msk [tilespmem:v58+s3+$0x0], $0xffff;
	v1 =	vor.u32 v29, v42;
	[tilespmem:v61+s19+$0x0] =	vst.idx.msk $0xffff, v8  }
0xe6: {  	v11 =	vor.u32 v25, v52;
	v8 =	vor.u32 v26, v50;
	v13 =	vld.idx.msk [tilespmem:v13+s3+$0x0], $0xffff  }
0xe7: {  	v9 =	vor.u32 v25, v53;
	[tilespmem:v63+s19+$0x0] =	vst.idx.msk $0xffff, v14;
	v14 =	vor.u32 v25, v49;
	v25 =	vld [tilespmem:$0x1FF10]  }
0xe8: {  	v60 =	vor.u32 v7, v36;
	v0 =	vld.idx.msk [tilespmem:v0+s3+$0x0], $0xffff;
	[tilespmem:v15+s19+$0x0] =	vst.idx.msk $0xffff, v57;
	v15 =	vor.u32 v29, v54  }
0xe9: {  	v56 =	vor.u32 v7, v38;
	v57 =	vor.u32 v26, v46;
	v29 =	vld [tilespmem:$0x1FFC0];
	[tilespmem:v10+s19+$0x0] =	vst.idx.msk $0xffff, v59  }
0xea: {  	v61 =	vld.idx.msk [tilespmem:v62+s3+$0x0], $0xffff;
	v62 =	vor.u32 v7, v39;
	v10 =	vor.u32 v26, v47;
	[tilespmem:v1+s19+$0x0] =	vst.idx.msk $0xffff, v12  }
0xeb: {  	v11 =	vld.idx.msk [tilespmem:v11+s3+$0x0], $0xffff;
	[tilespmem:v8+s19+$0x0] =	vst.idx.msk $0xffff, v58;
	v8 =	vor.u32 v7, v37  }
0xec: {  	v63 =	vor.u32 v19, v44;
	v9 =	vld.idx.msk [tilespmem:v9+s3+$0x0], $0xffff;
	v59 =	vor.u32 v25, v51  }
0xed: {  	v58 =	vld.idx.msk [tilespmem:v60+s3+$0x0], $0xffff;
	[tilespmem:v15+s19+$0x0] =	vst.idx.msk $0xffff, v0;
	v0 =	vor.u32 v19, v42  }
0xee: {  	v56 =	vld.idx.msk [tilespmem:v56+s3+$0x0], $0xffff;
	[tilespmem:v57+s19+$0x0] =	vst.idx.msk $0xffff, v13;
	v13 =	vor.u32 v27, v50  }
0xef: {  	v1 =	vor.u32 v27, v48;
	v15 =	vor.u32 v25, v53;
	v60 =	vld.idx.msk [tilespmem:v62+s3+$0x0], $0xffff;
	[tilespmem:v10+s19+$0x0] =	vst.idx.msk $0xffff, v61  }
0xf0: {  	v8 =	vld.idx.msk [tilespmem:v8+s3+$0x0], $0xffff  }
0xf1: {  	v12 =	vor.u32 v28, v38;
	v57 =	vor.u32 v28, v36;
	[tilespmem:v63+s19+$0x0] =	vst.idx.msk $0xffff, v11;
	v10 =	vld.idx.msk [tilespmem:v59+s3+$0x0], $0xffff  }
0xf2: {  	v63 =	vor.u32 v27, v47;
	[tilespmem:v0+s19+$0x0] =	vst.idx.msk $0xffff, v9;
	v59 =	vor.u32 v19, v54;
	v19 =	vld [tilespmem:$0x1FF70]  }
0xf3: {  	v14 =	vld.idx.msk [tilespmem:v14+s3+$0x0], $0xffff;
	v11 =	vor.u32 v25, v52;
	[tilespmem:v13+s19+$0x0] =	vst.idx.msk $0xffff, v58  }
0xf4: {  	[tilespmem:v1+s19+$0x0] =	vst.idx.msk $0xffff, v56;
	v1 =	vor.u32 v27, v46;
	v13 =	vld.idx.msk [tilespmem:v15+s3+$0x0], $0xffff  }
0xf5: {  	v9 =	vor.u32 v28, v37;
	v56 =	vor.u32 v25, v49;
	v25 =	vld [tilespmem:$0x1FF80]  }
0xf6: {  	v58 =	vor.u32 v29, v50;
	v57 =	vld.idx.msk [tilespmem:v57+s3+$0x0], $0xffff  }
0xf7: {  	v12 =	vld.idx.msk [tilespmem:v12+s3+$0x0], $0xffff;
	[tilespmem:v63+s19+$0x0] =	vst.idx.msk $0xffff, v8;
	v61 =	vor.u32 v19, v45  }
0xf8: {  	v62 =	vor.u32 v28, v39;
	v11 =	vld.idx.msk [tilespmem:v11+s3+$0x0], $0xffff;
	[tilespmem:v59+s19+$0x0] =	vst.idx.msk $0xffff, v14;
	v14 =	vor.u32 v19, v42  }
0xf9: {  	v63 =	vld [tilespmem:$0x1FFA0];
	[tilespmem:v1+s19+$0x0] =	vst.idx.msk $0xffff, v60;
	v1 =	vor.u32 v30, v36;
	v59 =	vor.u32 v19, v44  }
0xfa: {  	v55 =	vor.u32 v17, v54;
	v0 =	vor.u32 v29, v48;
	v9 =	vld.idx.msk [tilespmem:v9+s3+$0x0], $0xffff;
	v8 =	vor.u32 v25, v52  }
0xfb: {  	v40 =	vor.u32 v16, v54;
	v54 =	vor.u32 v19, v54;
	v56 =	vld.idx.msk [tilespmem:v56+s3+$0x0], $0xffff;
	[tilespmem:v58+s19+$0x0] =	vst.idx.msk $0xffff, v57  }
0xfc: {  	v41 =	vor.u32 v17, v42;
	v15 =	vor.u32 v30, v38;
	v19 =	vld [tilespmem:$0x1FF40];
	[tilespmem:v61+s19+$0x0] =	vst.idx.msk $0xffff, v10  }
0xfd: {  	v60 =	vld.idx.msk [tilespmem:v62+s3+$0x0], $0xffff;
	v62 =	vor.u32 v29, v47;
	v10 =	vor.u32 v25, v51;
	[tilespmem:v14+s19+$0x0] =	vst.idx.msk $0xffff, v13  }
0xfe: {  	v58 =	vor.u32 v17, v45;
	v14 =	vor.u32 v30, v37;
	v1 =	vld.idx.msk [tilespmem:v1+s3+$0x0], $0xffff;
	[tilespmem:v59+s19+$0x0] =	vst.idx.msk $0xffff, v11  }
0xff: {  	[tilespmem:v0+s19+$0x0] =	vst.idx.msk $0xffff, v12;
	v0 =	vor.u32 v29, v46;
	v12 =	vor.u32 v25, v49;
	v8 =	vld.idx.msk [tilespmem:v8+s3+$0x0], $0xffff  }
0x100: {  	v11 =	vor.u32 v31, v50;
	[tilespmem:v54+s19+$0x0] =	vst.idx.msk $0xffff, v56;
	v54 =	vor.u32 v17, v44;
	v17 =	vld [tilespmem:$0x1FF50]  }
0x101: {  	v61 =	vor.u32 v30, v39;
	v13 =	vor.u32 v31, v48;
	v15 =	vld.idx.msk [tilespmem:v15+s3+$0x0], $0xffff  }
0x102: {  	v59 =	vor.u32 v25, v53;
	[tilespmem:v62+s19+$0x0] =	vst.idx.msk $0xffff, v9;
	v10 =	vld.idx.msk [tilespmem:v10+s3+$0x0], $0xffff  }
0x103: {  	v57 =	vor.u32 v19, v38;
	v14 =	vld.idx.msk [tilespmem:v14+s3+$0x0], $0xffff  }
0x104: {  	v51 =	vor.u32 v63, v51;
	[tilespmem:v0+s19+$0x0] =	vst.idx.msk $0xffff, v60;
	v0 =	vor.u32 v19, v36;
	v12 =	vld.idx.msk [tilespmem:v12+s3+$0x0], $0xffff  }
0x105: {  	v60 =	vor.u32 v19, v39;
	[tilespmem:v11+s19+$0x0] =	vst.idx.msk $0xffff, v1;
	v1 =	vor.u32 v19, v37;
	v19 =	vld [tilespmem:$0x1FFE0]  }
0x106: {  	v9 =	vor.u32 v63, v52;
	v56 =	vld.idx.msk [tilespmem:v61+s3+$0x0], $0xffff;
	[tilespmem:v13+s19+$0x0] =	vst.idx.msk $0xffff, v15  }
0x107: {  	v13 =	vor.u32 v31, v46;
	[tilespmem:v54+s19+$0x0] =	vst.idx.msk $0xffff, v8;
	v54 =	vor.u32 v16, v44;
	v44 =	vld.idx.msk [tilespmem:v59+s3+$0x0], $0xffff  }
0x108: {  	v61 =	vor.u32 v31, v47;
	v15 =	vld.idx.msk [tilespmem:v57+s3+$0x0], $0xffff;
	[tilespmem:v58+s19+$0x0] =	vst.idx.msk $0xffff, v10  }
0x109: {  	v10 =	vor.u32 v17, v48;
	v11 =	vld.idx.msk [tilespmem:v51+s3+$0x0], $0xffff  }
0x10a: {  	v43 =	vor.u32 v18, v33;
	v62 =	vor.u32 v19, v38;
	v0 =	vld.idx.msk [tilespmem:v0+s3+$0x0], $0xffff;
	v51 =	vor.u32 v17, v50  }
0x10b: {  	v45 =	vor.u32 v16, v45;
	v9 =	vld.idx.msk [tilespmem:v9+s3+$0x0], $0xffff;
	[tilespmem:v55+s19+$0x0] =	vst.idx.msk $0xffff, v12;
	v12 =	vor.u32 v63, v49  }
0x10c: {  	p2 =	slt.u32 s8, $0xC;
	v52 =	vor.u32 v63, v53;
	v48 =	vld [tilespmem:$0x1FF20];
	[tilespmem:v13+s19+$0x0] =	vst.idx.msk $0xffff, v56;
	v13 =	vor.u32 v19, v36  }
.Ltmp5:
0x10d: {  	v46 =	vor.u32 v17, v46;
	v47 =	vor.u32 v17, v47;
	[tilespmem:v61+s19+$0x0] =	vst.idx.msk $0xffff, v14;
	v50 =	vld.idx.msk [tilespmem:v60+s3+$0x0], $0xffff;
	(pc) =	sbr.rel @p2 .LBB2_4-.Ltmp5, $4  }
0x10e: {  	v57 =	vor.u32 v18, v34;
	v58 =	vor.u32 v18, v35;
	v49 =	vld.idx.msk [tilespmem:v1+s3+$0x0], $0xffff;
	[tilespmem:v10+s19+$0x0] =	vst.idx.msk $0xffff, v15  }
0x10f: {  	v55 =	vor.u32 v16, v42;
	v8 =	vor.u32 v19, v39;
	v59 =	vld.idx.msk [tilespmem:v62+s3+$0x0], $0xffff;
	[tilespmem:v51+s19+$0x0] =	vst.idx.msk $0xffff, v0  }
0x110: {  	s7 =	sadd.s32 $0x4, s8;
	v56 =	vor.u32 v20, v32;
	v61 =	vor.u32 v18, v32;
	[tilespmem:v54+s19+$0x0] =	vst.idx.msk $0xffff, v9;
	v53 =	vld.idx.msk [tilespmem:v12+s3+$0x0], $0xffff  }
0x111: {  	s8 =	smov.u32 s7;
	v63 =	vor.u32 v48, v38;
	[tilespmem:v45+s19+$0x0] =	vst.idx.msk $0xffff, v11;
	v62 =	vor.u32 v19, v37;
	v60 =	vld.idx.msk [tilespmem:v13+s3+$0x0], $0xffff  }
0x112: {  	_ =	sdelay $0x3  }
0x113: {  	[tilespmem:v46+s19+$0x0] =	vst.idx.msk $0xffff, v50  }
0x114: {  	v0 =	vld.idx.msk [tilespmem:v8+s3+$0x0], $0xffff;
	_ =	sdelay $0x1  }
0x115: {  	[tilespmem:v47+s19+$0x0] =	vst.idx.msk $0xffff, v49  }
0x116: {  	[tilespmem:v61+s19+$0x0] =	vst.idx.msk $0xffff, v59  }
0x117: {  	[tilespmem:v43+s19+$0x0] =	vst.idx.msk $0xffff, v60  }
0x118: {  	[tilespmem:v58+s19+$0x0] =	vst.idx.msk $0xffff, v0  }
0x119: {  	v2 =	vld [tilespmem:$0x1FED0];
	_ =	sdelay $0x1  }
0x11a: {  	v8 =	vor.u32 v48, v36  }
0x11b: {  	v1 =	vor.u32 v48, v39;
	v9 =	vld.idx.msk [tilespmem:v62+s3+$0x0], $0xffff  }
0x11c: {  	v10 =	vor.u32 v48, v37;
	v11 =	vld.idx.msk [tilespmem:v63+s3+$0x0], $0xffff  }
0x11d: {  	v0 =	vor.u32 v2, v38;
	_ =	sdelay $0x1  }
0x11e: {  	v13 =	vor.u32 v20, v33;
	v8 =	vld.idx.msk [tilespmem:v8+s3+$0x0], $0xffff  }
0x11f: {  	v12 =	vor.u32 v20, v35;
	v1 =	vld.idx.msk [tilespmem:v1+s3+$0x0], $0xffff;
	[tilespmem:v57+s19+$0x0] =	vst.idx.msk $0xffff, v9  }
0x120: {  	v15 =	vor.u32 v20, v34;
	v10 =	vld.idx.msk [tilespmem:v10+s3+$0x0], $0xffff;
	[tilespmem:v56+s19+$0x0] =	vst.idx.msk $0xffff, v11  }
0x121: {  	v63 =	vor.u32 v22, v32;
	v62 =	vor.u32 v2, v39;
	v0 =	vld.idx.msk [tilespmem:v0+s3+$0x0], $0xffff;
	_ =	sdelay $0x1  }
0x122: {  	[tilespmem:v13+s19+$0x0] =	vst.idx.msk $0xffff, v8  }
0x123: {  	[tilespmem:v12+s19+$0x0] =	vst.idx.msk $0xffff, v1  }
0x124: {  	v14 =	vor.u32 v2, v36;
	[tilespmem:v15+s19+$0x0] =	vst.idx.msk $0xffff, v10  }
0x125: {  	v42 =	vor.u32 v2, v37;
	v8 =	vld.idx.msk [tilespmem:v62+s3+$0x0], $0xffff;
	[tilespmem:v63+s19+$0x0] =	vst.idx.msk $0xffff, v0  }
0x126: {  	v45 =	vor.u32 v22, v35;
	v1 =	vor.u32 v23, v38;
	v2 =	vld [tilespmem:$0x1FEF0];
	_ =	sdelay $0x2  }
0x127: {  	v47 =	vor.u32 v22, v33;
	v46 =	vld.idx.msk [tilespmem:v14+s3+$0x0], $0xffff  }
0x128: {  	v15 =	vor.u32 v22, v34;
	v50 =	vld.idx.msk [tilespmem:v42+s3+$0x0], $0xffff  }
0x129: {  	v49 =	vor.u32 v23, v39;
	v0 =	vld.idx.msk [tilespmem:v1+s3+$0x0], $0xffff;
	[tilespmem:v45+s19+$0x0] =	vst.idx.msk $0xffff, v8;
	v1 =	vor.u32 v2, v32  }
0x12a: {  	v19 =	vld [tilespmem:$0x1FF60];
	_ =	sdelay $0x1  }
0x12b: {  	[tilespmem:v47+s19+$0x0] =	vst.idx.msk $0xffff, v46  }
0x12c: {  	v51 =	vor.u32 v23, v36;
	[tilespmem:v15+s19+$0x0] =	vst.idx.msk $0xffff, v50  }
0x12d: {  	v54 =	vor.u32 v23, v37;
	v9 =	vld.idx.msk [tilespmem:v49+s3+$0x0], $0xffff;
	v56 =	vor.u32 v2, v35;
	[tilespmem:v1+s19+$0x0] =	vst.idx.msk $0xffff, v0  }
0x12e: {  	v58 =	vor.u32 v2, v33;
	v15 =	vor.u32 v2, v34;
	v8 =	vor.u32 v19, v38;
	v2 =	vld [tilespmem:$0x1FF00];
	_ =	sdelay $0x2  }
0x12f: {  	v12 =	vld.idx.msk [tilespmem:v51+s3+$0x0], $0xffff  }
0x130: {  	v14 =	vld.idx.msk [tilespmem:v54+s3+$0x0], $0xffff;
	v57 =	vor.u32 v19, v39  }
0x131: {  	v59 =	vor.u32 v19, v36;
	v0 =	vld.idx.msk [tilespmem:v8+s3+$0x0], $0xffff;
	[tilespmem:v56+s19+$0x0] =	vst.idx.msk $0xffff, v9;
	v1 =	vor.u32 v2, v32  }
0x132: {  	v16 =	vld [tilespmem:$0x1FF10];
	_ =	sdelay $0x1  }
0x133: {  	[tilespmem:v58+s19+$0x0] =	vst.idx.msk $0xffff, v12  }
0x134: {  	v9 =	vld.idx.msk [tilespmem:v57+s3+$0x0], $0xffff;
	[tilespmem:v15+s19+$0x0] =	vst.idx.msk $0xffff, v14  }
0x135: {  	v60 =	vor.u32 v19, v37;
	v62 =	vld.idx.msk [tilespmem:v59+s3+$0x0], $0xffff;
	v61 =	vor.u32 v2, v35;
	[tilespmem:v1+s19+$0x0] =	vst.idx.msk $0xffff, v0  }
0x136: {  	v63 =	vor.u32 v2, v33;
	v8 =	vor.u32 v16, v38;
	v50 =	vld [tilespmem:$0x1FF70];
	_ =	sdelay $0x3  }
0x137: {  	v14 =	vld.idx.msk [tilespmem:v60+s3+$0x0], $0xffff;
	v15 =	vor.u32 v2, v34;
	[tilespmem:v61+s19+$0x0] =	vst.idx.msk $0xffff, v9  }
0x138: {  	v45 =	vor.u32 v16, v39;
	v0 =	vld.idx.msk [tilespmem:v8+s3+$0x0], $0xffff;
	[tilespmem:v63+s19+$0x0] =	vst.idx.msk $0xffff, v62;
	v1 =	vor.u32 v50, v32  }
0x139: {  	v51 =	vld [tilespmem:$0x1FF80];
	_ =	sdelay $0x1  }
0x13a: {  	v46 =	vor.u32 v16, v36  }
0x13b: {  	v47 =	vor.u32 v16, v37;
	[tilespmem:v15+s19+$0x0] =	vst.idx.msk $0xffff, v14  }
0x13c: {  	v9 =	vld.idx.msk [tilespmem:v45+s3+$0x0], $0xffff;
	[tilespmem:v1+s19+$0x0] =	vst.idx.msk $0xffff, v0  }
0x13d: {  	v54 =	vor.u32 v50, v35;
	v8 =	vor.u32 v51, v38;
	v57 =	vld [tilespmem:$0x1FF90];
	_ =	sdelay $0x1  }
0x13e: {  	v11 =	vld.idx.msk [tilespmem:v46+s3+$0x0], $0xffff;
	v61 =	vor.u32 v50, v33  }
0x13f: {  	v14 =	vld.idx.msk [tilespmem:v47+s3+$0x0], $0xffff;
	v15 =	vor.u32 v50, v34;
	_ =	sdelay $0x1  }
0x140: {  	v60 =	vor.u32 v51, v39;
	v0 =	vld.idx.msk [tilespmem:v8+s3+$0x0], $0xffff;
	[tilespmem:v54+s19+$0x0] =	vst.idx.msk $0xffff, v9;
	v1 =	vor.u32 v57, v32  }
0x141: {  	v16 =	vld [tilespmem:$0x1FFA0]  }
0x142: {  	v62 =	vor.u32 v51, v36;
	[tilespmem:v61+s19+$0x0] =	vst.idx.msk $0xffff, v11  }
0x143: {  	v63 =	vor.u32 v51, v37;
	[tilespmem:v15+s19+$0x0] =	vst.idx.msk $0xffff, v14  }
0x144: {  	[tilespmem:v41+s19+$0x0] =	vst.idx.msk $0xffff, v44  }
0x145: {  	v9 =	vld.idx.msk [tilespmem:v60+s3+$0x0], $0xffff;
	[tilespmem:v1+s19+$0x0] =	vst.idx.msk $0xffff, v0  }
0x146: {  	v45 =	vor.u32 v57, v35;
	v8 =	vor.u32 v16, v38;
	v26 =	vld [tilespmem:$0x1FFB0]  }
0x147: {  	v47 =	vld.idx.msk [tilespmem:v62+s3+$0x0], $0xffff;
	v46 =	vor.u32 v57, v33;
	v49 =	vor.u32 v16, v39  }
0x148: {  	v56 =	vld.idx.msk [tilespmem:v63+s3+$0x0], $0xffff;
	v54 =	vor.u32 v57, v34;
	v15 =	vor.u32 v16, v36  }
0x149: {  	v58 =	vor.u32 v16, v37  }
0x14a: {  	v59 =	vld.idx.msk [tilespmem:v52+s3+$0x0], $0xffff  }
0x14b: {  	v0 =	vld.idx.msk [tilespmem:v8+s3+$0x0], $0xffff;
	[tilespmem:v45+s19+$0x0] =	vst.idx.msk $0xffff, v9;
	v1 =	vor.u32 v26, v32  }
0x14c: {  	[tilespmem:v46+s19+$0x0] =	vst.idx.msk $0xffff, v47;
	v8 =	vld.idx.msk [tilespmem:v49+s3+$0x0], $0xffff;
	v60 =	vor.u32 v26, v35  }
0x14d: {  	[tilespmem:v54+s19+$0x0] =	vst.idx.msk $0xffff, v56;
	v11 =	vld.idx.msk [tilespmem:v15+s3+$0x0], $0xffff;
	v61 =	vor.u32 v26, v33  }
0x14e: {  	[tilespmem:v40+s19+$0x0] =	vst.idx.msk $0xffff, v53;
	v63 =	vld.idx.msk [tilespmem:v58+s3+$0x0], $0xffff;
	v62 =	vor.u32 v26, v34  }
0x14f: {  	[tilespmem:v55+s19+$0x0] =	vst.idx.msk $0xffff, v59  }
0x150: {  	[tilespmem:v1+s19+$0x0] =	vst.idx.msk $0xffff, v0  }
0x151: {  	[tilespmem:v60+s19+$0x0] =	vst.idx.msk $0xffff, v8  }
0x152: {  	[tilespmem:v61+s19+$0x0] =	vst.idx.msk $0xffff, v11  }
0x153: {  	s5 =	sshll.u32 s6, $0x9;
	[tilespmem:v62+s19+$0x0] =	vst.idx.msk $0xffff, v63  }
0x154: {  	p2 =	sgt.u32 s6, $0x1E03;
	s5 =	sadd.s32 s2, s5;
	v2 =	vld [tilespmem:$0x1FFD0]  }
0x155: {  	v56 =	vlaneseq.u32;
	v62 =	vmov v3;
	[hbm4b:s5+s3] =	stream.linear.scatter [tilespmem:s19], [sflag:$0x5], $0x1000, $0x38;
	v25 =	vld [tilespmem:$0x1FFC0]  }
0x156: {  	s7 =	simm.s32 @!p2 $0x400;
	v63 =	vmovc v4;
	v4 =	vmovc v5;
	v5 =	vmov v24;
	v24 =	vmov v6;
	v3 =	vmov v7;
	s5 =	sshll.u32 @!p2 s6, $0x7;
	v29 =	vld [tilespmem:$0x1FF40]  }
0x157: {  	s8 =	simm.s32 @!p2 $0x7A1400;
	s12 =	simm.s32 @!p2 $0x0;
	v6 =	vmovc v27;
	v7 =	vmovc v28;
	v27 =	vmov v30;
	v28 =	vmov v31;
	v60 =	vmov v18;
	v58 =	vld [tilespmem:$0x1FFE0];
	s5 =	sadd.s32 @!p2 s5, s9  }
0x158: {  	v61 =	vmovc v20;
	v30 =	vmovc v50;
	v31 =	vmov v51;
	v1 =	vmov v16;
	v0 =	vmov v26;
	v17 =	vld [tilespmem:$0x1FF50];
	[tilespmem:s12], [sflag:$0x1] =	stream.strided.gather @!p2 [hbm4b:s5+s7], $0x1000, s8, s7, $0x38  }
.LBB2_6:
0x159: {  	s7 =	sor.u32 $0x20, s6  }
0x15a: {  	p2 =	sgt.u32 s7, $0x1E83  }
.Ltmp6:
0x15b: {  	_ = 	snop;
	(pc) =	sbr.rel @p2 .LBB2_10-.Ltmp6, $1  }
0x15c: {  	_ =	sdelay $0x3  }
0x15d: {  	s5 =	simm.s32 $0x0  }
0x15e: {  	v40 =	vadd.s32 s5, v56  }
0x15f: {  	s26 =	simm.s32 $0x2;
	v32 =	vand.u32 $0xF, v40  }
0x160: {  	_ =	swait.ge [sflag:s20], $0x1000;
	v41 =	vadd.s32 s26, v56;
	v43 =	vshll.u32 v32, $0x7  }
0x161: {  	v57 =	vmov v0;
	s28 =	simm.s32 $0x1;
	[sflag:s20] =	ssyncset.done $0x0;
	v34 =	vand.u32 $0xF, v41;
	v0 =	vor.u32 v56, v43  }
0x162: {  	s8 =	simm.s32 @!p1 $0x6;
	s12 =	simm.s32 $0x3;
	v44 =	vadd.s32 s28, v56;
	[sflag:s20] =	ssyncadd.s32 $0xFFFFF000;
	v45 =	vshll.u32 v34, $0x7  }
0x163: {  	v26 =	vmovc v1;
	v42 =	vadd.s32 s12, v56;
	v1 =	vand.u32 $0xF, v44;
	_ =	swait.ge @!p1 [sflag:s8], $0x1000;
	v8 =	vor.u32 v56, v45  }
0x164: {  	v33 =	vand.u32 $0xF, v42;
	v47 =	vshll.u32 v1, $0x7;
	[sflag:s8] =	ssyncset.done @!p1 $0x0  }
0x165: {  	v46 =	vshll.u32 v33, $0x7;
	v9 =	vor.u32 v56, v47;
	[sflag:s8] =	ssyncadd.s32 @!p1 $0xFFFFF000  }
0x166: {  	v11 =	vor.u32 v62, v32;
	v10 =	vor.u32 v56, v46;
	v0 =	vld.idx.msk [tilespmem:v0+s15+$0x0], $0xffff  }
0x167: {  	v12 =	vor.u32 v63, v43  }
0x168: {  	v13 =	vor.u32 v62, v34;
	v8 =	vld.idx.msk [tilespmem:v8+s15+$0x0], $0xffff;
	_ =	sdelay $0x1  }
0x169: {  	v15 =	vor.u32 v62, v1;
	v14 =	vor.u32 v63, v45;
	v9 =	vld.idx.msk [tilespmem:v9+s15+$0x0], $0xffff  }
0x16a: {  	v10 =	vld.idx.msk [tilespmem:v10+s15+$0x0], $0xffff;
	[tilespmem:v11+s21+$0x0] =	vst.idx.msk $0xffff, v0;
	v0 =	vor.u32 v63, v47;
	v11 =	vor.u32 v62, v33  }
0x16b: {  	v36 =	vor.u32 v4, v32;
	v35 =	vor.u32 v63, v46;
	v12 =	vld.idx.msk [tilespmem:v12+s15+$0x0], $0xffff  }
0x16c: {  	[tilespmem:v13+s21+$0x0] =	vst.idx.msk $0xffff, v8;
	v8 =	vor.u32 v5, v43;
	_ =	sdelay $0x1  }
0x16d: {  	v53 =	vor.u32 v4, v34;
	[tilespmem:v15+s21+$0x0] =	vst.idx.msk $0xffff, v9;
	v13 =	vld.idx.msk [tilespmem:v14+s15+$0x0], $0xffff  }
0x16e: {  	v0 =	vld.idx.msk [tilespmem:v0+s15+$0x0], $0xffff;
	[tilespmem:v11+s21+$0x0] =	vst.idx.msk $0xffff, v10;
	v10 =	vor.u32 v4, v1  }
0x16f: {  	v9 =	vor.u32 v5, v45;
	v15 =	vor.u32 v4, v33;
	v11 =	vld.idx.msk [tilespmem:v35+s15+$0x0], $0xffff;
	[tilespmem:v36+s21+$0x0] =	vst.idx.msk $0xffff, v12  }
0x170: {  	v59 =	vor.u32 v24, v32;
	v54 =	vor.u32 v5, v47;
	v8 =	vld.idx.msk [tilespmem:v8+s15+$0x0], $0xffff;
	_ =	sdelay $0x1  }
0x171: {  	v55 =	vor.u32 v5, v46;
	[tilespmem:v53+s21+$0x0] =	vst.idx.msk $0xffff, v13  }
0x172: {  	v39 =	vor.u32 v2, v43;
	[tilespmem:v10+s21+$0x0] =	vst.idx.msk $0xffff, v0  }
0x173: {  	v9 =	vld.idx.msk [tilespmem:v9+s15+$0x0], $0xffff;
	[tilespmem:v15+s21+$0x0] =	vst.idx.msk $0xffff, v11  }
0x174: {  	v10 =	vld.idx.msk [tilespmem:v54+s15+$0x0], $0xffff;
	[tilespmem:v59+s21+$0x0] =	vst.idx.msk $0xffff, v8  }
0x175: {  	v59 =	vld [tilespmem:$0x1FF30]  }
0x176: {  	v49 =	vor.u32 v24, v34;
	v50 =	vld.idx.msk [tilespmem:v55+s15+$0x0], $0xffff  }
0x177: {  	v0 =	vor.u32 v2, v45;
	v13 =	vld.idx.msk [tilespmem:v39+s15+$0x0], $0xffff  }
0x178: {  	v11 =	vor.u32 v24, v1;
	v23 =	vld [tilespmem:$0x1FEF0]  }
0x179: {  	v15 =	vor.u32 v24, v33;
	v8 =	vor.u32 v2, v47;
	v18 =	vld [tilespmem:$0x1FF00]  }
0x17a: {  	v51 =	vor.u32 v2, v46;
	v20 =	vld [tilespmem:$0x1FF10];
	v52 =	vor.u32 v59, v32  }
0x17b: {  	v16 =	vld [tilespmem:$0x1FEE0];
	[tilespmem:v49+s21+$0x0] =	vst.idx.msk $0xffff, v9;
	v9 =	vor.u32 v3, v43  }
0x17c: {  	v0 =	vld.idx.msk [tilespmem:v0+s15+$0x0], $0xffff;
	v53 =	vor.u32 v59, v34  }
0x17d: {  	[tilespmem:v11+s21+$0x0] =	vst.idx.msk $0xffff, v10;
	v10 =	vor.u32 v3, v45  }
0x17e: {  	v8 =	vld.idx.msk [tilespmem:v8+s15+$0x0], $0xffff;
	[tilespmem:v15+s21+$0x0] =	vst.idx.msk $0xffff, v50;
	v11 =	vor.u32 v59, v1  }
0x17f: {  	v15 =	vor.u32 v3, v47;
	v12 =	vld.idx.msk [tilespmem:v51+s15+$0x0], $0xffff;
	v54 =	vor.u32 v59, v33;
	[tilespmem:v52+s21+$0x0] =	vst.idx.msk $0xffff, v13  }
0x180: {  	v55 =	vor.u32 v6, v32;
	v49 =	vor.u32 v3, v46;
	v9 =	vld.idx.msk [tilespmem:v9+s15+$0x0], $0xffff  }
0x181: {  	[tilespmem:v53+s21+$0x0] =	vst.idx.msk $0xffff, v0;
	v0 =	vor.u32 v7, v43  }
0x182: {  	v50 =	vor.u32 v6, v34;
	v10 =	vld.idx.msk [tilespmem:v10+s15+$0x0], $0xffff  }
0x183: {  	[tilespmem:v11+s21+$0x0] =	vst.idx.msk $0xffff, v8;
	v8 =	vor.u32 v7, v45  }
0x184: {  	v51 =	vor.u32 v6, v1;
	[tilespmem:v54+s21+$0x0] =	vst.idx.msk $0xffff, v12;
	v11 =	vld.idx.msk [tilespmem:v15+s15+$0x0], $0xffff  }
0x185: {  	v52 =	vor.u32 v7, v47;
	v15 =	vor.u32 v6, v33;
	[tilespmem:v55+s21+$0x0] =	vst.idx.msk $0xffff, v9;
	v9 =	vld.idx.msk [tilespmem:v49+s15+$0x0], $0xffff  }
0x186: {  	v53 =	vor.u32 v25, v32;
	v54 =	vor.u32 v7, v46;
	v0 =	vld.idx.msk [tilespmem:v0+s15+$0x0], $0xffff  }
0x187: {  	[tilespmem:v50+s21+$0x0] =	vst.idx.msk $0xffff, v10  }
0x188: {  	v10 =	vor.u32 v27, v43;
	v55 =	vor.u32 v25, v34;
	v8 =	vld.idx.msk [tilespmem:v8+s15+$0x0], $0xffff  }
0x189: {  	[tilespmem:v51+s21+$0x0] =	vst.idx.msk $0xffff, v11;
	v11 =	vor.u32 v27, v45  }
0x18a: {  	v12 =	vld.idx.msk [tilespmem:v52+s15+$0x0], $0xffff;
	[tilespmem:v15+s21+$0x0] =	vst.idx.msk $0xffff, v9;
	v9 =	vor.u32 v25, v1  }
0x18b: {  	v49 =	vor.u32 v27, v47;
	v15 =	vor.u32 v25, v33;
	[tilespmem:v53+s21+$0x0] =	vst.idx.msk $0xffff, v0;
	v0 =	vld.idx.msk [tilespmem:v54+s15+$0x0], $0xffff;
	_ =	sdelay $0x1  }
0x18c: {  	v50 =	vor.u32 v28, v32;
	v51 =	vor.u32 v27, v46;
	[tilespmem:v55+s21+$0x0] =	vst.idx.msk $0xffff, v8;
	v10 =	vld.idx.msk [tilespmem:v10+s15+$0x0], $0xffff  }
0x18d: {  	v52 =	vor.u32 v28, v34;
	v8 =	vor.u32 v29, v43;
	v11 =	vld.idx.msk [tilespmem:v11+s15+$0x0], $0xffff  }
0x18e: {  	[tilespmem:v9+s21+$0x0] =	vst.idx.msk $0xffff, v12;
	v9 =	vor.u32 v29, v45  }
0x18f: {  	v12 =	vld.idx.msk [tilespmem:v49+s15+$0x0], $0xffff;
	[tilespmem:v15+s21+$0x0] =	vst.idx.msk $0xffff, v0;
	v0 =	vor.u32 v28, v1;
	_ =	sdelay $0x1  }
0x190: {  	v53 =	vor.u32 v29, v47;
	v15 =	vor.u32 v28, v33;
	[tilespmem:v50+s21+$0x0] =	vst.idx.msk $0xffff, v10;
	v10 =	vld.idx.msk [tilespmem:v51+s15+$0x0], $0xffff  }
0x191: {  	v32 =	vor.u32 v17, v32;
	v54 =	vor.u32 v29, v46;
	[tilespmem:v52+s21+$0x0] =	vst.idx.msk $0xffff, v11;
	v8 =	vld.idx.msk [tilespmem:v8+s15+$0x0], $0xffff  }
0x192: {  	v55 =	vor.u32 v17, v34;
	v11 =	vor.u32 v58, v43;
	v9 =	vld.idx.msk [tilespmem:v9+s15+$0x0], $0xffff  }
0x193: {  	[tilespmem:v0+s21+$0x0] =	vst.idx.msk $0xffff, v12;
	v0 =	vor.u32 v58, v45;
	_ =	sdelay $0x1  }
0x194: {  	v1 =	vor.u32 v17, v1;
	v12 =	vld.idx.msk [tilespmem:v53+s15+$0x0], $0xffff;
	[tilespmem:v15+s21+$0x0] =	vst.idx.msk $0xffff, v10  }
0x195: {  	v37 =	vor.u32 v17, v33;
	v10 =	vor.u32 v58, v47;
	[tilespmem:v32+s21+$0x0] =	vst.idx.msk $0xffff, v8;
	v8 =	vld.idx.msk [tilespmem:v54+s15+$0x0], $0xffff  }
0x196: {  	v39 =	vor.u32 v58, v46;
	v34 =	vor.u32 v60, v40;
	v11 =	vld.idx.msk [tilespmem:v11+s15+$0x0], $0xffff;
	[tilespmem:v55+s21+$0x0] =	vst.idx.msk $0xffff, v9  }
0x197: {  	v13 =	vor.u32 v60, v41;
	v9 =	vor.u32 v48, v43;
	v0 =	vld.idx.msk [tilespmem:v0+s15+$0x0], $0xffff;
	_ =	sdelay $0x1  }
0x198: {  	[tilespmem:v1+s21+$0x0] =	vst.idx.msk $0xffff, v12  }
0x199: {  	v1 =	vor.u32 v60, v44;
	v10 =	vld.idx.msk [tilespmem:v10+s15+$0x0], $0xffff;
	[tilespmem:v37+s21+$0x0] =	vst.idx.msk $0xffff, v8  }
0x19a: {  	v14 =	vor.u32 v60, v42;
	[tilespmem:v34+s21+$0x0] =	vst.idx.msk $0xffff, v11;
	v11 =	vld.idx.msk [tilespmem:v39+s15+$0x0], $0xffff  }
0x19b: {  	s8 =	simm.s32 $0x4;
	v15 =	vor.u32 v61, v40;
	v8 =	vld.idx.msk [tilespmem:v9+s15+$0x0], $0xffff;
	[tilespmem:v13+s21+$0x0] =	vst.idx.msk $0xffff, v0  }
0x19c: {  	s12 =	simm.s32 $0x6;
	v32 =	vadd.s32 s8, v56;
	v21 =	vld [tilespmem:$0x1FED0]  }
0x19d: {  	v33 =	vadd.s32 s12, v56;
	v52 =	vor.u32 v48, v45;
	v51 =	vand.u32 $0xF, v32  }
0x19e: {  	s26 =	simm.s32 $0x5;
	v50 =	vand.u32 $0xF, v33;
	v53 =	vor.u32 v48, v47;
	v38 =	vshll.u32 v51, $0x7;
	[tilespmem:v1+s21+$0x0] =	vst.idx.msk $0xffff, v10  }
0x19f: {  	s28 =	simm.s32 $0x7;
	v35 =	vadd.s32 s26, v56;
	v36 =	vshll.u32 v50, $0x7;
	v12 =	vor.u32 v56, v38;
	[tilespmem:v14+s21+$0x0] =	vst.idx.msk $0xffff, v11  }
0x1a0: {  	v49 =	vand.u32 $0xF, v35;
	v34 =	vadd.s32 s28, v56;
	v9 =	vor.u32 v56, v36;
	[tilespmem:v15+s21+$0x0] =	vst.idx.msk $0xffff, v8  }
0x1a1: {  	v39 =	vshll.u32 v49, $0x7;
	v48 =	vand.u32 $0xF, v34;
	v11 =	vld [tilespmem:$0x1FF20];
	v0 =	vor.u32 v21, v43  }
0x1a2: {  	v54 =	vor.u32 v61, v41;
	v37 =	vshll.u32 v48, $0x7;
	v13 =	vor.u32 v56, v39;
	v52 =	vld.idx.msk [tilespmem:v52+s15+$0x0], $0xffff  }
0x1a3: {  	v55 =	vor.u32 v56, v37;
	v10 =	vor.u32 v61, v44;
	v53 =	vld.idx.msk [tilespmem:v53+s15+$0x0], $0xffff;
	v56 =	vor.u32 v21, v45  }
0x1a4: {  	v12 =	vld.idx.msk [tilespmem:v12+s15+$0x0], $0xffff;
	v1 =	vor.u32 v62, v51  }
0x1a5: {  	v8 =	vor.u32 v63, v38;
	v9 =	vld.idx.msk [tilespmem:v9+s15+$0x0], $0xffff;
	v15 =	vor.u32 v62, v50  }
0x1a6: {  	v14 =	vor.u32 v22, v40;
	v11 =	vor.u32 v11, v46;
	v0 =	vld.idx.msk [tilespmem:v0+s15+$0x0], $0xffff  }
0x1a7: {  	v13 =	vld.idx.msk [tilespmem:v13+s15+$0x0], $0xffff;
	[tilespmem:v54+s21+$0x0] =	vst.idx.msk $0xffff, v52;
	v52 =	vor.u32 v62, v49;
	v54 =	vor.u32 v63, v36  }
0x1a8: {  	[tilespmem:v10+s21+$0x0] =	vst.idx.msk $0xffff, v53;
	v10 =	vor.u32 v63, v39;
	v53 =	vld.idx.msk [tilespmem:v56+s15+$0x0], $0xffff;
	v56 =	vor.u32 v22, v41  }
0x1a9: {  	v55 =	vld.idx.msk [tilespmem:v55+s15+$0x0], $0xffff;
	[tilespmem:v1+s21+$0x0] =	vst.idx.msk $0xffff, v12;
	v1 =	vor.u32 v16, v43;
	v12 =	vor.u32 v62, v48  }
0x1aa: {  	v8 =	vld.idx.msk [tilespmem:v8+s15+$0x0], $0xffff;
	[tilespmem:v15+s21+$0x0] =	vst.idx.msk $0xffff, v9;
	v9 =	vor.u32 v63, v37;
	v15 =	vor.u32 v4, v51  }
0x1ab: {  	v11 =	vld.idx.msk [tilespmem:v11+s15+$0x0], $0xffff;
	[tilespmem:v14+s21+$0x0] =	vst.idx.msk $0xffff, v0;
	v0 =	vor.u32 v21, v47;
	v14 =	vor.u32 v61, v42  }
0x1ac: {  	[tilespmem:v52+s21+$0x0] =	vst.idx.msk $0xffff, v13;
	v13 =	vor.u32 v5, v38;
	v52 =	vld.idx.msk [tilespmem:v54+s15+$0x0], $0xffff;
	v54 =	vor.u32 v4, v50  }
0x1ad: {  	v10 =	vld.idx.msk [tilespmem:v10+s15+$0x0], $0xffff;
	[tilespmem:v56+s21+$0x0] =	vst.idx.msk $0xffff, v53;
	v53 =	vor.u32 v5, v36;
	v56 =	vor.u32 v4, v49  }
0x1ae: {  	[tilespmem:v12+s21+$0x0] =	vst.idx.msk $0xffff, v55;
	v12 =	vor.u32 v21, v46;
	v55 =	vor.u32 v23, v40;
	v1 =	vld.idx.msk [tilespmem:v1+s15+$0x0], $0xffff  }
0x1af: {  	v9 =	vld.idx.msk [tilespmem:v9+s15+$0x0], $0xffff;
	[tilespmem:v15+s21+$0x0] =	vst.idx.msk $0xffff, v8;
	v8 =	vor.u32 v19, v43;
	v15 =	vor.u32 v4, v48  }
0x1b0: {  	[tilespmem:v14+s21+$0x0] =	vst.idx.msk $0xffff, v11;
	v11 =	vor.u32 v5, v39;
	v0 =	vld.idx.msk [tilespmem:v0+s15+$0x0], $0xffff;
	v14 =	vor.u32 v22, v44  }
0x1b1: {  	v13 =	vld.idx.msk [tilespmem:v13+s15+$0x0], $0xffff;
	[tilespmem:v54+s21+$0x0] =	vst.idx.msk $0xffff, v52;
	v52 =	vor.u32 v5, v37;
	v54 =	vor.u32 v24, v51  }
0x1b2: {  	[tilespmem:v56+s21+$0x0] =	vst.idx.msk $0xffff, v10;
	v10 =	vor.u32 v2, v38;
	v53 =	vld.idx.msk [tilespmem:v53+s15+$0x0], $0xffff;
	v56 =	vor.u32 v24, v50  }
0x1b3: {  	[tilespmem:v55+s21+$0x0] =	vst.idx.msk $0xffff, v1;
	v1 =	vor.u32 v16, v47;
	v12 =	vld.idx.msk [tilespmem:v12+s15+$0x0], $0xffff;
	v55 =	vor.u32 v22, v42  }
0x1b4: {  	[tilespmem:v15+s21+$0x0] =	vst.idx.msk $0xffff, v9;
	v9 =	vor.u32 v16, v46;
	v15 =	vor.u32 v18, v40;
	v8 =	vld.idx.msk [tilespmem:v8+s15+$0x0], $0xffff  }
0x1b5: {  	v11 =	vld.idx.msk [tilespmem:v11+s15+$0x0], $0xffff;
	[tilespmem:v14+s21+$0x0] =	vst.idx.msk $0xffff, v0;
	v0 =	vor.u32 v2, v36;
	v14 =	vor.u32 v24, v49  }
0x1b6: {  	v52 =	vld.idx.msk [tilespmem:v52+s15+$0x0], $0xffff;
	[tilespmem:v54+s21+$0x0] =	vst.idx.msk $0xffff, v13;
	v13 =	vor.u32 v16, v45;
	v54 =	vor.u32 v24, v48  }
0x1b7: {  	v10 =	vld.idx.msk [tilespmem:v10+s15+$0x0], $0xffff;
	[tilespmem:v56+s21+$0x0] =	vst.idx.msk $0xffff, v53;
	v53 =	vor.u32 v2, v37;
	v56 =	vor.u32 v59, v51  }
0x1b8: {  	[tilespmem:v55+s21+$0x0] =	vst.idx.msk $0xffff, v12;
	v12 =	vor.u32 v2, v39;
	v1 =	vld.idx.msk [tilespmem:v1+s15+$0x0], $0xffff;
	v55 =	vor.u32 v23, v44  }
0x1b9: {  	[tilespmem:v15+s21+$0x0] =	vst.idx.msk $0xffff, v8;
	v8 =	vor.u32 v19, v47;
	v9 =	vld.idx.msk [tilespmem:v9+s15+$0x0], $0xffff;
	v15 =	vor.u32 v23, v42  }
0x1ba: {  	[tilespmem:v14+s21+$0x0] =	vst.idx.msk $0xffff, v11;
	v11 =	vor.u32 v3, v38;
	v0 =	vld.idx.msk [tilespmem:v0+s15+$0x0], $0xffff;
	v14 =	vor.u32 v59, v50  }
0x1bb: {  	v13 =	vld.idx.msk [tilespmem:v13+s15+$0x0], $0xffff;
	[tilespmem:v54+s21+$0x0] =	vst.idx.msk $0xffff, v52;
	v52 =	vor.u32 v19, v46;
	v54 =	vor.u32 v23, v41  }
0x1bc: {  	v53 =	vld.idx.msk [tilespmem:v53+s15+$0x0], $0xffff;
	[tilespmem:v56+s21+$0x0] =	vst.idx.msk $0xffff, v10;
	v10 =	vor.u32 v19, v45;
	v56 =	vor.u32 v59, v48  }
0x1bd: {  	v12 =	vld.idx.msk [tilespmem:v12+s15+$0x0], $0xffff;
	[tilespmem:v55+s21+$0x0] =	vst.idx.msk $0xffff, v1;
	v1 =	vor.u32 v3, v36;
	v55 =	vor.u32 v59, v49  }
0x1be: {  	[tilespmem:v15+s21+$0x0] =	vst.idx.msk $0xffff, v9;
	v9 =	vor.u32 v20, v43;
	v8 =	vld.idx.msk [tilespmem:v8+s15+$0x0], $0xffff;
	v15 =	vor.u32 v18, v44  }
0x1bf: {  	v11 =	vld.idx.msk [tilespmem:v11+s15+$0x0], $0xffff;
	[tilespmem:v14+s21+$0x0] =	vst.idx.msk $0xffff, v0;
	v0 =	vor.u32 v3, v39;
	v14 =	vor.u32 v6, v51  }
0x1c0: {  	[tilespmem:v54+s21+$0x0] =	vst.idx.msk $0xffff, v13;
	v13 =	vor.u32 v3, v37;
	v54 =	vor.u32 v18, v42;
	v52 =	vld.idx.msk [tilespmem:v52+s15+$0x0], $0xffff  }
0x1c1: {  	v10 =	vld.idx.msk [tilespmem:v10+s15+$0x0], $0xffff;
	[tilespmem:v56+s21+$0x0] =	vst.idx.msk $0xffff, v53;
	v53 =	vor.u32 v20, v46;
	v56 =	vor.u32 v18, v41  }
0x1c2: {  	[tilespmem:v55+s21+$0x0] =	vst.idx.msk $0xffff, v12;
	v12 =	vor.u32 v7, v38;
	v1 =	vld.idx.msk [tilespmem:v1+s15+$0x0], $0xffff;
	v55 =	vor.u32 v6, v50  }
0x1c3: {  	[tilespmem:v15+s21+$0x0] =	vst.idx.msk $0xffff, v8;
	v8 =	vor.u32 v7, v36;
	v9 =	vld.idx.msk [tilespmem:v9+s15+$0x0], $0xffff;
	v15 =	vor.u32 v30, v40  }
0x1c4: {  	v0 =	vld.idx.msk [tilespmem:v0+s15+$0x0], $0xffff;
	[tilespmem:v14+s21+$0x0] =	vst.idx.msk $0xffff, v11;
	v11 =	vor.u32 v20, v47;
	v14 =	vor.u32 v6, v49  }
0x1c5: {  	v13 =	vld.idx.msk [tilespmem:v13+s15+$0x0], $0xffff;
	[tilespmem:v54+s21+$0x0] =	vst.idx.msk $0xffff, v52;
	v54 =	vor.u32 v6, v48  }
0x1c6: {  	[tilespmem:v56+s21+$0x0] =	vst.idx.msk $0xffff, v10;
	v53 =	vld.idx.msk [tilespmem:v53+s15+$0x0], $0xffff;
	v56 =	vor.u32 v30, v42  }
0x1c7: {  	v12 =	vld.idx.msk [tilespmem:v12+s15+$0x0], $0xffff;
	[tilespmem:v55+s21+$0x0] =	vst.idx.msk $0xffff, v1;
	v55 =	vor.u32 v25, v51  }
0x1c8: {  	v1 =	vor.u32 v7, v39;
	[tilespmem:v15+s21+$0x0] =	vst.idx.msk $0xffff, v9;
	v8 =	vld.idx.msk [tilespmem:v8+s15+$0x0], $0xffff;
	v15 =	vor.u32 v25, v50  }
0x1c9: {  	v9 =	vor.u32 v27, v38;
	[tilespmem:v14+s21+$0x0] =	vst.idx.msk $0xffff, v0;
	v11 =	vld.idx.msk [tilespmem:v11+s15+$0x0], $0xffff;
	v14 =	vor.u32 v30, v44  }
0x1ca: {  	[tilespmem:v54+s21+$0x0] =	vst.idx.msk $0xffff, v13  }
0x1cb: {  	[tilespmem:v56+s21+$0x0] =	vst.idx.msk $0xffff, v53  }
0x1cc: {  	v52 =	vor.u32 v20, v45;
	[tilespmem:v55+s21+$0x0] =	vst.idx.msk $0xffff, v12  }
0x1cd: {  	v10 =	vor.u32 v7, v37;
	v1 =	vld.idx.msk [tilespmem:v1+s15+$0x0], $0xffff;
	v55 =	vor.u32 v25, v49;
	[tilespmem:v15+s21+$0x0] =	vst.idx.msk $0xffff, v8  }
0x1ce: {  	v9 =	vld.idx.msk [tilespmem:v9+s15+$0x0], $0xffff;
	v8 =	vor.u32 v27, v39;
	v15 =	vor.u32 v28, v51;
	[tilespmem:v14+s21+$0x0] =	vst.idx.msk $0xffff, v11  }
0x1cf: {  	v0 =	vor.u32 v31, v43;
	v16 =	vld [tilespmem:$0x1FF90]  }
0x1d0: {  	v12 =	vor.u32 v31, v47  }
0x1d1: {  	v52 =	vld.idx.msk [tilespmem:v52+s15+$0x0], $0xffff;
	v54 =	vor.u32 v30, v41  }
0x1d2: {  	v13 =	vor.u32 v27, v36;
	v10 =	vld.idx.msk [tilespmem:v10+s15+$0x0], $0xffff;
	v56 =	vor.u32 v25, v48;
	[tilespmem:v55+s21+$0x0] =	vst.idx.msk $0xffff, v1  }
0x1d3: {  	v11 =	vor.u32 v27, v37;
	[tilespmem:v15+s21+$0x0] =	vst.idx.msk $0xffff, v9;
	v8 =	vld.idx.msk [tilespmem:v8+s15+$0x0], $0xffff;
	v15 =	vor.u32 v28, v49  }
0x1d4: {  	v53 =	vor.u32 v31, v45;
	v0 =	vld.idx.msk [tilespmem:v0+s15+$0x0], $0xffff;
	v14 =	vor.u32 v16, v40  }
0x1d5: {  	v1 =	vor.u32 v29, v38;
	v12 =	vld.idx.msk [tilespmem:v12+s15+$0x0], $0xffff;
	v59 =	vor.u32 v16, v44  }
0x1d6: {  	[tilespmem:v54+s21+$0x0] =	vst.idx.msk $0xffff, v52;
	v9 =	vor.u32 v26, v43  }
0x1d7: {  	v13 =	vld.idx.msk [tilespmem:v13+s15+$0x0], $0xffff;
	v52 =	vor.u32 v28, v50;
	[tilespmem:v56+s21+$0x0] =	vst.idx.msk $0xffff, v10  }
0x1d8: {  	v55 =	vor.u32 v28, v48;
	v11 =	vld.idx.msk [tilespmem:v11+s15+$0x0], $0xffff;
	[tilespmem:v15+s21+$0x0] =	vst.idx.msk $0xffff, v8  }
0x1d9: {  	v56 =	vor.u32 v26, v47;
	v53 =	vld.idx.msk [tilespmem:v53+s15+$0x0], $0xffff;
	v10 =	vor.u32 v16, v41;
	[tilespmem:v14+s21+$0x0] =	vst.idx.msk $0xffff, v0  }
0x1da: {  	v1 =	vld.idx.msk [tilespmem:v1+s15+$0x0], $0xffff;
	v8 =	vor.u32 v29, v37;
	[tilespmem:v59+s21+$0x0] =	vst.idx.msk $0xffff, v12;
	v59 =	vor.u32 v17, v51  }
0x1db: {  	v19 =	vmov v17;
	v15 =	vor.u32 v57, v40;
	v0 =	vor.u32 v29, v36;
	v9 =	vld.idx.msk [tilespmem:v9+s15+$0x0], $0xffff  }
0x1dc: {  	v18 =	vmovc v60;
	v20 =	vmov v61;
	v45 =	vor.u32 v26, v45;
	v30 =	vmov v27;
	[tilespmem:v52+s21+$0x0] =	vst.idx.msk $0xffff, v13  }
0x1dd: {  	v27 =	vmovc v6;
	v6 =	vmov v24;
	v24 =	vmov v5;
	v54 =	vor.u32 v57, v44;
	[tilespmem:v55+s21+$0x0] =	vst.idx.msk $0xffff, v11  }
0x1de: {  	v52 =	vor.u32 v26, v46;
	v12 =	vor.u32 v31, v46;
	[tilespmem:v10+s21+$0x0] =	vst.idx.msk $0xffff, v53;
	v13 =	vld.idx.msk [tilespmem:v56+s15+$0x0], $0xffff  }
0x1df: {  	v10 =	vor.u32 v29, v39;
	v46 =	vor.u32 v17, v49;
	v49 =	vld.idx.msk [tilespmem:v8+s15+$0x0], $0xffff;
	[tilespmem:v59+s21+$0x0] =	vst.idx.msk $0xffff, v1  }
0x1e0: {  	v11 =	vor.u32 v58, v38;
	v14 =	vor.u32 v17, v50;
	v0 =	vld.idx.msk [tilespmem:v0+s15+$0x0], $0xffff;
	[tilespmem:v15+s21+$0x0] =	vst.idx.msk $0xffff, v9  }
0x1e1: {  	v5 =	vmovc v4;
	v47 =	vor.u32 v17, v48;
	v43 =	vor.u32 v60, v33;
	v51 =	vor.u32 v58, v36;
	v48 =	vld [tilespmem:$0x1FF20]  }
0x1e2: {  	v40 =	vor.u32 v57, v41;
	v41 =	vor.u32 v16, v42;
	v55 =	vor.u32 v57, v42;
	v53 =	vld.idx.msk [tilespmem:v45+s15+$0x0], $0xffff  }
0x1e3: {  	v4 =	vmovc v63;
	v57 =	vor.u32 v60, v34;
	v31 =	vmovc v28;
	v28 =	vmov v7;
	v7 =	vmov v3;
	v44 =	vld.idx.msk [tilespmem:v12+s15+$0x0], $0xffff  }
0x1e4: {  	v3 =	vmovc v62;
	v62 =	vor.u32 v58, v37;
	v17 =	vmov v58;
	v56 =	vor.u32 v61, v32;
	v50 =	vld.idx.msk [tilespmem:v10+s15+$0x0], $0xffff  }
0x1e5: {  	v8 =	vor.u32 v58, v39;
	v61 =	vor.u32 v60, v32;
	v59 =	vld.idx.msk [tilespmem:v11+s15+$0x0], $0xffff;
	[tilespmem:v14+s21+$0x0] =	vst.idx.msk $0xffff, v0  }
0x1e6: {  	s8 =	simm.s32 $0x8;
	v2 =	vlaneseq.u32;
	v58 =	vor.u32 v60, v35;
	[tilespmem:v54+s21+$0x0] =	vst.idx.msk $0xffff, v13;
	v60 =	vld.idx.msk [tilespmem:v51+s15+$0x0], $0xffff;
	v63 =	vor.u32 v48, v38  }
.LBB2_8:
0x1e7: {  	v16 =	vld [tilespmem:$0x1FED0]  }
0x1e8: {  	v22 =	vld [tilespmem:$0x1FFF0]  }
0x1e9: {  	v25 =	vld [tilespmem:$0x1FEE0]  }
0x1ea: {  	v45 =	vmov v32;
	v32 =	vadd.s32 s8, v2;
	s28 =	smov.u32 s8;
	v21 =	vld [tilespmem:$0x1FEF0]  }
0x1eb: {  	v0 =	vor.u32 v48, v39;
	v1 =	vor.u32 v48, v36;
	v23 =	vld [tilespmem:$0x1FF60];
	v48 =	vand.u32 $0xF, v32;
	s28 =	sadd.s32 $0x2, s28;
	[tilespmem:v41+s21+$0x0] =	vst.idx.msk $0xffff, v44  }
0x1ec: {  	v51 =	vmovc v38;
	v54 =	vmov v33;
	v38 =	vshll.u32 v48, $0x7;
	v33 =	vadd.s32 s28, v2;
	[tilespmem:v46+s21+$0x0] =	vst.idx.msk $0xffff, v50;
	v9 =	vld.idx.msk [tilespmem:v52+s15+$0x0], $0xffff  }
0x1ed: {  	s5 =	sadd.s32 $0x1, s8;
	v42 =	vmov v34;
	v10 =	vor.u32 v2, v38;
	[tilespmem:v47+s21+$0x0] =	vst.idx.msk $0xffff, v49;
	v50 =	vand.u32 $0xF, v33;
	v8 =	vld.idx.msk [tilespmem:v8+s15+$0x0], $0xffff  }
0x1ee: {  	s26 =	sadd.s32 $0x3, s8;
	v44 =	vmovc v35;
	v35 =	vadd.s32 s5, v2;
	v49 =	vmov v36;
	[tilespmem:v61+s21+$0x0] =	vst.idx.msk $0xffff, v59;
	v11 =	vld.idx.msk [tilespmem:v62+s15+$0x0], $0xffff;
	v36 =	vshll.u32 v50, $0x7  }
0x1ef: {  	v34 =	vadd.s32 s26, v2;
	v46 =	vand.u32 $0xF, v35;
	[tilespmem:v40+s21+$0x0] =	vst.idx.msk $0xffff, v53;
	v12 =	vld.idx.msk [tilespmem:v63+s15+$0x0], $0xffff;
	v13 =	vor.u32 v2, v36  }
0x1f0: {  	v52 =	vmovc v39;
	v47 =	vand.u32 $0xF, v34;
	v59 =	vld [tilespmem:$0x1FF20];
	v39 =	vshll.u32 v46, $0x7;
	[tilespmem:v43+s21+$0x0] =	vst.idx.msk $0xffff, v60;
	v63 =	vor.u32 v16, v51  }
0x1f1: {  	v53 =	vmov v37;
	v37 =	vshll.u32 v47, $0x7;
	v15 =	vor.u32 v2, v39;
	v1 =	vld.idx.msk [tilespmem:v1+s15+$0x0], $0xffff;
	[tilespmem:v55+s21+$0x0] =	vst.idx.msk $0xffff, v9  }
0x1f2: {  	v41 =	vor.u32 v20, v54;
	v14 =	vor.u32 v2, v37;
	v9 =	vld.idx.msk [tilespmem:v10+s15+$0x0], $0xffff;
	[tilespmem:v58+s21+$0x0] =	vst.idx.msk $0xffff, v8  }
0x1f3: {  	v10 =	vor.u32 v3, v48;
	v58 =	vor.u32 v16, v49;
	[tilespmem:v57+s21+$0x0] =	vst.idx.msk $0xffff, v11;
	v0 =	vld.idx.msk [tilespmem:v0+s15+$0x0], $0xffff  }
0x1f4: {  	v8 =	vor.u32 v20, v44;
	v11 =	vor.u32 v4, v38;
	[tilespmem:v56+s21+$0x0] =	vst.idx.msk $0xffff, v12;
	v13 =	vld.idx.msk [tilespmem:v13+s15+$0x0], $0xffff  }
0x1f5: {  	v59 =	vor.u32 v59, v53;
	v12 =	vor.u32 v3, v50;
	v56 =	vld.idx.msk [tilespmem:v63+s15+$0x0], $0xffff  }
0x1f6: {  	v61 =	vor.u32 v22, v45;
	v60 =	vor.u32 v4, v36;
	v15 =	vld.idx.msk [tilespmem:v15+s15+$0x0], $0xffff  }
0x1f7: {  	[tilespmem:v41+s21+$0x0] =	vst.idx.msk $0xffff, v1;
	v1 =	vld.idx.msk [tilespmem:v14+s15+$0x0], $0xffff;
	v14 =	vor.u32 v25, v51  }
0x1f8: {  	v57 =	vor.u32 v3, v46;
	[tilespmem:v10+s21+$0x0] =	vst.idx.msk $0xffff, v9;
	v58 =	vld.idx.msk [tilespmem:v58+s15+$0x0], $0xffff  }
0x1f9: {  	v9 =	vor.u32 v4, v39;
	v10 =	vor.u32 v3, v47;
	v11 =	vld.idx.msk [tilespmem:v11+s15+$0x0], $0xffff;
	[tilespmem:v8+s21+$0x0] =	vst.idx.msk $0xffff, v0  }
0x1fa: {  	v62 =	vor.u32 v4, v37;
	v0 =	vor.u32 v22, v54;
	[tilespmem:v12+s21+$0x0] =	vst.idx.msk $0xffff, v13;
	v13 =	vld.idx.msk [tilespmem:v59+s15+$0x0], $0xffff  }
0x1fb: {  	v8 =	vor.u32 v5, v48;
	v12 =	vor.u32 v16, v52;
	[tilespmem:v61+s21+$0x0] =	vst.idx.msk $0xffff, v56;
	v60 =	vld.idx.msk [tilespmem:v60+s15+$0x0], $0xffff  }
0x1fc: {  	v59 =	vor.u32 v24, v38;
	v56 =	vor.u32 v20, v42;
	v14 =	vld.idx.msk [tilespmem:v14+s15+$0x0], $0xffff  }
0x1fd: {  	[tilespmem:v57+s21+$0x0] =	vst.idx.msk $0xffff, v15;
	v15 =	vor.u32 v5, v50;
	v57 =	vor.u32 v16, v53;
	v16 =	vld [tilespmem:$0x1FFD0]  }
0x1fe: {  	v61 =	vor.u32 v24, v36;
	v9 =	vld.idx.msk [tilespmem:v9+s15+$0x0], $0xffff;
	[tilespmem:v10+s21+$0x0] =	vst.idx.msk $0xffff, v1  }
0x1ff: {  	v1 =	vor.u32 v21, v45;
	v62 =	vld.idx.msk [tilespmem:v62+s15+$0x0], $0xffff;
	[tilespmem:v0+s21+$0x0] =	vst.idx.msk $0xffff, v58  }
0x200: {  	v63 =	vor.u32 v23, v51;
	v10 =	vor.u32 v5, v46;
	[tilespmem:v8+s21+$0x0] =	vst.idx.msk $0xffff, v11;
	v11 =	vld.idx.msk [tilespmem:v12+s15+$0x0], $0xffff  }
0x201: {  	v0 =	vor.u32 v24, v39;
	[tilespmem:v56+s21+$0x0] =	vst.idx.msk $0xffff, v13;
	v12 =	vld.idx.msk [tilespmem:v59+s15+$0x0], $0xffff;
	v59 =	vor.u32 v22, v44  }
0x202: {  	v13 =	vor.u32 v6, v48;
	[tilespmem:v15+s21+$0x0] =	vst.idx.msk $0xffff, v60;
	v56 =	vld.idx.msk [tilespmem:v57+s15+$0x0], $0xffff  }
0x203: {  	v60 =	vld.idx.msk [tilespmem:v61+s15+$0x0], $0xffff  }
0x204: {  	v8 =	vor.u32 v5, v47;
	[tilespmem:v1+s21+$0x0] =	vst.idx.msk $0xffff, v14;
	v1 =	vor.u32 v22, v42;
	v22 =	vld [tilespmem:$0x1FF00]  }
0x205: {  	v58 =	vor.u32 v24, v37;
	v15 =	vor.u32 v25, v52;
	[tilespmem:v10+s21+$0x0] =	vst.idx.msk $0xffff, v9;
	v10 =	vld.idx.msk [tilespmem:v63+s15+$0x0], $0xffff  }
0x206: {  	v57 =	vor.u32 v16, v38;
	v61 =	vor.u32 v16, v36;
	v0 =	vld.idx.msk [tilespmem:v0+s15+$0x0], $0xffff;
	[tilespmem:v59+s21+$0x0] =	vst.idx.msk $0xffff, v11  }
0x207: {  	[tilespmem:v13+s21+$0x0] =	vst.idx.msk $0xffff, v12;
	v12 =	vor.u32 v16, v39;
	v59 =	vor.u32 v16, v37;
	v16 =	vld [tilespmem:$0x1FF30]  }
0x208: {  	v26 =	vld [tilespmem:$0x1FFB0];
	v9 =	vor.u32 v6, v50;
	v14 =	vor.u32 v25, v53  }
0x209: {  	v29 =	vld [tilespmem:$0x1FF90];
	[tilespmem:v8+s21+$0x0] =	vst.idx.msk $0xffff, v62;
	v62 =	vor.u32 v6, v46  }
0x20a: {  	v58 =	vld.idx.msk [tilespmem:v58+s15+$0x0], $0xffff;
	v13 =	vor.u32 v6, v47  }
0x20b: {  	v15 =	vld.idx.msk [tilespmem:v15+s15+$0x0], $0xffff;
	v8 =	vor.u32 v22, v45  }
0x20c: {  	v57 =	vld.idx.msk [tilespmem:v57+s15+$0x0], $0xffff;
	[tilespmem:v1+s21+$0x0] =	vst.idx.msk $0xffff, v56;
	v1 =	vor.u32 v16, v48  }
0x20d: {  	v63 =	vor.u32 v21, v44;
	v11 =	vor.u32 v25, v49;
	[tilespmem:v9+s21+$0x0] =	vst.idx.msk $0xffff, v60;
	v14 =	vld.idx.msk [tilespmem:v14+s15+$0x0], $0xffff  }
0x20e: {  	v9 =	vor.u32 v23, v52;
	v60 =	vld.idx.msk [tilespmem:v61+s15+$0x0], $0xffff;
	[tilespmem:v62+s21+$0x0] =	vst.idx.msk $0xffff, v0  }
0x20f: {  	v56 =	vor.u32 v7, v38;
	v0 =	vor.u32 v16, v50;
	v12 =	vld.idx.msk [tilespmem:v12+s15+$0x0], $0xffff;
	[tilespmem:v13+s21+$0x0] =	vst.idx.msk $0xffff, v58  }
0x210: {  	v61 =	vor.u32 v7, v36;
	v58 =	vor.u32 v16, v46;
	v59 =	vld.idx.msk [tilespmem:v59+s15+$0x0], $0xffff;
	[tilespmem:v8+s21+$0x0] =	vst.idx.msk $0xffff, v10  }
0x211: {  	v8 =	vor.u32 v21, v42;
	[tilespmem:v1+s21+$0x0] =	vst.idx.msk $0xffff, v57;
	v1 =	vor.u32 v16, v47;
	v16 =	vld [tilespmem:$0x1FF10]  }
0x212: {  	v13 =	vor.u32 v21, v54;
	[tilespmem:v63+s21+$0x0] =	vst.idx.msk $0xffff, v15;
	v10 =	vld.idx.msk [tilespmem:v11+s15+$0x0], $0xffff;
	v11 =	vor.u32 v23, v53  }
0x213: {  	v15 =	vor.u32 v23, v49;
	v9 =	vld.idx.msk [tilespmem:v9+s15+$0x0], $0xffff  }
0x214: {  	v62 =	vor.u32 v7, v39;
	v21 =	vld [tilespmem:$0x1FF70];
	[tilespmem:v0+s21+$0x0] =	vst.idx.msk $0xffff, v60  }
0x215: {  	v0 =	vor.u32 v7, v37;
	[tilespmem:v58+s21+$0x0] =	vst.idx.msk $0xffff, v12;
	v56 =	vld.idx.msk [tilespmem:v56+s15+$0x0], $0xffff  }
0x216: {  	v63 =	vor.u32 v22, v44;
	v60 =	vld.idx.msk [tilespmem:v61+s15+$0x0], $0xffff;
	[tilespmem:v8+s21+$0x0] =	vst.idx.msk $0xffff, v14;
	v57 =	vor.u32 v16, v51  }
0x217: {  	v12 =	vor.u32 v27, v50;
	[tilespmem:v13+s21+$0x0] =	vst.idx.msk $0xffff, v10;
	v11 =	vld.idx.msk [tilespmem:v11+s15+$0x0], $0xffff  }
0x218: {  	v58 =	vor.u32 v28, v36;
	v10 =	vor.u32 v22, v42;
	v13 =	vld.idx.msk [tilespmem:v15+s15+$0x0], $0xffff  }
0x219: {  	v15 =	vor.u32 v16, v53;
	[tilespmem:v1+s21+$0x0] =	vst.idx.msk $0xffff, v59;
	v59 =	vld.idx.msk [tilespmem:v62+s15+$0x0], $0xffff  }
0x21a: {  	v8 =	vor.u32 v27, v48;
	v0 =	vld.idx.msk [tilespmem:v0+s15+$0x0], $0xffff  }
0x21b: {  	v14 =	vor.u32 v28, v38;
	[tilespmem:v63+s21+$0x0] =	vst.idx.msk $0xffff, v9;
	v9 =	vor.u32 v16, v52;
	v1 =	vld.idx.msk [tilespmem:v57+s15+$0x0], $0xffff  }
0x21c: {  	v63 =	vor.u32 v27, v47;
	[tilespmem:v12+s21+$0x0] =	vst.idx.msk $0xffff, v60;
	v57 =	vor.u32 v22, v54;
	v22 =	vld [tilespmem:$0x1FFC0]  }
0x21d: {  	v58 =	vld.idx.msk [tilespmem:v58+s15+$0x0], $0xffff;
	[tilespmem:v10+s21+$0x0] =	vst.idx.msk $0xffff, v11  }
0x21e: {  	v11 =	vor.u32 v28, v37;
	v12 =	vld.idx.msk [tilespmem:v15+s15+$0x0], $0xffff  }
0x21f: {  	[tilespmem:v8+s21+$0x0] =	vst.idx.msk $0xffff, v56;
	v8 =	vor.u32 v27, v46;
	v56 =	vor.u32 v16, v49;
	v16 =	vld [tilespmem:$0x1FF80]  }
0x220: {  	v40 =	vor.u32 v26, v54;
	v61 =	vor.u32 v21, v45;
	v9 =	vld.idx.msk [tilespmem:v9+s15+$0x0], $0xffff  }
0x221: {  	v62 =	vor.u32 v28, v39;
	v14 =	vld.idx.msk [tilespmem:v14+s15+$0x0], $0xffff;
	[tilespmem:v63+s21+$0x0] =	vst.idx.msk $0xffff, v0;
	v10 =	vor.u32 v22, v48  }
0x222: {  	v55 =	vor.u32 v29, v54;
	v63 =	vld [tilespmem:$0x1FFA0];
	[tilespmem:v57+s21+$0x0] =	vst.idx.msk $0xffff, v13;
	v13 =	vor.u32 v21, v42  }
0x223: {  	v15 =	vor.u32 v30, v38;
	v54 =	vor.u32 v21, v54;
	v11 =	vld.idx.msk [tilespmem:v11+s15+$0x0], $0xffff;
	v57 =	vor.u32 v22, v50  }
0x224: {  	[tilespmem:v8+s21+$0x0] =	vst.idx.msk $0xffff, v59;
	v8 =	vor.u32 v30, v36;
	v59 =	vor.u32 v21, v44;
	v21 =	vld [tilespmem:$0x1FF40]  }
0x225: {  	[tilespmem:v61+s21+$0x0] =	vst.idx.msk $0xffff, v1;
	v0 =	vor.u32 v16, v52;
	v56 =	vld.idx.msk [tilespmem:v56+s15+$0x0], $0xffff  }
0x226: {  	v1 =	vor.u32 v16, v51;
	v60 =	vld.idx.msk [tilespmem:v62+s15+$0x0], $0xffff;
	v62 =	vor.u32 v22, v47;
	[tilespmem:v10+s21+$0x0] =	vst.idx.msk $0xffff, v14  }
0x227: {  	v14 =	vor.u32 v16, v49;
	[tilespmem:v13+s21+$0x0] =	vst.idx.msk $0xffff, v12  }
0x228: {  	v10 =	vor.u32 v22, v46;
	[tilespmem:v57+s21+$0x0] =	vst.idx.msk $0xffff, v58;
	v13 =	vor.u32 v30, v37;
	v15 =	vld.idx.msk [tilespmem:v15+s15+$0x0], $0xffff  }
0x229: {  	v61 =	vor.u32 v30, v39;
	v12 =	vor.u32 v31, v48;
	[tilespmem:v59+s21+$0x0] =	vst.idx.msk $0xffff, v9;
	v8 =	vld.idx.msk [tilespmem:v8+s15+$0x0], $0xffff  }
0x22a: {  	v57 =	vor.u32 v21, v38;
	v0 =	vld.idx.msk [tilespmem:v0+s15+$0x0], $0xffff;
	[tilespmem:v54+s21+$0x0] =	vst.idx.msk $0xffff, v56;
	v54 =	vor.u32 v29, v44  }
0x22b: {  	v9 =	vor.u32 v31, v50;
	v1 =	vld.idx.msk [tilespmem:v1+s15+$0x0], $0xffff;
	[tilespmem:v62+s21+$0x0] =	vst.idx.msk $0xffff, v11;
	v11 =	vor.u32 v63, v52  }
0x22c: {  	v58 =	vor.u32 v29, v45;
	v14 =	vld.idx.msk [tilespmem:v14+s15+$0x0], $0xffff  }
0x22d: {  	v43 =	vor.u32 v18, v33;
	[tilespmem:v10+s21+$0x0] =	vst.idx.msk $0xffff, v60;
	v10 =	vor.u32 v21, v36;
	v13 =	vld.idx.msk [tilespmem:v13+s15+$0x0], $0xffff  }
0x22e: {  	v41 =	vor.u32 v29, v42;
	v51 =	vor.u32 v63, v51;
	v56 =	vld.idx.msk [tilespmem:v61+s15+$0x0], $0xffff;
	[tilespmem:v12+s21+$0x0] =	vst.idx.msk $0xffff, v15  }
0x22f: {  	v59 =	vor.u32 v16, v53;
	v12 =	vor.u32 v31, v46;
	[tilespmem:v54+s21+$0x0] =	vst.idx.msk $0xffff, v0;
	v15 =	vld.idx.msk [tilespmem:v57+s15+$0x0], $0xffff  }
0x230: {  	v60 =	vor.u32 v21, v39;
	v61 =	vor.u32 v31, v47;
	[tilespmem:v9+s21+$0x0] =	vst.idx.msk $0xffff, v8;
	v11 =	vld.idx.msk [tilespmem:v11+s15+$0x0], $0xffff  }
0x231: {  	v8 =	vor.u32 v21, v37;
	[tilespmem:v58+s21+$0x0] =	vst.idx.msk $0xffff, v1;
	v1 =	vor.u32 v19, v48;
	v48 =	vld [tilespmem:$0x1FF20]  }
0x232: {  	v45 =	vor.u32 v26, v45;
	v62 =	vor.u32 v17, v38;
	v0 =	vor.u32 v19, v50;
	v10 =	vld.idx.msk [tilespmem:v10+s15+$0x0], $0xffff  }
0x233: {  	v52 =	vor.u32 v63, v53;
	v9 =	vld.idx.msk [tilespmem:v51+s15+$0x0], $0xffff;
	[tilespmem:v55+s21+$0x0] =	vst.idx.msk $0xffff, v14;
	v14 =	vor.u32 v63, v49  }
0x234: {  	p2 =	slt.u32 s8, $0xC;
	v51 =	vor.u32 v26, v44;
	v44 =	vld.idx.msk [tilespmem:v59+s15+$0x0], $0xffff;
	[tilespmem:v12+s21+$0x0] =	vst.idx.msk $0xffff, v56;
	v12 =	vor.u32 v17, v36  }
.Ltmp7:
0x235: {  	v46 =	vor.u32 v19, v46;
	v47 =	vor.u32 v19, v47;
	[tilespmem:v61+s21+$0x0] =	vst.idx.msk $0xffff, v13;
	v50 =	vld.idx.msk [tilespmem:v60+s15+$0x0], $0xffff;
	(pc) =	sbr.rel @p2 .LBB2_8-.Ltmp7, $4  }
0x236: {  	v57 =	vor.u32 v18, v34;
	v58 =	vor.u32 v18, v35;
	[tilespmem:v1+s21+$0x0] =	vst.idx.msk $0xffff, v15;
	v49 =	vld.idx.msk [tilespmem:v8+s15+$0x0], $0xffff  }
0x237: {  	v55 =	vor.u32 v26, v42;
	v56 =	vor.u32 v20, v32;
	v59 =	vld.idx.msk [tilespmem:v62+s15+$0x0], $0xffff;
	[tilespmem:v0+s21+$0x0] =	vst.idx.msk $0xffff, v10  }
0x238: {  	s12 =	sadd.s32 $0x4, s8;
	v61 =	vor.u32 v18, v32;
	v8 =	vor.u32 v17, v39;
	[tilespmem:v45+s21+$0x0] =	vst.idx.msk $0xffff, v9;
	v53 =	vld.idx.msk [tilespmem:v14+s15+$0x0], $0xffff  }
0x239: {  	s8 =	smov.u32 s12;
	v63 =	vor.u32 v48, v38;
	v62 =	vor.u32 v17, v37;
	[tilespmem:v51+s21+$0x0] =	vst.idx.msk $0xffff, v11;
	v60 =	vld.idx.msk [tilespmem:v12+s15+$0x0], $0xffff  }
0x23a: {  	_ =	sdelay $0x3  }
0x23b: {  	[tilespmem:v46+s21+$0x0] =	vst.idx.msk $0xffff, v50  }
0x23c: {  	v0 =	vld.idx.msk [tilespmem:v8+s15+$0x0], $0xffff;
	_ =	sdelay $0x1  }
0x23d: {  	[tilespmem:v47+s21+$0x0] =	vst.idx.msk $0xffff, v49  }
0x23e: {  	[tilespmem:v61+s21+$0x0] =	vst.idx.msk $0xffff, v59  }
0x23f: {  	v9 =	vld.idx.msk [tilespmem:v62+s15+$0x0], $0xffff;
	[tilespmem:v43+s21+$0x0] =	vst.idx.msk $0xffff, v60  }
0x240: {  	v8 =	vor.u32 v48, v36;
	v11 =	vld.idx.msk [tilespmem:v63+s15+$0x0], $0xffff;
	[tilespmem:v58+s21+$0x0] =	vst.idx.msk $0xffff, v0  }
0x241: {  	v1 =	vor.u32 v48, v39;
	v22 =	vld [tilespmem:$0x1FED0];
	_ =	sdelay $0x3  }
0x242: {  	v10 =	vor.u32 v48, v37;
	v12 =	vor.u32 v20, v35;
	v8 =	vld.idx.msk [tilespmem:v8+s15+$0x0], $0xffff;
	[tilespmem:v57+s21+$0x0] =	vst.idx.msk $0xffff, v9  }
0x243: {  	v13 =	vor.u32 v20, v33;
	v1 =	vld.idx.msk [tilespmem:v1+s15+$0x0], $0xffff;
	[tilespmem:v56+s21+$0x0] =	vst.idx.msk $0xffff, v11;
	v0 =	vor.u32 v22, v38  }
0x244: {  	v59 =	vor.u32 v22, v39;
	v14 =	vor.u32 v22, v36;
	v42 =	vor.u32 v22, v37;
	v22 =	vld [tilespmem:$0x1FFF0];
	_ =	sdelay $0x3  }
0x245: {  	v15 =	vor.u32 v20, v34;
	v10 =	vld.idx.msk [tilespmem:v10+s15+$0x0], $0xffff;
	[tilespmem:v12+s21+$0x0] =	vst.idx.msk $0xffff, v1  }
0x246: {  	[tilespmem:v13+s21+$0x0] =	vst.idx.msk $0xffff, v8;
	v0 =	vld.idx.msk [tilespmem:v0+s15+$0x0], $0xffff;
	v60 =	vor.u32 v22, v32  }
0x247: {  	v50 =	vld [tilespmem:$0x1FEE0];
	_ =	sdelay $0x2  }
0x248: {  	[tilespmem:v15+s21+$0x0] =	vst.idx.msk $0xffff, v10  }
0x249: {  	v8 =	vld.idx.msk [tilespmem:v59+s15+$0x0], $0xffff;
	[tilespmem:v60+s21+$0x0] =	vst.idx.msk $0xffff, v0  }
0x24a: {  	v61 =	vor.u32 v22, v35;
	v1 =	vor.u32 v50, v38;
	v16 =	vld [tilespmem:$0x1FEF0];
	_ =	sdelay $0x2  }
0x24b: {  	v62 =	vld.idx.msk [tilespmem:v14+s15+$0x0], $0xffff;
	v63 =	vor.u32 v22, v33  }
0x24c: {  	v46 =	vld.idx.msk [tilespmem:v42+s15+$0x0], $0xffff;
	v15 =	vor.u32 v22, v34  }
0x24d: {  	v45 =	vor.u32 v50, v39;
	v0 =	vld.idx.msk [tilespmem:v1+s15+$0x0], $0xffff;
	[tilespmem:v61+s21+$0x0] =	vst.idx.msk $0xffff, v8;
	v1 =	vor.u32 v16, v32  }
0x24e: {  	v21 =	vld [tilespmem:$0x1FF60];
	_ =	sdelay $0x1  }
0x24f: {  	[tilespmem:v63+s21+$0x0] =	vst.idx.msk $0xffff, v62  }
0x250: {  	v47 =	vor.u32 v50, v36;
	[tilespmem:v15+s21+$0x0] =	vst.idx.msk $0xffff, v46  }
0x251: {  	v49 =	vor.u32 v50, v37;
	v9 =	vld.idx.msk [tilespmem:v45+s15+$0x0], $0xffff;
	[tilespmem:v1+s21+$0x0] =	vst.idx.msk $0xffff, v0  }
0x252: {  	v50 =	vor.u32 v16, v35;
	v8 =	vor.u32 v21, v38;
	v23 =	vld [tilespmem:$0x1FF00];
	_ =	sdelay $0x2  }
0x253: {  	v12 =	vld.idx.msk [tilespmem:v47+s15+$0x0], $0xffff;
	v54 =	vor.u32 v16, v33  }
0x254: {  	v14 =	vld.idx.msk [tilespmem:v49+s15+$0x0], $0xffff;
	v15 =	vor.u32 v16, v34;
	v51 =	vor.u32 v21, v39  }
0x255: {  	v56 =	vor.u32 v21, v36;
	v0 =	vld.idx.msk [tilespmem:v8+s15+$0x0], $0xffff;
	[tilespmem:v50+s21+$0x0] =	vst.idx.msk $0xffff, v9;
	v1 =	vor.u32 v23, v32  }
0x256: {  	v45 =	vld [tilespmem:$0x1FF10];
	_ =	sdelay $0x1  }
0x257: {  	[tilespmem:v54+s21+$0x0] =	vst.idx.msk $0xffff, v12  }
0x258: {  	v9 =	vld.idx.msk [tilespmem:v51+s15+$0x0], $0xffff;
	[tilespmem:v15+s21+$0x0] =	vst.idx.msk $0xffff, v14  }
0x259: {  	v57 =	vor.u32 v21, v37;
	v59 =	vld.idx.msk [tilespmem:v56+s15+$0x0], $0xffff;
	v58 =	vor.u32 v23, v35;
	[tilespmem:v1+s21+$0x0] =	vst.idx.msk $0xffff, v0  }
0x25a: {  	v60 =	vor.u32 v23, v33;
	v8 =	vor.u32 v45, v38;
	v46 =	vld [tilespmem:$0x1FF70];
	_ =	sdelay $0x3  }
0x25b: {  	v14 =	vld.idx.msk [tilespmem:v57+s15+$0x0], $0xffff;
	v15 =	vor.u32 v23, v34;
	[tilespmem:v58+s21+$0x0] =	vst.idx.msk $0xffff, v9  }
0x25c: {  	v61 =	vor.u32 v45, v39;
	v0 =	vld.idx.msk [tilespmem:v8+s15+$0x0], $0xffff;
	[tilespmem:v60+s21+$0x0] =	vst.idx.msk $0xffff, v59;
	v1 =	vor.u32 v46, v32  }
0x25d: {  	v47 =	vld [tilespmem:$0x1FF80];
	_ =	sdelay $0x1  }
0x25e: {  	v62 =	vor.u32 v45, v36  }
0x25f: {  	v63 =	vor.u32 v45, v37;
	[tilespmem:v15+s21+$0x0] =	vst.idx.msk $0xffff, v14  }
0x260: {  	v9 =	vld.idx.msk [tilespmem:v61+s15+$0x0], $0xffff;
	[tilespmem:v1+s21+$0x0] =	vst.idx.msk $0xffff, v0  }
0x261: {  	v49 =	vor.u32 v46, v35;
	v8 =	vor.u32 v47, v38;
	v57 =	vld [tilespmem:$0x1FF90];
	_ =	sdelay $0x1  }
0x262: {  	v11 =	vld.idx.msk [tilespmem:v62+s15+$0x0], $0xffff;
	v51 =	vor.u32 v46, v33  }
0x263: {  	v14 =	vld.idx.msk [tilespmem:v63+s15+$0x0], $0xffff;
	v15 =	vor.u32 v46, v34  }
0x264: {  	v50 =	vor.u32 v47, v39  }
0x265: {  	v0 =	vld.idx.msk [tilespmem:v8+s15+$0x0], $0xffff;
	[tilespmem:v49+s21+$0x0] =	vst.idx.msk $0xffff, v9;
	v1 =	vor.u32 v57, v32  }
0x266: {  	v26 =	vld [tilespmem:$0x1FFA0]  }
0x267: {  	v54 =	vor.u32 v47, v36;
	[tilespmem:v51+s21+$0x0] =	vst.idx.msk $0xffff, v11  }
0x268: {  	v60 =	vor.u32 v47, v37;
	[tilespmem:v15+s21+$0x0] =	vst.idx.msk $0xffff, v14  }
0x269: {  	v9 =	vld.idx.msk [tilespmem:v50+s15+$0x0], $0xffff;
	[tilespmem:v41+s21+$0x0] =	vst.idx.msk $0xffff, v44  }
0x26a: {  	v51 =	vld.idx.msk [tilespmem:v52+s15+$0x0], $0xffff;
	[tilespmem:v1+s21+$0x0] =	vst.idx.msk $0xffff, v0  }
0x26b: {  	v61 =	vor.u32 v57, v35;
	v8 =	vor.u32 v26, v38;
	v52 =	vld [tilespmem:$0x1FFB0]  }
0x26c: {  	v63 =	vld.idx.msk [tilespmem:v54+s15+$0x0], $0xffff;
	v62 =	vor.u32 v57, v33;
	v42 =	vor.u32 v26, v39  }
0x26d: {  	v49 =	vld.idx.msk [tilespmem:v60+s15+$0x0], $0xffff;
	v45 =	vor.u32 v57, v34;
	v15 =	vor.u32 v26, v36  }
0x26e: {  	v50 =	vor.u32 v26, v37;
	_ =	sdelay $0x1  }
0x26f: {  	v0 =	vld.idx.msk [tilespmem:v8+s15+$0x0], $0xffff;
	[tilespmem:v61+s21+$0x0] =	vst.idx.msk $0xffff, v9;
	v1 =	vor.u32 v52, v32  }
0x270: {  	[tilespmem:v62+s21+$0x0] =	vst.idx.msk $0xffff, v63;
	v8 =	vld.idx.msk [tilespmem:v42+s15+$0x0], $0xffff;
	v60 =	vor.u32 v52, v35  }
0x271: {  	[tilespmem:v45+s21+$0x0] =	vst.idx.msk $0xffff, v49;
	v11 =	vld.idx.msk [tilespmem:v15+s15+$0x0], $0xffff;
	v61 =	vor.u32 v52, v33  }
0x272: {  	[tilespmem:v40+s21+$0x0] =	vst.idx.msk $0xffff, v53;
	v63 =	vld.idx.msk [tilespmem:v50+s15+$0x0], $0xffff;
	v62 =	vor.u32 v52, v34  }
0x273: {  	[tilespmem:v55+s21+$0x0] =	vst.idx.msk $0xffff, v51  }
0x274: {  	[tilespmem:v1+s21+$0x0] =	vst.idx.msk $0xffff, v0  }
0x275: {  	[tilespmem:v60+s21+$0x0] =	vst.idx.msk $0xffff, v8  }
0x276: {  	s5 =	sshll.u32 s7, $0x9;
	[tilespmem:v61+s21+$0x0] =	vst.idx.msk $0xffff, v11  }
0x277: {  	p2 =	sgt.u32 s7, $0x1E03;
	s5 =	sadd.s32 s2, s5;
	[tilespmem:v62+s21+$0x0] =	vst.idx.msk $0xffff, v63  }
0x278: {  	v56 =	vlaneseq.u32;
	v58 =	vmovc v17;
	v17 =	vmovc v19;
	v19 =	vmov v21;
	v62 =	vmov v3;
	[hbm4b:s5+s3] =	stream.linear.scatter [tilespmem:s21], [sflag:$0x6], $0x1000, $0x38;
	[tilespmem:$0x9800] =	vst v63  }
0x279: {  	s8 =	simm.s32 @!p2 $0x7A1400;
	v63 =	vmovc v4;
	v4 =	vmovc v5;
	v5 =	vmov v24;
	v24 =	vmov v6;
	v3 =	vmov v7;
	s5 =	sshll.u32 @!p2 s7, $0x7;
	v2 =	vld [tilespmem:$0x1FFD0]  }
0x27a: {  	s12 =	simm.s32 @!p2 $0x1000;
	v6 =	vmovc v27;
	v7 =	vmovc v28;
	v27 =	vmov v30;
	v28 =	vmov v31;
	v60 =	vmov v18;
	s7 =	simm.s32 @!p2 $0x400;
	v25 =	vld [tilespmem:$0x1FFC0];
	s5 =	sadd.s32 @!p2 s5, s9  }
0x27b: {  	v61 =	vmovc v20;
	v30 =	vmovc v46;
	v31 =	vmov v47;
	v1 =	vmov v26;
	v0 =	vmov v52;
	v29 =	vld [tilespmem:$0x1FF40];
	[tilespmem:s12], [sflag:$0x2] =	stream.strided.gather @!p2 [hbm4b:s5+s7], $0x1000, s8, s7, $0x38  }
.LBB2_10:
0x27c: {  	s7 =	sor.u32 $0x40, s6  }
0x27d: {  	p2 =	sgt.u32 s7, $0x1E83  }
.Ltmp8:
0x27e: {  	_ = 	snop;
	(pc) =	sbr.rel @p2 .LBB2_14-.Ltmp8, $1  }
0x27f: {  	_ =	sdelay $0x3  }
0x280: {  	s5 =	simm.s32 $0x0  }
0x281: {  	v40 =	vadd.s32 s5, v56  }
0x282: {  	s26 =	simm.s32 $0x2;
	v32 =	vand.u32 $0xF, v40  }
0x283: {  	_ =	swait.ge [sflag:s22], $0x1000;
	v41 =	vadd.s32 s26, v56;
	v43 =	vshll.u32 v32, $0x7  }
0x284: {  	v16 =	vmov v0;
	s28 =	simm.s32 $0x1;
	[sflag:s22] =	ssyncset.done $0x0;
	v34 =	vand.u32 $0xF, v41;
	v0 =	vor.u32 v56, v43  }
0x285: {  	s8 =	simm.s32 @!p1 $0x7;
	s12 =	simm.s32 $0x3;
	v44 =	vadd.s32 s28, v56;
	[sflag:s22] =	ssyncadd.s32 $0xFFFFF000;
	v45 =	vshll.u32 v34, $0x7  }
0x286: {  	v26 =	vmovc v1;
	v42 =	vadd.s32 s12, v56;
	v1 =	vand.u32 $0xF, v44;
	_ =	swait.ge @!p1 [sflag:s8], $0x1000;
	v8 =	vor.u32 v56, v45  }
0x287: {  	v33 =	vand.u32 $0xF, v42;
	v47 =	vshll.u32 v1, $0x7;
	[sflag:s8] =	ssyncset.done @!p1 $0x0  }
0x288: {  	v46 =	vshll.u32 v33, $0x7;
	v9 =	vor.u32 v56, v47;
	[sflag:s8] =	ssyncadd.s32 @!p1 $0xFFFFF000  }
0x289: {  	v11 =	vor.u32 v62, v32;
	v10 =	vor.u32 v56, v46;
	v0 =	vld.idx.msk [tilespmem:v0+s16+$0x0], $0xffff  }
0x28a: {  	v12 =	vor.u32 v63, v43  }
0x28b: {  	v13 =	vor.u32 v62, v34;
	v8 =	vld.idx.msk [tilespmem:v8+s16+$0x0], $0xffff;
	_ =	sdelay $0x1  }
0x28c: {  	v15 =	vor.u32 v62, v1;
	v14 =	vor.u32 v63, v45;
	v9 =	vld.idx.msk [tilespmem:v9+s16+$0x0], $0xffff  }
0x28d: {  	v10 =	vld.idx.msk [tilespmem:v10+s16+$0x0], $0xffff;
	[tilespmem:v11+s23+$0x0] =	vst.idx.msk $0xffff, v0;
	v0 =	vor.u32 v63, v47;
	v11 =	vor.u32 v62, v33  }
0x28e: {  	v36 =	vor.u32 v4, v32;
	v35 =	vor.u32 v63, v46;
	v12 =	vld.idx.msk [tilespmem:v12+s16+$0x0], $0xffff  }
0x28f: {  	[tilespmem:v13+s23+$0x0] =	vst.idx.msk $0xffff, v8;
	v8 =	vor.u32 v5, v43;
	_ =	sdelay $0x1  }
0x290: {  	v53 =	vor.u32 v4, v34;
	[tilespmem:v15+s23+$0x0] =	vst.idx.msk $0xffff, v9;
	v13 =	vld.idx.msk [tilespmem:v14+s16+$0x0], $0xffff  }
0x291: {  	v0 =	vld.idx.msk [tilespmem:v0+s16+$0x0], $0xffff;
	[tilespmem:v11+s23+$0x0] =	vst.idx.msk $0xffff, v10;
	v10 =	vor.u32 v4, v1  }
0x292: {  	v15 =	vor.u32 v4, v33;
	v11 =	vld.idx.msk [tilespmem:v35+s16+$0x0], $0xffff;
	[tilespmem:v36+s23+$0x0] =	vst.idx.msk $0xffff, v12  }
0x293: {  	v59 =	vor.u32 v24, v32;
	v8 =	vld.idx.msk [tilespmem:v8+s16+$0x0], $0xffff;
	_ =	sdelay $0x1  }
0x294: {  	v9 =	vor.u32 v5, v45;
	[tilespmem:v53+s23+$0x0] =	vst.idx.msk $0xffff, v13  }
0x295: {  	[tilespmem:v10+s23+$0x0] =	vst.idx.msk $0xffff, v0  }
0x296: {  	v54 =	vor.u32 v5, v47;
	[tilespmem:v15+s23+$0x0] =	vst.idx.msk $0xffff, v11  }
0x297: {  	v55 =	vor.u32 v5, v46;
	[tilespmem:v59+s23+$0x0] =	vst.idx.msk $0xffff, v8  }
0x298: {  	v39 =	vor.u32 v2, v43;
	v59 =	vld [tilespmem:$0x1FF30]  }
0x299: {  	v49 =	vor.u32 v24, v34;
	v9 =	vld.idx.msk [tilespmem:v9+s16+$0x0], $0xffff  }
0x29a: {  	v0 =	vor.u32 v2, v45  }
0x29b: {  	v10 =	vld.idx.msk [tilespmem:v54+s16+$0x0], $0xffff;
	v11 =	vor.u32 v24, v1  }
0x29c: {  	v15 =	vor.u32 v24, v33;
	v50 =	vld.idx.msk [tilespmem:v55+s16+$0x0], $0xffff;
	v8 =	vor.u32 v2, v47  }
0x29d: {  	v51 =	vor.u32 v2, v46;
	v13 =	vld.idx.msk [tilespmem:v39+s16+$0x0], $0xffff;
	v52 =	vor.u32 v59, v32  }
0x29e: {  	[tilespmem:v49+s23+$0x0] =	vst.idx.msk $0xffff, v9;
	v9 =	vor.u32 v3, v43  }
0x29f: {  	v0 =	vld.idx.msk [tilespmem:v0+s16+$0x0], $0xffff;
	v53 =	vor.u32 v59, v34  }
0x2a0: {  	[tilespmem:v11+s23+$0x0] =	vst.idx.msk $0xffff, v10;
	v10 =	vor.u32 v3, v45  }
0x2a1: {  	v8 =	vld.idx.msk [tilespmem:v8+s16+$0x0], $0xffff;
	[tilespmem:v15+s23+$0x0] =	vst.idx.msk $0xffff, v50;
	v11 =	vor.u32 v59, v1  }
0x2a2: {  	v15 =	vor.u32 v3, v47;
	v12 =	vld.idx.msk [tilespmem:v51+s16+$0x0], $0xffff;
	v54 =	vor.u32 v59, v33;
	[tilespmem:v52+s23+$0x0] =	vst.idx.msk $0xffff, v13  }
0x2a3: {  	v55 =	vor.u32 v6, v32;
	v49 =	vor.u32 v3, v46;
	v9 =	vld.idx.msk [tilespmem:v9+s16+$0x0], $0xffff  }
0x2a4: {  	[tilespmem:v53+s23+$0x0] =	vst.idx.msk $0xffff, v0;
	v0 =	vor.u32 v7, v43  }
0x2a5: {  	v50 =	vor.u32 v6, v34;
	v10 =	vld.idx.msk [tilespmem:v10+s16+$0x0], $0xffff  }
0x2a6: {  	[tilespmem:v11+s23+$0x0] =	vst.idx.msk $0xffff, v8;
	v8 =	vor.u32 v7, v45  }
0x2a7: {  	v51 =	vor.u32 v6, v1;
	[tilespmem:v54+s23+$0x0] =	vst.idx.msk $0xffff, v12;
	v11 =	vld.idx.msk [tilespmem:v15+s16+$0x0], $0xffff  }
0x2a8: {  	v52 =	vor.u32 v7, v47;
	v15 =	vor.u32 v6, v33;
	[tilespmem:v55+s23+$0x0] =	vst.idx.msk $0xffff, v9;
	v9 =	vld.idx.msk [tilespmem:v49+s16+$0x0], $0xffff  }
0x2a9: {  	v53 =	vor.u32 v25, v32;
	v54 =	vor.u32 v7, v46;
	v0 =	vld.idx.msk [tilespmem:v0+s16+$0x0], $0xffff  }
0x2aa: {  	[tilespmem:v50+s23+$0x0] =	vst.idx.msk $0xffff, v10  }
0x2ab: {  	v10 =	vor.u32 v27, v43;
	v55 =	vor.u32 v25, v34;
	v8 =	vld.idx.msk [tilespmem:v8+s16+$0x0], $0xffff  }
0x2ac: {  	[tilespmem:v51+s23+$0x0] =	vst.idx.msk $0xffff, v11;
	v11 =	vor.u32 v27, v45  }
0x2ad: {  	v12 =	vld.idx.msk [tilespmem:v52+s16+$0x0], $0xffff;
	[tilespmem:v15+s23+$0x0] =	vst.idx.msk $0xffff, v9;
	v9 =	vor.u32 v25, v1  }
0x2ae: {  	v49 =	vor.u32 v27, v47;
	v15 =	vor.u32 v25, v33;
	[tilespmem:v53+s23+$0x0] =	vst.idx.msk $0xffff, v0;
	v0 =	vld.idx.msk [tilespmem:v54+s16+$0x0], $0xffff;
	_ =	sdelay $0x1  }
0x2af: {  	v50 =	vor.u32 v28, v32;
	v51 =	vor.u32 v27, v46;
	[tilespmem:v55+s23+$0x0] =	vst.idx.msk $0xffff, v8;
	v10 =	vld.idx.msk [tilespmem:v10+s16+$0x0], $0xffff  }
0x2b0: {  	v52 =	vor.u32 v28, v34;
	v8 =	vor.u32 v29, v43;
	v11 =	vld.idx.msk [tilespmem:v11+s16+$0x0], $0xffff  }
0x2b1: {  	[tilespmem:v9+s23+$0x0] =	vst.idx.msk $0xffff, v12;
	v9 =	vor.u32 v29, v45  }
0x2b2: {  	v12 =	vld.idx.msk [tilespmem:v49+s16+$0x0], $0xffff;
	[tilespmem:v15+s23+$0x0] =	vst.idx.msk $0xffff, v0;
	v0 =	vor.u32 v28, v1;
	_ =	sdelay $0x1  }
0x2b3: {  	v53 =	vor.u32 v29, v47;
	v15 =	vor.u32 v28, v33;
	[tilespmem:v50+s23+$0x0] =	vst.idx.msk $0xffff, v10;
	v10 =	vld.idx.msk [tilespmem:v51+s16+$0x0], $0xffff  }
0x2b4: {  	v32 =	vor.u32 v17, v32;
	v54 =	vor.u32 v29, v46;
	[tilespmem:v52+s23+$0x0] =	vst.idx.msk $0xffff, v11;
	v8 =	vld.idx.msk [tilespmem:v8+s16+$0x0], $0xffff  }
0x2b5: {  	v55 =	vor.u32 v17, v34;
	v11 =	vor.u32 v58, v43;
	v9 =	vld.idx.msk [tilespmem:v9+s16+$0x0], $0xffff  }
0x2b6: {  	[tilespmem:v0+s23+$0x0] =	vst.idx.msk $0xffff, v12;
	v0 =	vor.u32 v58, v45;
	_ =	sdelay $0x1  }
0x2b7: {  	v1 =	vor.u32 v17, v1;
	v12 =	vld.idx.msk [tilespmem:v53+s16+$0x0], $0xffff;
	[tilespmem:v15+s23+$0x0] =	vst.idx.msk $0xffff, v10  }
0x2b8: {  	v37 =	vor.u32 v17, v33;
	[tilespmem:v32+s23+$0x0] =	vst.idx.msk $0xffff, v8;
	v8 =	vld.idx.msk [tilespmem:v54+s16+$0x0], $0xffff  }
0x2b9: {  	v34 =	vor.u32 v60, v40;
	v10 =	vor.u32 v58, v47;
	v11 =	vld.idx.msk [tilespmem:v11+s16+$0x0], $0xffff;
	[tilespmem:v55+s23+$0x0] =	vst.idx.msk $0xffff, v9  }
0x2ba: {  	v39 =	vor.u32 v58, v46;
	v13 =	vor.u32 v60, v41;
	v0 =	vld.idx.msk [tilespmem:v0+s16+$0x0], $0xffff  }
0x2bb: {  	s8 =	simm.s32 $0x4  }
0x2bc: {  	s12 =	simm.s32 $0x6;
	s26 =	simm.s32 $0x5;
	v14 =	vor.u32 v60, v42;
	v32 =	vadd.s32 s8, v56;
	v9 =	vor.u32 v48, v43;
	[tilespmem:v1+s23+$0x0] =	vst.idx.msk $0xffff, v12  }
0x2bd: {  	v35 =	vadd.s32 s26, v56;
	v33 =	vadd.s32 s12, v56;
	v51 =	vand.u32 $0xF, v32;
	[tilespmem:v37+s23+$0x0] =	vst.idx.msk $0xffff, v8  }
0x2be: {  	v52 =	vor.u32 v48, v45;
	v50 =	vand.u32 $0xF, v33;
	v38 =	vshll.u32 v51, $0x7;
	v10 =	vld.idx.msk [tilespmem:v10+s16+$0x0], $0xffff;
	[tilespmem:v34+s23+$0x0] =	vst.idx.msk $0xffff, v11  }
0x2bf: {  	v1 =	vor.u32 v60, v44;
	v12 =	vor.u32 v56, v38;
	v11 =	vld.idx.msk [tilespmem:v39+s16+$0x0], $0xffff;
	[tilespmem:v13+s23+$0x0] =	vst.idx.msk $0xffff, v0  }
0x2c0: {  	s28 =	simm.s32 $0x7;
	v49 =	vand.u32 $0xF, v35;
	v36 =	vshll.u32 v50, $0x7;
	v53 =	vor.u32 v48, v47;
	v18 =	vld [tilespmem:$0x1FED0]  }
0x2c1: {  	v15 =	vor.u32 v61, v40;
	v34 =	vadd.s32 s28, v56;
	v8 =	vld.idx.msk [tilespmem:v9+s16+$0x0], $0xffff;
	v9 =	vor.u32 v56, v36  }
0x2c2: {  	v39 =	vshll.u32 v49, $0x7;
	v48 =	vand.u32 $0xF, v34  }
0x2c3: {  	v54 =	vor.u32 v61, v41;
	v37 =	vshll.u32 v48, $0x7;
	v13 =	vor.u32 v56, v39;
	v52 =	vld.idx.msk [tilespmem:v52+s16+$0x0], $0xffff  }
0x2c4: {  	v55 =	vor.u32 v56, v37;
	v12 =	vld.idx.msk [tilespmem:v12+s16+$0x0], $0xffff;
	[tilespmem:v1+s23+$0x0] =	vst.idx.msk $0xffff, v10;
	v1 =	vor.u32 v62, v51  }
0x2c5: {  	v53 =	vld.idx.msk [tilespmem:v53+s16+$0x0], $0xffff;
	[tilespmem:v14+s23+$0x0] =	vst.idx.msk $0xffff, v11;
	v0 =	vor.u32 v18, v43  }
0x2c6: {  	v10 =	vor.u32 v61, v44;
	[tilespmem:v15+s23+$0x0] =	vst.idx.msk $0xffff, v8;
	v9 =	vld.idx.msk [tilespmem:v9+s16+$0x0], $0xffff  }
0x2c7: {  	v15 =	vor.u32 v62, v50;
	v11 =	vld [tilespmem:$0x1FF20]  }
0x2c8: {  	v13 =	vld.idx.msk [tilespmem:v13+s16+$0x0], $0xffff;
	[tilespmem:v54+s23+$0x0] =	vst.idx.msk $0xffff, v52;
	v52 =	vor.u32 v62, v49  }
0x2c9: {  	v56 =	vor.u32 v18, v45;
	v55 =	vld.idx.msk [tilespmem:v55+s16+$0x0], $0xffff;
	[tilespmem:v1+s23+$0x0] =	vst.idx.msk $0xffff, v12;
	v12 =	vor.u32 v62, v48  }
0x2ca: {  	v14 =	vor.u32 v22, v40;
	v8 =	vor.u32 v63, v38;
	v0 =	vld.idx.msk [tilespmem:v0+s16+$0x0], $0xffff  }
0x2cb: {  	v21 =	vld [tilespmem:$0x1FEE0];
	[tilespmem:v10+s23+$0x0] =	vst.idx.msk $0xffff, v53  }
0x2cc: {  	v54 =	vor.u32 v63, v36;
	[tilespmem:v15+s23+$0x0] =	vst.idx.msk $0xffff, v9  }
0x2cd: {  	v11 =	vor.u32 v11, v46;
	[tilespmem:v52+s23+$0x0] =	vst.idx.msk $0xffff, v13  }
0x2ce: {  	v10 =	vor.u32 v63, v39;
	v53 =	vld.idx.msk [tilespmem:v56+s16+$0x0], $0xffff;
	v56 =	vor.u32 v22, v41;
	[tilespmem:v12+s23+$0x0] =	vst.idx.msk $0xffff, v55  }
0x2cf: {  	v8 =	vld.idx.msk [tilespmem:v8+s16+$0x0], $0xffff;
	v9 =	vor.u32 v63, v37;
	v15 =	vor.u32 v4, v51;
	[tilespmem:v14+s23+$0x0] =	vst.idx.msk $0xffff, v0  }
0x2d0: {  	v12 =	vor.u32 v18, v46;
	v1 =	vor.u32 v21, v43;
	v0 =	vor.u32 v18, v47;
	v18 =	vld [tilespmem:$0x1FEF0]  }
0x2d1: {  	v52 =	vld.idx.msk [tilespmem:v54+s16+$0x0], $0xffff;
	v54 =	vor.u32 v4, v50  }
0x2d2: {  	v11 =	vld.idx.msk [tilespmem:v11+s16+$0x0], $0xffff;
	v14 =	vor.u32 v61, v42  }
0x2d3: {  	v10 =	vld.idx.msk [tilespmem:v10+s16+$0x0], $0xffff;
	[tilespmem:v56+s23+$0x0] =	vst.idx.msk $0xffff, v53;
	v56 =	vor.u32 v4, v49  }
0x2d4: {  	v9 =	vld.idx.msk [tilespmem:v9+s16+$0x0], $0xffff;
	[tilespmem:v15+s23+$0x0] =	vst.idx.msk $0xffff, v8;
	v15 =	vor.u32 v4, v48  }
0x2d5: {  	v1 =	vld.idx.msk [tilespmem:v1+s16+$0x0], $0xffff;
	v55 =	vor.u32 v18, v40  }
0x2d6: {  	[tilespmem:v54+s23+$0x0] =	vst.idx.msk $0xffff, v52  }
0x2d7: {  	[tilespmem:v14+s23+$0x0] =	vst.idx.msk $0xffff, v11  }
0x2d8: {  	v13 =	vor.u32 v5, v38;
	[tilespmem:v56+s23+$0x0] =	vst.idx.msk $0xffff, v10  }
0x2d9: {  	v53 =	vor.u32 v5, v36;
	[tilespmem:v15+s23+$0x0] =	vst.idx.msk $0xffff, v9  }
0x2da: {  	[tilespmem:v55+s23+$0x0] =	vst.idx.msk $0xffff, v1  }
0x2db: {  	v20 =	vmov v19;
	v8 =	vor.u32 v19, v43;
	v19 =	vld [tilespmem:$0x1FF00]  }
0x2dc: {  	v11 =	vor.u32 v5, v39;
	v0 =	vld.idx.msk [tilespmem:v0+s16+$0x0], $0xffff;
	v14 =	vor.u32 v22, v44  }
0x2dd: {  	v52 =	vor.u32 v5, v37;
	v54 =	vor.u32 v24, v51;
	v13 =	vld.idx.msk [tilespmem:v13+s16+$0x0], $0xffff  }
0x2de: {  	v10 =	vor.u32 v2, v38;
	v53 =	vld.idx.msk [tilespmem:v53+s16+$0x0], $0xffff;
	v56 =	vor.u32 v24, v50  }
0x2df: {  	v12 =	vld.idx.msk [tilespmem:v12+s16+$0x0], $0xffff;
	v1 =	vor.u32 v21, v47;
	v55 =	vor.u32 v22, v42  }
0x2e0: {  	v9 =	vor.u32 v21, v46;
	v8 =	vld.idx.msk [tilespmem:v8+s16+$0x0], $0xffff;
	v15 =	vor.u32 v19, v40  }
0x2e1: {  	v11 =	vld.idx.msk [tilespmem:v11+s16+$0x0], $0xffff;
	[tilespmem:v14+s23+$0x0] =	vst.idx.msk $0xffff, v0;
	v14 =	vor.u32 v24, v49  }
0x2e2: {  	v52 =	vld.idx.msk [tilespmem:v52+s16+$0x0], $0xffff;
	[tilespmem:v54+s23+$0x0] =	vst.idx.msk $0xffff, v13;
	v54 =	vor.u32 v24, v48  }
0x2e3: {  	[tilespmem:v56+s23+$0x0] =	vst.idx.msk $0xffff, v53;
	v56 =	vor.u32 v59, v51;
	v10 =	vld.idx.msk [tilespmem:v10+s16+$0x0], $0xffff  }
0x2e4: {  	[tilespmem:v55+s23+$0x0] =	vst.idx.msk $0xffff, v12;
	v1 =	vld.idx.msk [tilespmem:v1+s16+$0x0], $0xffff;
	v55 =	vor.u32 v18, v44  }
0x2e5: {  	v9 =	vld.idx.msk [tilespmem:v9+s16+$0x0], $0xffff;
	[tilespmem:v15+s23+$0x0] =	vst.idx.msk $0xffff, v8;
	v15 =	vor.u32 v18, v42  }
0x2e6: {  	[tilespmem:v14+s23+$0x0] =	vst.idx.msk $0xffff, v11  }
0x2e7: {  	[tilespmem:v54+s23+$0x0] =	vst.idx.msk $0xffff, v52  }
0x2e8: {  	v0 =	vor.u32 v2, v36;
	[tilespmem:v56+s23+$0x0] =	vst.idx.msk $0xffff, v10  }
0x2e9: {  	v13 =	vor.u32 v21, v45;
	[tilespmem:v55+s23+$0x0] =	vst.idx.msk $0xffff, v1  }
0x2ea: {  	v12 =	vor.u32 v2, v39;
	[tilespmem:v15+s23+$0x0] =	vst.idx.msk $0xffff, v9  }
0x2eb: {  	v54 =	vor.u32 v18, v41;
	v8 =	vor.u32 v20, v47;
	v18 =	vld [tilespmem:$0x1FF10]  }
0x2ec: {  	v53 =	vor.u32 v2, v37  }
0x2ed: {  	v11 =	vor.u32 v3, v38;
	v0 =	vld.idx.msk [tilespmem:v0+s16+$0x0], $0xffff;
	v14 =	vor.u32 v59, v50  }
0x2ee: {  	v13 =	vld.idx.msk [tilespmem:v13+s16+$0x0], $0xffff;
	v52 =	vor.u32 v20, v46  }
0x2ef: {  	v12 =	vld.idx.msk [tilespmem:v12+s16+$0x0], $0xffff;
	v1 =	vor.u32 v3, v36;
	v55 =	vor.u32 v59, v49  }
0x2f0: {  	v8 =	vld.idx.msk [tilespmem:v8+s16+$0x0], $0xffff;
	v15 =	vor.u32 v19, v44;
	v9 =	vor.u32 v18, v43  }
0x2f1: {  	v53 =	vld.idx.msk [tilespmem:v53+s16+$0x0], $0xffff;
	v10 =	vor.u32 v20, v45;
	v56 =	vor.u32 v59, v48  }
0x2f2: {  	v11 =	vld.idx.msk [tilespmem:v11+s16+$0x0], $0xffff;
	[tilespmem:v14+s23+$0x0] =	vst.idx.msk $0xffff, v0;
	v0 =	vor.u32 v3, v39;
	v14 =	vor.u32 v6, v51  }
0x2f3: {  	[tilespmem:v54+s23+$0x0] =	vst.idx.msk $0xffff, v13;
	v13 =	vor.u32 v3, v37;
	v52 =	vld.idx.msk [tilespmem:v52+s16+$0x0], $0xffff;
	v54 =	vor.u32 v19, v42  }
0x2f4: {  	[tilespmem:v55+s23+$0x0] =	vst.idx.msk $0xffff, v12;
	v12 =	vor.u32 v7, v38;
	v55 =	vor.u32 v6, v50;
	v1 =	vld.idx.msk [tilespmem:v1+s16+$0x0], $0xffff  }
0x2f5: {  	[tilespmem:v15+s23+$0x0] =	vst.idx.msk $0xffff, v8;
	v8 =	vor.u32 v7, v36;
	v15 =	vor.u32 v30, v40;
	v9 =	vld.idx.msk [tilespmem:v9+s16+$0x0], $0xffff  }
0x2f6: {  	[tilespmem:v56+s23+$0x0] =	vst.idx.msk $0xffff, v53;
	v56 =	vor.u32 v19, v41;
	v10 =	vld.idx.msk [tilespmem:v10+s16+$0x0], $0xffff;
	v53 =	vor.u32 v18, v46  }
0x2f7: {  	v0 =	vld.idx.msk [tilespmem:v0+s16+$0x0], $0xffff;
	[tilespmem:v14+s23+$0x0] =	vst.idx.msk $0xffff, v11;
	v11 =	vor.u32 v18, v47;
	v14 =	vor.u32 v6, v49  }
0x2f8: {  	v13 =	vld.idx.msk [tilespmem:v13+s16+$0x0], $0xffff;
	[tilespmem:v54+s23+$0x0] =	vst.idx.msk $0xffff, v52;
	v52 =	vor.u32 v18, v45;
	v54 =	vor.u32 v6, v48  }
0x2f9: {  	v12 =	vld.idx.msk [tilespmem:v12+s16+$0x0], $0xffff;
	[tilespmem:v55+s23+$0x0] =	vst.idx.msk $0xffff, v1;
	v1 =	vor.u32 v7, v39;
	v55 =	vor.u32 v25, v51  }
0x2fa: {  	v8 =	vld.idx.msk [tilespmem:v8+s16+$0x0], $0xffff;
	[tilespmem:v15+s23+$0x0] =	vst.idx.msk $0xffff, v9;
	v9 =	vor.u32 v27, v38;
	v15 =	vor.u32 v25, v50  }
0x2fb: {  	[tilespmem:v56+s23+$0x0] =	vst.idx.msk $0xffff, v10;
	v10 =	vor.u32 v7, v37;
	v56 =	vor.u32 v30, v42;
	v53 =	vld.idx.msk [tilespmem:v53+s16+$0x0], $0xffff  }
0x2fc: {  	[tilespmem:v14+s23+$0x0] =	vst.idx.msk $0xffff, v0;
	v11 =	vld.idx.msk [tilespmem:v11+s16+$0x0], $0xffff;
	v14 =	vor.u32 v30, v44  }
0x2fd: {  	v0 =	vor.u32 v31, v43;
	[tilespmem:v54+s23+$0x0] =	vst.idx.msk $0xffff, v13;
	v52 =	vld.idx.msk [tilespmem:v52+s16+$0x0], $0xffff;
	v54 =	vor.u32 v30, v41  }
0x2fe: {  	v1 =	vld.idx.msk [tilespmem:v1+s16+$0x0], $0xffff;
	[tilespmem:v55+s23+$0x0] =	vst.idx.msk $0xffff, v12;
	v12 =	vor.u32 v31, v47;
	v55 =	vor.u32 v25, v49  }
0x2ff: {  	v9 =	vld.idx.msk [tilespmem:v9+s16+$0x0], $0xffff;
	[tilespmem:v15+s23+$0x0] =	vst.idx.msk $0xffff, v8;
	v8 =	vor.u32 v27, v39;
	v15 =	vor.u32 v28, v51  }
0x300: {  	v10 =	vld.idx.msk [tilespmem:v10+s16+$0x0], $0xffff;
	[tilespmem:v56+s23+$0x0] =	vst.idx.msk $0xffff, v53;
	v53 =	vor.u32 v31, v45;
	v56 =	vor.u32 v25, v48  }
0x301: {  	v13 =	vor.u32 v27, v36;
	[tilespmem:v14+s23+$0x0] =	vst.idx.msk $0xffff, v11  }
0x302: {  	v11 =	vor.u32 v27, v37;
	v14 =	vor.u32 v57, v40;
	[tilespmem:v54+s23+$0x0] =	vst.idx.msk $0xffff, v52;
	v0 =	vld.idx.msk [tilespmem:v0+s16+$0x0], $0xffff  }
0x303: {  	v59 =	vor.u32 v57, v44;
	[tilespmem:v55+s23+$0x0] =	vst.idx.msk $0xffff, v1;
	v1 =	vor.u32 v29, v38;
	v12 =	vld.idx.msk [tilespmem:v12+s16+$0x0], $0xffff  }
0x304: {  	[tilespmem:v15+s23+$0x0] =	vst.idx.msk $0xffff, v9;
	v9 =	vor.u32 v26, v43;
	v8 =	vld.idx.msk [tilespmem:v8+s16+$0x0], $0xffff;
	v15 =	vor.u32 v28, v49  }
0x305: {  	[tilespmem:v56+s23+$0x0] =	vst.idx.msk $0xffff, v10;
	v10 =	vor.u32 v57, v41;
	v53 =	vld.idx.msk [tilespmem:v53+s16+$0x0], $0xffff  }
0x306: {  	v20 =	vmov v61;
	v19 =	vmov v17;
	v52 =	vor.u32 v28, v50;
	v13 =	vld.idx.msk [tilespmem:v13+s16+$0x0], $0xffff  }
0x307: {  	v55 =	vor.u32 v28, v48;
	v56 =	vor.u32 v26, v47;
	[tilespmem:v14+s23+$0x0] =	vst.idx.msk $0xffff, v0;
	v11 =	vld.idx.msk [tilespmem:v11+s16+$0x0], $0xffff  }
0x308: {  	[tilespmem:v59+s23+$0x0] =	vst.idx.msk $0xffff, v12;
	v12 =	vor.u32 v31, v46;
	v59 =	vor.u32 v17, v51;
	v1 =	vld.idx.msk [tilespmem:v1+s16+$0x0], $0xffff  }
0x309: {  	v0 =	vor.u32 v29, v36;
	[tilespmem:v15+s23+$0x0] =	vst.idx.msk $0xffff, v8;
	v9 =	vld.idx.msk [tilespmem:v9+s16+$0x0], $0xffff;
	v15 =	vor.u32 v16, v40  }
0x30a: {  	v18 =	vmov v60;
	v45 =	vor.u32 v26, v45;
	v54 =	vor.u32 v16, v44;
	[tilespmem:v10+s23+$0x0] =	vst.idx.msk $0xffff, v53  }
0x30b: {  	v30 =	vmovc v27;
	v47 =	vor.u32 v17, v48;
	v27 =	vmov v6;
	v6 =	vmov v24;
	[tilespmem:v52+s23+$0x0] =	vst.idx.msk $0xffff, v13  }
0x30c: {  	v24 =	vmov v5;
	v5 =	vmov v4;
	v10 =	vor.u32 v29, v39;
	[tilespmem:v55+s23+$0x0] =	vst.idx.msk $0xffff, v11;
	v13 =	vld.idx.msk [tilespmem:v56+s16+$0x0], $0xffff  }
0x30d: {  	v14 =	vor.u32 v17, v50;
	v11 =	vor.u32 v58, v38;
	v44 =	vld.idx.msk [tilespmem:v12+s16+$0x0], $0xffff;
	[tilespmem:v59+s23+$0x0] =	vst.idx.msk $0xffff, v1  }
0x30e: {  	v51 =	vor.u32 v58, v36;
	v0 =	vld.idx.msk [tilespmem:v0+s16+$0x0], $0xffff;
	v8 =	vor.u32 v29, v37;
	[tilespmem:v15+s23+$0x0] =	vst.idx.msk $0xffff, v9  }
0x30f: {  	v31 =	vmovc v28;
	v43 =	vor.u32 v60, v33;
	v28 =	vmovc v7;
	v7 =	vmov v3;
	v3 =	vmov v62;
	v48 =	vld [tilespmem:$0x1FF20]  }
0x310: {  	v62 =	vor.u32 v58, v37;
	v52 =	vor.u32 v26, v46;
	v56 =	vor.u32 v61, v32;
	v53 =	vld.idx.msk [tilespmem:v45+s16+$0x0], $0xffff  }
0x311: {  	v55 =	vor.u32 v16, v42;
	v46 =	vor.u32 v17, v49;
	v61 =	vor.u32 v60, v32;
	v50 =	vld.idx.msk [tilespmem:v10+s16+$0x0], $0xffff  }
0x312: {  	v4 =	vmovc v63;
	v17 =	vmov v58;
	v40 =	vor.u32 v16, v41;
	v41 =	vor.u32 v57, v42;
	v59 =	vld.idx.msk [tilespmem:v11+s16+$0x0], $0xffff  }
0x313: {  	v57 =	vor.u32 v60, v34;
	v49 =	vld.idx.msk [tilespmem:v8+s16+$0x0], $0xffff;
	v8 =	vor.u32 v58, v39;
	[tilespmem:v14+s23+$0x0] =	vst.idx.msk $0xffff, v0  }
0x314: {  	s12 =	simm.s32 $0x8;
	v2 =	vlaneseq.u32;
	v58 =	vor.u32 v60, v35;
	[tilespmem:v54+s23+$0x0] =	vst.idx.msk $0xffff, v13;
	v60 =	vld.idx.msk [tilespmem:v51+s16+$0x0], $0xffff;
	v63 =	vor.u32 v48, v38  }
.LBB2_12:
0x315: {  	v16 =	vld [tilespmem:$0x1FED0]  }
0x316: {  	v22 =	vld [tilespmem:$0x1FFF0]  }
0x317: {  	v25 =	vld [tilespmem:$0x1FEE0]  }
0x318: {  	v45 =	vmov v32;
	v32 =	vadd.s32 s12, v2;
	s28 =	smov.u32 s12;
	v21 =	vld [tilespmem:$0x1FEF0]  }
0x319: {  	v0 =	vor.u32 v48, v39;
	v1 =	vor.u32 v48, v36;
	v23 =	vld [tilespmem:$0x1FF60];
	v48 =	vand.u32 $0xF, v32;
	s28 =	sadd.s32 $0x2, s28;
	[tilespmem:v41+s23+$0x0] =	vst.idx.msk $0xffff, v44  }
0x31a: {  	v51 =	vmovc v38;
	v54 =	vmov v33;
	v38 =	vshll.u32 v48, $0x7;
	v33 =	vadd.s32 s28, v2;
	[tilespmem:v46+s23+$0x0] =	vst.idx.msk $0xffff, v50;
	v9 =	vld.idx.msk [tilespmem:v52+s16+$0x0], $0xffff  }
0x31b: {  	s5 =	sadd.s32 $0x1, s12;
	v42 =	vmov v34;
	v10 =	vor.u32 v2, v38;
	[tilespmem:v47+s23+$0x0] =	vst.idx.msk $0xffff, v49;
	v50 =	vand.u32 $0xF, v33;
	v8 =	vld.idx.msk [tilespmem:v8+s16+$0x0], $0xffff  }
0x31c: {  	s26 =	sadd.s32 $0x3, s12;
	v44 =	vmovc v35;
	v35 =	vadd.s32 s5, v2;
	v49 =	vmov v36;
	[tilespmem:v61+s23+$0x0] =	vst.idx.msk $0xffff, v59;
	v11 =	vld.idx.msk [tilespmem:v62+s16+$0x0], $0xffff;
	v36 =	vshll.u32 v50, $0x7  }
0x31d: {  	v34 =	vadd.s32 s26, v2;
	v46 =	vand.u32 $0xF, v35;
	[tilespmem:v40+s23+$0x0] =	vst.idx.msk $0xffff, v53;
	v12 =	vld.idx.msk [tilespmem:v63+s16+$0x0], $0xffff;
	v13 =	vor.u32 v2, v36  }
0x31e: {  	v52 =	vmovc v39;
	v47 =	vand.u32 $0xF, v34;
	v59 =	vld [tilespmem:$0x1FF20];
	v39 =	vshll.u32 v46, $0x7;
	[tilespmem:v43+s23+$0x0] =	vst.idx.msk $0xffff, v60;
	v63 =	vor.u32 v16, v51  }
0x31f: {  	v53 =	vmov v37;
	v37 =	vshll.u32 v47, $0x7;
	v15 =	vor.u32 v2, v39;
	v1 =	vld.idx.msk [tilespmem:v1+s16+$0x0], $0xffff;
	[tilespmem:v55+s23+$0x0] =	vst.idx.msk $0xffff, v9  }
0x320: {  	v41 =	vor.u32 v20, v54;
	v14 =	vor.u32 v2, v37;
	v9 =	vld.idx.msk [tilespmem:v10+s16+$0x0], $0xffff;
	[tilespmem:v58+s23+$0x0] =	vst.idx.msk $0xffff, v8  }
0x321: {  	v10 =	vor.u32 v3, v48;
	v58 =	vor.u32 v16, v49;
	[tilespmem:v57+s23+$0x0] =	vst.idx.msk $0xffff, v11;
	v0 =	vld.idx.msk [tilespmem:v0+s16+$0x0], $0xffff  }
0x322: {  	v8 =	vor.u32 v20, v44;
	v11 =	vor.u32 v4, v38;
	[tilespmem:v56+s23+$0x0] =	vst.idx.msk $0xffff, v12;
	v13 =	vld.idx.msk [tilespmem:v13+s16+$0x0], $0xffff  }
0x323: {  	v59 =	vor.u32 v59, v53;
	v12 =	vor.u32 v3, v50;
	v56 =	vld.idx.msk [tilespmem:v63+s16+$0x0], $0xffff  }
0x324: {  	v61 =	vor.u32 v22, v45;
	v60 =	vor.u32 v4, v36;
	v15 =	vld.idx.msk [tilespmem:v15+s16+$0x0], $0xffff  }
0x325: {  	[tilespmem:v41+s23+$0x0] =	vst.idx.msk $0xffff, v1;
	v1 =	vld.idx.msk [tilespmem:v14+s16+$0x0], $0xffff;
	v14 =	vor.u32 v25, v51  }
0x326: {  	v57 =	vor.u32 v3, v46;
	[tilespmem:v10+s23+$0x0] =	vst.idx.msk $0xffff, v9;
	v58 =	vld.idx.msk [tilespmem:v58+s16+$0x0], $0xffff  }
0x327: {  	v9 =	vor.u32 v4, v39;
	v10 =	vor.u32 v3, v47;
	v11 =	vld.idx.msk [tilespmem:v11+s16+$0x0], $0xffff;
	[tilespmem:v8+s23+$0x0] =	vst.idx.msk $0xffff, v0  }
0x328: {  	v62 =	vor.u32 v4, v37;
	v0 =	vor.u32 v22, v54;
	[tilespmem:v12+s23+$0x0] =	vst.idx.msk $0xffff, v13;
	v13 =	vld.idx.msk [tilespmem:v59+s16+$0x0], $0xffff  }
0x329: {  	v8 =	vor.u32 v5, v48;
	v12 =	vor.u32 v16, v52;
	[tilespmem:v61+s23+$0x0] =	vst.idx.msk $0xffff, v56;
	v60 =	vld.idx.msk [tilespmem:v60+s16+$0x0], $0xffff  }
0x32a: {  	v59 =	vor.u32 v24, v38;
	v56 =	vor.u32 v20, v42;
	v14 =	vld.idx.msk [tilespmem:v14+s16+$0x0], $0xffff  }
0x32b: {  	[tilespmem:v57+s23+$0x0] =	vst.idx.msk $0xffff, v15;
	v15 =	vor.u32 v5, v50;
	v57 =	vor.u32 v16, v53;
	v16 =	vld [tilespmem:$0x1FFD0]  }
0x32c: {  	v61 =	vor.u32 v24, v36;
	v9 =	vld.idx.msk [tilespmem:v9+s16+$0x0], $0xffff;
	[tilespmem:v10+s23+$0x0] =	vst.idx.msk $0xffff, v1  }
0x32d: {  	v1 =	vor.u32 v21, v45;
	v62 =	vld.idx.msk [tilespmem:v62+s16+$0x0], $0xffff;
	[tilespmem:v0+s23+$0x0] =	vst.idx.msk $0xffff, v58  }
0x32e: {  	v63 =	vor.u32 v23, v51;
	v10 =	vor.u32 v5, v46;
	[tilespmem:v8+s23+$0x0] =	vst.idx.msk $0xffff, v11;
	v11 =	vld.idx.msk [tilespmem:v12+s16+$0x0], $0xffff  }
0x32f: {  	v0 =	vor.u32 v24, v39;
	[tilespmem:v56+s23+$0x0] =	vst.idx.msk $0xffff, v13;
	v12 =	vld.idx.msk [tilespmem:v59+s16+$0x0], $0xffff;
	v59 =	vor.u32 v22, v44  }
0x330: {  	v13 =	vor.u32 v6, v48;
	[tilespmem:v15+s23+$0x0] =	vst.idx.msk $0xffff, v60;
	v56 =	vld.idx.msk [tilespmem:v57+s16+$0x0], $0xffff  }
0x331: {  	v60 =	vld.idx.msk [tilespmem:v61+s16+$0x0], $0xffff  }
0x332: {  	v8 =	vor.u32 v5, v47;
	[tilespmem:v1+s23+$0x0] =	vst.idx.msk $0xffff, v14;
	v1 =	vor.u32 v22, v42;
	v22 =	vld [tilespmem:$0x1FF00]  }
0x333: {  	v58 =	vor.u32 v24, v37;
	v15 =	vor.u32 v25, v52;
	[tilespmem:v10+s23+$0x0] =	vst.idx.msk $0xffff, v9;
	v10 =	vld.idx.msk [tilespmem:v63+s16+$0x0], $0xffff  }
0x334: {  	v57 =	vor.u32 v16, v38;
	v61 =	vor.u32 v16, v36;
	v0 =	vld.idx.msk [tilespmem:v0+s16+$0x0], $0xffff;
	[tilespmem:v59+s23+$0x0] =	vst.idx.msk $0xffff, v11  }
0x335: {  	[tilespmem:v13+s23+$0x0] =	vst.idx.msk $0xffff, v12;
	v12 =	vor.u32 v16, v39;
	v59 =	vor.u32 v16, v37;
	v16 =	vld [tilespmem:$0x1FF30]  }
0x336: {  	v26 =	vld [tilespmem:$0x1FFB0];
	v9 =	vor.u32 v6, v50;
	v14 =	vor.u32 v25, v53  }
0x337: {  	v29 =	vld [tilespmem:$0x1FF90];
	[tilespmem:v8+s23+$0x0] =	vst.idx.msk $0xffff, v62;
	v62 =	vor.u32 v6, v46  }
0x338: {  	v58 =	vld.idx.msk [tilespmem:v58+s16+$0x0], $0xffff;
	v13 =	vor.u32 v6, v47  }
0x339: {  	v15 =	vld.idx.msk [tilespmem:v15+s16+$0x0], $0xffff;
	v8 =	vor.u32 v22, v45  }
0x33a: {  	v57 =	vld.idx.msk [tilespmem:v57+s16+$0x0], $0xffff;
	[tilespmem:v1+s23+$0x0] =	vst.idx.msk $0xffff, v56;
	v1 =	vor.u32 v16, v48  }
0x33b: {  	v63 =	vor.u32 v21, v44;
	v11 =	vor.u32 v25, v49;
	[tilespmem:v9+s23+$0x0] =	vst.idx.msk $0xffff, v60;
	v14 =	vld.idx.msk [tilespmem:v14+s16+$0x0], $0xffff  }
0x33c: {  	v9 =	vor.u32 v23, v52;
	v60 =	vld.idx.msk [tilespmem:v61+s16+$0x0], $0xffff;
	[tilespmem:v62+s23+$0x0] =	vst.idx.msk $0xffff, v0  }
0x33d: {  	v56 =	vor.u32 v7, v38;
	v0 =	vor.u32 v16, v50;
	v12 =	vld.idx.msk [tilespmem:v12+s16+$0x0], $0xffff;
	[tilespmem:v13+s23+$0x0] =	vst.idx.msk $0xffff, v58  }
0x33e: {  	v61 =	vor.u32 v7, v36;
	v58 =	vor.u32 v16, v46;
	v59 =	vld.idx.msk [tilespmem:v59+s16+$0x0], $0xffff;
	[tilespmem:v8+s23+$0x0] =	vst.idx.msk $0xffff, v10  }
0x33f: {  	v8 =	vor.u32 v21, v42;
	[tilespmem:v1+s23+$0x0] =	vst.idx.msk $0xffff, v57;
	v1 =	vor.u32 v16, v47;
	v16 =	vld [tilespmem:$0x1FF10]  }
0x340: {  	v13 =	vor.u32 v21, v54;
	[tilespmem:v63+s23+$0x0] =	vst.idx.msk $0xffff, v15;
	v10 =	vld.idx.msk [tilespmem:v11+s16+$0x0], $0xffff;
	v11 =	vor.u32 v23, v53  }
0x341: {  	v15 =	vor.u32 v23, v49;
	v9 =	vld.idx.msk [tilespmem:v9+s16+$0x0], $0xffff  }
0x342: {  	v62 =	vor.u32 v7, v39;
	v21 =	vld [tilespmem:$0x1FF70];
	[tilespmem:v0+s23+$0x0] =	vst.idx.msk $0xffff, v60  }
0x343: {  	v0 =	vor.u32 v7, v37;
	[tilespmem:v58+s23+$0x0] =	vst.idx.msk $0xffff, v12;
	v56 =	vld.idx.msk [tilespmem:v56+s16+$0x0], $0xffff  }
0x344: {  	v63 =	vor.u32 v22, v44;
	v60 =	vld.idx.msk [tilespmem:v61+s16+$0x0], $0xffff;
	[tilespmem:v8+s23+$0x0] =	vst.idx.msk $0xffff, v14;
	v57 =	vor.u32 v16, v51  }
0x345: {  	v12 =	vor.u32 v27, v50;
	[tilespmem:v13+s23+$0x0] =	vst.idx.msk $0xffff, v10;
	v11 =	vld.idx.msk [tilespmem:v11+s16+$0x0], $0xffff  }
0x346: {  	v58 =	vor.u32 v28, v36;
	v10 =	vor.u32 v22, v42;
	v13 =	vld.idx.msk [tilespmem:v15+s16+$0x0], $0xffff  }
0x347: {  	v15 =	vor.u32 v16, v53;
	[tilespmem:v1+s23+$0x0] =	vst.idx.msk $0xffff, v59;
	v59 =	vld.idx.msk [tilespmem:v62+s16+$0x0], $0xffff  }
0x348: {  	v8 =	vor.u32 v27, v48;
	v0 =	vld.idx.msk [tilespmem:v0+s16+$0x0], $0xffff  }
0x349: {  	v14 =	vor.u32 v28, v38;
	[tilespmem:v63+s23+$0x0] =	vst.idx.msk $0xffff, v9;
	v9 =	vor.u32 v16, v52;
	v1 =	vld.idx.msk [tilespmem:v57+s16+$0x0], $0xffff  }
0x34a: {  	v63 =	vor.u32 v27, v47;
	[tilespmem:v12+s23+$0x0] =	vst.idx.msk $0xffff, v60;
	v57 =	vor.u32 v22, v54;
	v22 =	vld [tilespmem:$0x1FFC0]  }
0x34b: {  	v58 =	vld.idx.msk [tilespmem:v58+s16+$0x0], $0xffff;
	[tilespmem:v10+s23+$0x0] =	vst.idx.msk $0xffff, v11  }
0x34c: {  	v11 =	vor.u32 v28, v37;
	v12 =	vld.idx.msk [tilespmem:v15+s16+$0x0], $0xffff  }
0x34d: {  	[tilespmem:v8+s23+$0x0] =	vst.idx.msk $0xffff, v56;
	v8 =	vor.u32 v27, v46;
	v56 =	vor.u32 v16, v49;
	v16 =	vld [tilespmem:$0x1FF80]  }
0x34e: {  	v40 =	vor.u32 v26, v54;
	v61 =	vor.u32 v21, v45;
	v9 =	vld.idx.msk [tilespmem:v9+s16+$0x0], $0xffff  }
0x34f: {  	v62 =	vor.u32 v28, v39;
	v14 =	vld.idx.msk [tilespmem:v14+s16+$0x0], $0xffff;
	[tilespmem:v63+s23+$0x0] =	vst.idx.msk $0xffff, v0;
	v10 =	vor.u32 v22, v48  }
0x350: {  	v55 =	vor.u32 v29, v54;
	v63 =	vld [tilespmem:$0x1FFA0];
	[tilespmem:v57+s23+$0x0] =	vst.idx.msk $0xffff, v13;
	v13 =	vor.u32 v21, v42  }
0x351: {  	v15 =	vor.u32 v30, v38;
	v54 =	vor.u32 v21, v54;
	v11 =	vld.idx.msk [tilespmem:v11+s16+$0x0], $0xffff;
	v57 =	vor.u32 v22, v50  }
0x352: {  	[tilespmem:v8+s23+$0x0] =	vst.idx.msk $0xffff, v59;
	v8 =	vor.u32 v30, v36;
	v59 =	vor.u32 v21, v44;
	v21 =	vld [tilespmem:$0x1FF40]  }
0x353: {  	[tilespmem:v61+s23+$0x0] =	vst.idx.msk $0xffff, v1;
	v0 =	vor.u32 v16, v52;
	v56 =	vld.idx.msk [tilespmem:v56+s16+$0x0], $0xffff  }
0x354: {  	v1 =	vor.u32 v16, v51;
	v60 =	vld.idx.msk [tilespmem:v62+s16+$0x0], $0xffff;
	v62 =	vor.u32 v22, v47;
	[tilespmem:v10+s23+$0x0] =	vst.idx.msk $0xffff, v14  }
0x355: {  	v14 =	vor.u32 v16, v49;
	[tilespmem:v13+s23+$0x0] =	vst.idx.msk $0xffff, v12  }
0x356: {  	v10 =	vor.u32 v22, v46;
	[tilespmem:v57+s23+$0x0] =	vst.idx.msk $0xffff, v58;
	v13 =	vor.u32 v30, v37;
	v15 =	vld.idx.msk [tilespmem:v15+s16+$0x0], $0xffff  }
0x357: {  	v61 =	vor.u32 v30, v39;
	v12 =	vor.u32 v31, v48;
	[tilespmem:v59+s23+$0x0] =	vst.idx.msk $0xffff, v9;
	v8 =	vld.idx.msk [tilespmem:v8+s16+$0x0], $0xffff  }
0x358: {  	v57 =	vor.u32 v21, v38;
	v0 =	vld.idx.msk [tilespmem:v0+s16+$0x0], $0xffff;
	[tilespmem:v54+s23+$0x0] =	vst.idx.msk $0xffff, v56;
	v54 =	vor.u32 v29, v44  }
0x359: {  	v9 =	vor.u32 v31, v50;
	v1 =	vld.idx.msk [tilespmem:v1+s16+$0x0], $0xffff;
	[tilespmem:v62+s23+$0x0] =	vst.idx.msk $0xffff, v11;
	v11 =	vor.u32 v63, v52  }
0x35a: {  	v58 =	vor.u32 v29, v45;
	v14 =	vld.idx.msk [tilespmem:v14+s16+$0x0], $0xffff  }
0x35b: {  	v43 =	vor.u32 v18, v33;
	[tilespmem:v10+s23+$0x0] =	vst.idx.msk $0xffff, v60;
	v10 =	vor.u32 v21, v36;
	v13 =	vld.idx.msk [tilespmem:v13+s16+$0x0], $0xffff  }
0x35c: {  	v41 =	vor.u32 v29, v42;
	v51 =	vor.u32 v63, v51;
	v56 =	vld.idx.msk [tilespmem:v61+s16+$0x0], $0xffff;
	[tilespmem:v12+s23+$0x0] =	vst.idx.msk $0xffff, v15  }
0x35d: {  	v59 =	vor.u32 v16, v53;
	v12 =	vor.u32 v31, v46;
	[tilespmem:v54+s23+$0x0] =	vst.idx.msk $0xffff, v0;
	v15 =	vld.idx.msk [tilespmem:v57+s16+$0x0], $0xffff  }
0x35e: {  	v60 =	vor.u32 v21, v39;
	v61 =	vor.u32 v31, v47;
	[tilespmem:v9+s23+$0x0] =	vst.idx.msk $0xffff, v8;
	v11 =	vld.idx.msk [tilespmem:v11+s16+$0x0], $0xffff  }
0x35f: {  	v8 =	vor.u32 v21, v37;
	[tilespmem:v58+s23+$0x0] =	vst.idx.msk $0xffff, v1;
	v1 =	vor.u32 v19, v48;
	v48 =	vld [tilespmem:$0x1FF20]  }
0x360: {  	v45 =	vor.u32 v26, v45;
	v62 =	vor.u32 v17, v38;
	v0 =	vor.u32 v19, v50;
	v10 =	vld.idx.msk [tilespmem:v10+s16+$0x0], $0xffff  }
0x361: {  	v52 =	vor.u32 v63, v53;
	v9 =	vld.idx.msk [tilespmem:v51+s16+$0x0], $0xffff;
	[tilespmem:v55+s23+$0x0] =	vst.idx.msk $0xffff, v14;
	v14 =	vor.u32 v63, v49  }
0x362: {  	p2 =	slt.u32 s12, $0xC;
	v51 =	vor.u32 v26, v44;
	v44 =	vld.idx.msk [tilespmem:v59+s16+$0x0], $0xffff;
	[tilespmem:v12+s23+$0x0] =	vst.idx.msk $0xffff, v56;
	v12 =	vor.u32 v17, v36  }
.Ltmp9:
0x363: {  	v46 =	vor.u32 v19, v46;
	v47 =	vor.u32 v19, v47;
	[tilespmem:v61+s23+$0x0] =	vst.idx.msk $0xffff, v13;
	v50 =	vld.idx.msk [tilespmem:v60+s16+$0x0], $0xffff;
	(pc) =	sbr.rel @p2 .LBB2_12-.Ltmp9, $4  }
0x364: {  	v57 =	vor.u32 v18, v34;
	v58 =	vor.u32 v18, v35;
	[tilespmem:v1+s23+$0x0] =	vst.idx.msk $0xffff, v15;
	v49 =	vld.idx.msk [tilespmem:v8+s16+$0x0], $0xffff  }
0x365: {  	v55 =	vor.u32 v26, v42;
	v56 =	vor.u32 v20, v32;
	v59 =	vld.idx.msk [tilespmem:v62+s16+$0x0], $0xffff;
	[tilespmem:v0+s23+$0x0] =	vst.idx.msk $0xffff, v10  }
0x366: {  	s8 =	sadd.s32 $0x4, s12;
	v61 =	vor.u32 v18, v32;
	v8 =	vor.u32 v17, v39;
	[tilespmem:v45+s23+$0x0] =	vst.idx.msk $0xffff, v9;
	v53 =	vld.idx.msk [tilespmem:v14+s16+$0x0], $0xffff  }
0x367: {  	s12 =	smov.u32 s8;
	v63 =	vor.u32 v48, v38;
	v62 =	vor.u32 v17, v37;
	[tilespmem:v51+s23+$0x0] =	vst.idx.msk $0xffff, v11;
	v60 =	vld.idx.msk [tilespmem:v12+s16+$0x0], $0xffff  }
0x368: {  	_ =	sdelay $0x3  }
0x369: {  	[tilespmem:v46+s23+$0x0] =	vst.idx.msk $0xffff, v50  }
0x36a: {  	v0 =	vld.idx.msk [tilespmem:v8+s16+$0x0], $0xffff;
	_ =	sdelay $0x1  }
0x36b: {  	[tilespmem:v47+s23+$0x0] =	vst.idx.msk $0xffff, v49  }
0x36c: {  	[tilespmem:v61+s23+$0x0] =	vst.idx.msk $0xffff, v59  }
0x36d: {  	v9 =	vld.idx.msk [tilespmem:v62+s16+$0x0], $0xffff;
	[tilespmem:v43+s23+$0x0] =	vst.idx.msk $0xffff, v60  }
0x36e: {  	v8 =	vor.u32 v48, v36;
	v11 =	vld.idx.msk [tilespmem:v63+s16+$0x0], $0xffff;
	[tilespmem:v58+s23+$0x0] =	vst.idx.msk $0xffff, v0  }
0x36f: {  	v1 =	vor.u32 v48, v39;
	v22 =	vld [tilespmem:$0x1FED0];
	_ =	sdelay $0x3  }
0x370: {  	v10 =	vor.u32 v48, v37;
	v12 =	vor.u32 v20, v35;
	v8 =	vld.idx.msk [tilespmem:v8+s16+$0x0], $0xffff;
	[tilespmem:v57+s23+$0x0] =	vst.idx.msk $0xffff, v9  }
0x371: {  	v13 =	vor.u32 v20, v33;
	v1 =	vld.idx.msk [tilespmem:v1+s16+$0x0], $0xffff;
	[tilespmem:v56+s23+$0x0] =	vst.idx.msk $0xffff, v11;
	v0 =	vor.u32 v22, v38  }
0x372: {  	v59 =	vor.u32 v22, v39;
	v14 =	vor.u32 v22, v36;
	v42 =	vor.u32 v22, v37;
	v22 =	vld [tilespmem:$0x1FFF0];
	_ =	sdelay $0x3  }
0x373: {  	v15 =	vor.u32 v20, v34;
	v10 =	vld.idx.msk [tilespmem:v10+s16+$0x0], $0xffff;
	[tilespmem:v12+s23+$0x0] =	vst.idx.msk $0xffff, v1  }
0x374: {  	[tilespmem:v13+s23+$0x0] =	vst.idx.msk $0xffff, v8;
	v0 =	vld.idx.msk [tilespmem:v0+s16+$0x0], $0xffff;
	v60 =	vor.u32 v22, v32  }
0x375: {  	v50 =	vld [tilespmem:$0x1FEE0];
	_ =	sdelay $0x2  }
0x376: {  	[tilespmem:v15+s23+$0x0] =	vst.idx.msk $0xffff, v10  }
0x377: {  	v8 =	vld.idx.msk [tilespmem:v59+s16+$0x0], $0xffff;
	[tilespmem:v60+s23+$0x0] =	vst.idx.msk $0xffff, v0  }
0x378: {  	v61 =	vor.u32 v22, v35;
	v1 =	vor.u32 v50, v38;
	v16 =	vld [tilespmem:$0x1FEF0];
	_ =	sdelay $0x2  }
0x379: {  	v62 =	vld.idx.msk [tilespmem:v14+s16+$0x0], $0xffff;
	v63 =	vor.u32 v22, v33  }
0x37a: {  	v46 =	vld.idx.msk [tilespmem:v42+s16+$0x0], $0xffff;
	v15 =	vor.u32 v22, v34  }
0x37b: {  	v45 =	vor.u32 v50, v39;
	v0 =	vld.idx.msk [tilespmem:v1+s16+$0x0], $0xffff;
	[tilespmem:v61+s23+$0x0] =	vst.idx.msk $0xffff, v8;
	v1 =	vor.u32 v16, v32  }
0x37c: {  	v21 =	vld [tilespmem:$0x1FF60];
	_ =	sdelay $0x1  }
0x37d: {  	[tilespmem:v63+s23+$0x0] =	vst.idx.msk $0xffff, v62  }
0x37e: {  	v47 =	vor.u32 v50, v36;
	[tilespmem:v15+s23+$0x0] =	vst.idx.msk $0xffff, v46  }
0x37f: {  	v49 =	vor.u32 v50, v37;
	v9 =	vld.idx.msk [tilespmem:v45+s16+$0x0], $0xffff;
	[tilespmem:v1+s23+$0x0] =	vst.idx.msk $0xffff, v0  }
0x380: {  	v50 =	vor.u32 v16, v35;
	v8 =	vor.u32 v21, v38;
	v23 =	vld [tilespmem:$0x1FF00];
	_ =	sdelay $0x2  }
0x381: {  	v12 =	vld.idx.msk [tilespmem:v47+s16+$0x0], $0xffff;
	v54 =	vor.u32 v16, v33  }
0x382: {  	v14 =	vld.idx.msk [tilespmem:v49+s16+$0x0], $0xffff;
	v15 =	vor.u32 v16, v34;
	v51 =	vor.u32 v21, v39  }
0x383: {  	v56 =	vor.u32 v21, v36;
	v0 =	vld.idx.msk [tilespmem:v8+s16+$0x0], $0xffff;
	[tilespmem:v50+s23+$0x0] =	vst.idx.msk $0xffff, v9;
	v1 =	vor.u32 v23, v32  }
0x384: {  	v45 =	vld [tilespmem:$0x1FF10];
	_ =	sdelay $0x1  }
0x385: {  	[tilespmem:v54+s23+$0x0] =	vst.idx.msk $0xffff, v12  }
0x386: {  	v9 =	vld.idx.msk [tilespmem:v51+s16+$0x0], $0xffff;
	[tilespmem:v15+s23+$0x0] =	vst.idx.msk $0xffff, v14  }
0x387: {  	v57 =	vor.u32 v21, v37;
	v59 =	vld.idx.msk [tilespmem:v56+s16+$0x0], $0xffff;
	v58 =	vor.u32 v23, v35;
	[tilespmem:v1+s23+$0x0] =	vst.idx.msk $0xffff, v0  }
0x388: {  	v60 =	vor.u32 v23, v33;
	v8 =	vor.u32 v45, v38;
	v46 =	vld [tilespmem:$0x1FF70];
	_ =	sdelay $0x3  }
0x389: {  	v14 =	vld.idx.msk [tilespmem:v57+s16+$0x0], $0xffff;
	v15 =	vor.u32 v23, v34;
	[tilespmem:v58+s23+$0x0] =	vst.idx.msk $0xffff, v9  }
0x38a: {  	v61 =	vor.u32 v45, v39;
	v0 =	vld.idx.msk [tilespmem:v8+s16+$0x0], $0xffff;
	[tilespmem:v60+s23+$0x0] =	vst.idx.msk $0xffff, v59;
	v1 =	vor.u32 v46, v32  }
0x38b: {  	v47 =	vld [tilespmem:$0x1FF80];
	_ =	sdelay $0x1  }
0x38c: {  	v62 =	vor.u32 v45, v36  }
0x38d: {  	v63 =	vor.u32 v45, v37;
	[tilespmem:v15+s23+$0x0] =	vst.idx.msk $0xffff, v14  }
0x38e: {  	v9 =	vld.idx.msk [tilespmem:v61+s16+$0x0], $0xffff;
	[tilespmem:v1+s23+$0x0] =	vst.idx.msk $0xffff, v0  }
0x38f: {  	v49 =	vor.u32 v46, v35;
	v8 =	vor.u32 v47, v38;
	v57 =	vld [tilespmem:$0x1FF90];
	_ =	sdelay $0x1  }
0x390: {  	v11 =	vld.idx.msk [tilespmem:v62+s16+$0x0], $0xffff;
	v51 =	vor.u32 v46, v33  }
0x391: {  	v14 =	vld.idx.msk [tilespmem:v63+s16+$0x0], $0xffff;
	v15 =	vor.u32 v46, v34  }
0x392: {  	v50 =	vor.u32 v47, v39  }
0x393: {  	v0 =	vld.idx.msk [tilespmem:v8+s16+$0x0], $0xffff;
	[tilespmem:v49+s23+$0x0] =	vst.idx.msk $0xffff, v9;
	v1 =	vor.u32 v57, v32  }
0x394: {  	v26 =	vld [tilespmem:$0x1FFA0]  }
0x395: {  	v54 =	vor.u32 v47, v36;
	[tilespmem:v51+s23+$0x0] =	vst.idx.msk $0xffff, v11  }
0x396: {  	v60 =	vor.u32 v47, v37;
	[tilespmem:v15+s23+$0x0] =	vst.idx.msk $0xffff, v14  }
0x397: {  	v9 =	vld.idx.msk [tilespmem:v50+s16+$0x0], $0xffff;
	[tilespmem:v41+s23+$0x0] =	vst.idx.msk $0xffff, v44  }
0x398: {  	v51 =	vld.idx.msk [tilespmem:v52+s16+$0x0], $0xffff;
	[tilespmem:v1+s23+$0x0] =	vst.idx.msk $0xffff, v0  }
0x399: {  	v61 =	vor.u32 v57, v35;
	v8 =	vor.u32 v26, v38;
	v52 =	vld [tilespmem:$0x1FFB0]  }
0x39a: {  	v63 =	vld.idx.msk [tilespmem:v54+s16+$0x0], $0xffff;
	v62 =	vor.u32 v57, v33;
	v42 =	vor.u32 v26, v39  }
0x39b: {  	v49 =	vld.idx.msk [tilespmem:v60+s16+$0x0], $0xffff;
	v45 =	vor.u32 v57, v34;
	v15 =	vor.u32 v26, v36  }
0x39c: {  	v50 =	vor.u32 v26, v37;
	_ =	sdelay $0x1  }
0x39d: {  	v0 =	vld.idx.msk [tilespmem:v8+s16+$0x0], $0xffff;
	[tilespmem:v61+s23+$0x0] =	vst.idx.msk $0xffff, v9;
	v1 =	vor.u32 v52, v32  }
0x39e: {  	[tilespmem:v62+s23+$0x0] =	vst.idx.msk $0xffff, v63;
	v8 =	vld.idx.msk [tilespmem:v42+s16+$0x0], $0xffff;
	v60 =	vor.u32 v52, v35  }
0x39f: {  	[tilespmem:v45+s23+$0x0] =	vst.idx.msk $0xffff, v49;
	v11 =	vld.idx.msk [tilespmem:v15+s16+$0x0], $0xffff;
	v61 =	vor.u32 v52, v33  }
0x3a0: {  	[tilespmem:v40+s23+$0x0] =	vst.idx.msk $0xffff, v53;
	v63 =	vld.idx.msk [tilespmem:v50+s16+$0x0], $0xffff;
	v62 =	vor.u32 v52, v34  }
0x3a1: {  	[tilespmem:v55+s23+$0x0] =	vst.idx.msk $0xffff, v51  }
0x3a2: {  	[tilespmem:v1+s23+$0x0] =	vst.idx.msk $0xffff, v0  }
0x3a3: {  	[tilespmem:v60+s23+$0x0] =	vst.idx.msk $0xffff, v8  }
0x3a4: {  	s5 =	sshll.u32 s7, $0x9;
	[tilespmem:v61+s23+$0x0] =	vst.idx.msk $0xffff, v11  }
0x3a5: {  	p2 =	sgt.u32 s7, $0x1E03;
	s5 =	sadd.s32 s2, s5;
	[tilespmem:v62+s23+$0x0] =	vst.idx.msk $0xffff, v63  }
0x3a6: {  	v56 =	vlaneseq.u32;
	v58 =	vmovc v17;
	v17 =	vmovc v19;
	v19 =	vmov v21;
	v62 =	vmov v3;
	[hbm4b:s5+s3] =	stream.linear.scatter [tilespmem:s23], [sflag:$0x7], $0x1000, $0x38;
	[tilespmem:$0x9800] =	vst v63  }
0x3a7: {  	s8 =	simm.s32 @!p2 $0x7A1400;
	v63 =	vmovc v4;
	v4 =	vmovc v5;
	v5 =	vmov v24;
	v24 =	vmov v6;
	v3 =	vmov v7;
	s5 =	sshll.u32 @!p2 s7, $0x7;
	v2 =	vld [tilespmem:$0x1FFD0]  }
0x3a8: {  	s12 =	simm.s32 @!p2 $0x2000;
	v6 =	vmovc v27;
	v7 =	vmovc v28;
	v27 =	vmov v30;
	v28 =	vmov v31;
	v60 =	vmov v18;
	s7 =	simm.s32 @!p2 $0x400;
	v25 =	vld [tilespmem:$0x1FFC0];
	s5 =	sadd.s32 @!p2 s5, s9  }
0x3a9: {  	v61 =	vmovc v20;
	v30 =	vmovc v46;
	v31 =	vmov v47;
	v1 =	vmov v26;
	v0 =	vmov v52;
	v29 =	vld [tilespmem:$0x1FF40];
	[tilespmem:s12], [sflag:$0x3] =	stream.strided.gather @!p2 [hbm4b:s5+s7], $0x1000, s8, s7, $0x38  }
.LBB2_14:
0x3aa: {  	s6 =	sor.u32 $0x60, s6  }
0x3ab: {  	p2 =	sgt.u32 s6, $0x1E83  }
.Ltmp10:
0x3ac: {  	_ = 	snop;
	(pc) =	sbr.rel @p2 .LBB2_18-.Ltmp10, $1  }
0x3ad: {  	_ =	sdelay $0x3  }
0x3ae: {  	s5 =	simm.s32 $0x0  }
0x3af: {  	v40 =	vadd.s32 s5, v56  }
0x3b0: {  	s26 =	simm.s32 $0x2;
	v32 =	vand.u32 $0xF, v40  }
0x3b1: {  	_ =	swait.ge [sflag:s24], $0x1000;
	v41 =	vadd.s32 s26, v56;
	v43 =	vshll.u32 v32, $0x7  }
0x3b2: {  	v16 =	vmov v0;
	s28 =	simm.s32 $0x1;
	[sflag:s24] =	ssyncset.done $0x0;
	v34 =	vand.u32 $0xF, v41;
	v0 =	vor.u32 v56, v43  }
0x3b3: {  	s7 =	simm.s32 @!p1 $0x8;
	s8 =	simm.s32 $0x3;
	v44 =	vadd.s32 s28, v56;
	[sflag:s24] =	ssyncadd.s32 $0xFFFFF000;
	v45 =	vshll.u32 v34, $0x7  }
0x3b4: {  	v26 =	vmovc v1;
	v42 =	vadd.s32 s8, v56;
	v1 =	vand.u32 $0xF, v44;
	_ =	swait.ge @!p1 [sflag:s7], $0x1000;
	v8 =	vor.u32 v56, v45  }
0x3b5: {  	v33 =	vand.u32 $0xF, v42;
	v47 =	vshll.u32 v1, $0x7;
	[sflag:s7] =	ssyncset.done @!p1 $0x0  }
0x3b6: {  	v46 =	vshll.u32 v33, $0x7;
	v9 =	vor.u32 v56, v47;
	[sflag:s7] =	ssyncadd.s32 @!p1 $0xFFFFF000  }
0x3b7: {  	v11 =	vor.u32 v62, v32;
	v10 =	vor.u32 v56, v46;
	v0 =	vld.idx.msk [tilespmem:v0+s17+$0x0], $0xffff  }
0x3b8: {  	v12 =	vor.u32 v63, v43  }
0x3b9: {  	v13 =	vor.u32 v62, v34;
	v8 =	vld.idx.msk [tilespmem:v8+s17+$0x0], $0xffff;
	_ =	sdelay $0x1  }
0x3ba: {  	v15 =	vor.u32 v62, v1;
	v14 =	vor.u32 v63, v45;
	v9 =	vld.idx.msk [tilespmem:v9+s17+$0x0], $0xffff  }
0x3bb: {  	v10 =	vld.idx.msk [tilespmem:v10+s17+$0x0], $0xffff;
	[tilespmem:v11+s25+$0x0] =	vst.idx.msk $0xffff, v0;
	v0 =	vor.u32 v63, v47;
	v11 =	vor.u32 v62, v33  }
0x3bc: {  	v36 =	vor.u32 v4, v32;
	v35 =	vor.u32 v63, v46;
	v12 =	vld.idx.msk [tilespmem:v12+s17+$0x0], $0xffff  }
0x3bd: {  	[tilespmem:v13+s25+$0x0] =	vst.idx.msk $0xffff, v8;
	v8 =	vor.u32 v5, v43;
	_ =	sdelay $0x1  }
0x3be: {  	v53 =	vor.u32 v4, v34;
	[tilespmem:v15+s25+$0x0] =	vst.idx.msk $0xffff, v9;
	v13 =	vld.idx.msk [tilespmem:v14+s17+$0x0], $0xffff  }
0x3bf: {  	v0 =	vld.idx.msk [tilespmem:v0+s17+$0x0], $0xffff;
	[tilespmem:v11+s25+$0x0] =	vst.idx.msk $0xffff, v10;
	v10 =	vor.u32 v4, v1  }
0x3c0: {  	v15 =	vor.u32 v4, v33;
	v11 =	vld.idx.msk [tilespmem:v35+s17+$0x0], $0xffff;
	[tilespmem:v36+s25+$0x0] =	vst.idx.msk $0xffff, v12  }
0x3c1: {  	v59 =	vor.u32 v24, v32;
	v8 =	vld.idx.msk [tilespmem:v8+s17+$0x0], $0xffff;
	_ =	sdelay $0x1  }
0x3c2: {  	v9 =	vor.u32 v5, v45;
	[tilespmem:v53+s25+$0x0] =	vst.idx.msk $0xffff, v13  }
0x3c3: {  	[tilespmem:v10+s25+$0x0] =	vst.idx.msk $0xffff, v0  }
0x3c4: {  	v54 =	vor.u32 v5, v47;
	[tilespmem:v15+s25+$0x0] =	vst.idx.msk $0xffff, v11  }
0x3c5: {  	v55 =	vor.u32 v5, v46;
	[tilespmem:v59+s25+$0x0] =	vst.idx.msk $0xffff, v8  }
0x3c6: {  	v39 =	vor.u32 v2, v43;
	v59 =	vld [tilespmem:$0x1FF30]  }
0x3c7: {  	v49 =	vor.u32 v24, v34;
	v9 =	vld.idx.msk [tilespmem:v9+s17+$0x0], $0xffff  }
0x3c8: {  	v0 =	vor.u32 v2, v45  }
0x3c9: {  	v10 =	vld.idx.msk [tilespmem:v54+s17+$0x0], $0xffff;
	v11 =	vor.u32 v24, v1  }
0x3ca: {  	v15 =	vor.u32 v24, v33;
	v50 =	vld.idx.msk [tilespmem:v55+s17+$0x0], $0xffff;
	v8 =	vor.u32 v2, v47  }
0x3cb: {  	v51 =	vor.u32 v2, v46;
	v13 =	vld.idx.msk [tilespmem:v39+s17+$0x0], $0xffff;
	v52 =	vor.u32 v59, v32  }
0x3cc: {  	[tilespmem:v49+s25+$0x0] =	vst.idx.msk $0xffff, v9;
	v9 =	vor.u32 v3, v43  }
0x3cd: {  	v0 =	vld.idx.msk [tilespmem:v0+s17+$0x0], $0xffff;
	v53 =	vor.u32 v59, v34  }
0x3ce: {  	[tilespmem:v11+s25+$0x0] =	vst.idx.msk $0xffff, v10;
	v10 =	vor.u32 v3, v45  }
0x3cf: {  	v8 =	vld.idx.msk [tilespmem:v8+s17+$0x0], $0xffff;
	[tilespmem:v15+s25+$0x0] =	vst.idx.msk $0xffff, v50;
	v11 =	vor.u32 v59, v1  }
0x3d0: {  	v15 =	vor.u32 v3, v47;
	v12 =	vld.idx.msk [tilespmem:v51+s17+$0x0], $0xffff;
	v54 =	vor.u32 v59, v33;
	[tilespmem:v52+s25+$0x0] =	vst.idx.msk $0xffff, v13  }
0x3d1: {  	v55 =	vor.u32 v6, v32;
	v49 =	vor.u32 v3, v46;
	v9 =	vld.idx.msk [tilespmem:v9+s17+$0x0], $0xffff  }
0x3d2: {  	[tilespmem:v53+s25+$0x0] =	vst.idx.msk $0xffff, v0;
	v0 =	vor.u32 v7, v43  }
0x3d3: {  	v50 =	vor.u32 v6, v34;
	v10 =	vld.idx.msk [tilespmem:v10+s17+$0x0], $0xffff  }
0x3d4: {  	[tilespmem:v11+s25+$0x0] =	vst.idx.msk $0xffff, v8;
	v8 =	vor.u32 v7, v45  }
0x3d5: {  	v51 =	vor.u32 v6, v1;
	[tilespmem:v54+s25+$0x0] =	vst.idx.msk $0xffff, v12;
	v11 =	vld.idx.msk [tilespmem:v15+s17+$0x0], $0xffff  }
0x3d6: {  	v52 =	vor.u32 v7, v47;
	v15 =	vor.u32 v6, v33;
	[tilespmem:v55+s25+$0x0] =	vst.idx.msk $0xffff, v9;
	v9 =	vld.idx.msk [tilespmem:v49+s17+$0x0], $0xffff  }
0x3d7: {  	v53 =	vor.u32 v25, v32;
	v54 =	vor.u32 v7, v46;
	v0 =	vld.idx.msk [tilespmem:v0+s17+$0x0], $0xffff  }
0x3d8: {  	[tilespmem:v50+s25+$0x0] =	vst.idx.msk $0xffff, v10  }
0x3d9: {  	v10 =	vor.u32 v27, v43;
	v55 =	vor.u32 v25, v34;
	v8 =	vld.idx.msk [tilespmem:v8+s17+$0x0], $0xffff  }
0x3da: {  	[tilespmem:v51+s25+$0x0] =	vst.idx.msk $0xffff, v11;
	v11 =	vor.u32 v27, v45  }
0x3db: {  	v12 =	vld.idx.msk [tilespmem:v52+s17+$0x0], $0xffff;
	[tilespmem:v15+s25+$0x0] =	vst.idx.msk $0xffff, v9;
	v9 =	vor.u32 v25, v1  }
0x3dc: {  	v49 =	vor.u32 v27, v47;
	v15 =	vor.u32 v25, v33;
	[tilespmem:v53+s25+$0x0] =	vst.idx.msk $0xffff, v0;
	v0 =	vld.idx.msk [tilespmem:v54+s17+$0x0], $0xffff;
	_ =	sdelay $0x1  }
0x3dd: {  	v50 =	vor.u32 v28, v32;
	v51 =	vor.u32 v27, v46;
	[tilespmem:v55+s25+$0x0] =	vst.idx.msk $0xffff, v8;
	v10 =	vld.idx.msk [tilespmem:v10+s17+$0x0], $0xffff  }
0x3de: {  	v52 =	vor.u32 v28, v34;
	v8 =	vor.u32 v29, v43;
	v11 =	vld.idx.msk [tilespmem:v11+s17+$0x0], $0xffff  }
0x3df: {  	[tilespmem:v9+s25+$0x0] =	vst.idx.msk $0xffff, v12;
	v9 =	vor.u32 v29, v45  }
0x3e0: {  	v12 =	vld.idx.msk [tilespmem:v49+s17+$0x0], $0xffff;
	[tilespmem:v15+s25+$0x0] =	vst.idx.msk $0xffff, v0;
	v0 =	vor.u32 v28, v1;
	_ =	sdelay $0x1  }
0x3e1: {  	v53 =	vor.u32 v29, v47;
	v15 =	vor.u32 v28, v33;
	[tilespmem:v50+s25+$0x0] =	vst.idx.msk $0xffff, v10;
	v10 =	vld.idx.msk [tilespmem:v51+s17+$0x0], $0xffff  }
0x3e2: {  	v32 =	vor.u32 v17, v32;
	v54 =	vor.u32 v29, v46;
	[tilespmem:v52+s25+$0x0] =	vst.idx.msk $0xffff, v11;
	v8 =	vld.idx.msk [tilespmem:v8+s17+$0x0], $0xffff  }
0x3e3: {  	v55 =	vor.u32 v17, v34;
	v11 =	vor.u32 v58, v43;
	v9 =	vld.idx.msk [tilespmem:v9+s17+$0x0], $0xffff  }
0x3e4: {  	[tilespmem:v0+s25+$0x0] =	vst.idx.msk $0xffff, v12;
	v0 =	vor.u32 v58, v45;
	_ =	sdelay $0x1  }
0x3e5: {  	v1 =	vor.u32 v17, v1;
	v12 =	vld.idx.msk [tilespmem:v53+s17+$0x0], $0xffff;
	[tilespmem:v15+s25+$0x0] =	vst.idx.msk $0xffff, v10  }
0x3e6: {  	v37 =	vor.u32 v17, v33;
	[tilespmem:v32+s25+$0x0] =	vst.idx.msk $0xffff, v8;
	v8 =	vld.idx.msk [tilespmem:v54+s17+$0x0], $0xffff  }
0x3e7: {  	v34 =	vor.u32 v60, v40;
	v10 =	vor.u32 v58, v47;
	v11 =	vld.idx.msk [tilespmem:v11+s17+$0x0], $0xffff;
	[tilespmem:v55+s25+$0x0] =	vst.idx.msk $0xffff, v9  }
0x3e8: {  	v39 =	vor.u32 v58, v46;
	v13 =	vor.u32 v60, v41;
	v0 =	vld.idx.msk [tilespmem:v0+s17+$0x0], $0xffff  }
0x3e9: {  	s8 =	simm.s32 $0x4  }
0x3ea: {  	s12 =	simm.s32 $0x6;
	s26 =	simm.s32 $0x5;
	v14 =	vor.u32 v60, v42;
	v32 =	vadd.s32 s8, v56;
	v9 =	vor.u32 v48, v43;
	[tilespmem:v1+s25+$0x0] =	vst.idx.msk $0xffff, v12  }
0x3eb: {  	v35 =	vadd.s32 s26, v56;
	v33 =	vadd.s32 s12, v56;
	v51 =	vand.u32 $0xF, v32;
	[tilespmem:v37+s25+$0x0] =	vst.idx.msk $0xffff, v8  }
0x3ec: {  	v52 =	vor.u32 v48, v45;
	v50 =	vand.u32 $0xF, v33;
	v38 =	vshll.u32 v51, $0x7;
	v10 =	vld.idx.msk [tilespmem:v10+s17+$0x0], $0xffff;
	[tilespmem:v34+s25+$0x0] =	vst.idx.msk $0xffff, v11  }
0x3ed: {  	v1 =	vor.u32 v60, v44;
	v12 =	vor.u32 v56, v38;
	v11 =	vld.idx.msk [tilespmem:v39+s17+$0x0], $0xffff;
	[tilespmem:v13+s25+$0x0] =	vst.idx.msk $0xffff, v0  }
0x3ee: {  	s28 =	simm.s32 $0x7;
	v49 =	vand.u32 $0xF, v35;
	v36 =	vshll.u32 v50, $0x7;
	v53 =	vor.u32 v48, v47;
	v18 =	vld [tilespmem:$0x1FED0]  }
0x3ef: {  	v15 =	vor.u32 v61, v40;
	v34 =	vadd.s32 s28, v56;
	v8 =	vld.idx.msk [tilespmem:v9+s17+$0x0], $0xffff;
	v9 =	vor.u32 v56, v36  }
0x3f0: {  	v39 =	vshll.u32 v49, $0x7;
	v48 =	vand.u32 $0xF, v34  }
0x3f1: {  	v54 =	vor.u32 v61, v41;
	v37 =	vshll.u32 v48, $0x7;
	v13 =	vor.u32 v56, v39;
	v52 =	vld.idx.msk [tilespmem:v52+s17+$0x0], $0xffff  }
0x3f2: {  	v55 =	vor.u32 v56, v37;
	v12 =	vld.idx.msk [tilespmem:v12+s17+$0x0], $0xffff;
	[tilespmem:v1+s25+$0x0] =	vst.idx.msk $0xffff, v10;
	v1 =	vor.u32 v62, v51  }
0x3f3: {  	v53 =	vld.idx.msk [tilespmem:v53+s17+$0x0], $0xffff;
	[tilespmem:v14+s25+$0x0] =	vst.idx.msk $0xffff, v11;
	v0 =	vor.u32 v18, v43  }
0x3f4: {  	v10 =	vor.u32 v61, v44;
	[tilespmem:v15+s25+$0x0] =	vst.idx.msk $0xffff, v8;
	v9 =	vld.idx.msk [tilespmem:v9+s17+$0x0], $0xffff  }
0x3f5: {  	v15 =	vor.u32 v62, v50;
	v11 =	vld [tilespmem:$0x1FF20]  }
0x3f6: {  	v13 =	vld.idx.msk [tilespmem:v13+s17+$0x0], $0xffff;
	[tilespmem:v54+s25+$0x0] =	vst.idx.msk $0xffff, v52;
	v52 =	vor.u32 v62, v49  }
0x3f7: {  	v56 =	vor.u32 v18, v45;
	v55 =	vld.idx.msk [tilespmem:v55+s17+$0x0], $0xffff;
	[tilespmem:v1+s25+$0x0] =	vst.idx.msk $0xffff, v12;
	v12 =	vor.u32 v62, v48  }
0x3f8: {  	v14 =	vor.u32 v22, v40;
	v8 =	vor.u32 v63, v38;
	v0 =	vld.idx.msk [tilespmem:v0+s17+$0x0], $0xffff  }
0x3f9: {  	v21 =	vld [tilespmem:$0x1FEE0];
	[tilespmem:v10+s25+$0x0] =	vst.idx.msk $0xffff, v53  }
0x3fa: {  	v54 =	vor.u32 v63, v36;
	[tilespmem:v15+s25+$0x0] =	vst.idx.msk $0xffff, v9  }
0x3fb: {  	v11 =	vor.u32 v11, v46;
	[tilespmem:v52+s25+$0x0] =	vst.idx.msk $0xffff, v13  }
0x3fc: {  	v10 =	vor.u32 v63, v39;
	v53 =	vld.idx.msk [tilespmem:v56+s17+$0x0], $0xffff;
	v56 =	vor.u32 v22, v41;
	[tilespmem:v12+s25+$0x0] =	vst.idx.msk $0xffff, v55  }
0x3fd: {  	v8 =	vld.idx.msk [tilespmem:v8+s17+$0x0], $0xffff;
	v9 =	vor.u32 v63, v37;
	v15 =	vor.u32 v4, v51;
	[tilespmem:v14+s25+$0x0] =	vst.idx.msk $0xffff, v0  }
0x3fe: {  	v12 =	vor.u32 v18, v46;
	v1 =	vor.u32 v21, v43;
	v0 =	vor.u32 v18, v47;
	v18 =	vld [tilespmem:$0x1FEF0]  }
0x3ff: {  	v52 =	vld.idx.msk [tilespmem:v54+s17+$0x0], $0xffff;
	v54 =	vor.u32 v4, v50  }
0x400: {  	v11 =	vld.idx.msk [tilespmem:v11+s17+$0x0], $0xffff;
	v14 =	vor.u32 v61, v42  }
0x401: {  	v10 =	vld.idx.msk [tilespmem:v10+s17+$0x0], $0xffff;
	[tilespmem:v56+s25+$0x0] =	vst.idx.msk $0xffff, v53;
	v56 =	vor.u32 v4, v49  }
0x402: {  	v9 =	vld.idx.msk [tilespmem:v9+s17+$0x0], $0xffff;
	[tilespmem:v15+s25+$0x0] =	vst.idx.msk $0xffff, v8;
	v15 =	vor.u32 v4, v48  }
0x403: {  	v1 =	vld.idx.msk [tilespmem:v1+s17+$0x0], $0xffff;
	v55 =	vor.u32 v18, v40  }
0x404: {  	[tilespmem:v54+s25+$0x0] =	vst.idx.msk $0xffff, v52  }
0x405: {  	[tilespmem:v14+s25+$0x0] =	vst.idx.msk $0xffff, v11  }
0x406: {  	v13 =	vor.u32 v5, v38;
	[tilespmem:v56+s25+$0x0] =	vst.idx.msk $0xffff, v10  }
0x407: {  	v53 =	vor.u32 v5, v36;
	[tilespmem:v15+s25+$0x0] =	vst.idx.msk $0xffff, v9  }
0x408: {  	[tilespmem:v55+s25+$0x0] =	vst.idx.msk $0xffff, v1  }
0x409: {  	v8 =	vor.u32 v19, v43;
	v20 =	vld [tilespmem:$0x1FF00]  }
0x40a: {  	v11 =	vor.u32 v5, v39;
	v0 =	vld.idx.msk [tilespmem:v0+s17+$0x0], $0xffff;
	v14 =	vor.u32 v22, v44  }
0x40b: {  	v52 =	vor.u32 v5, v37;
	v54 =	vor.u32 v24, v51;
	v13 =	vld.idx.msk [tilespmem:v13+s17+$0x0], $0xffff  }
0x40c: {  	v10 =	vor.u32 v2, v38;
	v53 =	vld.idx.msk [tilespmem:v53+s17+$0x0], $0xffff;
	v56 =	vor.u32 v24, v50  }
0x40d: {  	v12 =	vld.idx.msk [tilespmem:v12+s17+$0x0], $0xffff;
	v1 =	vor.u32 v21, v47;
	v55 =	vor.u32 v22, v42  }
0x40e: {  	v9 =	vor.u32 v21, v46;
	v8 =	vld.idx.msk [tilespmem:v8+s17+$0x0], $0xffff;
	v15 =	vor.u32 v20, v40  }
0x40f: {  	v11 =	vld.idx.msk [tilespmem:v11+s17+$0x0], $0xffff;
	[tilespmem:v14+s25+$0x0] =	vst.idx.msk $0xffff, v0;
	v14 =	vor.u32 v24, v49  }
0x410: {  	v52 =	vld.idx.msk [tilespmem:v52+s17+$0x0], $0xffff;
	[tilespmem:v54+s25+$0x0] =	vst.idx.msk $0xffff, v13;
	v54 =	vor.u32 v24, v48  }
0x411: {  	[tilespmem:v56+s25+$0x0] =	vst.idx.msk $0xffff, v53;
	v56 =	vor.u32 v59, v51;
	v10 =	vld.idx.msk [tilespmem:v10+s17+$0x0], $0xffff  }
0x412: {  	[tilespmem:v55+s25+$0x0] =	vst.idx.msk $0xffff, v12;
	v1 =	vld.idx.msk [tilespmem:v1+s17+$0x0], $0xffff;
	v55 =	vor.u32 v18, v44  }
0x413: {  	v9 =	vld.idx.msk [tilespmem:v9+s17+$0x0], $0xffff;
	[tilespmem:v15+s25+$0x0] =	vst.idx.msk $0xffff, v8;
	v15 =	vor.u32 v18, v42  }
0x414: {  	[tilespmem:v14+s25+$0x0] =	vst.idx.msk $0xffff, v11  }
0x415: {  	[tilespmem:v54+s25+$0x0] =	vst.idx.msk $0xffff, v52  }
0x416: {  	v0 =	vor.u32 v2, v36;
	[tilespmem:v56+s25+$0x0] =	vst.idx.msk $0xffff, v10  }
0x417: {  	v13 =	vor.u32 v21, v45;
	[tilespmem:v55+s25+$0x0] =	vst.idx.msk $0xffff, v1  }
0x418: {  	v12 =	vor.u32 v2, v39;
	[tilespmem:v15+s25+$0x0] =	vst.idx.msk $0xffff, v9  }
0x419: {  	v54 =	vor.u32 v18, v41;
	v8 =	vor.u32 v19, v47;
	v18 =	vld [tilespmem:$0x1FF10]  }
0x41a: {  	v53 =	vor.u32 v2, v37  }
0x41b: {  	v11 =	vor.u32 v3, v38;
	v0 =	vld.idx.msk [tilespmem:v0+s17+$0x0], $0xffff;
	v14 =	vor.u32 v59, v50  }
0x41c: {  	v13 =	vld.idx.msk [tilespmem:v13+s17+$0x0], $0xffff;
	v52 =	vor.u32 v19, v46  }
0x41d: {  	v12 =	vld.idx.msk [tilespmem:v12+s17+$0x0], $0xffff;
	v1 =	vor.u32 v3, v36;
	v55 =	vor.u32 v59, v49  }
0x41e: {  	v8 =	vld.idx.msk [tilespmem:v8+s17+$0x0], $0xffff;
	v15 =	vor.u32 v20, v44;
	v9 =	vor.u32 v18, v43  }
0x41f: {  	v53 =	vld.idx.msk [tilespmem:v53+s17+$0x0], $0xffff;
	v10 =	vor.u32 v19, v45;
	v56 =	vor.u32 v59, v48  }
0x420: {  	v11 =	vld.idx.msk [tilespmem:v11+s17+$0x0], $0xffff;
	[tilespmem:v14+s25+$0x0] =	vst.idx.msk $0xffff, v0;
	v0 =	vor.u32 v3, v39;
	v14 =	vor.u32 v6, v51  }
0x421: {  	[tilespmem:v54+s25+$0x0] =	vst.idx.msk $0xffff, v13;
	v13 =	vor.u32 v3, v37;
	v52 =	vld.idx.msk [tilespmem:v52+s17+$0x0], $0xffff;
	v54 =	vor.u32 v20, v42  }
0x422: {  	[tilespmem:v55+s25+$0x0] =	vst.idx.msk $0xffff, v12;
	v12 =	vor.u32 v7, v38;
	v55 =	vor.u32 v6, v50;
	v1 =	vld.idx.msk [tilespmem:v1+s17+$0x0], $0xffff  }
0x423: {  	[tilespmem:v15+s25+$0x0] =	vst.idx.msk $0xffff, v8;
	v8 =	vor.u32 v7, v36;
	v15 =	vor.u32 v30, v40;
	v9 =	vld.idx.msk [tilespmem:v9+s17+$0x0], $0xffff  }
0x424: {  	[tilespmem:v56+s25+$0x0] =	vst.idx.msk $0xffff, v53;
	v56 =	vor.u32 v20, v41;
	v10 =	vld.idx.msk [tilespmem:v10+s17+$0x0], $0xffff;
	v53 =	vor.u32 v18, v46  }
0x425: {  	v0 =	vld.idx.msk [tilespmem:v0+s17+$0x0], $0xffff;
	[tilespmem:v14+s25+$0x0] =	vst.idx.msk $0xffff, v11;
	v11 =	vor.u32 v18, v47;
	v14 =	vor.u32 v6, v49  }
0x426: {  	v13 =	vld.idx.msk [tilespmem:v13+s17+$0x0], $0xffff;
	[tilespmem:v54+s25+$0x0] =	vst.idx.msk $0xffff, v52;
	v52 =	vor.u32 v18, v45;
	v54 =	vor.u32 v6, v48  }
0x427: {  	v12 =	vld.idx.msk [tilespmem:v12+s17+$0x0], $0xffff;
	[tilespmem:v55+s25+$0x0] =	vst.idx.msk $0xffff, v1;
	v1 =	vor.u32 v7, v39;
	v55 =	vor.u32 v25, v51  }
0x428: {  	v8 =	vld.idx.msk [tilespmem:v8+s17+$0x0], $0xffff;
	[tilespmem:v15+s25+$0x0] =	vst.idx.msk $0xffff, v9;
	v9 =	vor.u32 v27, v38;
	v15 =	vor.u32 v25, v50  }
0x429: {  	[tilespmem:v56+s25+$0x0] =	vst.idx.msk $0xffff, v10;
	v10 =	vor.u32 v7, v37;
	v56 =	vor.u32 v30, v42;
	v53 =	vld.idx.msk [tilespmem:v53+s17+$0x0], $0xffff  }
0x42a: {  	[tilespmem:v14+s25+$0x0] =	vst.idx.msk $0xffff, v0;
	v11 =	vld.idx.msk [tilespmem:v11+s17+$0x0], $0xffff;
	v14 =	vor.u32 v30, v44  }
0x42b: {  	v0 =	vor.u32 v31, v43;
	[tilespmem:v54+s25+$0x0] =	vst.idx.msk $0xffff, v13;
	v52 =	vld.idx.msk [tilespmem:v52+s17+$0x0], $0xffff;
	v54 =	vor.u32 v30, v41  }
0x42c: {  	v1 =	vld.idx.msk [tilespmem:v1+s17+$0x0], $0xffff;
	[tilespmem:v55+s25+$0x0] =	vst.idx.msk $0xffff, v12;
	v12 =	vor.u32 v31, v47;
	v55 =	vor.u32 v25, v49  }
0x42d: {  	v9 =	vld.idx.msk [tilespmem:v9+s17+$0x0], $0xffff;
	[tilespmem:v15+s25+$0x0] =	vst.idx.msk $0xffff, v8;
	v8 =	vor.u32 v27, v39;
	v15 =	vor.u32 v28, v51  }
0x42e: {  	v10 =	vld.idx.msk [tilespmem:v10+s17+$0x0], $0xffff;
	[tilespmem:v56+s25+$0x0] =	vst.idx.msk $0xffff, v53;
	v53 =	vor.u32 v31, v45;
	v56 =	vor.u32 v25, v48  }
0x42f: {  	v13 =	vor.u32 v27, v36;
	[tilespmem:v14+s25+$0x0] =	vst.idx.msk $0xffff, v11  }
0x430: {  	v11 =	vor.u32 v27, v37;
	v14 =	vor.u32 v57, v40;
	[tilespmem:v54+s25+$0x0] =	vst.idx.msk $0xffff, v52;
	v0 =	vld.idx.msk [tilespmem:v0+s17+$0x0], $0xffff  }
0x431: {  	v59 =	vor.u32 v57, v44;
	[tilespmem:v55+s25+$0x0] =	vst.idx.msk $0xffff, v1;
	v1 =	vor.u32 v29, v38;
	v12 =	vld.idx.msk [tilespmem:v12+s17+$0x0], $0xffff  }
0x432: {  	[tilespmem:v15+s25+$0x0] =	vst.idx.msk $0xffff, v9;
	v9 =	vor.u32 v26, v43;
	v8 =	vld.idx.msk [tilespmem:v8+s17+$0x0], $0xffff;
	v15 =	vor.u32 v28, v49  }
0x433: {  	[tilespmem:v56+s25+$0x0] =	vst.idx.msk $0xffff, v10;
	v10 =	vor.u32 v57, v41;
	v53 =	vld.idx.msk [tilespmem:v53+s17+$0x0], $0xffff  }
0x434: {  	v19 =	vmov v17;
	v20 =	vmov v61;
	v52 =	vor.u32 v28, v50;
	v13 =	vld.idx.msk [tilespmem:v13+s17+$0x0], $0xffff  }
0x435: {  	v55 =	vor.u32 v28, v48;
	v56 =	vor.u32 v26, v47;
	[tilespmem:v14+s25+$0x0] =	vst.idx.msk $0xffff, v0;
	v11 =	vld.idx.msk [tilespmem:v11+s17+$0x0], $0xffff  }
0x436: {  	[tilespmem:v59+s25+$0x0] =	vst.idx.msk $0xffff, v12;
	v12 =	vor.u32 v31, v46;
	v59 =	vor.u32 v17, v51;
	v1 =	vld.idx.msk [tilespmem:v1+s17+$0x0], $0xffff  }
0x437: {  	v0 =	vor.u32 v29, v36;
	[tilespmem:v15+s25+$0x0] =	vst.idx.msk $0xffff, v8;
	v9 =	vld.idx.msk [tilespmem:v9+s17+$0x0], $0xffff;
	v15 =	vor.u32 v16, v40  }
0x438: {  	v18 =	vmov v60;
	v45 =	vor.u32 v26, v45;
	v54 =	vor.u32 v16, v44;
	[tilespmem:v10+s25+$0x0] =	vst.idx.msk $0xffff, v53  }
0x439: {  	v30 =	vmovc v27;
	v47 =	vor.u32 v17, v48;
	v27 =	vmov v6;
	v6 =	vmov v24;
	[tilespmem:v52+s25+$0x0] =	vst.idx.msk $0xffff, v13  }
0x43a: {  	v24 =	vmov v5;
	v5 =	vmov v4;
	v10 =	vor.u32 v29, v39;
	[tilespmem:v55+s25+$0x0] =	vst.idx.msk $0xffff, v11;
	v13 =	vld.idx.msk [tilespmem:v56+s17+$0x0], $0xffff  }
0x43b: {  	v14 =	vor.u32 v17, v50;
	v11 =	vor.u32 v58, v38;
	v44 =	vld.idx.msk [tilespmem:v12+s17+$0x0], $0xffff;
	[tilespmem:v59+s25+$0x0] =	vst.idx.msk $0xffff, v1  }
0x43c: {  	v51 =	vor.u32 v58, v36;
	v0 =	vld.idx.msk [tilespmem:v0+s17+$0x0], $0xffff;
	v8 =	vor.u32 v29, v37;
	[tilespmem:v15+s25+$0x0] =	vst.idx.msk $0xffff, v9  }
0x43d: {  	v31 =	vmovc v28;
	v43 =	vor.u32 v60, v33;
	v28 =	vmovc v7;
	v7 =	vmov v3;
	v3 =	vmov v62;
	v48 =	vld [tilespmem:$0x1FF20]  }
0x43e: {  	v62 =	vor.u32 v58, v37;
	v52 =	vor.u32 v26, v46;
	v56 =	vor.u32 v61, v32;
	v53 =	vld.idx.msk [tilespmem:v45+s17+$0x0], $0xffff  }
0x43f: {  	v55 =	vor.u32 v16, v42;
	v46 =	vor.u32 v17, v49;
	v61 =	vor.u32 v60, v32;
	v50 =	vld.idx.msk [tilespmem:v10+s17+$0x0], $0xffff  }
0x440: {  	v4 =	vmovc v63;
	v17 =	vmov v58;
	v40 =	vor.u32 v16, v41;
	v41 =	vor.u32 v57, v42;
	v59 =	vld.idx.msk [tilespmem:v11+s17+$0x0], $0xffff  }
0x441: {  	v57 =	vor.u32 v60, v34;
	v49 =	vld.idx.msk [tilespmem:v8+s17+$0x0], $0xffff;
	v8 =	vor.u32 v58, v39;
	[tilespmem:v14+s25+$0x0] =	vst.idx.msk $0xffff, v0  }
0x442: {  	s8 =	simm.s32 $0x8;
	v2 =	vlaneseq.u32;
	v58 =	vor.u32 v60, v35;
	[tilespmem:v54+s25+$0x0] =	vst.idx.msk $0xffff, v13;
	v60 =	vld.idx.msk [tilespmem:v51+s17+$0x0], $0xffff;
	v63 =	vor.u32 v48, v38  }
.LBB2_16:
0x443: {  	v16 =	vld [tilespmem:$0x1FED0]  }
0x444: {  	v22 =	vld [tilespmem:$0x1FFF0]  }
0x445: {  	v25 =	vld [tilespmem:$0x1FEE0]  }
0x446: {  	v45 =	vmov v32;
	v32 =	vadd.s32 s8, v2;
	s26 =	smov.u32 s8;
	v21 =	vld [tilespmem:$0x1FEF0]  }
0x447: {  	v0 =	vor.u32 v48, v39;
	v1 =	vor.u32 v48, v36;
	v23 =	vld [tilespmem:$0x1FF60];
	v48 =	vand.u32 $0xF, v32;
	s28 =	sadd.s32 $0x2, s26;
	[tilespmem:v41+s25+$0x0] =	vst.idx.msk $0xffff, v44  }
0x448: {  	v51 =	vmovc v38;
	v54 =	vmov v33;
	v38 =	vshll.u32 v48, $0x7;
	v33 =	vadd.s32 s28, v2;
	[tilespmem:v46+s25+$0x0] =	vst.idx.msk $0xffff, v50;
	v9 =	vld.idx.msk [tilespmem:v52+s17+$0x0], $0xffff  }
0x449: {  	s5 =	sadd.s32 $0x1, s8;
	v42 =	vmov v34;
	v10 =	vor.u32 v2, v38;
	[tilespmem:v47+s25+$0x0] =	vst.idx.msk $0xffff, v49;
	v50 =	vand.u32 $0xF, v33;
	v8 =	vld.idx.msk [tilespmem:v8+s17+$0x0], $0xffff  }
0x44a: {  	s12 =	sadd.s32 $0x3, s8;
	v44 =	vmovc v35;
	v35 =	vadd.s32 s5, v2;
	v49 =	vmov v36;
	[tilespmem:v61+s25+$0x0] =	vst.idx.msk $0xffff, v59;
	v11 =	vld.idx.msk [tilespmem:v62+s17+$0x0], $0xffff;
	v36 =	vshll.u32 v50, $0x7  }
0x44b: {  	v34 =	vadd.s32 s12, v2;
	v46 =	vand.u32 $0xF, v35;
	[tilespmem:v40+s25+$0x0] =	vst.idx.msk $0xffff, v53;
	v12 =	vld.idx.msk [tilespmem:v63+s17+$0x0], $0xffff;
	v13 =	vor.u32 v2, v36  }
0x44c: {  	v52 =	vmovc v39;
	v47 =	vand.u32 $0xF, v34;
	v59 =	vld [tilespmem:$0x1FF20];
	v39 =	vshll.u32 v46, $0x7;
	[tilespmem:v43+s25+$0x0] =	vst.idx.msk $0xffff, v60;
	v63 =	vor.u32 v16, v51  }
0x44d: {  	v53 =	vmov v37;
	v37 =	vshll.u32 v47, $0x7;
	v15 =	vor.u32 v2, v39;
	v1 =	vld.idx.msk [tilespmem:v1+s17+$0x0], $0xffff;
	[tilespmem:v55+s25+$0x0] =	vst.idx.msk $0xffff, v9  }
0x44e: {  	v41 =	vor.u32 v20, v54;
	v14 =	vor.u32 v2, v37;
	v9 =	vld.idx.msk [tilespmem:v10+s17+$0x0], $0xffff;
	[tilespmem:v58+s25+$0x0] =	vst.idx.msk $0xffff, v8  }
0x44f: {  	v10 =	vor.u32 v3, v48;
	v58 =	vor.u32 v16, v49;
	[tilespmem:v57+s25+$0x0] =	vst.idx.msk $0xffff, v11;
	v0 =	vld.idx.msk [tilespmem:v0+s17+$0x0], $0xffff  }
0x450: {  	v8 =	vor.u32 v20, v44;
	v11 =	vor.u32 v4, v38;
	[tilespmem:v56+s25+$0x0] =	vst.idx.msk $0xffff, v12;
	v13 =	vld.idx.msk [tilespmem:v13+s17+$0x0], $0xffff  }
0x451: {  	v59 =	vor.u32 v59, v53;
	v12 =	vor.u32 v3, v50;
	v56 =	vld.idx.msk [tilespmem:v63+s17+$0x0], $0xffff  }
0x452: {  	v61 =	vor.u32 v22, v45;
	v60 =	vor.u32 v4, v36;
	v15 =	vld.idx.msk [tilespmem:v15+s17+$0x0], $0xffff  }
0x453: {  	[tilespmem:v41+s25+$0x0] =	vst.idx.msk $0xffff, v1;
	v1 =	vld.idx.msk [tilespmem:v14+s17+$0x0], $0xffff;
	v14 =	vor.u32 v25, v51  }
0x454: {  	v57 =	vor.u32 v3, v46;
	[tilespmem:v10+s25+$0x0] =	vst.idx.msk $0xffff, v9;
	v58 =	vld.idx.msk [tilespmem:v58+s17+$0x0], $0xffff  }
0x455: {  	v9 =	vor.u32 v4, v39;
	v10 =	vor.u32 v3, v47;
	v11 =	vld.idx.msk [tilespmem:v11+s17+$0x0], $0xffff;
	[tilespmem:v8+s25+$0x0] =	vst.idx.msk $0xffff, v0  }
0x456: {  	v62 =	vor.u32 v4, v37;
	v0 =	vor.u32 v22, v54;
	[tilespmem:v12+s25+$0x0] =	vst.idx.msk $0xffff, v13;
	v13 =	vld.idx.msk [tilespmem:v59+s17+$0x0], $0xffff  }
0x457: {  	v8 =	vor.u32 v5, v48;
	v12 =	vor.u32 v16, v52;
	[tilespmem:v61+s25+$0x0] =	vst.idx.msk $0xffff, v56;
	v60 =	vld.idx.msk [tilespmem:v60+s17+$0x0], $0xffff  }
0x458: {  	v59 =	vor.u32 v24, v38;
	v56 =	vor.u32 v20, v42;
	v14 =	vld.idx.msk [tilespmem:v14+s17+$0x0], $0xffff  }
0x459: {  	[tilespmem:v57+s25+$0x0] =	vst.idx.msk $0xffff, v15;
	v15 =	vor.u32 v5, v50;
	v57 =	vor.u32 v16, v53;
	v16 =	vld [tilespmem:$0x1FFD0]  }
0x45a: {  	v61 =	vor.u32 v24, v36;
	v9 =	vld.idx.msk [tilespmem:v9+s17+$0x0], $0xffff;
	[tilespmem:v10+s25+$0x0] =	vst.idx.msk $0xffff, v1  }
0x45b: {  	v1 =	vor.u32 v21, v45;
	v62 =	vld.idx.msk [tilespmem:v62+s17+$0x0], $0xffff;
	[tilespmem:v0+s25+$0x0] =	vst.idx.msk $0xffff, v58  }
0x45c: {  	v63 =	vor.u32 v23, v51;
	v10 =	vor.u32 v5, v46;
	[tilespmem:v8+s25+$0x0] =	vst.idx.msk $0xffff, v11;
	v11 =	vld.idx.msk [tilespmem:v12+s17+$0x0], $0xffff  }
0x45d: {  	v0 =	vor.u32 v24, v39;
	[tilespmem:v56+s25+$0x0] =	vst.idx.msk $0xffff, v13;
	v12 =	vld.idx.msk [tilespmem:v59+s17+$0x0], $0xffff;
	v59 =	vor.u32 v22, v44  }
0x45e: {  	v13 =	vor.u32 v6, v48;
	[tilespmem:v15+s25+$0x0] =	vst.idx.msk $0xffff, v60;
	v56 =	vld.idx.msk [tilespmem:v57+s17+$0x0], $0xffff  }
0x45f: {  	v60 =	vld.idx.msk [tilespmem:v61+s17+$0x0], $0xffff  }
0x460: {  	v8 =	vor.u32 v5, v47;
	[tilespmem:v1+s25+$0x0] =	vst.idx.msk $0xffff, v14;
	v1 =	vor.u32 v22, v42;
	v22 =	vld [tilespmem:$0x1FF00]  }
0x461: {  	v58 =	vor.u32 v24, v37;
	v15 =	vor.u32 v25, v52;
	[tilespmem:v10+s25+$0x0] =	vst.idx.msk $0xffff, v9;
	v10 =	vld.idx.msk [tilespmem:v63+s17+$0x0], $0xffff  }
0x462: {  	v57 =	vor.u32 v16, v38;
	v61 =	vor.u32 v16, v36;
	v0 =	vld.idx.msk [tilespmem:v0+s17+$0x0], $0xffff;
	[tilespmem:v59+s25+$0x0] =	vst.idx.msk $0xffff, v11  }
0x463: {  	[tilespmem:v13+s25+$0x0] =	vst.idx.msk $0xffff, v12;
	v12 =	vor.u32 v16, v39;
	v59 =	vor.u32 v16, v37;
	v16 =	vld [tilespmem:$0x1FF30]  }
0x464: {  	v26 =	vld [tilespmem:$0x1FFB0];
	v9 =	vor.u32 v6, v50;
	v14 =	vor.u32 v25, v53  }
0x465: {  	v29 =	vld [tilespmem:$0x1FF90];
	[tilespmem:v8+s25+$0x0] =	vst.idx.msk $0xffff, v62;
	v62 =	vor.u32 v6, v46  }
0x466: {  	v58 =	vld.idx.msk [tilespmem:v58+s17+$0x0], $0xffff;
	v13 =	vor.u32 v6, v47  }
0x467: {  	v15 =	vld.idx.msk [tilespmem:v15+s17+$0x0], $0xffff;
	v8 =	vor.u32 v22, v45  }
0x468: {  	v57 =	vld.idx.msk [tilespmem:v57+s17+$0x0], $0xffff;
	[tilespmem:v1+s25+$0x0] =	vst.idx.msk $0xffff, v56;
	v1 =	vor.u32 v16, v48  }
0x469: {  	v63 =	vor.u32 v21, v44;
	v11 =	vor.u32 v25, v49;
	[tilespmem:v9+s25+$0x0] =	vst.idx.msk $0xffff, v60;
	v14 =	vld.idx.msk [tilespmem:v14+s17+$0x0], $0xffff  }
0x46a: {  	v9 =	vor.u32 v23, v52;
	v60 =	vld.idx.msk [tilespmem:v61+s17+$0x0], $0xffff;
	[tilespmem:v62+s25+$0x0] =	vst.idx.msk $0xffff, v0  }
0x46b: {  	v56 =	vor.u32 v7, v38;
	v0 =	vor.u32 v16, v50;
	v12 =	vld.idx.msk [tilespmem:v12+s17+$0x0], $0xffff;
	[tilespmem:v13+s25+$0x0] =	vst.idx.msk $0xffff, v58  }
0x46c: {  	v61 =	vor.u32 v7, v36;
	v58 =	vor.u32 v16, v46;
	v59 =	vld.idx.msk [tilespmem:v59+s17+$0x0], $0xffff;
	[tilespmem:v8+s25+$0x0] =	vst.idx.msk $0xffff, v10  }
0x46d: {  	v8 =	vor.u32 v21, v42;
	[tilespmem:v1+s25+$0x0] =	vst.idx.msk $0xffff, v57;
	v1 =	vor.u32 v16, v47;
	v16 =	vld [tilespmem:$0x1FF10]  }
0x46e: {  	v13 =	vor.u32 v21, v54;
	[tilespmem:v63+s25+$0x0] =	vst.idx.msk $0xffff, v15;
	v10 =	vld.idx.msk [tilespmem:v11+s17+$0x0], $0xffff;
	v11 =	vor.u32 v23, v53  }
0x46f: {  	v15 =	vor.u32 v23, v49;
	v9 =	vld.idx.msk [tilespmem:v9+s17+$0x0], $0xffff  }
0x470: {  	v62 =	vor.u32 v7, v39;
	v21 =	vld [tilespmem:$0x1FF70];
	[tilespmem:v0+s25+$0x0] =	vst.idx.msk $0xffff, v60  }
0x471: {  	v0 =	vor.u32 v7, v37;
	[tilespmem:v58+s25+$0x0] =	vst.idx.msk $0xffff, v12;
	v56 =	vld.idx.msk [tilespmem:v56+s17+$0x0], $0xffff  }
0x472: {  	v63 =	vor.u32 v22, v44;
	v60 =	vld.idx.msk [tilespmem:v61+s17+$0x0], $0xffff;
	[tilespmem:v8+s25+$0x0] =	vst.idx.msk $0xffff, v14;
	v57 =	vor.u32 v16, v51  }
0x473: {  	v12 =	vor.u32 v27, v50;
	[tilespmem:v13+s25+$0x0] =	vst.idx.msk $0xffff, v10;
	v11 =	vld.idx.msk [tilespmem:v11+s17+$0x0], $0xffff  }
0x474: {  	v58 =	vor.u32 v28, v36;
	v10 =	vor.u32 v22, v42;
	v13 =	vld.idx.msk [tilespmem:v15+s17+$0x0], $0xffff  }
0x475: {  	v15 =	vor.u32 v16, v53;
	[tilespmem:v1+s25+$0x0] =	vst.idx.msk $0xffff, v59;
	v59 =	vld.idx.msk [tilespmem:v62+s17+$0x0], $0xffff  }
0x476: {  	v8 =	vor.u32 v27, v48;
	v0 =	vld.idx.msk [tilespmem:v0+s17+$0x0], $0xffff  }
0x477: {  	v14 =	vor.u32 v28, v38;
	[tilespmem:v63+s25+$0x0] =	vst.idx.msk $0xffff, v9;
	v9 =	vor.u32 v16, v52;
	v1 =	vld.idx.msk [tilespmem:v57+s17+$0x0], $0xffff  }
0x478: {  	v63 =	vor.u32 v27, v47;
	[tilespmem:v12+s25+$0x0] =	vst.idx.msk $0xffff, v60;
	v57 =	vor.u32 v22, v54;
	v22 =	vld [tilespmem:$0x1FFC0]  }
0x479: {  	v58 =	vld.idx.msk [tilespmem:v58+s17+$0x0], $0xffff;
	[tilespmem:v10+s25+$0x0] =	vst.idx.msk $0xffff, v11  }
0x47a: {  	v11 =	vor.u32 v28, v37;
	v12 =	vld.idx.msk [tilespmem:v15+s17+$0x0], $0xffff  }
0x47b: {  	[tilespmem:v8+s25+$0x0] =	vst.idx.msk $0xffff, v56;
	v8 =	vor.u32 v27, v46;
	v56 =	vor.u32 v16, v49;
	v16 =	vld [tilespmem:$0x1FF80]  }
0x47c: {  	v40 =	vor.u32 v26, v54;
	v61 =	vor.u32 v21, v45;
	v9 =	vld.idx.msk [tilespmem:v9+s17+$0x0], $0xffff  }
0x47d: {  	v62 =	vor.u32 v28, v39;
	v14 =	vld.idx.msk [tilespmem:v14+s17+$0x0], $0xffff;
	[tilespmem:v63+s25+$0x0] =	vst.idx.msk $0xffff, v0;
	v10 =	vor.u32 v22, v48  }
0x47e: {  	v55 =	vor.u32 v29, v54;
	v63 =	vld [tilespmem:$0x1FFA0];
	[tilespmem:v57+s25+$0x0] =	vst.idx.msk $0xffff, v13;
	v13 =	vor.u32 v21, v42  }
0x47f: {  	v15 =	vor.u32 v30, v38;
	v54 =	vor.u32 v21, v54;
	v11 =	vld.idx.msk [tilespmem:v11+s17+$0x0], $0xffff;
	v57 =	vor.u32 v22, v50  }
0x480: {  	[tilespmem:v8+s25+$0x0] =	vst.idx.msk $0xffff, v59;
	v8 =	vor.u32 v30, v36;
	v59 =	vor.u32 v21, v44;
	v21 =	vld [tilespmem:$0x1FF40]  }
0x481: {  	[tilespmem:v61+s25+$0x0] =	vst.idx.msk $0xffff, v1;
	v0 =	vor.u32 v16, v52;
	v56 =	vld.idx.msk [tilespmem:v56+s17+$0x0], $0xffff  }
0x482: {  	v1 =	vor.u32 v16, v51;
	v60 =	vld.idx.msk [tilespmem:v62+s17+$0x0], $0xffff;
	v62 =	vor.u32 v22, v47;
	[tilespmem:v10+s25+$0x0] =	vst.idx.msk $0xffff, v14  }
0x483: {  	v14 =	vor.u32 v16, v49;
	[tilespmem:v13+s25+$0x0] =	vst.idx.msk $0xffff, v12  }
0x484: {  	v10 =	vor.u32 v22, v46;
	[tilespmem:v57+s25+$0x0] =	vst.idx.msk $0xffff, v58;
	v13 =	vor.u32 v30, v37;
	v15 =	vld.idx.msk [tilespmem:v15+s17+$0x0], $0xffff  }
0x485: {  	v61 =	vor.u32 v30, v39;
	v12 =	vor.u32 v31, v48;
	[tilespmem:v59+s25+$0x0] =	vst.idx.msk $0xffff, v9;
	v8 =	vld.idx.msk [tilespmem:v8+s17+$0x0], $0xffff  }
0x486: {  	v57 =	vor.u32 v21, v38;
	v0 =	vld.idx.msk [tilespmem:v0+s17+$0x0], $0xffff;
	[tilespmem:v54+s25+$0x0] =	vst.idx.msk $0xffff, v56;
	v54 =	vor.u32 v29, v44  }
0x487: {  	v9 =	vor.u32 v31, v50;
	v1 =	vld.idx.msk [tilespmem:v1+s17+$0x0], $0xffff;
	[tilespmem:v62+s25+$0x0] =	vst.idx.msk $0xffff, v11;
	v11 =	vor.u32 v63, v52  }
0x488: {  	v58 =	vor.u32 v29, v45;
	v14 =	vld.idx.msk [tilespmem:v14+s17+$0x0], $0xffff  }
0x489: {  	v43 =	vor.u32 v18, v33;
	[tilespmem:v10+s25+$0x0] =	vst.idx.msk $0xffff, v60;
	v10 =	vor.u32 v21, v36;
	v13 =	vld.idx.msk [tilespmem:v13+s17+$0x0], $0xffff  }
0x48a: {  	v41 =	vor.u32 v29, v42;
	v51 =	vor.u32 v63, v51;
	v56 =	vld.idx.msk [tilespmem:v61+s17+$0x0], $0xffff;
	[tilespmem:v12+s25+$0x0] =	vst.idx.msk $0xffff, v15  }
0x48b: {  	v59 =	vor.u32 v16, v53;
	v12 =	vor.u32 v31, v46;
	[tilespmem:v54+s25+$0x0] =	vst.idx.msk $0xffff, v0;
	v15 =	vld.idx.msk [tilespmem:v57+s17+$0x0], $0xffff  }
0x48c: {  	v60 =	vor.u32 v21, v39;
	v61 =	vor.u32 v31, v47;
	[tilespmem:v9+s25+$0x0] =	vst.idx.msk $0xffff, v8;
	v11 =	vld.idx.msk [tilespmem:v11+s17+$0x0], $0xffff  }
0x48d: {  	v8 =	vor.u32 v21, v37;
	[tilespmem:v58+s25+$0x0] =	vst.idx.msk $0xffff, v1;
	v1 =	vor.u32 v19, v48;
	v48 =	vld [tilespmem:$0x1FF20]  }
0x48e: {  	v45 =	vor.u32 v26, v45;
	v62 =	vor.u32 v17, v38;
	v0 =	vor.u32 v19, v50;
	v10 =	vld.idx.msk [tilespmem:v10+s17+$0x0], $0xffff  }
0x48f: {  	v52 =	vor.u32 v63, v53;
	v9 =	vld.idx.msk [tilespmem:v51+s17+$0x0], $0xffff;
	[tilespmem:v55+s25+$0x0] =	vst.idx.msk $0xffff, v14;
	v14 =	vor.u32 v63, v49  }
0x490: {  	p1 =	slt.u32 s8, $0xC;
	v51 =	vor.u32 v26, v44;
	v44 =	vld.idx.msk [tilespmem:v59+s17+$0x0], $0xffff;
	[tilespmem:v12+s25+$0x0] =	vst.idx.msk $0xffff, v56;
	v12 =	vor.u32 v17, v36  }
.Ltmp11:
0x491: {  	v46 =	vor.u32 v19, v46;
	v47 =	vor.u32 v19, v47;
	[tilespmem:v61+s25+$0x0] =	vst.idx.msk $0xffff, v13;
	v50 =	vld.idx.msk [tilespmem:v60+s17+$0x0], $0xffff;
	(pc) =	sbr.rel @p1 .LBB2_16-.Ltmp11, $4  }
0x492: {  	v57 =	vor.u32 v18, v34;
	v58 =	vor.u32 v18, v35;
	[tilespmem:v1+s25+$0x0] =	vst.idx.msk $0xffff, v15;
	v49 =	vld.idx.msk [tilespmem:v8+s17+$0x0], $0xffff  }
0x493: {  	v55 =	vor.u32 v26, v42;
	v56 =	vor.u32 v20, v32;
	v59 =	vld.idx.msk [tilespmem:v62+s17+$0x0], $0xffff;
	[tilespmem:v0+s25+$0x0] =	vst.idx.msk $0xffff, v10  }
0x494: {  	s7 =	sadd.s32 $0x4, s8;
	v61 =	vor.u32 v18, v32;
	v8 =	vor.u32 v17, v39;
	[tilespmem:v45+s25+$0x0] =	vst.idx.msk $0xffff, v9;
	v53 =	vld.idx.msk [tilespmem:v14+s17+$0x0], $0xffff  }
0x495: {  	s8 =	smov.u32 s7;
	v63 =	vor.u32 v48, v38;
	v62 =	vor.u32 v17, v37;
	[tilespmem:v51+s25+$0x0] =	vst.idx.msk $0xffff, v11;
	v60 =	vld.idx.msk [tilespmem:v12+s17+$0x0], $0xffff  }
0x496: {  	_ =	sdelay $0x3  }
0x497: {  	[tilespmem:v46+s25+$0x0] =	vst.idx.msk $0xffff, v50  }
0x498: {  	v0 =	vld.idx.msk [tilespmem:v8+s17+$0x0], $0xffff;
	_ =	sdelay $0x1  }
0x499: {  	[tilespmem:v47+s25+$0x0] =	vst.idx.msk $0xffff, v49  }
0x49a: {  	[tilespmem:v61+s25+$0x0] =	vst.idx.msk $0xffff, v59  }
0x49b: {  	v9 =	vld.idx.msk [tilespmem:v62+s17+$0x0], $0xffff;
	[tilespmem:v43+s25+$0x0] =	vst.idx.msk $0xffff, v60  }
0x49c: {  	v8 =	vor.u32 v48, v36;
	v11 =	vld.idx.msk [tilespmem:v63+s17+$0x0], $0xffff;
	[tilespmem:v58+s25+$0x0] =	vst.idx.msk $0xffff, v0  }
0x49d: {  	v1 =	vor.u32 v48, v39;
	v22 =	vld [tilespmem:$0x1FED0];
	_ =	sdelay $0x3  }
0x49e: {  	v10 =	vor.u32 v48, v37;
	v12 =	vor.u32 v20, v35;
	v8 =	vld.idx.msk [tilespmem:v8+s17+$0x0], $0xffff;
	[tilespmem:v57+s25+$0x0] =	vst.idx.msk $0xffff, v9  }
0x49f: {  	v13 =	vor.u32 v20, v33;
	v1 =	vld.idx.msk [tilespmem:v1+s17+$0x0], $0xffff;
	[tilespmem:v56+s25+$0x0] =	vst.idx.msk $0xffff, v11;
	v0 =	vor.u32 v22, v38  }
0x4a0: {  	v59 =	vor.u32 v22, v39;
	v14 =	vor.u32 v22, v36;
	v42 =	vor.u32 v22, v37;
	v22 =	vld [tilespmem:$0x1FFF0];
	_ =	sdelay $0x3  }
0x4a1: {  	v15 =	vor.u32 v20, v34;
	v10 =	vld.idx.msk [tilespmem:v10+s17+$0x0], $0xffff;
	[tilespmem:v12+s25+$0x0] =	vst.idx.msk $0xffff, v1  }
0x4a2: {  	[tilespmem:v13+s25+$0x0] =	vst.idx.msk $0xffff, v8;
	v0 =	vld.idx.msk [tilespmem:v0+s17+$0x0], $0xffff;
	v60 =	vor.u32 v22, v32  }
0x4a3: {  	v50 =	vld [tilespmem:$0x1FEE0];
	_ =	sdelay $0x2  }
0x4a4: {  	[tilespmem:v15+s25+$0x0] =	vst.idx.msk $0xffff, v10  }
0x4a5: {  	v8 =	vld.idx.msk [tilespmem:v59+s17+$0x0], $0xffff;
	[tilespmem:v60+s25+$0x0] =	vst.idx.msk $0xffff, v0  }
0x4a6: {  	v61 =	vor.u32 v22, v35;
	v1 =	vor.u32 v50, v38;
	v16 =	vld [tilespmem:$0x1FEF0];
	_ =	sdelay $0x2  }
0x4a7: {  	v62 =	vld.idx.msk [tilespmem:v14+s17+$0x0], $0xffff;
	v63 =	vor.u32 v22, v33  }
0x4a8: {  	v46 =	vld.idx.msk [tilespmem:v42+s17+$0x0], $0xffff;
	v15 =	vor.u32 v22, v34  }
0x4a9: {  	v45 =	vor.u32 v50, v39;
	v0 =	vld.idx.msk [tilespmem:v1+s17+$0x0], $0xffff;
	[tilespmem:v61+s25+$0x0] =	vst.idx.msk $0xffff, v8;
	v1 =	vor.u32 v16, v32  }
0x4aa: {  	v21 =	vld [tilespmem:$0x1FF60];
	_ =	sdelay $0x1  }
0x4ab: {  	[tilespmem:v63+s25+$0x0] =	vst.idx.msk $0xffff, v62  }
0x4ac: {  	v47 =	vor.u32 v50, v36;
	[tilespmem:v15+s25+$0x0] =	vst.idx.msk $0xffff, v46  }
0x4ad: {  	v49 =	vor.u32 v50, v37;
	v9 =	vld.idx.msk [tilespmem:v45+s17+$0x0], $0xffff;
	[tilespmem:v1+s25+$0x0] =	vst.idx.msk $0xffff, v0  }
0x4ae: {  	v50 =	vor.u32 v16, v35;
	v8 =	vor.u32 v21, v38;
	v23 =	vld [tilespmem:$0x1FF00];
	_ =	sdelay $0x2  }
0x4af: {  	v12 =	vld.idx.msk [tilespmem:v47+s17+$0x0], $0xffff;
	v54 =	vor.u32 v16, v33  }
0x4b0: {  	v14 =	vld.idx.msk [tilespmem:v49+s17+$0x0], $0xffff;
	v15 =	vor.u32 v16, v34;
	v51 =	vor.u32 v21, v39  }
0x4b1: {  	v56 =	vor.u32 v21, v36;
	v0 =	vld.idx.msk [tilespmem:v8+s17+$0x0], $0xffff;
	[tilespmem:v50+s25+$0x0] =	vst.idx.msk $0xffff, v9;
	v1 =	vor.u32 v23, v32  }
0x4b2: {  	v45 =	vld [tilespmem:$0x1FF10];
	_ =	sdelay $0x1  }
0x4b3: {  	[tilespmem:v54+s25+$0x0] =	vst.idx.msk $0xffff, v12  }
0x4b4: {  	v9 =	vld.idx.msk [tilespmem:v51+s17+$0x0], $0xffff;
	[tilespmem:v15+s25+$0x0] =	vst.idx.msk $0xffff, v14  }
0x4b5: {  	v57 =	vor.u32 v21, v37;
	v59 =	vld.idx.msk [tilespmem:v56+s17+$0x0], $0xffff;
	v58 =	vor.u32 v23, v35;
	[tilespmem:v1+s25+$0x0] =	vst.idx.msk $0xffff, v0  }
0x4b6: {  	v60 =	vor.u32 v23, v33;
	v8 =	vor.u32 v45, v38;
	v46 =	vld [tilespmem:$0x1FF70];
	_ =	sdelay $0x3  }
0x4b7: {  	v14 =	vld.idx.msk [tilespmem:v57+s17+$0x0], $0xffff;
	v15 =	vor.u32 v23, v34;
	[tilespmem:v58+s25+$0x0] =	vst.idx.msk $0xffff, v9  }
0x4b8: {  	v61 =	vor.u32 v45, v39;
	v0 =	vld.idx.msk [tilespmem:v8+s17+$0x0], $0xffff;
	[tilespmem:v60+s25+$0x0] =	vst.idx.msk $0xffff, v59;
	v1 =	vor.u32 v46, v32  }
0x4b9: {  	v47 =	vld [tilespmem:$0x1FF80];
	_ =	sdelay $0x1  }
0x4ba: {  	v62 =	vor.u32 v45, v36  }
0x4bb: {  	v63 =	vor.u32 v45, v37;
	[tilespmem:v15+s25+$0x0] =	vst.idx.msk $0xffff, v14  }
0x4bc: {  	v9 =	vld.idx.msk [tilespmem:v61+s17+$0x0], $0xffff;
	[tilespmem:v1+s25+$0x0] =	vst.idx.msk $0xffff, v0  }
0x4bd: {  	v49 =	vor.u32 v46, v35;
	v8 =	vor.u32 v47, v38;
	v57 =	vld [tilespmem:$0x1FF90];
	_ =	sdelay $0x1  }
0x4be: {  	v11 =	vld.idx.msk [tilespmem:v62+s17+$0x0], $0xffff;
	v51 =	vor.u32 v46, v33  }
0x4bf: {  	v14 =	vld.idx.msk [tilespmem:v63+s17+$0x0], $0xffff;
	v15 =	vor.u32 v46, v34  }
0x4c0: {  	v50 =	vor.u32 v47, v39  }
0x4c1: {  	v0 =	vld.idx.msk [tilespmem:v8+s17+$0x0], $0xffff;
	[tilespmem:v49+s25+$0x0] =	vst.idx.msk $0xffff, v9;
	v1 =	vor.u32 v57, v32  }
0x4c2: {  	v26 =	vld [tilespmem:$0x1FFA0]  }
0x4c3: {  	v54 =	vor.u32 v47, v36;
	[tilespmem:v51+s25+$0x0] =	vst.idx.msk $0xffff, v11  }
0x4c4: {  	v60 =	vor.u32 v47, v37;
	[tilespmem:v15+s25+$0x0] =	vst.idx.msk $0xffff, v14  }
0x4c5: {  	v9 =	vld.idx.msk [tilespmem:v50+s17+$0x0], $0xffff;
	[tilespmem:v41+s25+$0x0] =	vst.idx.msk $0xffff, v44  }
0x4c6: {  	v51 =	vld.idx.msk [tilespmem:v52+s17+$0x0], $0xffff;
	[tilespmem:v1+s25+$0x0] =	vst.idx.msk $0xffff, v0  }
0x4c7: {  	v61 =	vor.u32 v57, v35;
	v8 =	vor.u32 v26, v38;
	v52 =	vld [tilespmem:$0x1FFB0]  }
0x4c8: {  	v63 =	vld.idx.msk [tilespmem:v54+s17+$0x0], $0xffff;
	v62 =	vor.u32 v57, v33;
	v42 =	vor.u32 v26, v39  }
0x4c9: {  	v49 =	vld.idx.msk [tilespmem:v60+s17+$0x0], $0xffff;
	v45 =	vor.u32 v57, v34;
	v15 =	vor.u32 v26, v36  }
0x4ca: {  	v50 =	vor.u32 v26, v37;
	_ =	sdelay $0x1  }
0x4cb: {  	v0 =	vld.idx.msk [tilespmem:v8+s17+$0x0], $0xffff;
	[tilespmem:v61+s25+$0x0] =	vst.idx.msk $0xffff, v9;
	v1 =	vor.u32 v52, v32  }
0x4cc: {  	[tilespmem:v62+s25+$0x0] =	vst.idx.msk $0xffff, v63;
	v8 =	vld.idx.msk [tilespmem:v42+s17+$0x0], $0xffff;
	v60 =	vor.u32 v52, v35  }
0x4cd: {  	[tilespmem:v45+s25+$0x0] =	vst.idx.msk $0xffff, v49;
	v11 =	vld.idx.msk [tilespmem:v15+s17+$0x0], $0xffff;
	v61 =	vor.u32 v52, v33  }
0x4ce: {  	[tilespmem:v40+s25+$0x0] =	vst.idx.msk $0xffff, v53;
	v63 =	vld.idx.msk [tilespmem:v50+s17+$0x0], $0xffff;
	v62 =	vor.u32 v52, v34  }
0x4cf: {  	[tilespmem:v55+s25+$0x0] =	vst.idx.msk $0xffff, v51  }
0x4d0: {  	[tilespmem:v1+s25+$0x0] =	vst.idx.msk $0xffff, v0  }
0x4d1: {  	[tilespmem:v60+s25+$0x0] =	vst.idx.msk $0xffff, v8  }
0x4d2: {  	s5 =	sshll.u32 s6, $0x9;
	[tilespmem:v61+s25+$0x0] =	vst.idx.msk $0xffff, v11  }
.Ltmp12:
0x4d3: {  	p1 =	sgt.u32 s6, $0x1E03;
	s5 =	sadd.s32 s2, s5;
	[tilespmem:v62+s25+$0x0] =	vst.idx.msk $0xffff, v63;
	(pc) =	sbr.rel .LBB2_18-.Ltmp12, $4  }
0x4d4: {  	v56 =	vlaneseq.u32;
	v58 =	vmovc v17;
	v17 =	vmovc v19;
	v19 =	vmov v21;
	v62 =	vmov v3;
	[hbm4b:s5+s3] =	stream.linear.scatter [tilespmem:s25], [sflag:$0x8], $0x1000, $0x38;
	[tilespmem:$0x9800] =	vst v63  }
0x4d5: {  	s7 =	simm.s32 @!p1 $0x7A1400;
	v63 =	vmovc v4;
	v4 =	vmovc v5;
	v5 =	vmov v24;
	v24 =	vmov v6;
	v3 =	vmov v7;
	s5 =	sshll.u32 @!p1 s6, $0x7;
	v2 =	vld [tilespmem:$0x1FFD0]  }
0x4d6: {  	s8 =	simm.s32 @!p1 $0x3000;
	v6 =	vmovc v27;
	v7 =	vmovc v28;
	v27 =	vmov v30;
	v28 =	vmov v31;
	v60 =	vmov v18;
	s6 =	simm.s32 @!p1 $0x400;
	v25 =	vld [tilespmem:$0x1FFC0];
	s5 =	sadd.s32 @!p1 s5, s9  }
0x4d7: {  	v61 =	vmovc v20;
	v30 =	vmovc v46;
	v31 =	vmov v47;
	v1 =	vmov v26;
	v0 =	vmov v52;
	v29 =	vld [tilespmem:$0x1FF40];
	[tilespmem:s8], [sflag:$0x4] =	stream.strided.gather @!p1 [hbm4b:s5+s6], $0x1000, s7, s6, $0x38  }
.LBB2_19:
0x4d8: {  	s5 =	simm.s32 $0x5  }
0x4d9: {  	_ =	swait.ge [sflag:s5], $0x1000  }
0x4da: {  	[sflag:s5] =	ssyncset.done $0x0  }
0x4db: {  	s28 =	simm.s32 $0x6;
	[sflag:s5] =	ssyncadd.s32 $0xFFFFF000  }
0x4dc: {  	_ =	swait.ge [sflag:s28], $0x1000  }
0x4dd: {  	[sflag:s28] =	ssyncset.done $0x0  }
0x4de: {  	[sflag:s28] =	ssyncadd.s32 $0xFFFFF000  }
0x4df: {  	_ =	swait.ge [sflag:s29], $0x1000  }
.Ltmp13:
0x4e0: {  	[sflag:s29] =	ssyncset.done $0x0;
	(pc) =	sbr.rel @p0 .LBB2_23-.Ltmp13, $4  }
0x4e1: {  	[sflag:s29] =	ssyncadd.s32 $0xFFFFF000  }
0x4e2: {  	_ =	swait.ge [sflag:s30], $0x1000  }
0x4e3: {  	[sflag:s30] =	ssyncset.done $0x0  }
0x4e4: {  	v26 =	vld [tilespmem:$0x1FF30];
	[sflag:s30] =	ssyncadd.s32 $0xFFFFF000  }
0x4e5: {  	s5 =	simm.s32 $0x0  }
0x4e6: {  	v53 =	vadd.s32 s5, v56  }
0x4e7: {  	v0 =	vand.u32 $0xF, v53  }
0x4e8: {  	s6 =	simm.s32 $0x2;
	s7 =	rddreg [dreg:$0x8];
	s8 =	simm.s32 $0x1;
	v52 =	vshll.u32 v0, $0x7  }
0x4e9: {  	v47 =	vadd.s32 s6, v56;
	[tilespmem:s31], [sflag:$0x9] =	stream.strided.gather [hbm4b:s7+s14], $0x1000, s13, s14, $0x38;
	v8 =	vor.u32 v56, v52;
	[tilespmem:$0x9800] =	vst v63  }
0x4ea: {  	s6 =	simm.s32 $0x3;
	v50 =	vadd.s32 s8, v56;
	v1 =	vand.u32 $0xF, v47  }
0x4eb: {  	v16 =	vmovc v48;
	_ =	swait.ge [sflag:s1], $0x1000;
	v54 =	vadd.s32 s6, v56;
	v10 =	vand.u32 $0xF, v50;
	v48 =	vshll.u32 v1, $0x7  }
0x4ec: {  	[sflag:s1] =	ssyncset.done $0x0;
	v11 =	vand.u32 $0xF, v54;
	v51 =	vshll.u32 v10, $0x7;
	v9 =	vor.u32 v56, v48  }
0x4ed: {  	[sflag:s1] =	ssyncadd.s32 $0xFFFFF000;
	v49 =	vshll.u32 v11, $0x7;
	v12 =	vor.u32 v56, v51  }
0x4ee: {  	v14 =	vor.u32 v62, v0;
	v13 =	vor.u32 v56, v49;
	v8 =	vld.idx.msk [tilespmem:v8+s31+$0x0], $0xffff;
	_ =	sdelay $0x2  }
0x4ef: {  	v32 =	vor.u32 v62, v1;
	v15 =	vor.u32 v63, v52;
	v9 =	vld.idx.msk [tilespmem:v9+s31+$0x0], $0xffff  }
0x4f0: {  	v34 =	vor.u32 v62, v10;
	v33 =	vor.u32 v63, v48;
	v12 =	vld.idx.msk [tilespmem:v12+s31+$0x0], $0xffff  }
0x4f1: {  	v40 =	vor.u32 v63, v51;
	v13 =	vld.idx.msk [tilespmem:v13+s31+$0x0], $0xffff;
	[tilespmem:v14+s0+$0x0] =	vst.idx.msk $0xffff, v8;
	v8 =	vor.u32 v62, v11;
	_ =	sdelay $0x2  }
0x4f2: {  	v35 =	vor.u32 v4, v0;
	[tilespmem:v32+s0+$0x0] =	vst.idx.msk $0xffff, v9;
	v15 =	vld.idx.msk [tilespmem:v15+s31+$0x0], $0xffff  }
0x4f3: {  	v36 =	vor.u32 v4, v1;
	[tilespmem:v34+s0+$0x0] =	vst.idx.msk $0xffff, v12;
	v33 =	vld.idx.msk [tilespmem:v33+s31+$0x0], $0xffff  }
0x4f4: {  	v42 =	vor.u32 v4, v10;
	[tilespmem:v8+s0+$0x0] =	vst.idx.msk $0xffff, v13;
	v8 =	vld.idx.msk [tilespmem:v40+s31+$0x0], $0xffff;
	_ =	sdelay $0x2  }
0x4f5: {  	v9 =	vor.u32 v63, v49;
	[tilespmem:v35+s0+$0x0] =	vst.idx.msk $0xffff, v15  }
0x4f6: {  	[tilespmem:v36+s0+$0x0] =	vst.idx.msk $0xffff, v33  }
0x4f7: {  	v41 =	vor.u32 v5, v52;
	[tilespmem:v42+s0+$0x0] =	vst.idx.msk $0xffff, v8  }
0x4f8: {  	v19 =	vld [tilespmem:$0x1FEF0]  }
0x4f9: {  	v37 =	vor.u32 v5, v48  }
0x4fa: {  	v44 =	vor.u32 v4, v11;
	v9 =	vld.idx.msk [tilespmem:v9+s31+$0x0], $0xffff  }
0x4fb: {  	v43 =	vor.u32 v5, v51  }
0x4fc: {  	v45 =	vor.u32 v24, v0;
	v15 =	vld.idx.msk [tilespmem:v41+s31+$0x0], $0xffff  }
0x4fd: {  	v31 =	vmovc v28;
	v28 =	vmovc v7;
	v7 =	vmov v3;
	v46 =	vor.u32 v2, v52;
	v3 =	vor.u32 v19, v47  }
0x4fe: {  	v57 =	vor.u32 v24, v1;
	v59 =	vor.u32 v5, v49;
	v55 =	vld.idx.msk [tilespmem:v37+s31+$0x0], $0xffff;
	[tilespmem:$0x1FE90] =	vst v3  }
0x4ff: {  	v8 =	vor.u32 v2, v48;
	v3 =	vor.u32 v19, v54;
	[tilespmem:v44+s0+$0x0] =	vst.idx.msk $0xffff, v9  }
0x500: {  	v12 =	vld.idx.msk [tilespmem:v43+s31+$0x0], $0xffff;
	v9 =	vor.u32 v24, v10;
	[tilespmem:$0x1FEA0] =	vst v3  }
0x501: {  	v40 =	vor.u32 v2, v51;
	[tilespmem:v45+s0+$0x0] =	vst.idx.msk $0xffff, v15  }
0x502: {  	v0 =	vor.u32 v26, v0;
	v41 =	vld.idx.msk [tilespmem:v46+s31+$0x0], $0xffff  }
0x503: {  	s11 =	simm.s32 $0x4;
	s28 =	simm.s32 $0x6;
	v15 =	vor.u32 v24, v11;
	[tilespmem:v57+s0+$0x0] =	vst.idx.msk $0xffff, v55;
	v32 =	vld.idx.msk [tilespmem:v59+s31+$0x0], $0xffff;
	v57 =	vor.u32 v58, v52  }
0x504: {  	s12 =	simm.s32 $0x5;
	v39 =	vadd.s32 s28, v56;
	v1 =	vor.u32 v26, v1;
	v34 =	vadd.s32 s11, v56;
	v8 =	vld.idx.msk [tilespmem:v8+s31+$0x0], $0xffff  }
0x505: {  	v35 =	vadd.s32 s12, v56;
	v36 =	vand.u32 $0xF, v39;
	[tilespmem:v9+s0+$0x0] =	vst.idx.msk $0xffff, v12;
	v9 =	vor.u32 v58, v48  }
0x506: {  	v10 =	vor.u32 v26, v10;
	v59 =	vor.u32 v2, v49;
	v55 =	vand.u32 $0xF, v34;
	v13 =	vld.idx.msk [tilespmem:v40+s31+$0x0], $0xffff  }
0x507: {  	v42 =	vshll.u32 v36, $0x7;
	v46 =	vor.u32 v58, v51;
	v40 =	vshll.u32 v55, $0x7;
	[tilespmem:v0+s0+$0x0] =	vst.idx.msk $0xffff, v41  }
0x508: {  	v44 =	vor.u32 v60, v53;
	[tilespmem:v15+s0+$0x0] =	vst.idx.msk $0xffff, v32;
	v15 =	vor.u32 v56, v40;
	v14 =	vld.idx.msk [tilespmem:v57+s31+$0x0], $0xffff  }
0x509: {  	v3 =	vor.u32 v19, v39;
	v0 =	vand.u32 $0xF, v35;
	[tilespmem:v1+s0+$0x0] =	vst.idx.msk $0xffff, v8;
	v1 =	vor.u32 v16, v52  }
0x50a: {  	v43 =	vshll.u32 v0, $0x7;
	v8 =	vld.idx.msk [tilespmem:v9+s31+$0x0], $0xffff;
	v9 =	vor.u32 v56, v42;
	[tilespmem:$0x1FEB0] =	vst v3  }
0x50b: {  	s26 =	simm.s32 $0x7;
	v33 =	vor.u32 v60, v47;
	v12 =	vor.u32 v56, v43;
	[tilespmem:v10+s0+$0x0] =	vst.idx.msk $0xffff, v13;
	v10 =	vld.idx.msk [tilespmem:v59+s31+$0x0], $0xffff  }
0x50c: {  	v29 =	vmov v25;
	v37 =	vadd.s32 s26, v56;
	v13 =	vld.idx.msk [tilespmem:v46+s31+$0x0], $0xffff  }
0x50d: {  	v25 =	vmovc v2;
	v45 =	vand.u32 $0xF, v37;
	v11 =	vor.u32 v26, v11;
	v2 =	vlaneseq.u32;
	[tilespmem:v44+s0+$0x0] =	vst.idx.msk $0xffff, v14;
	v14 =	vld.idx.msk [tilespmem:v15+s31+$0x0], $0xffff  }
0x50e: {  	v32 =	vor.u32 v60, v50;
	v41 =	vshll.u32 v45, $0x7;
	v56 =	vor.u32 v58, v49;
	v1 =	vld.idx.msk [tilespmem:v1+s31+$0x0], $0xffff  }
0x50f: {  	v57 =	vor.u32 v2, v41;
	v9 =	vld.idx.msk [tilespmem:v9+s31+$0x0], $0xffff  }
0x510: {  	v15 =	vor.u32 v62, v55;
	[tilespmem:v33+s0+$0x0] =	vst.idx.msk $0xffff, v8;
	v12 =	vld.idx.msk [tilespmem:v12+s31+$0x0], $0xffff  }
0x511: {  	v17 =	vmovc v58;
	v58 =	vor.u32 v16, v51;
	v3 =	vor.u32 v19, v53;
	v33 =	vor.u32 v61, v53;
	v21 =	vld [tilespmem:$0x1FED0]  }
0x512: {  	v18 =	vmov v60;
	v59 =	vor.u32 v62, v36;
	v8 =	vor.u32 v63, v40;
	v23 =	vld [tilespmem:$0x1FEE0];
	[tilespmem:v11+s0+$0x0] =	vst.idx.msk $0xffff, v10  }
0x513: {  	v10 =	vor.u32 v62, v0;
	v11 =	vor.u32 v63, v42;
	[tilespmem:v32+s0+$0x0] =	vst.idx.msk $0xffff, v13;
	v13 =	vld.idx.msk [tilespmem:v56+s31+$0x0], $0xffff  }
0x514: {  	v20 =	vmov v61;
	v61 =	vor.u32 v18, v54;
	v32 =	vld.idx.msk [tilespmem:v57+s31+$0x0], $0xffff;
	[tilespmem:$0x1FEC0] =	vst v3  }
0x515: {  	v56 =	vor.u32 v16, v48;
	v3 =	vmov v62;
	[tilespmem:v15+s0+$0x0] =	vst.idx.msk $0xffff, v14;
	v14 =	vor.u32 v62, v45  }
0x516: {  	v15 =	vld.idx.msk [tilespmem:v58+s31+$0x0], $0xffff;
	v58 =	vor.u32 v16, v49;
	[tilespmem:v33+s0+$0x0] =	vst.idx.msk $0xffff, v1;
	v60 =	vor.u32 v21, v52  }
0x517: {  	v62 =	vor.u32 v63, v43;
	v8 =	vld.idx.msk [tilespmem:v8+s31+$0x0], $0xffff;
	v1 =	vor.u32 v20, v50;
	[tilespmem:v59+s0+$0x0] =	vst.idx.msk $0xffff, v9  }
0x518: {  	v33 =	vor.u32 v4, v55;
	[tilespmem:v10+s0+$0x0] =	vst.idx.msk $0xffff, v12;
	v10 =	vld.idx.msk [tilespmem:v11+s31+$0x0], $0xffff;
	v11 =	vor.u32 v22, v53  }
0x519: {  	v12 =	vor.u32 v4, v36;
	v53 =	vor.u32 v21, v51;
	[tilespmem:v61+s0+$0x0] =	vst.idx.msk $0xffff, v13  }
0x51a: {  	v56 =	vld.idx.msk [tilespmem:v56+s31+$0x0], $0xffff;
	v13 =	vor.u32 v5, v42;
	[tilespmem:v14+s0+$0x0] =	vst.idx.msk $0xffff, v32;
	v14 =	vor.u32 v20, v47  }
0x51b: {  	v59 =	vld.idx.msk [tilespmem:v60+s31+$0x0], $0xffff;
	v60 =	vor.u32 v5, v40  }
0x51c: {  	v9 =	vor.u32 v63, v41;
	v32 =	vld.idx.msk [tilespmem:v58+s31+$0x0], $0xffff;
	[tilespmem:v1+s0+$0x0] =	vst.idx.msk $0xffff, v15;
	v1 =	vor.u32 v20, v54  }
0x51d: {  	v58 =	vld.idx.msk [tilespmem:v62+s31+$0x0], $0xffff;
	[tilespmem:v33+s0+$0x0] =	vst.idx.msk $0xffff, v8;
	v8 =	vor.u32 v4, v0  }
0x51e: {  	v46 =	vor.u32 v19, v50;
	v50 =	vor.u32 v22, v50;
	[tilespmem:v12+s0+$0x0] =	vst.idx.msk $0xffff, v10;
	v12 =	vld.idx.msk [tilespmem:v53+s31+$0x0], $0xffff  }
0x51f: {  	v15 =	vor.u32 v21, v48;
	v13 =	vld.idx.msk [tilespmem:v13+s31+$0x0], $0xffff;
	[tilespmem:v14+s0+$0x0] =	vst.idx.msk $0xffff, v56;
	v14 =	vor.u32 v24, v36  }
0x520: {  	v52 =	vor.u32 v23, v52;
	v33 =	vld.idx.msk [tilespmem:v60+s31+$0x0], $0xffff;
	[tilespmem:v11+s0+$0x0] =	vst.idx.msk $0xffff, v59;
	v11 =	vor.u32 v24, v55  }
0x521: {  	v9 =	vld.idx.msk [tilespmem:v9+s31+$0x0], $0xffff;
	v53 =	vor.u32 v25, v40;
	[tilespmem:v1+s0+$0x0] =	vst.idx.msk $0xffff, v32;
	v60 =	vor.u32 v4, v45  }
0x522: {  	[tilespmem:v8+s0+$0x0] =	vst.idx.msk $0xffff, v58;
	v1 =	vor.u32 v25, v42  }
0x523: {  	[tilespmem:v50+s0+$0x0] =	vst.idx.msk $0xffff, v12  }
0x524: {  	v44 =	vor.u32 v22, v54;
	v54 =	vor.u32 v5, v43;
	v15 =	vld.idx.msk [tilespmem:v15+s31+$0x0], $0xffff;
	[tilespmem:v14+s0+$0x0] =	vst.idx.msk $0xffff, v13  }
0x525: {  	v10 =	vor.u32 v5, v41;
	v59 =	vld.idx.msk [tilespmem:v52+s31+$0x0], $0xffff;
	[tilespmem:v11+s0+$0x0] =	vst.idx.msk $0xffff, v33  }
0x526: {  	v30 =	vmov v27;
	v27 =	vmov v6;
	[tilespmem:v60+s0+$0x0] =	vst.idx.msk $0xffff, v9;
	v11 =	vor.u32 v24, v0;
	v52 =	vld.idx.msk [tilespmem:v53+s31+$0x0], $0xffff  }
0x527: {  	v6 =	vmovc v24;
	v53 =	vor.u32 v24, v45;
	v24 =	vmovc v5;
	v5 =	vmov v4;
	v4 =	vmov v63;
	v63 =	vld.idx.msk [tilespmem:v1+s31+$0x0], $0xffff  }
0x528: {  	v1 =	vld [tilespmem:$0x1FEC0]  }
0x529: {  	v61 =	vor.u32 v23, v51;
	v57 =	vld.idx.msk [tilespmem:v54+s31+$0x0], $0xffff;
	v9 =	vor.u32 v22, v47  }
0x52a: {  	v51 =	vld.idx.msk [tilespmem:v10+s31+$0x0], $0xffff;
	v10 =	vor.u32 v23, v48  }
0x52b: {  	v62 =	vor.u32 v21, v49  }
0x52c: {  	v38 =	vor.u32 v19, v37;
	v56 =	vor.u32 v18, v39  }
0x52d: {  	v8 =	vor.u32 v25, v43;
	v32 =	vor.u32 v17, v40;
	v54 =	vor.u32 v26, v55  }
0x52e: {  	v58 =	vld.idx.msk [tilespmem:v61+s31+$0x0], $0xffff;
	v61 =	vor.u32 v26, v0;
	v47 =	vor.u32 v23, v49;
	[tilespmem:v9+s0+$0x0] =	vst.idx.msk $0xffff, v15  }
0x52f: {  	v60 =	vor.u32 v18, v34;
	v33 =	vor.u32 v26, v36;
	[tilespmem:v11+s0+$0x0] =	vst.idx.msk $0xffff, v57;
	v57 =	vld.idx.msk [tilespmem:v10+s31+$0x0], $0xffff  }
0x530: {  	s7 =	simm.s32 $0x8;
	v36 =	vor.u32 v17, v42;
	[tilespmem:v1+s0+$0x0] =	vst.idx.msk $0xffff, v59;
	v59 =	vld.idx.msk [tilespmem:v62+s31+$0x0], $0xffff;
	v62 =	vor.u32 v17, v43  }
.LBB2_21:
0x531: {  	_ =	sdelay $0x1  }
0x532: {  	v0 =	vld.idx.msk [tilespmem:v8+s31+$0x0], $0xffff;
	[tilespmem:v53+s0+$0x0] =	vst.idx.msk $0xffff, v51;
	v15 =	vmov v38  }
0x533: {  	v1 =	vor.u32 v25, v41;
	v13 =	vld [tilespmem:$0x1FEA0];
	[tilespmem:$0x1FEA0] =	vst v15  }
0x534: {  	s5 =	sadd.s32 $0x1, s7;
	v8 =	vmovc v34;
	v34 =	vadd.s32 s7, v2;
	v55 =	vmov v35;
	v9 =	vmov v37;
	[tilespmem:v33+s0+$0x0] =	vst.idx.msk $0xffff, v63;
	v63 =	vld [tilespmem:$0x1FE90]  }
0x535: {  	s8 =	sadd.s32 $0x3, s7;
	v10 =	vmovc v40;
	v51 =	vmov v39;
	s11 =	smov.u32 s7;
	v48 =	vand.u32 $0xF, v34;
	v35 =	vadd.s32 s5, v2;
	[tilespmem:v54+s0+$0x0] =	vst.idx.msk $0xffff, v52;
	v15 =	vld.idx.msk [tilespmem:v36+s31+$0x0], $0xffff  }
0x536: {  	v53 =	vmovc v43;
	s28 =	sadd.s32 $0x2, s11;
	v37 =	vadd.s32 s8, v2;
	v40 =	vshll.u32 v48, $0x7;
	v49 =	vand.u32 $0xF, v35;
	[tilespmem:v44+s0+$0x0] =	vst.idx.msk $0xffff, v59;
	v11 =	vld.idx.msk [tilespmem:v32+s31+$0x0], $0xffff  }
0x537: {  	v39 =	vadd.s32 s28, v2;
	v38 =	vor.u32 v19, v37;
	[tilespmem:v46+s0+$0x0] =	vst.idx.msk $0xffff, v58;
	v43 =	vshll.u32 v49, $0x7;
	v36 =	vld.idx.msk [tilespmem:v47+s31+$0x0], $0xffff  }
0x538: {  	v14 =	vand.u32 $0xF, v37;
	v12 =	vmov v13;
	[tilespmem:v61+s0+$0x0] =	vst.idx.msk $0xffff, v0;
	v0 =	vld.idx.msk [tilespmem:v1+s31+$0x0], $0xffff;
	v1 =	vor.u32 v2, v43  }
0x539: {  	v50 =	vand.u32 $0xF, v39;
	v54 =	vmovc v41;
	v41 =	vshll.u32 v14, $0x7;
	v59 =	vor.u32 v26, v45;
	v45 =	vmovc v14;
	v14 =	vld [tilespmem:$0x1FEB0]  }
0x53a: {  	v33 =	vor.u32 v16, v10;
	v58 =	vor.u32 v18, v55;
	v13 =	vor.u32 v2, v40  }
0x53b: {  	v46 =	vor.u32 v19, v55;
	v52 =	vmovc v42;
	v42 =	vshll.u32 v50, $0x7;
	v44 =	vor.u32 v22, v9  }
0x53c: {  	v32 =	vor.u32 v2, v42;
	v47 =	vor.u32 v19, v39;
	[tilespmem:v60+s0+$0x0] =	vst.idx.msk $0xffff, v11  }
0x53d: {  	v61 =	vor.u32 v2, v41;
	v11 =	vor.u32 v17, v54;
	[tilespmem:v12+s0+$0x0] =	vst.idx.msk $0xffff, v36;
	v1 =	vld.idx.msk [tilespmem:v1+s31+$0x0], $0xffff  }
0x53e: {  	v60 =	vmov v14;
	v14 =	vor.u32 v3, v48;
	[tilespmem:v63+s0+$0x0] =	vst.idx.msk $0xffff, v57;
	v57 =	vld.idx.msk [tilespmem:v62+s31+$0x0], $0xffff  }
0x53f: {  	v12 =	vor.u32 v3, v50;
	v13 =	vld.idx.msk [tilespmem:v13+s31+$0x0], $0xffff;
	[tilespmem:$0x1FE90] =	vst v60;
	v62 =	vmov v47;
	v47 =	vor.u32 v16, v53  }
0x540: {  	v33 =	vld.idx.msk [tilespmem:v33+s31+$0x0], $0xffff;
	[tilespmem:v56+s0+$0x0] =	vst.idx.msk $0xffff, v15;
	v15 =	vor.u32 v4, v40;
	v56 =	vor.u32 v20, v8  }
0x541: {  	v36 =	vor.u32 v21, v10;
	[tilespmem:v59+s0+$0x0] =	vst.idx.msk $0xffff, v0;
	v0 =	vor.u32 v3, v49;
	v32 =	vld.idx.msk [tilespmem:v32+s31+$0x0], $0xffff  }
0x542: {  	v59 =	vor.u32 v4, v42;
	v60 =	vor.u32 v18, v9;
	[tilespmem:$0x1FEB0] =	vst v62;
	v11 =	vld.idx.msk [tilespmem:v11+s31+$0x0], $0xffff  }
0x543: {  	v62 =	vor.u32 v4, v43;
	[tilespmem:v58+s0+$0x0] =	vst.idx.msk $0xffff, v57;
	v57 =	vld.idx.msk [tilespmem:v61+s31+$0x0], $0xffff;
	v58 =	vor.u32 v16, v52  }
0x544: {  	v61 =	vor.u32 v19, v8;
	[tilespmem:v14+s0+$0x0] =	vst.idx.msk $0xffff, v13;
	v13 =	vor.u32 v3, v45;
	v14 =	vld.idx.msk [tilespmem:v47+s31+$0x0], $0xffff  }
0x545: {  	v47 =	vor.u32 v16, v54;
	v15 =	vld.idx.msk [tilespmem:v15+s31+$0x0], $0xffff;
	[tilespmem:v56+s0+$0x0] =	vst.idx.msk $0xffff, v33;
	v33 =	vor.u32 v20, v55  }
0x546: {  	v56 =	vor.u32 v5, v48;
	[tilespmem:v12+s0+$0x0] =	vst.idx.msk $0xffff, v32;
	v12 =	vor.u32 v4, v41;
	v32 =	vld.idx.msk [tilespmem:v36+s31+$0x0], $0xffff  }
0x547: {  	[tilespmem:v0+s0+$0x0] =	vst.idx.msk $0xffff, v1;
	v1 =	vor.u32 v22, v8;
	v36 =	vor.u32 v24, v40;
	v0 =	vld.idx.msk [tilespmem:v59+s31+$0x0], $0xffff  }
0x548: {  	v8 =	vor.u32 v5, v50;
	v59 =	vor.u32 v21, v53;
	[tilespmem:v60+s0+$0x0] =	vst.idx.msk $0xffff, v11;
	v58 =	vld.idx.msk [tilespmem:v58+s31+$0x0], $0xffff  }
0x549: {  	v63 =	vor.u32 v20, v51;
	v11 =	vor.u32 v24, v42;
	[tilespmem:v13+s0+$0x0] =	vst.idx.msk $0xffff, v57;
	v57 =	vld.idx.msk [tilespmem:v62+s31+$0x0], $0xffff  }
0x54a: {  	v10 =	vor.u32 v23, v10;
	v9 =	vor.u32 v20, v9;
	v47 =	vld.idx.msk [tilespmem:v47+s31+$0x0], $0xffff;
	[tilespmem:v33+s0+$0x0] =	vst.idx.msk $0xffff, v14  }
0x54b: {  	[tilespmem:v56+s0+$0x0] =	vst.idx.msk $0xffff, v15;
	v14 =	vor.u32 v5, v49;
	v15 =	vor.u32 v21, v52;
	v12 =	vld.idx.msk [tilespmem:v12+s31+$0x0], $0xffff  }
0x54c: {  	v56 =	vor.u32 v5, v45;
	v33 =	vld.idx.msk [tilespmem:v36+s31+$0x0], $0xffff;
	v36 =	vor.u32 v24, v43;
	[tilespmem:v1+s0+$0x0] =	vst.idx.msk $0xffff, v32  }
0x54d: {  	v1 =	vor.u32 v6, v48;
	[tilespmem:v8+s0+$0x0] =	vst.idx.msk $0xffff, v0;
	v0 =	vor.u32 v24, v41;
	v60 =	vld.idx.msk [tilespmem:v59+s31+$0x0], $0xffff  }
0x54e: {  	v55 =	vor.u32 v22, v55;
	v8 =	vor.u32 v25, v40;
	v11 =	vld.idx.msk [tilespmem:v11+s31+$0x0], $0xffff;
	[tilespmem:v63+s0+$0x0] =	vst.idx.msk $0xffff, v58  }
0x54f: {  	v62 =	vor.u32 v6, v50;
	v10 =	vld.idx.msk [tilespmem:v10+s31+$0x0], $0xffff;
	v63 =	vor.u32 v23, v53;
	[tilespmem:v9+s0+$0x0] =	vst.idx.msk $0xffff, v47  }
0x550: {  	v32 =	vor.u32 v17, v40;
	[tilespmem:v14+s0+$0x0] =	vst.idx.msk $0xffff, v57;
	v9 =	vor.u32 v25, v42;
	v14 =	vld.idx.msk [tilespmem:v15+s31+$0x0], $0xffff  }
0x551: {  	v15 =	vor.u32 v21, v54;
	v36 =	vld.idx.msk [tilespmem:v36+s31+$0x0], $0xffff;
	[tilespmem:v56+s0+$0x0] =	vst.idx.msk $0xffff, v12;
	v12 =	vor.u32 v22, v51  }
0x552: {  	p1 =	slt.u32 s7, $0xC;
	[tilespmem:v1+s0+$0x0] =	vst.idx.msk $0xffff, v33;
	v1 =	vor.u32 v6, v49;
	v51 =	vld.idx.msk [tilespmem:v0+s31+$0x0], $0xffff;
	v0 =	vor.u32 v23, v52  }
.Ltmp14:
0x553: {  	v53 =	vor.u32 v6, v45;
	v47 =	vor.u32 v23, v54;
	v52 =	vld.idx.msk [tilespmem:v8+s31+$0x0], $0xffff;
	[tilespmem:v55+s0+$0x0] =	vst.idx.msk $0xffff, v60;
	(pc) =	sbr.rel @p1 .LBB2_21-.Ltmp14, $4  }
0x554: {  	v54 =	vor.u32 v26, v48;
	v56 =	vor.u32 v18, v39;
	[tilespmem:v62+s0+$0x0] =	vst.idx.msk $0xffff, v11;
	v58 =	vld.idx.msk [tilespmem:v63+s31+$0x0], $0xffff  }
0x555: {  	v33 =	vor.u32 v26, v50;
	v8 =	vor.u32 v25, v43;
	[tilespmem:v61+s0+$0x0] =	vst.idx.msk $0xffff, v10;
	v63 =	vld.idx.msk [tilespmem:v9+s31+$0x0], $0xffff  }
0x556: {  	s6 =	sadd.s32 $0x4, s7;
	v60 =	vor.u32 v18, v34;
	v61 =	vor.u32 v26, v49;
	v59 =	vld.idx.msk [tilespmem:v15+s31+$0x0], $0xffff;
	[tilespmem:v12+s0+$0x0] =	vst.idx.msk $0xffff, v14  }
0x557: {  	s7 =	smov.u32 s6;
	v62 =	vor.u32 v17, v43;
	[tilespmem:v1+s0+$0x0] =	vst.idx.msk $0xffff, v36;
	v36 =	vor.u32 v17, v42;
	v57 =	vld.idx.msk [tilespmem:v0+s31+$0x0], $0xffff  }
0x558: {  	_ = 	snop  }
0x559: {  	v0 =	vor.u32 v25, v41;
	_ =	sdelay $0x2  }
0x55a: {  	v1 =	vld.idx.msk [tilespmem:v8+s31+$0x0], $0xffff  }
0x55b: {  	[tilespmem:v53+s0+$0x0] =	vst.idx.msk $0xffff, v51  }
0x55c: {  	v8 =	vor.u32 v26, v45;
	v0 =	vld.idx.msk [tilespmem:v0+s31+$0x0], $0xffff  }
0x55d: {  	v9 =	vor.u32 v17, v41  }
0x55e: {  	[tilespmem:v54+s0+$0x0] =	vst.idx.msk $0xffff, v52  }
0x55f: {  	v10 =	vld.idx.msk [tilespmem:v32+s31+$0x0], $0xffff;
	[tilespmem:v61+s0+$0x0] =	vst.idx.msk $0xffff, v1  }
0x560: {  	v12 =	vor.u32 v18, v35;
	[tilespmem:v33+s0+$0x0] =	vst.idx.msk $0xffff, v63;
	v1 =	vor.u32 v16, v40;
	v11 =	vld.idx.msk [tilespmem:v62+s31+$0x0], $0xffff  }
0x561: {  	v14 =	vor.u32 v16, v43;
	v13 =	vld.idx.msk [tilespmem:v36+s31+$0x0], $0xffff;
	[tilespmem:v8+s0+$0x0] =	vst.idx.msk $0xffff, v0  }
0x562: {  	v33 =	vor.u32 v18, v37;
	v8 =	vor.u32 v16, v42;
	v0 =	vld.idx.msk [tilespmem:v9+s31+$0x0], $0xffff  }
0x563: {  	v15 =	vor.u32 v16, v41  }
0x564: {  	[tilespmem:v60+s0+$0x0] =	vst.idx.msk $0xffff, v10  }
0x565: {  	v36 =	vor.u32 v20, v34;
	v1 =	vld.idx.msk [tilespmem:v1+s31+$0x0], $0xffff;
	[tilespmem:v12+s0+$0x0] =	vst.idx.msk $0xffff, v11  }
0x566: {  	v45 =	vor.u32 v21, v40;
	v48 =	vor.u32 v20, v35;
	[tilespmem:v56+s0+$0x0] =	vst.idx.msk $0xffff, v13;
	v12 =	vld.idx.msk [tilespmem:v14+s31+$0x0], $0xffff  }
0x567: {  	v49 =	vor.u32 v21, v43;
	v8 =	vld.idx.msk [tilespmem:v8+s31+$0x0], $0xffff;
	[tilespmem:v33+s0+$0x0] =	vst.idx.msk $0xffff, v0;
	v0 =	vor.u32 v20, v39  }
0x568: {  	v50 =	vor.u32 v21, v42;
	v9 =	vld.idx.msk [tilespmem:v15+s31+$0x0], $0xffff;
	v15 =	vor.u32 v20, v37  }
0x569: {  	v51 =	vor.u32 v21, v41  }
0x56a: {  	[tilespmem:v36+s0+$0x0] =	vst.idx.msk $0xffff, v1  }
0x56b: {  	v52 =	vor.u32 v22, v34;
	v1 =	vld.idx.msk [tilespmem:v45+s31+$0x0], $0xffff;
	[tilespmem:v48+s0+$0x0] =	vst.idx.msk $0xffff, v12  }
0x56c: {  	v54 =	vor.u32 v22, v35;
	v12 =	vld.idx.msk [tilespmem:v49+s31+$0x0], $0xffff;
	[tilespmem:v0+s0+$0x0] =	vst.idx.msk $0xffff, v8  }
0x56d: {  	v55 =	vor.u32 v22, v39;
	[tilespmem:v15+s0+$0x0] =	vst.idx.msk $0xffff, v9;
	v8 =	vld.idx.msk [tilespmem:v50+s31+$0x0], $0xffff  }
0x56e: {  	[tilespmem:v46+s0+$0x0] =	vst.idx.msk $0xffff, v58;
	v56 =	vor.u32 v22, v37;
	v58 =	vld.idx.msk [tilespmem:v51+s31+$0x0], $0xffff  }
0x56f: {  	[tilespmem:v44+s0+$0x0] =	vst.idx.msk $0xffff, v59  }
0x570: {  	[tilespmem:v52+s0+$0x0] =	vst.idx.msk $0xffff, v1  }
0x571: {  	[tilespmem:v54+s0+$0x0] =	vst.idx.msk $0xffff, v12  }
0x572: {  	[tilespmem:v55+s0+$0x0] =	vst.idx.msk $0xffff, v8  }
0x573: {  	[tilespmem:v56+s0+$0x0] =	vst.idx.msk $0xffff, v58  }
0x574: {  	v2 =	vld [tilespmem:$0x1FE90];
	_ =	sdelay $0x4  }
0x575: {  	v53 =	vor.u32 v23, v40  }
0x576: {  	v0 =	vor.u32 v23, v43;
	_ =	sdelay $0x1  }
0x577: {  	[tilespmem:v2+s0+$0x0] =	vst.idx.msk $0xffff, v57  }
0x578: {  	v2 =	vld [tilespmem:$0x1FEA0]  }
0x579: {  	v1 =	vor.u32 v19, v34;
	v10 =	vld.idx.msk [tilespmem:v53+s31+$0x0], $0xffff  }
0x57a: {  	v62 =	vor.u32 v19, v35;
	v0 =	vld.idx.msk [tilespmem:v0+s31+$0x0], $0xffff  }
0x57b: {  	v61 =	vld.idx.msk [tilespmem:v47+s31+$0x0], $0xffff;
	_ =	sdelay $0x2  }
0x57c: {  	v60 =	vor.u32 v23, v41;
	[tilespmem:v1+s0+$0x0] =	vst.idx.msk $0xffff, v10  }
0x57d: {  	v15 =	vor.u32 v23, v42;
	[tilespmem:v62+s0+$0x0] =	vst.idx.msk $0xffff, v0  }
0x57e: {  	[tilespmem:v2+s0+$0x0] =	vst.idx.msk $0xffff, v61  }
0x57f: {  	v0 =	vld [tilespmem:$0x1FEB0];
	_ =	sdelay $0x1  }
0x580: {  	v63 =	vld.idx.msk [tilespmem:v60+s31+$0x0], $0xffff  }
0x581: {  	v8 =	vld.idx.msk [tilespmem:v15+s31+$0x0], $0xffff;
	_ =	sdelay $0x3  }
0x582: {  	[tilespmem:v38+s0+$0x0] =	vst.idx.msk $0xffff, v63  }
0x583: {  	[tilespmem:v0+s0+$0x0] =	vst.idx.msk $0xffff, v8  }
0x584: {  	s5 =	rddreg [dreg:$0x7]  }
0x585: {  	[hbm4b:s5+s3] =	stream.linear.scatter [tilespmem:s0], [sflag:$0x9], $0x800, $0x38;
	[tilespmem:$0x9800] =	vst v63  }
0x586: {  	_ =	swait.ge [sflag:s1], $0x800  }
0x587: {  	v2 =	vmov v25;
	v25 =	vmov v29;
	v29 =	vld [tilespmem:$0x1FF40]  }
0x588: {  	v58 =	vmov v17;
	v17 =	vld [tilespmem:$0x1FF50]  }
0x589: {  	v63 =	vmov v4;
	v19 =	vld [tilespmem:$0x1FF60]  }
.Ltmp15:
0x58a: {  	v4 =	vmovc v5;
	v5 =	vmovc v24;
	v24 =	vmov v6;
	v6 =	vmov v27;
	v27 =	vmov v30;
	v30 =	vld [tilespmem:$0x1FF70];
	(pc) =	sbr.rel .LBB2_23-.Ltmp15, $4  }
0x58b: {  	v62 =	vmovc v3;
	v3 =	vmov v7;
	v7 =	vmov v28;
	v28 =	vmov v31;
	v31 =	vld [tilespmem:$0x1FF80]  }
0x58c: {  	v57 =	vld [tilespmem:$0x1FF90]  }
0x58d: {  	[sflag:s1] =	ssyncset.done $0x0;
	v1 =	vld [tilespmem:$0x1FFA0]  }
0x58e: {  	v48 =	vmovc v16;
	v56 =	vlaneseq.u32;
	v60 =	vmov v18;
	v61 =	vmov v20;
	v0 =	vld [tilespmem:$0x1FFB0];
	[sflag:s1] =	ssyncadd.s32 $0xFFFFF800  }
.LBB2_24:
0x58f: {  	_ =	sfence.sel $0x180000  }
0x590: {  	[bflag:$0x0] =	sbarrier.arrive $0xFFFF  }
0x591: {  	_ =	strace $0x90000047  }
0x592: {  	s0 =	stileid.u32;
	[bflag:$0x2] =	sbarrier.arrive $0xFFFF  }
0x593: {  	p0 =	sne.s32 s0, $0x0;
	s0 =	rddreg [dreg:$0x2]  }
0x594: {  	s0 =	sadd.s32 @!p0 $0x100000, s0  }
0x595: {  	[sflag:s0] =	ssyncadd.tile.s32 @!p0 $0x1;
	_ =	shalt  }
.Lfunc_end2:
_tile_overlayer_lowered:
.L_overlay_start_2:
0x596: {  	(tag) =	ssettag $0x2  }
0x597: {  	s0 =	rddreg [dreg:$0x0];
	s2 =	stileid.u32  }
0x598: {  	s1 =	rddreg [dreg:$0x1];
	p0 =	sne.s32 s2, $0x0  }
0x599: {  	s3 =	rddreg [dreg:$0x2];
	[bflag:$0x3] =	sbarrier.arrive $0xFFFF;
	s2 =	simm.s32 @!p0 $0x1C09  }
0x59a: {  	[timem:s3], [sflag:s2] =	dma.local @!p0 [hbm:s0], s1  }
0x59b: {  	s0 =	simm.s32 @!p0 $0x9  }
0x59c: {  	_ =	swait.ge @!p0 [sflag:s0], s1  }
0x59d: {  	s1 =	ssub.s32 @!p0 $0x0, s1;
	[sflag:s0] =	ssyncset.done @!p0 $0x0  }
0x59e: {  	[sflag:s0] =	ssyncadd.s32 @!p0 s1  }
0x59f: {  	[bflag:$0x3] =	sbarrier.arrive $0xFFFF  }
0x5a0: {  	_ =	shalt  }

</sc_bundles>
